<compile_context>
chip_gen: v7x
topology: tpu7x:2x2x1
jax: 0.10.2.dev20260603
libtpu: 0.0.44.dev20260713+nightly
codegen_flags: <defaults>
</compile_context>

<pallas_src>
import functools

import jax
import jax.numpy as jnp
from jax import lax
from jax.experimental import pallas as pl
from jax.experimental.pallas import tpu as pltpu
from jax.experimental.pallas import tpu_sc as plsc

NC, NS, L = 2, 16, 16

B, H, W, K, P, C = 4, 512, 512, 8, 100000, 32
HT = H // 8
WT = W // 128
TPI = HT * WT
PLANE = TPI * 1024

STEP = 2048
NSTEPS = PLANE // STEP

ZROWS_TC = 32


def _depth_tc(idx_k, zb_k):
    def body(i_ref, z_ref, o_ref):
        m = (i_ref[:, :, 0:1, :] >= 0).astype(jnp.float32)
        o_ref[...] = z_ref[...] * m

    return pl.pallas_call(
        body,
        grid=(B * H // ZROWS_TC,),
        in_specs=[
            pl.BlockSpec((ZROWS_TC, WT, K, 128), lambda i: (i, 0, 0, 0)),
            pl.BlockSpec((ZROWS_TC, WT, K, 128), lambda i: (i, 0, 0, 0)),
        ],
        out_specs=pl.BlockSpec((ZROWS_TC, WT, K, 128), lambda i: (i, 0, 0, 0)),
        out_shape=jax.ShapeDtypeStruct((B * H, WT, K, 128), jnp.float32),
    )(idx_k, zb_k)


def _renderer(idx_k, tab_t):
    mesh = plsc.VectorSubcoreMesh(
        core_axis_name="c", subcore_axis_name="s",
        num_cores=NC, num_subcores=NS)

    @functools.partial(
        pl.kernel,
        out_type=jax.ShapeDtypeStruct((B * (C + 1), PLANE), jnp.float32),
        mesh=mesh,
        compiler_params=pltpu.CompilerParams(
            needs_layout_passes=False, use_tc_tiling_on_sc=False),
        scratch_types=[
            pltpu.VMEM((P + L,), jnp.float32),
            pltpu.VMEM((8, 128), jnp.int32),
            pltpu.VMEM((1024,), jnp.int32),
            pltpu.VMEM((2, STEP), jnp.int32),
            pltpu.VMEM((2, STEP), jnp.float32),
            pltpu.VMEM_SHARED((PLANE,), jnp.int32),
            pltpu.SemaphoreType.DMA,
            pltpu.SemaphoreType.DMA,
            pltpu.SemaphoreType.DMA,
            pltpu.SemaphoreType.DMA,
            pltpu.SemaphoreType.DMA,
            pltpu.SemaphoreType.DMA,
        ],
    )
    def body(idx_hbm, tab_hbm, feat_hbm,
             plane_v, idx0_v, sel_v, selb_v, ob_v, sel_sh,
             psem, isem, ss0, ss1, os0, os1):
        core = lax.axis_index("c")
        tile = lax.axis_index("s")
        ssems = (ss0, ss1)
        osems = (os0, os1)
        cpt = TPI // NS

        first_cp = pltpu.async_copy(
            tab_hbm.at[tile, :], plane_v.at[pl.ds(0, P)], psem)

        def idx_read(b, ci):
            bh0 = b * H + (ci // WT) * 8
            return pltpu.make_async_copy(
                idx_hbm.at[pl.ds(bh0, 8), ci % WT, 0], idx0_v, isem)

        def phase1(b):
            c0 = tile * cpt
            arow = b * (C + 1) + C
            idx_read(b, c0).start()

            def chunk(ci, carry):
                idx_read(b, ci).wait()
                pl.when(ci > c0)(
                    lambda: pltpu.make_async_copy(
                        ob_v.at[0, pl.ds(0, 1024)],
                        feat_hbm.at[arow, pl.ds(0, 1024)],
                        osems[0]).wait())

                def grp(g8, c2):
                    for u in range(8):
                        g = g8 * 8 + u
                        hs = jnp.right_shift(g, 3)
                        wg = jnp.bitwise_and(g, 7) * L
                        idx0 = idx0_v[hs, pl.ds(wg, L)]
                        m = idx0 >= 0
                        sel_v[pl.ds(g * L, L)] = jnp.where(
                            m, jnp.minimum(idx0, P - 1), P)
                        ob_v[0, pl.ds(g * L, L)] = m.astype(jnp.float32)
                    return c2

                lax.fori_loop(0, 8, grp, 0)
                pltpu.sync_copy(sel_v, sel_sh.at[pl.ds(ci * 1024, 1024)])
                pltpu.async_copy(
                    ob_v.at[0, pl.ds(0, 1024)],
                    feat_hbm.at[arow, pl.ds(ci * 1024, 1024)], osems[0])
                pl.when(ci + 1 < c0 + cpt)(
                    lambda: idx_read(b, ci + 1).start())
                return carry

            lax.fori_loop(c0, c0 + cpt, chunk, 0)
            pltpu.make_async_copy(
                ob_v.at[0, pl.ds(0, 1024)],
                feat_hbm.at[arow, pl.ds(0, 1024)], osems[0]).wait()

        def start_sel(si, j):
            pltpu.async_copy(
                sel_sh.at[pl.ds(si * STEP, STEP)], selb_v.at[j], ssems[j])

        def gather_steps(row):
            start_sel(0, 0)
            start_sel(1, 1)

            def pair(sp, carry):
                for j in range(2):
                    si = sp * 2 + j
                    pltpu.make_async_copy(
                        sel_sh.at[pl.ds(si * STEP, STEP)], selb_v.at[j],
                        ssems[j]).wait()

                    @pl.when(sp > 0)
                    def _():
                        pltpu.make_async_copy(
                            ob_v.at[j],
                            feat_hbm.at[row, pl.ds(0, STEP)],
                            osems[j]).wait()

                    def grp(g8, c2):
                        for u in range(8):
                            g = g8 * 8 + u
                            s = selb_v[j, pl.ds(g * L, L)]
                            ob_v[j, pl.ds(g * L, L)] = (
                                plsc.load_gather(plane_v, [s]))
                        return c2

                    lax.fori_loop(0, STEP // L // 8, grp, 0)

                    @pl.when(si + 2 < NSTEPS)
                    def _():
                        start_sel(si + 2, j)

                    pltpu.async_copy(
                        ob_v.at[j],
                        feat_hbm.at[row, pl.ds(si * STEP, STEP)],
                        osems[j])
                return carry

            lax.fori_loop(0, NSTEPS // 2, pair, 0)
            for j in range(2):
                pltpu.make_async_copy(
                    ob_v.at[j], feat_hbm.at[row, pl.ds(0, STEP)],
                    osems[j]).wait()

        def phase2(b, chan, cp):
            if cp is not None:
                cp.wait()
                plane_v[pl.ds(P, L)] = jnp.zeros((L,), jnp.float32)
            gather_steps(b * (C + 1) + chan)

        b0 = NC * core
        b1 = b0 + 1

        phase1(b0)
        plsc.subcore_barrier()
        phase2(b0, tile, first_cp)
        cp2 = pltpu.async_copy(
            tab_hbm.at[NS + tile, :], plane_v.at[pl.ds(0, P)], psem)
        phase2(b0, NS + tile, cp2)
        plsc.subcore_barrier()
        phase1(b1)
        plsc.subcore_barrier()
        phase2(b1, NS + tile, None)
        cp3 = pltpu.async_copy(
            tab_hbm.at[tile, :], plane_v.at[pl.ds(0, P)], psem)
        phase2(b1, tile, cp3)

    return body(idx_k, tab_t)


def kernel(idx, features_packed, zbuf):
    idx_k = idx.reshape(B * H, WT, 128, K).transpose(0, 1, 3, 2)
    zb_k = zbuf.reshape(B * H, WT, 128, K).transpose(0, 1, 3, 2)
    tab_t = features_packed.T
    dep_k = _depth_tc(idx_k, zb_k)
    feat_p = _renderer(idx_k, tab_t)
    feat = (feat_p.reshape(B, C + 1, HT, WT, 8, 128)
            .transpose(0, 2, 4, 3, 5, 1)
            .reshape(B, H, W, C + 1))
    dep = (dep_k.reshape(B * H, WT, K, 128)
           .transpose(0, 1, 3, 2)
           .reshape(B, H, W, K))
    return feat, dep

# --- scband reference (transcript-rebuilt; emitter-appended) ---
"""Pipeline reference for scband-custom-points-renderer-76407468196310 (READ-ONLY COPY).

The authoritative reference and input builder live on the scoring server;
editing this copy changes nothing except your own understanding.
"""

import jax, jax.numpy as jnp
import numpy as np


def setup_inputs(seed: int = 0) -> dict:
    key = jax.random.key(seed)
    k1, k2, k3 = jax.random.split(key, 3)
    B, H, W, K = 4, 512, 512, 8
    P, C = 100000, 32
    # fragments.idx: -1 marks background pixels (no point rasterized)
    idx = jax.random.randint(k1, (B, H, W, K), -1, P, dtype=jnp.int32)
    features_packed = jax.random.normal(k2, (P, C), dtype=jnp.float32)
    zbuf = jax.random.uniform(k3, (B, H, W, K), dtype=jnp.float32)
    return {"idx": idx, "features_packed": features_packed, "zbuf": zbuf}


def reference(idx, features_packed, zbuf):
    # idx: int[B,H,W,K], features_packed: float[P,C], zbuf: float[B,H,W,K]
    P = features_packed.shape[0]
    # forground_mask = idx[..., 0] >= 0
    mask = idx[..., 0] >= 0  # [B,H,W]
    # images[forground_mask] = features_packed[forground_idx[:, 0], :]
    # (scatter into zeros == gather with clamped index then mask)
    safe_idx = jnp.clip(idx[..., 0], 0, P - 1)
    gathered = jnp.take(features_packed, safe_idx, axis=0)  # [B,H,W,C]
    images = jnp.where(mask[..., None], gathered, jnp.zeros_like(gathered))
    # alpha = forground_mask.type_as(images)[..., None]
    alpha = mask.astype(images.dtype)[..., None]  # [B,H,W,1]
    # depth = fragments.zbuf; depth[~forground_mask] = 0
    depth = jnp.where(mask[..., None], zbuf, jnp.zeros_like(zbuf))  # [B,H,W,K]
    # feature = cat([images, alpha], dim=-1)
    feature = jnp.concatenate([images, alpha], axis=-1)  # [B,H,W,C+1]
    return (feature, depth)

if __name__ == "__main__":
    import jax
    _d = setup_inputs()
    print(jax.jit(kernel)(*tuple(_d.values())))

</pallas_src>

<mosaic_0001>
#map = affine_map<(d0, d1) -> (0, 0, 0, 0)>
#map1 = affine_map<(d0, d1) -> (0, 0)>
module attributes {stable_mosaic.version = 14 : i64} {
  func.func @body(%arg0: i32, %arg1: i32, %arg2: memref<2048x4x8x128xi32, #tpu.memory_space<hbm>>, %arg3: memref<32x100000xf32, #tpu.memory_space<hbm>>, %arg4: memref<132x262144xf32, #tpu.memory_space<hbm>>, %arg5: memref<100016xf32, #tpu.memory_space<vmem>>, %arg6: memref<8x128xi32, #tpu.memory_space<vmem>>, %arg7: memref<1024xi32, #tpu.memory_space<vmem>>, %arg8: memref<2x2048xi32, #tpu.memory_space<vmem>>, %arg9: memref<2x2048xf32, #tpu.memory_space<vmem>>, %arg10: memref<262144xi32, #tpu.memory_space<vmem_shared>>, %arg11: memref<!tpu.dma_semaphore, #tpu.memory_space<semaphore_mem>>, %arg12: memref<!tpu.dma_semaphore, #tpu.memory_space<semaphore_mem>>, %arg13: memref<!tpu.dma_semaphore, #tpu.memory_space<semaphore_mem>>, %arg14: memref<!tpu.dma_semaphore, #tpu.memory_space<semaphore_mem>>, %arg15: memref<!tpu.dma_semaphore, #tpu.memory_space<semaphore_mem>>, %arg16: memref<!tpu.dma_semaphore, #tpu.memory_space<semaphore_mem>>) attributes {dimension_semantics = [#tpu.dimension_semantics<core_parallel>, #tpu.dimension_semantics<subcore_parallel>], iteration_bounds = array<i64: 2, 16>, scalar_prefetch = 0 : i64, scratch_operands = 12 : i64, tpu.core_type = #tpu.core_type<sc_vector_subcore>, window_params = [{transform_indices = #map}, {transform_indices = #map1}, {transform_indices = #map1}]} {
    %dma_start3A = arith.constant 0 : i32
    %dma_start3A_0 = tpu.memref_slice %arg5[%dma_start3A] : memref<100016xf32, #tpu.memory_space<vmem>> -> memref<100000xf32, #tpu.memory_space<vmem>>
    %dma_start3A_1 = arith.constant 0 : i32
    %dma_start3A_2 = tpu.memref_slice %arg3[%arg1, %dma_start3A_1] : memref<32x100000xf32, #tpu.memory_space<hbm>> -> memref<1x100000xf32, #tpu.memory_space<hbm>>
    %dma_start3A_3 = tpu.memref_squeeze %dma_start3A_2 : memref<1x100000xf32, #tpu.memory_space<hbm>> -> memref<100000xf32, #tpu.memory_space<hbm>>
    %dma_start3A_4 = arith.constant 0 : i32
    %dma_start3A_5 = tpu.memref_slice %arg5[%dma_start3A_4] : memref<100016xf32, #tpu.memory_space<vmem>> -> memref<100000xf32, #tpu.memory_space<vmem>>
    %dma_start3A_6 = arith.constant 0 : i32
    %dma_start3A_7 = tpu.memref_slice %arg3[%arg1, %dma_start3A_6] : memref<32x100000xf32, #tpu.memory_space<hbm>> -> memref<1x100000xf32, #tpu.memory_space<hbm>>
    %dma_start3A_8 = tpu.memref_squeeze %dma_start3A_7 : memref<1x100000xf32, #tpu.memory_space<hbm>> -> memref<100000xf32, #tpu.memory_space<hbm>>
    tpu.enqueue_dma source(%dma_start3A_8 : memref<100000xf32, #tpu.memory_space<hbm>>) target(%dma_start3A_5 : memref<100000xf32, #tpu.memory_space<vmem>>) target_semaphore(%arg11 : memref<!tpu.dma_semaphore, #tpu.memory_space<semaphore_mem>>)
    %mul3A = arith.constant 2 : i32
    %mul3A_9 = arith.muli %mul3A, %arg0 : i32
    %add3A = arith.constant 1 : i32
    %add3A_10 = arith.addi %mul3A_9, %add3A : i32
    %mul3A_11 = arith.constant 16 : i32
    %mul3A_12 = arith.muli %arg1, %mul3A_11 : i32
    %mul3A_13 = arith.constant 33 : i32
    %mul3A_14 = arith.muli %mul3A_9, %mul3A_13 : i32
    %add3A_15 = arith.constant 32 : i32
    %add3A_16 = arith.addi %mul3A_14, %add3A_15 : i32
    %mul3A_17 = arith.constant 512 : i32
    %mul3A_18 = arith.muli %mul3A_9, %mul3A_17 : i32
    %jit3A = arith.constant 4 : i32
    %div3A = arith.divsi %mul3A_12, %jit3A : i32
    %sign3A = arith.constant 0 : i32
    %sign3A_19 = arith.cmpi sgt, %mul3A_12, %sign3A : i32
    %sign3A_20 = arith.extui %sign3A_19 : i1 to i32
    %sign3A_21 = arith.constant 0 : i32
    %sign3A_22 = arith.cmpi slt, %mul3A_12, %sign3A_21 : i32
    %sign3A_23 = arith.extui %sign3A_22 : i1 to i32
    %sign3A_24 = arith.subi %sign3A_20, %sign3A_23 : i32
    %sign3A_25 = arith.constant 0 : i32
    %sign3A_26 = arith.cmpi sgt, %jit3A, %sign3A_25 : i32
    %sign3A_27 = arith.extui %sign3A_26 : i1 to i32
    %sign3A_28 = arith.constant 0 : i32
    %sign3A_29 = arith.cmpi slt, %jit3A, %sign3A_28 : i32
    %sign3A_30 = arith.extui %sign3A_29 : i1 to i32
    %sign3A_31 = arith.subi %sign3A_27, %sign3A_30 : i32
    %ne3A = arith.cmpi ne, %sign3A_24, %sign3A_31 : i32
    %rem3A = arith.remsi %mul3A_12, %jit3A : i32
    %ne3A_32 = arith.constant 0 : i32
    %ne3A_33 = arith.cmpi ne, %rem3A, %ne3A_32 : i32
    %and3A = arith.andi %ne3A, %ne3A_33 : i1
    %sub3A = arith.constant 1 : i32
    %sub3A_34 = arith.subi %div3A, %sub3A : i32
    %select_n3A = arith.select %and3A, %sub3A_34, %div3A : i32
    %mul3A_35 = arith.constant 8 : i32
    %mul3A_36 = arith.muli %select_n3A, %mul3A_35 : i32
    %add3A_37 = arith.addi %mul3A_18, %mul3A_36 : i32
    %jit3A_38 = arith.constant 4 : i32
    %eq3A = arith.constant 0 : i32
    %eq3A_39 = arith.cmpi eq, %jit3A_38, %eq3A : i32
    %jit3A_40 = arith.constant 1 : i32
    %select_n3A_41 = arith.select %eq3A_39, %jit3A_40, %jit3A_38 : i32
    %rem3A_42 = arith.remsi %mul3A_12, %select_n3A_41 : i32
    %ne3A_43 = arith.constant 0 : i32
    %ne3A_44 = arith.cmpi ne, %rem3A_42, %ne3A_43 : i32
    %lt3A = arith.constant 0 : i32
    %lt3A_45 = arith.cmpi slt, %rem3A_42, %lt3A : i32
    %lt3A_46 = arith.constant 0 : i32
    %lt3A_47 = arith.cmpi slt, %select_n3A_41, %lt3A_46 : i32
    %ne3A_48 = arith.xori %lt3A_45, %lt3A_47 : i1
    %and3A_49 = arith.andi %ne3A_48, %ne3A_44 : i1
    %add3A_50 = arith.addi %rem3A_42, %select_n3A_41 : i32
    %select_n3A_51 = arith.select %and3A_49, %add3A_50, %rem3A_42 : i32
    %dma_start3A_52 = arith.constant 0 : i32
    %dma_start3A_53 = arith.constant 0 : i32
    %dma_start3A_54 = tpu.memref_slice %arg2[%add3A_37, %select_n3A_51, %dma_start3A_52, %dma_start3A_53] : memref<2048x4x8x128xi32, #tpu.memory_space<hbm>> -> memref<8x1x1x128xi32, #tpu.memory_space<hbm>>
    %dma_start3A_55 = tpu.memref_squeeze %dma_start3A_54 : memref<8x1x1x128xi32, #tpu.memory_space<hbm>> -> memref<8x128xi32, #tpu.memory_space<hbm>>
    %dma_start3A_56 = arith.constant 0 : i32
    %dma_start3A_57 = tpu.memref_slice %arg2[%add3A_37, %select_n3A_51, %dma_start3A_52, %dma_start3A_56] : memref<2048x4x8x128xi32, #tpu.memory_space<hbm>> -> memref<8x1x1x128xi32, #tpu.memory_space<hbm>>
    %dma_start3A_58 = tpu.memref_squeeze %dma_start3A_57 : memref<8x1x1x128xi32, #tpu.memory_space<hbm>> -> memref<8x128xi32, #tpu.memory_space<hbm>>
    tpu.enqueue_dma source(%dma_start3A_58 : memref<8x128xi32, #tpu.memory_space<hbm>>) target(%arg6 : memref<8x128xi32, #tpu.memory_space<vmem>>) target_semaphore(%arg12 : memref<!tpu.dma_semaphore, #tpu.memory_space<semaphore_mem>>)
    %add3A_59 = arith.constant 16 : i32
    %add3A_60 = arith.addi %mul3A_12, %add3A_59 : i32
    %while3A = arith.constant 0 : i32
    %while3A_61 = arith.subi %add3A_60, %mul3A_12 : i32
    %while3A_62 = arith.addi %mul3A_12, %while3A_61 : i32
    %while3A_63 = arith.constant 1 : i32
    %while3A_64 = arith.divsi %while3A_61, %while3A_63 : i32
    %while3A_65 = arith.muli %while3A_64, %while3A_63 : i32
    %while3A_66 = arith.addi %mul3A_12, %while3A_65 : i32
    %while3A_67 = arith.constant 1 : i32
    scf.for %while3A_458 = %mul3A_12 to %while3A_66 step %while3A_67  : i32 {
      %mul3A_459 = arith.constant 512 : i32
      %mul3A_460 = arith.muli %mul3A_9, %mul3A_459 : i32
      %jit3A_461 = arith.constant 4 : i32
      %div3A_462 = arith.divsi %while3A_458, %jit3A_461 : i32
      %sign3A_463 = arith.constant 0 : i32
      %sign3A_464 = arith.cmpi sgt, %while3A_458, %sign3A_463 : i32
      %sign3A_465 = arith.extui %sign3A_464 : i1 to i32
      %sign3A_466 = arith.constant 0 : i32
      %sign3A_467 = arith.cmpi slt, %while3A_458, %sign3A_466 : i32
      %sign3A_468 = arith.extui %sign3A_467 : i1 to i32
      %sign3A_469 = arith.subi %sign3A_465, %sign3A_468 : i32
      %sign3A_470 = arith.constant 0 : i32
      %sign3A_471 = arith.cmpi sgt, %jit3A_461, %sign3A_470 : i32
      %sign3A_472 = arith.extui %sign3A_471 : i1 to i32
      %sign3A_473 = arith.constant 0 : i32
      %sign3A_474 = arith.cmpi slt, %jit3A_461, %sign3A_473 : i32
      %sign3A_475 = arith.extui %sign3A_474 : i1 to i32
      %sign3A_476 = arith.subi %sign3A_472, %sign3A_475 : i32
      %ne3A_477 = arith.cmpi ne, %sign3A_469, %sign3A_476 : i32
      %rem3A_478 = arith.remsi %while3A_458, %jit3A_461 : i32
      %ne3A_479 = arith.constant 0 : i32
      %ne3A_480 = arith.cmpi ne, %rem3A_478, %ne3A_479 : i32
      %and3A_481 = arith.andi %ne3A_477, %ne3A_480 : i1
      %sub3A_482 = arith.constant 1 : i32
      %sub3A_483 = arith.subi %div3A_462, %sub3A_482 : i32
      %select_n3A_484 = arith.select %and3A_481, %sub3A_483, %div3A_462 : i32
      %mul3A_485 = arith.constant 8 : i32
      %mul3A_486 = arith.muli %select_n3A_484, %mul3A_485 : i32
      %add3A_487 = arith.addi %mul3A_460, %mul3A_486 : i32
      %jit3A_488 = arith.constant 4 : i32
      %eq3A_489 = arith.constant 0 : i32
      %eq3A_490 = arith.cmpi eq, %jit3A_488, %eq3A_489 : i32
      %jit3A_491 = arith.constant 1 : i32
      %select_n3A_492 = arith.select %eq3A_490, %jit3A_491, %jit3A_488 : i32
      %rem3A_493 = arith.remsi %while3A_458, %select_n3A_492 : i32
      %ne3A_494 = arith.constant 0 : i32
      %ne3A_495 = arith.cmpi ne, %rem3A_493, %ne3A_494 : i32
      %lt3A_496 = arith.constant 0 : i32
      %lt3A_497 = arith.cmpi slt, %rem3A_493, %lt3A_496 : i32
      %lt3A_498 = arith.constant 0 : i32
      %lt3A_499 = arith.cmpi slt, %select_n3A_492, %lt3A_498 : i32
      %ne3A_500 = arith.xori %lt3A_497, %lt3A_499 : i1
      %and3A_501 = arith.andi %ne3A_500, %ne3A_495 : i1
      %add3A_502 = arith.addi %rem3A_493, %select_n3A_492 : i32
      %select_n3A_503 = arith.select %and3A_501, %add3A_502, %rem3A_493 : i32
      %dma_wait3A_504 = arith.constant 0 : i32
      %dma_wait3A_505 = arith.constant 0 : i32
      %dma_wait3A_506 = tpu.memref_slice %arg2[%add3A_487, %select_n3A_503, %dma_wait3A_504, %dma_wait3A_505] : memref<2048x4x8x128xi32, #tpu.memory_space<hbm>> -> memref<8x1x1x128xi32, #tpu.memory_space<hbm>>
      %dma_wait3A_507 = tpu.memref_squeeze %dma_wait3A_506 : memref<8x1x1x128xi32, #tpu.memory_space<hbm>> -> memref<8x128xi32, #tpu.memory_space<hbm>>
      %dma_wait3A_508 = arith.constant 0 : i32
      %dma_wait3A_509 = tpu.memref_slice %arg2[%add3A_487, %select_n3A_503, %dma_wait3A_504, %dma_wait3A_508] : memref<2048x4x8x128xi32, #tpu.memory_space<hbm>> -> memref<8x1x1x128xi32, #tpu.memory_space<hbm>>
      %dma_wait3A_510 = tpu.memref_squeeze %dma_wait3A_509 : memref<8x1x1x128xi32, #tpu.memory_space<hbm>> -> memref<8x128xi32, #tpu.memory_space<hbm>>
      tpu.wait_dma2 semaphore(%arg12 : memref<!tpu.dma_semaphore, #tpu.memory_space<semaphore_mem>>) src(%dma_wait3A_510 : memref<8x128xi32, #tpu.memory_space<hbm>>) dst(%arg6 : memref<8x128xi32, #tpu.memory_space<vmem>>)
      %gt3A = arith.cmpi sgt, %while3A_458, %mul3A_12 : i32
      %convert_element_type3A = arith.extui %gt3A : i1 to i32
      %cond3A = arith.constant 0 : i32
      %cond3A_511 = arith.cmpi ne, %convert_element_type3A, %cond3A : i32
      scf.if %cond3A_511 {
        %dma_wait3A_541 = arith.constant 0 : i32
        %dma_wait3A_542 = arith.constant 0 : i32
        %dma_wait3A_543 = tpu.memref_slice %arg9[%dma_wait3A_541, %dma_wait3A_542] : memref<2x2048xf32, #tpu.memory_space<vmem>> -> memref<1x1024xf32, #tpu.memory_space<vmem>>
        %dma_wait3A_544 = tpu.memref_squeeze %dma_wait3A_543 : memref<1x1024xf32, #tpu.memory_space<vmem>> -> memref<1024xf32, #tpu.memory_space<vmem>>
        %dma_wait3A_545 = arith.constant 0 : i32
        %dma_wait3A_546 = tpu.memref_slice %arg4[%add3A_16, %dma_wait3A_545] : memref<132x262144xf32, #tpu.memory_space<hbm>> -> memref<1x1024xf32, #tpu.memory_space<hbm>>
        %dma_wait3A_547 = tpu.memref_squeeze %dma_wait3A_546 : memref<1x1024xf32, #tpu.memory_space<hbm>> -> memref<1024xf32, #tpu.memory_space<hbm>>
        %dma_wait3A_548 = arith.constant 0 : i32
        %dma_wait3A_549 = tpu.memref_slice %arg4[%add3A_16, %dma_wait3A_548] : memref<132x262144xf32, #tpu.memory_space<hbm>> -> memref<1x1024xf32, #tpu.memory_space<hbm>>
        %dma_wait3A_550 = tpu.memref_squeeze %dma_wait3A_549 : memref<1x1024xf32, #tpu.memory_space<hbm>> -> memref<1024xf32, #tpu.memory_space<hbm>>
        %dma_wait3A_551 = arith.constant 0 : i32
        %dma_wait3A_552 = tpu.memref_slice %arg9[%dma_wait3A_541, %dma_wait3A_551] : memref<2x2048xf32, #tpu.memory_space<vmem>> -> memref<1x1024xf32, #tpu.memory_space<vmem>>
        %dma_wait3A_553 = tpu.memref_squeeze %dma_wait3A_552 : memref<1x1024xf32, #tpu.memory_space<vmem>> -> memref<1024xf32, #tpu.memory_space<vmem>>
        tpu.wait_dma2 semaphore(%arg15 : memref<!tpu.dma_semaphore, #tpu.memory_space<semaphore_mem>>) src(%dma_wait3A_553 : memref<1024xf32, #tpu.memory_space<vmem>>) dst(%dma_wait3A_550 : memref<1024xf32, #tpu.memory_space<hbm>>)
      } else {
      }
      %scan3A_512 = arith.constant 0 : i32
      %scan3A_513 = arith.constant 0 : i32
      %scan3A_514 = arith.constant 8 : i32
      %scan3A_515 = arith.addi %scan3A_513, %scan3A_514 : i32
      %scan3A_516 = arith.constant 1 : i32
      scf.for %scan3A_541 = %scan3A_513 to %scan3A_515 step %scan3A_516  : i32 {
        %mul3A_542 = arith.constant 8 : i32
        %mul3A_543 = arith.muli %scan3A_541, %mul3A_542 : i32
        %add3A_544 = arith.constant 0 : i32
        %add3A_545 = arith.addi %mul3A_543, %add3A_544 : i32
        %shift_right_arithmetic3A = arith.constant 3 : i32
        %shift_right_arithmetic3A_546 = arith.shrsi %add3A_545, %shift_right_arithmetic3A : i32
        %and3A_547 = arith.constant 7 : i32
        %and3A_548 = arith.andi %add3A_545, %and3A_547 : i32
        %mul3A_549 = arith.constant 16 : i32
        %mul3A_550 = arith.muli %and3A_548, %mul3A_549 : i32
        %get3A = arith.index_cast %shift_right_arithmetic3A_546 : i32 to index
        %get3A_551 = arith.index_cast %mul3A_550 : i32 to index
        %get3A_552 = tpu.vector_load %arg6[%get3A, %get3A_551] {strides = array<i32>} : memref<8x128xi32, #tpu.memory_space<vmem>>, vector<16xi32>,
        %ge3A = arith.constant 0 : i32
        %ge3A_553 = vector.broadcast %ge3A : i32 to vector<16xi32>
        %ge3A_554 = arith.cmpi sge, %get3A_552, %ge3A_553 : vector<16xi32>
        %min3A = arith.constant 99999 : i32
        %min3A_555 = vector.broadcast %min3A : i32 to vector<16xi32>
        %min3A_556 = arith.minsi %get3A_552, %min3A_555 : vector<16xi32>
        %jit3A_557 = arith.constant 100000 : i32
        %broadcast_in_dim3A_558 = vector.broadcast %jit3A_557 : i32 to vector<16xi32>
        %select_n3A_559 = arith.select %ge3A_554, %min3A_556, %broadcast_in_dim3A_558 : vector<16xi1>, vector<16xi32>
        %mul3A_560 = arith.constant 16 : i32
        %mul3A_561 = arith.muli %add3A_545, %mul3A_560 : i32
        %swap3A_562 = arith.index_cast %mul3A_561 : i32 to index
        %swap3A_563 = tpu.vector_load %arg7[%swap3A_562] {strides = array<i32>} : memref<1024xi32, #tpu.memory_space<vmem>>, vector<16xi32>,
        tpu.vector_store %arg7[%swap3A_562], %select_n3A_559 {strides = array<i32>} : memref<1024xi32, #tpu.memory_space<vmem>>, vector<16xi32>,
        %convert_element_type3A_564 = arith.extui %ge3A_554 : vector<16xi1> to vector<16xi32>
        %convert_element_type3A_565 = arith.sitofp %convert_element_type3A_564 : vector<16xi32> to vector<16xf32>
        %mul3A_566 = arith.constant 16 : i32
        %mul3A_567 = arith.muli %add3A_545, %mul3A_566 : i32
        %swap3A_568 = arith.constant 0 : i32
        %swap3A_569 = arith.index_cast %swap3A_568 : i32 to index
        %swap3A_570 = arith.index_cast %mul3A_567 : i32 to index
        %swap3A_571 = tpu.vector_load %arg9[%swap3A_569, %swap3A_570] {strides = array<i32>} : memref<2x2048xf32, #tpu.memory_space<vmem>>, vector<16xf32>,
        tpu.vector_store %arg9[%swap3A_569, %swap3A_570], %convert_element_type3A_565 {strides = array<i32>} : memref<2x2048xf32, #tpu.memory_space<vmem>>, vector<16xf32>,
        %mul3A_572 = arith.constant 8 : i32
        %mul3A_573 = arith.muli %scan3A_541, %mul3A_572 : i32
        %add3A_574 = arith.constant 1 : i32
        %add3A_575 = arith.addi %mul3A_573, %add3A_574 : i32
        %shift_right_arithmetic3A_576 = arith.constant 3 : i32
        %shift_right_arithmetic3A_577 = arith.shrsi %add3A_575, %shift_right_arithmetic3A_576 : i32
        %and3A_578 = arith.constant 7 : i32
        %and3A_579 = arith.andi %add3A_575, %and3A_578 : i32
        %mul3A_580 = arith.constant 16 : i32
        %mul3A_581 = arith.muli %and3A_579, %mul3A_580 : i32
        %get3A_582 = arith.index_cast %shift_right_arithmetic3A_577 : i32 to index
        %get3A_583 = arith.index_cast %mul3A_581 : i32 to index
        %get3A_584 = tpu.vector_load %arg6[%get3A_582, %get3A_583] {strides = array<i32>} : memref<8x128xi32, #tpu.memory_space<vmem>>, vector<16xi32>,
        %ge3A_585 = arith.constant 0 : i32
        %ge3A_586 = vector.broadcast %ge3A_585 : i32 to vector<16xi32>
        %ge3A_587 = arith.cmpi sge, %get3A_584, %ge3A_586 : vector<16xi32>
        %min3A_588 = arith.constant 99999 : i32
        %min3A_589 = vector.broadcast %min3A_588 : i32 to vector<16xi32>
        %min3A_590 = arith.minsi %get3A_584, %min3A_589 : vector<16xi32>
        %jit3A_591 = arith.constant 100000 : i32
        %broadcast_in_dim3A_592 = vector.broadcast %jit3A_591 : i32 to vector<16xi32>
        %select_n3A_593 = arith.select %ge3A_587, %min3A_590, %broadcast_in_dim3A_592 : vector<16xi1>, vector<16xi32>
        %mul3A_594 = arith.constant 16 : i32
        %mul3A_595 = arith.muli %add3A_575, %mul3A_594 : i32
        %swap3A_596 = arith.index_cast %mul3A_595 : i32 to index
        %swap3A_597 = tpu.vector_load %arg7[%swap3A_596] {strides = array<i32>} : memref<1024xi32, #tpu.memory_space<vmem>>, vector<16xi32>,
        tpu.vector_store %arg7[%swap3A_596], %select_n3A_593 {strides = array<i32>} : memref<1024xi32, #tpu.memory_space<vmem>>, vector<16xi32>,
        %convert_element_type3A_598 = arith.extui %ge3A_587 : vector<16xi1> to vector<16xi32>
        %convert_element_type3A_599 = arith.sitofp %convert_element_type3A_598 : vector<16xi32> to vector<16xf32>
        %mul3A_600 = arith.constant 16 : i32
        %mul3A_601 = arith.muli %add3A_575, %mul3A_600 : i32
        %swap3A_602 = arith.constant 0 : i32
        %swap3A_603 = arith.index_cast %swap3A_602 : i32 to index
        %swap3A_604 = arith.index_cast %mul3A_601 : i32 to index
        %swap3A_605 = tpu.vector_load %arg9[%swap3A_603, %swap3A_604] {strides = array<i32>} : memref<2x2048xf32, #tpu.memory_space<vmem>>, vector<16xf32>,
        tpu.vector_store %arg9[%swap3A_603, %swap3A_604], %convert_element_type3A_599 {strides = array<i32>} : memref<2x2048xf32, #tpu.memory_space<vmem>>, vector<16xf32>,
        %mul3A_606 = arith.constant 8 : i32
        %mul3A_607 = arith.muli %scan3A_541, %mul3A_606 : i32
        %add3A_608 = arith.constant 2 : i32
        %add3A_609 = arith.addi %mul3A_607, %add3A_608 : i32
        %shift_right_arithmetic3A_610 = arith.constant 3 : i32
        %shift_right_arithmetic3A_611 = arith.shrsi %add3A_609, %shift_right_arithmetic3A_610 : i32
        %and3A_612 = arith.constant 7 : i32
        %and3A_613 = arith.andi %add3A_609, %and3A_612 : i32
        %mul3A_614 = arith.constant 16 : i32
        %mul3A_615 = arith.muli %and3A_613, %mul3A_614 : i32
        %get3A_616 = arith.index_cast %shift_right_arithmetic3A_611 : i32 to index
        %get3A_617 = arith.index_cast %mul3A_615 : i32 to index
        %get3A_618 = tpu.vector_load %arg6[%get3A_616, %get3A_617] {strides = array<i32>} : memref<8x128xi32, #tpu.memory_space<vmem>>, vector<16xi32>,
        %ge3A_619 = arith.constant 0 : i32
        %ge3A_620 = vector.broadcast %ge3A_619 : i32 to vector<16xi32>
        %ge3A_621 = arith.cmpi sge, %get3A_618, %ge3A_620 : vector<16xi32>
        %min3A_622 = arith.constant 99999 : i32
        %min3A_623 = vector.broadcast %min3A_622 : i32 to vector<16xi32>
        %min3A_624 = arith.minsi %get3A_618, %min3A_623 : vector<16xi32>
        %jit3A_625 = arith.constant 100000 : i32
        %broadcast_in_dim3A_626 = vector.broadcast %jit3A_625 : i32 to vector<16xi32>
        %select_n3A_627 = arith.select %ge3A_621, %min3A_624, %broadcast_in_dim3A_626 : vector<16xi1>, vector<16xi32>
        %mul3A_628 = arith.constant 16 : i32
        %mul3A_629 = arith.muli %add3A_609, %mul3A_628 : i32
        %swap3A_630 = arith.index_cast %mul3A_629 : i32 to index
        %swap3A_631 = tpu.vector_load %arg7[%swap3A_630] {strides = array<i32>} : memref<1024xi32, #tpu.memory_space<vmem>>, vector<16xi32>,
        tpu.vector_store %arg7[%swap3A_630], %select_n3A_627 {strides = array<i32>} : memref<1024xi32, #tpu.memory_space<vmem>>, vector<16xi32>,
        %convert_element_type3A_632 = arith.extui %ge3A_621 : vector<16xi1> to vector<16xi32>
        %convert_element_type3A_633 = arith.sitofp %convert_element_type3A_632 : vector<16xi32> to vector<16xf32>
        %mul3A_634 = arith.constant 16 : i32
        %mul3A_635 = arith.muli %add3A_609, %mul3A_634 : i32
        %swap3A_636 = arith.constant 0 : i32
        %swap3A_637 = arith.index_cast %swap3A_636 : i32 to index
        %swap3A_638 = arith.index_cast %mul3A_635 : i32 to index
        %swap3A_639 = tpu.vector_load %arg9[%swap3A_637, %swap3A_638] {strides = array<i32>} : memref<2x2048xf32, #tpu.memory_space<vmem>>, vector<16xf32>,
        tpu.vector_store %arg9[%swap3A_637, %swap3A_638], %convert_element_type3A_633 {strides = array<i32>} : memref<2x2048xf32, #tpu.memory_space<vmem>>, vector<16xf32>,
        %mul3A_640 = arith.constant 8 : i32
        %mul3A_641 = arith.muli %scan3A_541, %mul3A_640 : i32
        %add3A_642 = arith.constant 3 : i32
        %add3A_643 = arith.addi %mul3A_641, %add3A_642 : i32
        %shift_right_arithmetic3A_644 = arith.constant 3 : i32
        %shift_right_arithmetic3A_645 = arith.shrsi %add3A_643, %shift_right_arithmetic3A_644 : i32
        %and3A_646 = arith.constant 7 : i32
        %and3A_647 = arith.andi %add3A_643, %and3A_646 : i32
        %mul3A_648 = arith.constant 16 : i32
        %mul3A_649 = arith.muli %and3A_647, %mul3A_648 : i32
        %get3A_650 = arith.index_cast %shift_right_arithmetic3A_645 : i32 to index
        %get3A_651 = arith.index_cast %mul3A_649 : i32 to index
        %get3A_652 = tpu.vector_load %arg6[%get3A_650, %get3A_651] {strides = array<i32>} : memref<8x128xi32, #tpu.memory_space<vmem>>, vector<16xi32>,
        %ge3A_653 = arith.constant 0 : i32
        %ge3A_654 = vector.broadcast %ge3A_653 : i32 to vector<16xi32>
        %ge3A_655 = arith.cmpi sge, %get3A_652, %ge3A_654 : vector<16xi32>
        %min3A_656 = arith.constant 99999 : i32
        %min3A_657 = vector.broadcast %min3A_656 : i32 to vector<16xi32>
        %min3A_658 = arith.minsi %get3A_652, %min3A_657 : vector<16xi32>
        %jit3A_659 = arith.constant 100000 : i32
        %broadcast_in_dim3A_660 = vector.broadcast %jit3A_659 : i32 to vector<16xi32>
        %select_n3A_661 = arith.select %ge3A_655, %min3A_658, %broadcast_in_dim3A_660 : vector<16xi1>, vector<16xi32>
        %mul3A_662 = arith.constant 16 : i32
        %mul3A_663 = arith.muli %add3A_643, %mul3A_662 : i32
        %swap3A_664 = arith.index_cast %mul3A_663 : i32 to index
        %swap3A_665 = tpu.vector_load %arg7[%swap3A_664] {strides = array<i32>} : memref<1024xi32, #tpu.memory_space<vmem>>, vector<16xi32>,
        tpu.vector_store %arg7[%swap3A_664], %select_n3A_661 {strides = array<i32>} : memref<1024xi32, #tpu.memory_space<vmem>>, vector<16xi32>,
        %convert_element_type3A_666 = arith.extui %ge3A_655 : vector<16xi1> to vector<16xi32>
        %convert_element_type3A_667 = arith.sitofp %convert_element_type3A_666 : vector<16xi32> to vector<16xf32>
        %mul3A_668 = arith.constant 16 : i32
        %mul3A_669 = arith.muli %add3A_643, %mul3A_668 : i32
        %swap3A_670 = arith.constant 0 : i32
        %swap3A_671 = arith.index_cast %swap3A_670 : i32 to index
        %swap3A_672 = arith.index_cast %mul3A_669 : i32 to index
        %swap3A_673 = tpu.vector_load %arg9[%swap3A_671, %swap3A_672] {strides = array<i32>} : memref<2x2048xf32, #tpu.memory_space<vmem>>, vector<16xf32>,
        tpu.vector_store %arg9[%swap3A_671, %swap3A_672], %convert_element_type3A_667 {strides = array<i32>} : memref<2x2048xf32, #tpu.memory_space<vmem>>, vector<16xf32>,
        %mul3A_674 = arith.constant 8 : i32
        %mul3A_675 = arith.muli %scan3A_541, %mul3A_674 : i32
        %add3A_676 = arith.constant 4 : i32
        %add3A_677 = arith.addi %mul3A_675, %add3A_676 : i32
        %shift_right_arithmetic3A_678 = arith.constant 3 : i32
        %shift_right_arithmetic3A_679 = arith.shrsi %add3A_677, %shift_right_arithmetic3A_678 : i32
        %and3A_680 = arith.constant 7 : i32
        %and3A_681 = arith.andi %add3A_677, %and3A_680 : i32
        %mul3A_682 = arith.constant 16 : i32
        %mul3A_683 = arith.muli %and3A_681, %mul3A_682 : i32
        %get3A_684 = arith.index_cast %shift_right_arithmetic3A_679 : i32 to index
        %get3A_685 = arith.index_cast %mul3A_683 : i32 to index
        %get3A_686 = tpu.vector_load %arg6[%get3A_684, %get3A_685] {strides = array<i32>} : memref<8x128xi32, #tpu.memory_space<vmem>>, vector<16xi32>,
        %ge3A_687 = arith.constant 0 : i32
        %ge3A_688 = vector.broadcast %ge3A_687 : i32 to vector<16xi32>
        %ge3A_689 = arith.cmpi sge, %get3A_686, %ge3A_688 : vector<16xi32>
        %min3A_690 = arith.constant 99999 : i32
        %min3A_691 = vector.broadcast %min3A_690 : i32 to vector<16xi32>
        %min3A_692 = arith.minsi %get3A_686, %min3A_691 : vector<16xi32>
        %jit3A_693 = arith.constant 100000 : i32
        %broadcast_in_dim3A_694 = vector.broadcast %jit3A_693 : i32 to vector<16xi32>
        %select_n3A_695 = arith.select %ge3A_689, %min3A_692, %broadcast_in_dim3A_694 : vector<16xi1>, vector<16xi32>
        %mul3A_696 = arith.constant 16 : i32
        %mul3A_697 = arith.muli %add3A_677, %mul3A_696 : i32
        %swap3A_698 = arith.index_cast %mul3A_697 : i32 to index
        %swap3A_699 = tpu.vector_load %arg7[%swap3A_698] {strides = array<i32>} : memref<1024xi32, #tpu.memory_space<vmem>>, vector<16xi32>,
        tpu.vector_store %arg7[%swap3A_698], %select_n3A_695 {strides = array<i32>} : memref<1024xi32, #tpu.memory_space<vmem>>, vector<16xi32>,
        %convert_element_type3A_700 = arith.extui %ge3A_689 : vector<16xi1> to vector<16xi32>
        %convert_element_type3A_701 = arith.sitofp %convert_element_type3A_700 : vector<16xi32> to vector<16xf32>
        %mul3A_702 = arith.constant 16 : i32
        %mul3A_703 = arith.muli %add3A_677, %mul3A_702 : i32
        %swap3A_704 = arith.constant 0 : i32
        %swap3A_705 = arith.index_cast %swap3A_704 : i32 to index
        %swap3A_706 = arith.index_cast %mul3A_703 : i32 to index
        %swap3A_707 = tpu.vector_load %arg9[%swap3A_705, %swap3A_706] {strides = array<i32>} : memref<2x2048xf32, #tpu.memory_space<vmem>>, vector<16xf32>,
        tpu.vector_store %arg9[%swap3A_705, %swap3A_706], %convert_element_type3A_701 {strides = array<i32>} : memref<2x2048xf32, #tpu.memory_space<vmem>>, vector<16xf32>,
        %mul3A_708 = arith.constant 8 : i32
        %mul3A_709 = arith.muli %scan3A_541, %mul3A_708 : i32
        %add3A_710 = arith.constant 5 : i32
        %add3A_711 = arith.addi %mul3A_709, %add3A_710 : i32
        %shift_right_arithmetic3A_712 = arith.constant 3 : i32
        %shift_right_arithmetic3A_713 = arith.shrsi %add3A_711, %shift_right_arithmetic3A_712 : i32
        %and3A_714 = arith.constant 7 : i32
        %and3A_715 = arith.andi %add3A_711, %and3A_714 : i32
        %mul3A_716 = arith.constant 16 : i32
        %mul3A_717 = arith.muli %and3A_715, %mul3A_716 : i32
        %get3A_718 = arith.index_cast %shift_right_arithmetic3A_713 : i32 to index
        %get3A_719 = arith.index_cast %mul3A_717 : i32 to index
        %get3A_720 = tpu.vector_load %arg6[%get3A_718, %get3A_719] {strides = array<i32>} : memref<8x128xi32, #tpu.memory_space<vmem>>, vector<16xi32>,
        %ge3A_721 = arith.constant 0 : i32
        %ge3A_722 = vector.broadcast %ge3A_721 : i32 to vector<16xi32>
        %ge3A_723 = arith.cmpi sge, %get3A_720, %ge3A_722 : vector<16xi32>
        %min3A_724 = arith.constant 99999 : i32
        %min3A_725 = vector.broadcast %min3A_724 : i32 to vector<16xi32>
        %min3A_726 = arith.minsi %get3A_720, %min3A_725 : vector<16xi32>
        %jit3A_727 = arith.constant 100000 : i32
        %broadcast_in_dim3A_728 = vector.broadcast %jit3A_727 : i32 to vector<16xi32>
        %select_n3A_729 = arith.select %ge3A_723, %min3A_726, %broadcast_in_dim3A_728 : vector<16xi1>, vector<16xi32>
        %mul3A_730 = arith.constant 16 : i32
        %mul3A_731 = arith.muli %add3A_711, %mul3A_730 : i32
        %swap3A_732 = arith.index_cast %mul3A_731 : i32 to index
        %swap3A_733 = tpu.vector_load %arg7[%swap3A_732] {strides = array<i32>} : memref<1024xi32, #tpu.memory_space<vmem>>, vector<16xi32>,
        tpu.vector_store %arg7[%swap3A_732], %select_n3A_729 {strides = array<i32>} : memref<1024xi32, #tpu.memory_space<vmem>>, vector<16xi32>,
        %convert_element_type3A_734 = arith.extui %ge3A_723 : vector<16xi1> to vector<16xi32>
        %convert_element_type3A_735 = arith.sitofp %convert_element_type3A_734 : vector<16xi32> to vector<16xf32>
        %mul3A_736 = arith.constant 16 : i32
        %mul3A_737 = arith.muli %add3A_711, %mul3A_736 : i32
        %swap3A_738 = arith.constant 0 : i32
        %swap3A_739 = arith.index_cast %swap3A_738 : i32 to index
        %swap3A_740 = arith.index_cast %mul3A_737 : i32 to index
        %swap3A_741 = tpu.vector_load %arg9[%swap3A_739, %swap3A_740] {strides = array<i32>} : memref<2x2048xf32, #tpu.memory_space<vmem>>, vector<16xf32>,
        tpu.vector_store %arg9[%swap3A_739, %swap3A_740], %convert_element_type3A_735 {strides = array<i32>} : memref<2x2048xf32, #tpu.memory_space<vmem>>, vector<16xf32>,
        %mul3A_742 = arith.constant 8 : i32
        %mul3A_743 = arith.muli %scan3A_541, %mul3A_742 : i32
        %add3A_744 = arith.constant 6 : i32
        %add3A_745 = arith.addi %mul3A_743, %add3A_744 : i32
        %shift_right_arithmetic3A_746 = arith.constant 3 : i32
        %shift_right_arithmetic3A_747 = arith.shrsi %add3A_745, %shift_right_arithmetic3A_746 : i32
        %and3A_748 = arith.constant 7 : i32
        %and3A_749 = arith.andi %add3A_745, %and3A_748 : i32
        %mul3A_750 = arith.constant 16 : i32
        %mul3A_751 = arith.muli %and3A_749, %mul3A_750 : i32
        %get3A_752 = arith.index_cast %shift_right_arithmetic3A_747 : i32 to index
        %get3A_753 = arith.index_cast %mul3A_751 : i32 to index
        %get3A_754 = tpu.vector_load %arg6[%get3A_752, %get3A_753] {strides = array<i32>} : memref<8x128xi32, #tpu.memory_space<vmem>>, vector<16xi32>,
        %ge3A_755 = arith.constant 0 : i32
        %ge3A_756 = vector.broadcast %ge3A_755 : i32 to vector<16xi32>
        %ge3A_757 = arith.cmpi sge, %get3A_754, %ge3A_756 : vector<16xi32>
        %min3A_758 = arith.constant 99999 : i32
        %min3A_759 = vector.broadcast %min3A_758 : i32 to vector<16xi32>
        %min3A_760 = arith.minsi %get3A_754, %min3A_759 : vector<16xi32>
        %jit3A_761 = arith.constant 100000 : i32
        %broadcast_in_dim3A_762 = vector.broadcast %jit3A_761 : i32 to vector<16xi32>
        %select_n3A_763 = arith.select %ge3A_757, %min3A_760, %broadcast_in_dim3A_762 : vector<16xi1>, vector<16xi32>
        %mul3A_764 = arith.constant 16 : i32
        %mul3A_765 = arith.muli %add3A_745, %mul3A_764 : i32
        %swap3A_766 = arith.index_cast %mul3A_765 : i32 to index
        %swap3A_767 = tpu.vector_load %arg7[%swap3A_766] {strides = array<i32>} : memref<1024xi32, #tpu.memory_space<vmem>>, vector<16xi32>,
        tpu.vector_store %arg7[%swap3A_766], %select_n3A_763 {strides = array<i32>} : memref<1024xi32, #tpu.memory_space<vmem>>, vector<16xi32>,
        %convert_element_type3A_768 = arith.extui %ge3A_757 : vector<16xi1> to vector<16xi32>
        %convert_element_type3A_769 = arith.sitofp %convert_element_type3A_768 : vector<16xi32> to vector<16xf32>
        %mul3A_770 = arith.constant 16 : i32
        %mul3A_771 = arith.muli %add3A_745, %mul3A_770 : i32
        %swap3A_772 = arith.constant 0 : i32
        %swap3A_773 = arith.index_cast %swap3A_772 : i32 to index
        %swap3A_774 = arith.index_cast %mul3A_771 : i32 to index
        %swap3A_775 = tpu.vector_load %arg9[%swap3A_773, %swap3A_774] {strides = array<i32>} : memref<2x2048xf32, #tpu.memory_space<vmem>>, vector<16xf32>,
        tpu.vector_store %arg9[%swap3A_773, %swap3A_774], %convert_element_type3A_769 {strides = array<i32>} : memref<2x2048xf32, #tpu.memory_space<vmem>>, vector<16xf32>,
        %mul3A_776 = arith.constant 8 : i32
        %mul3A_777 = arith.muli %scan3A_541, %mul3A_776 : i32
        %add3A_778 = arith.constant 7 : i32
        %add3A_779 = arith.addi %mul3A_777, %add3A_778 : i32
        %shift_right_arithmetic3A_780 = arith.constant 3 : i32
        %shift_right_arithmetic3A_781 = arith.shrsi %add3A_779, %shift_right_arithmetic3A_780 : i32
        %and3A_782 = arith.constant 7 : i32
        %and3A_783 = arith.andi %add3A_779, %and3A_782 : i32
        %mul3A_784 = arith.constant 16 : i32
        %mul3A_785 = arith.muli %and3A_783, %mul3A_784 : i32
        %get3A_786 = arith.index_cast %shift_right_arithmetic3A_781 : i32 to index
        %get3A_787 = arith.index_cast %mul3A_785 : i32 to index
        %get3A_788 = tpu.vector_load %arg6[%get3A_786, %get3A_787] {strides = array<i32>} : memref<8x128xi32, #tpu.memory_space<vmem>>, vector<16xi32>,
        %ge3A_789 = arith.constant 0 : i32
        %ge3A_790 = vector.broadcast %ge3A_789 : i32 to vector<16xi32>
        %ge3A_791 = arith.cmpi sge, %get3A_788, %ge3A_790 : vector<16xi32>
        %min3A_792 = arith.constant 99999 : i32
        %min3A_793 = vector.broadcast %min3A_792 : i32 to vector<16xi32>
        %min3A_794 = arith.minsi %get3A_788, %min3A_793 : vector<16xi32>
        %jit3A_795 = arith.constant 100000 : i32
        %broadcast_in_dim3A_796 = vector.broadcast %jit3A_795 : i32 to vector<16xi32>
        %select_n3A_797 = arith.select %ge3A_791, %min3A_794, %broadcast_in_dim3A_796 : vector<16xi1>, vector<16xi32>
        %mul3A_798 = arith.constant 16 : i32
        %mul3A_799 = arith.muli %add3A_779, %mul3A_798 : i32
        %swap3A_800 = arith.index_cast %mul3A_799 : i32 to index
        %swap3A_801 = tpu.vector_load %arg7[%swap3A_800] {strides = array<i32>} : memref<1024xi32, #tpu.memory_space<vmem>>, vector<16xi32>,
        tpu.vector_store %arg7[%swap3A_800], %select_n3A_797 {strides = array<i32>} : memref<1024xi32, #tpu.memory_space<vmem>>, vector<16xi32>,
        %convert_element_type3A_802 = arith.extui %ge3A_791 : vector<16xi1> to vector<16xi32>
        %convert_element_type3A_803 = arith.sitofp %convert_element_type3A_802 : vector<16xi32> to vector<16xf32>
        %mul3A_804 = arith.constant 16 : i32
        %mul3A_805 = arith.muli %add3A_779, %mul3A_804 : i32
        %swap3A_806 = arith.constant 0 : i32
        %swap3A_807 = arith.index_cast %swap3A_806 : i32 to index
        %swap3A_808 = arith.index_cast %mul3A_805 : i32 to index
        %swap3A_809 = tpu.vector_load %arg9[%swap3A_807, %swap3A_808] {strides = array<i32>} : memref<2x2048xf32, #tpu.memory_space<vmem>>, vector<16xf32>,
        tpu.vector_store %arg9[%swap3A_807, %swap3A_808], %convert_element_type3A_803 {strides = array<i32>} : memref<2x2048xf32, #tpu.memory_space<vmem>>, vector<16xf32>,
      }
      %scan3A_517 = arith.constant 8 : i32
      %mul3A_518 = arith.constant 1024 : i32
      %mul3A_519 = arith.muli %while3A_458, %mul3A_518 : i32
      "tpu.region"() ({
        %run_scoped3A = tpu.sem_alloc : memref<!tpu.dma_semaphore, #tpu.memory_space<semaphore_mem>>
        %dma_start3A_541 = tpu.memref_slice %arg10[%mul3A_519] : memref<262144xi32, #tpu.memory_space<vmem_shared>> -> memref<1024xi32, #tpu.memory_space<vmem_shared>>
        %dma_start3A_542 = tpu.memref_slice %arg10[%mul3A_519] : memref<262144xi32, #tpu.memory_space<vmem_shared>> -> memref<1024xi32, #tpu.memory_space<vmem_shared>>
        tpu.enqueue_dma source(%arg7 : memref<1024xi32, #tpu.memory_space<vmem>>) target(%dma_start3A_542 : memref<1024xi32, #tpu.memory_space<vmem_shared>>) target_semaphore(%run_scoped3A : memref<!tpu.dma_semaphore, #tpu.memory_space<semaphore_mem>>)
        %dma_wait3A_543 = tpu.memref_slice %arg10[%mul3A_519] : memref<262144xi32, #tpu.memory_space<vmem_shared>> -> memref<1024xi32, #tpu.memory_space<vmem_shared>>
        %dma_wait3A_544 = tpu.memref_slice %arg10[%mul3A_519] : memref<262144xi32, #tpu.memory_space<vmem_shared>> -> memref<1024xi32, #tpu.memory_space<vmem_shared>>
        tpu.wait_dma2 semaphore(%run_scoped3A : memref<!tpu.dma_semaphore, #tpu.memory_space<semaphore_mem>>) src(%arg7 : memref<1024xi32, #tpu.memory_space<vmem>>) dst(%dma_wait3A_544 : memref<1024xi32, #tpu.memory_space<vmem_shared>>)
        tpu.yield
      }) : () -> ()
      %mul3A_520 = arith.constant 1024 : i32
      %mul3A_521 = arith.muli %while3A_458, %mul3A_520 : i32
      %dma_start3A_522 = arith.constant 0 : i32
      %dma_start3A_523 = arith.constant 0 : i32
      %dma_start3A_524 = tpu.memref_slice %arg9[%dma_start3A_522, %dma_start3A_523] : memref<2x2048xf32, #tpu.memory_space<vmem>> -> memref<1x1024xf32, #tpu.memory_space<vmem>>
      %dma_start3A_525 = tpu.memref_squeeze %dma_start3A_524 : memref<1x1024xf32, #tpu.memory_space<vmem>> -> memref<1024xf32, #tpu.memory_space<vmem>>
      %dma_start3A_526 = tpu.memref_slice %arg4[%add3A_16, %mul3A_521] : memref<132x262144xf32, #tpu.memory_space<hbm>> -> memref<1x1024xf32, #tpu.memory_space<hbm>>
      %dma_start3A_527 = tpu.memref_squeeze %dma_start3A_526 : memref<1x1024xf32, #tpu.memory_space<hbm>> -> memref<1024xf32, #tpu.memory_space<hbm>>
      %dma_start3A_528 = tpu.memref_slice %arg4[%add3A_16, %mul3A_521] : memref<132x262144xf32, #tpu.memory_space<hbm>> -> memref<1x1024xf32, #tpu.memory_space<hbm>>
      %dma_start3A_529 = tpu.memref_squeeze %dma_start3A_528 : memref<1x1024xf32, #tpu.memory_space<hbm>> -> memref<1024xf32, #tpu.memory_space<hbm>>
      %dma_start3A_530 = arith.constant 0 : i32
      %dma_start3A_531 = tpu.memref_slice %arg9[%dma_start3A_522, %dma_start3A_530] : memref<2x2048xf32, #tpu.memory_space<vmem>> -> memref<1x1024xf32, #tpu.memory_space<vmem>>
      %dma_start3A_532 = tpu.memref_squeeze %dma_start3A_531 : memref<1x1024xf32, #tpu.memory_space<vmem>> -> memref<1024xf32, #tpu.memory_space<vmem>>
      tpu.enqueue_dma source(%dma_start3A_532 : memref<1024xf32, #tpu.memory_space<vmem>>) target(%dma_start3A_529 : memref<1024xf32, #tpu.memory_space<hbm>>) target_semaphore(%arg15 : memref<!tpu.dma_semaphore, #tpu.memory_space<semaphore_mem>>)
      %add3A_533 = arith.constant 1 : i32
      %add3A_534 = arith.addi %while3A_458, %add3A_533 : i32
      %add3A_535 = arith.constant 16 : i32
      %add3A_536 = arith.addi %mul3A_12, %add3A_535 : i32
      %lt3A_537 = arith.cmpi slt, %add3A_534, %add3A_536 : i32
      %convert_element_type3A_538 = arith.extui %lt3A_537 : i1 to i32
      %cond3A_539 = arith.constant 0 : i32
      %cond3A_540 = arith.cmpi ne, %convert_element_type3A_538, %cond3A_539 : i32
      scf.if %cond3A_540 {
        %add3A_541 = arith.constant 1 : i32
        %add3A_542 = arith.addi %while3A_458, %add3A_541 : i32
        %mul3A_543 = arith.constant 512 : i32
        %mul3A_544 = arith.muli %mul3A_9, %mul3A_543 : i32
        %jit3A_545 = arith.constant 4 : i32
        %div3A_546 = arith.divsi %add3A_542, %jit3A_545 : i32
        %sign3A_547 = arith.constant 0 : i32
        %sign3A_548 = arith.cmpi sgt, %add3A_542, %sign3A_547 : i32
        %sign3A_549 = arith.extui %sign3A_548 : i1 to i32
        %sign3A_550 = arith.constant 0 : i32
        %sign3A_551 = arith.cmpi slt, %add3A_542, %sign3A_550 : i32
        %sign3A_552 = arith.extui %sign3A_551 : i1 to i32
        %sign3A_553 = arith.subi %sign3A_549, %sign3A_552 : i32
        %sign3A_554 = arith.constant 0 : i32
        %sign3A_555 = arith.cmpi sgt, %jit3A_545, %sign3A_554 : i32
        %sign3A_556 = arith.extui %sign3A_555 : i1 to i32
        %sign3A_557 = arith.constant 0 : i32
        %sign3A_558 = arith.cmpi slt, %jit3A_545, %sign3A_557 : i32
        %sign3A_559 = arith.extui %sign3A_558 : i1 to i32
        %sign3A_560 = arith.subi %sign3A_556, %sign3A_559 : i32
        %ne3A_561 = arith.cmpi ne, %sign3A_553, %sign3A_560 : i32
        %rem3A_562 = arith.remsi %add3A_542, %jit3A_545 : i32
        %ne3A_563 = arith.constant 0 : i32
        %ne3A_564 = arith.cmpi ne, %rem3A_562, %ne3A_563 : i32
        %and3A_565 = arith.andi %ne3A_561, %ne3A_564 : i1
        %sub3A_566 = arith.constant 1 : i32
        %sub3A_567 = arith.subi %div3A_546, %sub3A_566 : i32
        %select_n3A_568 = arith.select %and3A_565, %sub3A_567, %div3A_546 : i32
        %mul3A_569 = arith.constant 8 : i32
        %mul3A_570 = arith.muli %select_n3A_568, %mul3A_569 : i32
        %add3A_571 = arith.addi %mul3A_544, %mul3A_570 : i32
        %jit3A_572 = arith.constant 4 : i32
        %eq3A_573 = arith.constant 0 : i32
        %eq3A_574 = arith.cmpi eq, %jit3A_572, %eq3A_573 : i32
        %jit3A_575 = arith.constant 1 : i32
        %select_n3A_576 = arith.select %eq3A_574, %jit3A_575, %jit3A_572 : i32
        %rem3A_577 = arith.remsi %add3A_542, %select_n3A_576 : i32
        %ne3A_578 = arith.constant 0 : i32
        %ne3A_579 = arith.cmpi ne, %rem3A_577, %ne3A_578 : i32
        %lt3A_580 = arith.constant 0 : i32
        %lt3A_581 = arith.cmpi slt, %rem3A_577, %lt3A_580 : i32
        %lt3A_582 = arith.constant 0 : i32
        %lt3A_583 = arith.cmpi slt, %select_n3A_576, %lt3A_582 : i32
        %ne3A_584 = arith.xori %lt3A_581, %lt3A_583 : i1
        %and3A_585 = arith.andi %ne3A_584, %ne3A_579 : i1
        %add3A_586 = arith.addi %rem3A_577, %select_n3A_576 : i32
        %select_n3A_587 = arith.select %and3A_585, %add3A_586, %rem3A_577 : i32
        %dma_start3A_588 = arith.constant 0 : i32
        %dma_start3A_589 = arith.constant 0 : i32
        %dma_start3A_590 = tpu.memref_slice %arg2[%add3A_571, %select_n3A_587, %dma_start3A_588, %dma_start3A_589] : memref<2048x4x8x128xi32, #tpu.memory_space<hbm>> -> memref<8x1x1x128xi32, #tpu.memory_space<hbm>>
        %dma_start3A_591 = tpu.memref_squeeze %dma_start3A_590 : memref<8x1x1x128xi32, #tpu.memory_space<hbm>> -> memref<8x128xi32, #tpu.memory_space<hbm>>
        %dma_start3A_592 = arith.constant 0 : i32
        %dma_start3A_593 = tpu.memref_slice %arg2[%add3A_571, %select_n3A_587, %dma_start3A_588, %dma_start3A_592] : memref<2048x4x8x128xi32, #tpu.memory_space<hbm>> -> memref<8x1x1x128xi32, #tpu.memory_space<hbm>>
        %dma_start3A_594 = tpu.memref_squeeze %dma_start3A_593 : memref<8x1x1x128xi32, #tpu.memory_space<hbm>> -> memref<8x128xi32, #tpu.memory_space<hbm>>
        tpu.enqueue_dma source(%dma_start3A_594 : memref<8x128xi32, #tpu.memory_space<hbm>>) target(%arg6 : memref<8x128xi32, #tpu.memory_space<vmem>>) target_semaphore(%arg12 : memref<!tpu.dma_semaphore, #tpu.memory_space<semaphore_mem>>)
      } else {
      }
    }
    %while3A_68 = arith.constant 1 : i32
    scf.for %while3A_458 = %while3A_66 to %while3A_62 step %while3A_68  : i32 {
      %mul3A_459 = arith.constant 512 : i32
      %mul3A_460 = arith.muli %mul3A_9, %mul3A_459 : i32
      %jit3A_461 = arith.constant 4 : i32
      %div3A_462 = arith.divsi %while3A_458, %jit3A_461 : i32
      %sign3A_463 = arith.constant 0 : i32
      %sign3A_464 = arith.cmpi sgt, %while3A_458, %sign3A_463 : i32
      %sign3A_465 = arith.extui %sign3A_464 : i1 to i32
      %sign3A_466 = arith.constant 0 : i32
      %sign3A_467 = arith.cmpi slt, %while3A_458, %sign3A_466 : i32
      %sign3A_468 = arith.extui %sign3A_467 : i1 to i32
      %sign3A_469 = arith.subi %sign3A_465, %sign3A_468 : i32
      %sign3A_470 = arith.constant 0 : i32
      %sign3A_471 = arith.cmpi sgt, %jit3A_461, %sign3A_470 : i32
      %sign3A_472 = arith.extui %sign3A_471 : i1 to i32
      %sign3A_473 = arith.constant 0 : i32
      %sign3A_474 = arith.cmpi slt, %jit3A_461, %sign3A_473 : i32
      %sign3A_475 = arith.extui %sign3A_474 : i1 to i32
      %sign3A_476 = arith.subi %sign3A_472, %sign3A_475 : i32
      %ne3A_477 = arith.cmpi ne, %sign3A_469, %sign3A_476 : i32
      %rem3A_478 = arith.remsi %while3A_458, %jit3A_461 : i32
      %ne3A_479 = arith.constant 0 : i32
      %ne3A_480 = arith.cmpi ne, %rem3A_478, %ne3A_479 : i32
      %and3A_481 = arith.andi %ne3A_477, %ne3A_480 : i1
      %sub3A_482 = arith.constant 1 : i32
      %sub3A_483 = arith.subi %div3A_462, %sub3A_482 : i32
      %select_n3A_484 = arith.select %and3A_481, %sub3A_483, %div3A_462 : i32
      %mul3A_485 = arith.constant 8 : i32
      %mul3A_486 = arith.muli %select_n3A_484, %mul3A_485 : i32
      %add3A_487 = arith.addi %mul3A_460, %mul3A_486 : i32
      %jit3A_488 = arith.constant 4 : i32
      %eq3A_489 = arith.constant 0 : i32
      %eq3A_490 = arith.cmpi eq, %jit3A_488, %eq3A_489 : i32
      %jit3A_491 = arith.constant 1 : i32
      %select_n3A_492 = arith.select %eq3A_490, %jit3A_491, %jit3A_488 : i32
      %rem3A_493 = arith.remsi %while3A_458, %select_n3A_492 : i32
      %ne3A_494 = arith.constant 0 : i32
      %ne3A_495 = arith.cmpi ne, %rem3A_493, %ne3A_494 : i32
      %lt3A_496 = arith.constant 0 : i32
      %lt3A_497 = arith.cmpi slt, %rem3A_493, %lt3A_496 : i32
      %lt3A_498 = arith.constant 0 : i32
      %lt3A_499 = arith.cmpi slt, %select_n3A_492, %lt3A_498 : i32
      %ne3A_500 = arith.xori %lt3A_497, %lt3A_499 : i1
      %and3A_501 = arith.andi %ne3A_500, %ne3A_495 : i1
      %add3A_502 = arith.addi %rem3A_493, %select_n3A_492 : i32
      %select_n3A_503 = arith.select %and3A_501, %add3A_502, %rem3A_493 : i32
      %dma_wait3A_504 = arith.constant 0 : i32
      %dma_wait3A_505 = arith.constant 0 : i32
      %dma_wait3A_506 = tpu.memref_slice %arg2[%add3A_487, %select_n3A_503, %dma_wait3A_504, %dma_wait3A_505] : memref<2048x4x8x128xi32, #tpu.memory_space<hbm>> -> memref<8x1x1x128xi32, #tpu.memory_space<hbm>>
      %dma_wait3A_507 = tpu.memref_squeeze %dma_wait3A_506 : memref<8x1x1x128xi32, #tpu.memory_space<hbm>> -> memref<8x128xi32, #tpu.memory_space<hbm>>
      %dma_wait3A_508 = arith.constant 0 : i32
      %dma_wait3A_509 = tpu.memref_slice %arg2[%add3A_487, %select_n3A_503, %dma_wait3A_504, %dma_wait3A_508] : memref<2048x4x8x128xi32, #tpu.memory_space<hbm>> -> memref<8x1x1x128xi32, #tpu.memory_space<hbm>>
      %dma_wait3A_510 = tpu.memref_squeeze %dma_wait3A_509 : memref<8x1x1x128xi32, #tpu.memory_space<hbm>> -> memref<8x128xi32, #tpu.memory_space<hbm>>
      tpu.wait_dma2 semaphore(%arg12 : memref<!tpu.dma_semaphore, #tpu.memory_space<semaphore_mem>>) src(%dma_wait3A_510 : memref<8x128xi32, #tpu.memory_space<hbm>>) dst(%arg6 : memref<8x128xi32, #tpu.memory_space<vmem>>)
      %gt3A = arith.cmpi sgt, %while3A_458, %mul3A_12 : i32
      %convert_element_type3A = arith.extui %gt3A : i1 to i32
      %cond3A = arith.constant 0 : i32
      %cond3A_511 = arith.cmpi ne, %convert_element_type3A, %cond3A : i32
      scf.if %cond3A_511 {
        %dma_wait3A_541 = arith.constant 0 : i32
        %dma_wait3A_542 = arith.constant 0 : i32
        %dma_wait3A_543 = tpu.memref_slice %arg9[%dma_wait3A_541, %dma_wait3A_542] : memref<2x2048xf32, #tpu.memory_space<vmem>> -> memref<1x1024xf32, #tpu.memory_space<vmem>>
        %dma_wait3A_544 = tpu.memref_squeeze %dma_wait3A_543 : memref<1x1024xf32, #tpu.memory_space<vmem>> -> memref<1024xf32, #tpu.memory_space<vmem>>
        %dma_wait3A_545 = arith.constant 0 : i32
        %dma_wait3A_546 = tpu.memref_slice %arg4[%add3A_16, %dma_wait3A_545] : memref<132x262144xf32, #tpu.memory_space<hbm>> -> memref<1x1024xf32, #tpu.memory_space<hbm>>
        %dma_wait3A_547 = tpu.memref_squeeze %dma_wait3A_546 : memref<1x1024xf32, #tpu.memory_space<hbm>> -> memref<1024xf32, #tpu.memory_space<hbm>>
        %dma_wait3A_548 = arith.constant 0 : i32
        %dma_wait3A_549 = tpu.memref_slice %arg4[%add3A_16, %dma_wait3A_548] : memref<132x262144xf32, #tpu.memory_space<hbm>> -> memref<1x1024xf32, #tpu.memory_space<hbm>>
        %dma_wait3A_550 = tpu.memref_squeeze %dma_wait3A_549 : memref<1x1024xf32, #tpu.memory_space<hbm>> -> memref<1024xf32, #tpu.memory_space<hbm>>
        %dma_wait3A_551 = arith.constant 0 : i32
        %dma_wait3A_552 = tpu.memref_slice %arg9[%dma_wait3A_541, %dma_wait3A_551] : memref<2x2048xf32, #tpu.memory_space<vmem>> -> memref<1x1024xf32, #tpu.memory_space<vmem>>
        %dma_wait3A_553 = tpu.memref_squeeze %dma_wait3A_552 : memref<1x1024xf32, #tpu.memory_space<vmem>> -> memref<1024xf32, #tpu.memory_space<vmem>>
        tpu.wait_dma2 semaphore(%arg15 : memref<!tpu.dma_semaphore, #tpu.memory_space<semaphore_mem>>) src(%dma_wait3A_553 : memref<1024xf32, #tpu.memory_space<vmem>>) dst(%dma_wait3A_550 : memref<1024xf32, #tpu.memory_space<hbm>>)
      } else {
      }
      %scan3A_512 = arith.constant 0 : i32
      %scan3A_513 = arith.constant 0 : i32
      %scan3A_514 = arith.constant 8 : i32
      %scan3A_515 = arith.addi %scan3A_513, %scan3A_514 : i32
      %scan3A_516 = arith.constant 1 : i32
      scf.for %scan3A_541 = %scan3A_513 to %scan3A_515 step %scan3A_516  : i32 {
        %mul3A_542 = arith.constant 8 : i32
        %mul3A_543 = arith.muli %scan3A_541, %mul3A_542 : i32
        %add3A_544 = arith.constant 0 : i32
        %add3A_545 = arith.addi %mul3A_543, %add3A_544 : i32
        %shift_right_arithmetic3A = arith.constant 3 : i32
        %shift_right_arithmetic3A_546 = arith.shrsi %add3A_545, %shift_right_arithmetic3A : i32
        %and3A_547 = arith.constant 7 : i32
        %and3A_548 = arith.andi %add3A_545, %and3A_547 : i32
        %mul3A_549 = arith.constant 16 : i32
        %mul3A_550 = arith.muli %and3A_548, %mul3A_549 : i32
        %get3A = arith.index_cast %shift_right_arithmetic3A_546 : i32 to index
        %get3A_551 = arith.index_cast %mul3A_550 : i32 to index
        %get3A_552 = tpu.vector_load %arg6[%get3A, %get3A_551] {strides = array<i32>} : memref<8x128xi32, #tpu.memory_space<vmem>>, vector<16xi32>,
        %ge3A = arith.constant 0 : i32
        %ge3A_553 = vector.broadcast %ge3A : i32 to vector<16xi32>
        %ge3A_554 = arith.cmpi sge, %get3A_552, %ge3A_553 : vector<16xi32>
        %min3A = arith.constant 99999 : i32
        %min3A_555 = vector.broadcast %min3A : i32 to vector<16xi32>
        %min3A_556 = arith.minsi %get3A_552, %min3A_555 : vector<16xi32>
        %jit3A_557 = arith.constant 100000 : i32
        %broadcast_in_dim3A_558 = vector.broadcast %jit3A_557 : i32 to vector<16xi32>
        %select_n3A_559 = arith.select %ge3A_554, %min3A_556, %broadcast_in_dim3A_558 : vector<16xi1>, vector<16xi32>
        %mul3A_560 = arith.constant 16 : i32
        %mul3A_561 = arith.muli %add3A_545, %mul3A_560 : i32
        %swap3A_562 = arith.index_cast %mul3A_561 : i32 to index
        %swap3A_563 = tpu.vector_load %arg7[%swap3A_562] {strides = array<i32>} : memref<1024xi32, #tpu.memory_space<vmem>>, vector<16xi32>,
        tpu.vector_store %arg7[%swap3A_562], %select_n3A_559 {strides = array<i32>} : memref<1024xi32, #tpu.memory_space<vmem>>, vector<16xi32>,
        %convert_element_type3A_564 = arith.extui %ge3A_554 : vector<16xi1> to vector<16xi32>
        %convert_element_type3A_565 = arith.sitofp %convert_element_type3A_564 : vector<16xi32> to vector<16xf32>
        %mul3A_566 = arith.constant 16 : i32
        %mul3A_567 = arith.muli %add3A_545, %mul3A_566 : i32
        %swap3A_568 = arith.constant 0 : i32
        %swap3A_569 = arith.index_cast %swap3A_568 : i32 to index
        %swap3A_570 = arith.index_cast %mul3A_567 : i32 to index
        %swap3A_571 = tpu.vector_load %arg9[%swap3A_569, %swap3A_570] {strides = array<i32>} : memref<2x2048xf32, #tpu.memory_space<vmem>>, vector<16xf32>,
        tpu.vector_store %arg9[%swap3A_569, %swap3A_570], %convert_element_type3A_565 {strides = array<i32>} : memref<2x2048xf32, #tpu.memory_space<vmem>>, vector<16xf32>,
        %mul3A_572 = arith.constant 8 : i32
        %mul3A_573 = arith.muli %scan3A_541, %mul3A_572 : i32
        %add3A_574 = arith.constant 1 : i32
        %add3A_575 = arith.addi %mul3A_573, %add3A_574 : i32
        %shift_right_arithmetic3A_576 = arith.constant 3 : i32
        %shift_right_arithmetic3A_577 = arith.shrsi %add3A_575, %shift_right_arithmetic3A_576 : i32
        %and3A_578 = arith.constant 7 : i32
        %and3A_579 = arith.andi %add3A_575, %and3A_578 : i32
        %mul3A_580 = arith.constant 16 : i32
        %mul3A_581 = arith.muli %and3A_579, %mul3A_580 : i32
        %get3A_582 = arith.index_cast %shift_right_arithmetic3A_577 : i32 to index
        %get3A_583 = arith.index_cast %mul3A_581 : i32 to index
        %get3A_584 = tpu.vector_load %arg6[%get3A_582, %get3A_583] {strides = array<i32>} : memref<8x128xi32, #tpu.memory_space<vmem>>, vector<16xi32>,
        %ge3A_585 = arith.constant 0 : i32
        %ge3A_586 = vector.broadcast %ge3A_585 : i32 to vector<16xi32>
        %ge3A_587 = arith.cmpi sge, %get3A_584, %ge3A_586 : vector<16xi32>
        %min3A_588 = arith.constant 99999 : i32
        %min3A_589 = vector.broadcast %min3A_588 : i32 to vector<16xi32>
        %min3A_590 = arith.minsi %get3A_584, %min3A_589 : vector<16xi32>
        %jit3A_591 = arith.constant 100000 : i32
        %broadcast_in_dim3A_592 = vector.broadcast %jit3A_591 : i32 to vector<16xi32>
        %select_n3A_593 = arith.select %ge3A_587, %min3A_590, %broadcast_in_dim3A_592 : vector<16xi1>, vector<16xi32>
        %mul3A_594 = arith.constant 16 : i32
        %mul3A_595 = arith.muli %add3A_575, %mul3A_594 : i32
        %swap3A_596 = arith.index_cast %mul3A_595 : i32 to index
        %swap3A_597 = tpu.vector_load %arg7[%swap3A_596] {strides = array<i32>} : memref<1024xi32, #tpu.memory_space<vmem>>, vector<16xi32>,
        tpu.vector_store %arg7[%swap3A_596], %select_n3A_593 {strides = array<i32>} : memref<1024xi32, #tpu.memory_space<vmem>>, vector<16xi32>,
        %convert_element_type3A_598 = arith.extui %ge3A_587 : vector<16xi1> to vector<16xi32>
        %convert_element_type3A_599 = arith.sitofp %convert_element_type3A_598 : vector<16xi32> to vector<16xf32>
        %mul3A_600 = arith.constant 16 : i32
        %mul3A_601 = arith.muli %add3A_575, %mul3A_600 : i32
        %swap3A_602 = arith.constant 0 : i32
        %swap3A_603 = arith.index_cast %swap3A_602 : i32 to index
        %swap3A_604 = arith.index_cast %mul3A_601 : i32 to index
        %swap3A_605 = tpu.vector_load %arg9[%swap3A_603, %swap3A_604] {strides = array<i32>} : memref<2x2048xf32, #tpu.memory_space<vmem>>, vector<16xf32>,
        tpu.vector_store %arg9[%swap3A_603, %swap3A_604], %convert_element_type3A_599 {strides = array<i32>} : memref<2x2048xf32, #tpu.memory_space<vmem>>, vector<16xf32>,
        %mul3A_606 = arith.constant 8 : i32
        %mul3A_607 = arith.muli %scan3A_541, %mul3A_606 : i32
        %add3A_608 = arith.constant 2 : i32
        %add3A_609 = arith.addi %mul3A_607, %add3A_608 : i32
        %shift_right_arithmetic3A_610 = arith.constant 3 : i32
        %shift_right_arithmetic3A_611 = arith.shrsi %add3A_609, %shift_right_arithmetic3A_610 : i32
        %and3A_612 = arith.constant 7 : i32
        %and3A_613 = arith.andi %add3A_609, %and3A_612 : i32
        %mul3A_614 = arith.constant 16 : i32
        %mul3A_615 = arith.muli %and3A_613, %mul3A_614 : i32
        %get3A_616 = arith.index_cast %shift_right_arithmetic3A_611 : i32 to index
        %get3A_617 = arith.index_cast %mul3A_615 : i32 to index
        %get3A_618 = tpu.vector_load %arg6[%get3A_616, %get3A_617] {strides = array<i32>} : memref<8x128xi32, #tpu.memory_space<vmem>>, vector<16xi32>,
        %ge3A_619 = arith.constant 0 : i32
        %ge3A_620 = vector.broadcast %ge3A_619 : i32 to vector<16xi32>
        %ge3A_621 = arith.cmpi sge, %get3A_618, %ge3A_620 : vector<16xi32>
        %min3A_622 = arith.constant 99999 : i32
        %min3A_623 = vector.broadcast %min3A_622 : i32 to vector<16xi32>
        %min3A_624 = arith.minsi %get3A_618, %min3A_623 : vector<16xi32>
        %jit3A_625 = arith.constant 100000 : i32
        %broadcast_in_dim3A_626 = vector.broadcast %jit3A_625 : i32 to vector<16xi32>
        %select_n3A_627 = arith.select %ge3A_621, %min3A_624, %broadcast_in_dim3A_626 : vector<16xi1>, vector<16xi32>
        %mul3A_628 = arith.constant 16 : i32
        %mul3A_629 = arith.muli %add3A_609, %mul3A_628 : i32
        %swap3A_630 = arith.index_cast %mul3A_629 : i32 to index
        %swap3A_631 = tpu.vector_load %arg7[%swap3A_630] {strides = array<i32>} : memref<1024xi32, #tpu.memory_space<vmem>>, vector<16xi32>,
        tpu.vector_store %arg7[%swap3A_630], %select_n3A_627 {strides = array<i32>} : memref<1024xi32, #tpu.memory_space<vmem>>, vector<16xi32>,
        %convert_element_type3A_632 = arith.extui %ge3A_621 : vector<16xi1> to vector<16xi32>
        %convert_element_type3A_633 = arith.sitofp %convert_element_type3A_632 : vector<16xi32> to vector<16xf32>
        %mul3A_634 = arith.constant 16 : i32
        %mul3A_635 = arith.muli %add3A_609, %mul3A_634 : i32
        %swap3A_636 = arith.constant 0 : i32
        %swap3A_637 = arith.index_cast %swap3A_636 : i32 to index
        %swap3A_638 = arith.index_cast %mul3A_635 : i32 to index
        %swap3A_639 = tpu.vector_load %arg9[%swap3A_637, %swap3A_638] {strides = array<i32>} : memref<2x2048xf32, #tpu.memory_space<vmem>>, vector<16xf32>,
        tpu.vector_store %arg9[%swap3A_637, %swap3A_638], %convert_element_type3A_633 {strides = array<i32>} : memref<2x2048xf32, #tpu.memory_space<vmem>>, vector<16xf32>,
        %mul3A_640 = arith.constant 8 : i32
        %mul3A_641 = arith.muli %scan3A_541, %mul3A_640 : i32
        %add3A_642 = arith.constant 3 : i32
        %add3A_643 = arith.addi %mul3A_641, %add3A_642 : i32
        %shift_right_arithmetic3A_644 = arith.constant 3 : i32
        %shift_right_arithmetic3A_645 = arith.shrsi %add3A_643, %shift_right_arithmetic3A_644 : i32
        %and3A_646 = arith.constant 7 : i32
        %and3A_647 = arith.andi %add3A_643, %and3A_646 : i32
        %mul3A_648 = arith.constant 16 : i32
        %mul3A_649 = arith.muli %and3A_647, %mul3A_648 : i32
        %get3A_650 = arith.index_cast %shift_right_arithmetic3A_645 : i32 to index
        %get3A_651 = arith.index_cast %mul3A_649 : i32 to index
        %get3A_652 = tpu.vector_load %arg6[%get3A_650, %get3A_651] {strides = array<i32>} : memref<8x128xi32, #tpu.memory_space<vmem>>, vector<16xi32>,
        %ge3A_653 = arith.constant 0 : i32
        %ge3A_654 = vector.broadcast %ge3A_653 : i32 to vector<16xi32>
        %ge3A_655 = arith.cmpi sge, %get3A_652, %ge3A_654 : vector<16xi32>
        %min3A_656 = arith.constant 99999 : i32
        %min3A_657 = vector.broadcast %min3A_656 : i32 to vector<16xi32>
        %min3A_658 = arith.minsi %get3A_652, %min3A_657 : vector<16xi32>
        %jit3A_659 = arith.constant 100000 : i32
        %broadcast_in_dim3A_660 = vector.broadcast %jit3A_659 : i32 to vector<16xi32>
        %select_n3A_661 = arith.select %ge3A_655, %min3A_658, %broadcast_in_dim3A_660 : vector<16xi1>, vector<16xi32>
        %mul3A_662 = arith.constant 16 : i32
        %mul3A_663 = arith.muli %add3A_643, %mul3A_662 : i32
        %swap3A_664 = arith.index_cast %mul3A_663 : i32 to index
        %swap3A_665 = tpu.vector_load %arg7[%swap3A_664] {strides = array<i32>} : memref<1024xi32, #tpu.memory_space<vmem>>, vector<16xi32>,
        tpu.vector_store %arg7[%swap3A_664], %select_n3A_661 {strides = array<i32>} : memref<1024xi32, #tpu.memory_space<vmem>>, vector<16xi32>,
        %convert_element_type3A_666 = arith.extui %ge3A_655 : vector<16xi1> to vector<16xi32>
        %convert_element_type3A_667 = arith.sitofp %convert_element_type3A_666 : vector<16xi32> to vector<16xf32>
        %mul3A_668 = arith.constant 16 : i32
        %mul3A_669 = arith.muli %add3A_643, %mul3A_668 : i32
        %swap3A_670 = arith.constant 0 : i32
        %swap3A_671 = arith.index_cast %swap3A_670 : i32 to index
        %swap3A_672 = arith.index_cast %mul3A_669 : i32 to index
        %swap3A_673 = tpu.vector_load %arg9[%swap3A_671, %swap3A_672] {strides = array<i32>} : memref<2x2048xf32, #tpu.memory_space<vmem>>, vector<16xf32>,
        tpu.vector_store %arg9[%swap3A_671, %swap3A_672], %convert_element_type3A_667 {strides = array<i32>} : memref<2x2048xf32, #tpu.memory_space<vmem>>, vector<16xf32>,
        %mul3A_674 = arith.constant 8 : i32
        %mul3A_675 = arith.muli %scan3A_541, %mul3A_674 : i32
        %add3A_676 = arith.constant 4 : i32
        %add3A_677 = arith.addi %mul3A_675, %add3A_676 : i32
        %shift_right_arithmetic3A_678 = arith.constant 3 : i32
        %shift_right_arithmetic3A_679 = arith.shrsi %add3A_677, %shift_right_arithmetic3A_678 : i32
        %and3A_680 = arith.constant 7 : i32
        %and3A_681 = arith.andi %add3A_677, %and3A_680 : i32
        %mul3A_682 = arith.constant 16 : i32
        %mul3A_683 = arith.muli %and3A_681, %mul3A_682 : i32
        %get3A_684 = arith.index_cast %shift_right_arithmetic3A_679 : i32 to index
        %get3A_685 = arith.index_cast %mul3A_683 : i32 to index
        %get3A_686 = tpu.vector_load %arg6[%get3A_684, %get3A_685] {strides = array<i32>} : memref<8x128xi32, #tpu.memory_space<vmem>>, vector<16xi32>,
        %ge3A_687 = arith.constant 0 : i32
        %ge3A_688 = vector.broadcast %ge3A_687 : i32 to vector<16xi32>
        %ge3A_689 = arith.cmpi sge, %get3A_686, %ge3A_688 : vector<16xi32>
        %min3A_690 = arith.constant 99999 : i32
        %min3A_691 = vector.broadcast %min3A_690 : i32 to vector<16xi32>
        %min3A_692 = arith.minsi %get3A_686, %min3A_691 : vector<16xi32>
        %jit3A_693 = arith.constant 100000 : i32
        %broadcast_in_dim3A_694 = vector.broadcast %jit3A_693 : i32 to vector<16xi32>
        %select_n3A_695 = arith.select %ge3A_689, %min3A_692, %broadcast_in_dim3A_694 : vector<16xi1>, vector<16xi32>
        %mul3A_696 = arith.constant 16 : i32
        %mul3A_697 = arith.muli %add3A_677, %mul3A_696 : i32
        %swap3A_698 = arith.index_cast %mul3A_697 : i32 to index
        %swap3A_699 = tpu.vector_load %arg7[%swap3A_698] {strides = array<i32>} : memref<1024xi32, #tpu.memory_space<vmem>>, vector<16xi32>,
        tpu.vector_store %arg7[%swap3A_698], %select_n3A_695 {strides = array<i32>} : memref<1024xi32, #tpu.memory_space<vmem>>, vector<16xi32>,
        %convert_element_type3A_700 = arith.extui %ge3A_689 : vector<16xi1> to vector<16xi32>
        %convert_element_type3A_701 = arith.sitofp %convert_element_type3A_700 : vector<16xi32> to vector<16xf32>
        %mul3A_702 = arith.constant 16 : i32
        %mul3A_703 = arith.muli %add3A_677, %mul3A_702 : i32
        %swap3A_704 = arith.constant 0 : i32
        %swap3A_705 = arith.index_cast %swap3A_704 : i32 to index
        %swap3A_706 = arith.index_cast %mul3A_703 : i32 to index
        %swap3A_707 = tpu.vector_load %arg9[%swap3A_705, %swap3A_706] {strides = array<i32>} : memref<2x2048xf32, #tpu.memory_space<vmem>>, vector<16xf32>,
        tpu.vector_store %arg9[%swap3A_705, %swap3A_706], %convert_element_type3A_701 {strides = array<i32>} : memref<2x2048xf32, #tpu.memory_space<vmem>>, vector<16xf32>,
        %mul3A_708 = arith.constant 8 : i32
        %mul3A_709 = arith.muli %scan3A_541, %mul3A_708 : i32
        %add3A_710 = arith.constant 5 : i32
        %add3A_711 = arith.addi %mul3A_709, %add3A_710 : i32
        %shift_right_arithmetic3A_712 = arith.constant 3 : i32
        %shift_right_arithmetic3A_713 = arith.shrsi %add3A_711, %shift_right_arithmetic3A_712 : i32
        %and3A_714 = arith.constant 7 : i32
        %and3A_715 = arith.andi %add3A_711, %and3A_714 : i32
        %mul3A_716 = arith.constant 16 : i32
        %mul3A_717 = arith.muli %and3A_715, %mul3A_716 : i32
        %get3A_718 = arith.index_cast %shift_right_arithmetic3A_713 : i32 to index
        %get3A_719 = arith.index_cast %mul3A_717 : i32 to index
        %get3A_720 = tpu.vector_load %arg6[%get3A_718, %get3A_719] {strides = array<i32>} : memref<8x128xi32, #tpu.memory_space<vmem>>, vector<16xi32>,
        %ge3A_721 = arith.constant 0 : i32
        %ge3A_722 = vector.broadcast %ge3A_721 : i32 to vector<16xi32>
        %ge3A_723 = arith.cmpi sge, %get3A_720, %ge3A_722 : vector<16xi32>
        %min3A_724 = arith.constant 99999 : i32
        %min3A_725 = vector.broadcast %min3A_724 : i32 to vector<16xi32>
        %min3A_726 = arith.minsi %get3A_720, %min3A_725 : vector<16xi32>
        %jit3A_727 = arith.constant 100000 : i32
        %broadcast_in_dim3A_728 = vector.broadcast %jit3A_727 : i32 to vector<16xi32>
        %select_n3A_729 = arith.select %ge3A_723, %min3A_726, %broadcast_in_dim3A_728 : vector<16xi1>, vector<16xi32>
        %mul3A_730 = arith.constant 16 : i32
        %mul3A_731 = arith.muli %add3A_711, %mul3A_730 : i32
        %swap3A_732 = arith.index_cast %mul3A_731 : i32 to index
        %swap3A_733 = tpu.vector_load %arg7[%swap3A_732] {strides = array<i32>} : memref<1024xi32, #tpu.memory_space<vmem>>, vector<16xi32>,
        tpu.vector_store %arg7[%swap3A_732], %select_n3A_729 {strides = array<i32>} : memref<1024xi32, #tpu.memory_space<vmem>>, vector<16xi32>,
        %convert_element_type3A_734 = arith.extui %ge3A_723 : vector<16xi1> to vector<16xi32>
        %convert_element_type3A_735 = arith.sitofp %convert_element_type3A_734 : vector<16xi32> to vector<16xf32>
        %mul3A_736 = arith.constant 16 : i32
        %mul3A_737 = arith.muli %add3A_711, %mul3A_736 : i32
        %swap3A_738 = arith.constant 0 : i32
        %swap3A_739 = arith.index_cast %swap3A_738 : i32 to index
        %swap3A_740 = arith.index_cast %mul3A_737 : i32 to index
        %swap3A_741 = tpu.vector_load %arg9[%swap3A_739, %swap3A_740] {strides = array<i32>} : memref<2x2048xf32, #tpu.memory_space<vmem>>, vector<16xf32>,
        tpu.vector_store %arg9[%swap3A_739, %swap3A_740], %convert_element_type3A_735 {strides = array<i32>} : memref<2x2048xf32, #tpu.memory_space<vmem>>, vector<16xf32>,
        %mul3A_742 = arith.constant 8 : i32
        %mul3A_743 = arith.muli %scan3A_541, %mul3A_742 : i32
        %add3A_744 = arith.constant 6 : i32
        %add3A_745 = arith.addi %mul3A_743, %add3A_744 : i32
        %shift_right_arithmetic3A_746 = arith.constant 3 : i32
        %shift_right_arithmetic3A_747 = arith.shrsi %add3A_745, %shift_right_arithmetic3A_746 : i32
        %and3A_748 = arith.constant 7 : i32
        %and3A_749 = arith.andi %add3A_745, %and3A_748 : i32
        %mul3A_750 = arith.constant 16 : i32
        %mul3A_751 = arith.muli %and3A_749, %mul3A_750 : i32
        %get3A_752 = arith.index_cast %shift_right_arithmetic3A_747 : i32 to index
        %get3A_753 = arith.index_cast %mul3A_751 : i32 to index
        %get3A_754 = tpu.vector_load %arg6[%get3A_752, %get3A_753] {strides = array<i32>} : memref<8x128xi32, #tpu.memory_space<vmem>>, vector<16xi32>,
        %ge3A_755 = arith.constant 0 : i32
        %ge3A_756 = vector.broadcast %ge3A_755 : i32 to vector<16xi32>
        %ge3A_757 = arith.cmpi sge, %get3A_754, %ge3A_756 : vector<16xi32>
        %min3A_758 = arith.constant 99999 : i32
        %min3A_759 = vector.broadcast %min3A_758 : i32 to vector<16xi32>
        %min3A_760 = arith.minsi %get3A_754, %min3A_759 : vector<16xi32>
        %jit3A_761 = arith.constant 100000 : i32
        %broadcast_in_dim3A_762 = vector.broadcast %jit3A_761 : i32 to vector<16xi32>
        %select_n3A_763 = arith.select %ge3A_757, %min3A_760, %broadcast_in_dim3A_762 : vector<16xi1>, vector<16xi32>
        %mul3A_764 = arith.constant 16 : i32
        %mul3A_765 = arith.muli %add3A_745, %mul3A_764 : i32
        %swap3A_766 = arith.index_cast %mul3A_765 : i32 to index
        %swap3A_767 = tpu.vector_load %arg7[%swap3A_766] {strides = array<i32>} : memref<1024xi32, #tpu.memory_space<vmem>>, vector<16xi32>,
        tpu.vector_store %arg7[%swap3A_766], %select_n3A_763 {strides = array<i32>} : memref<1024xi32, #tpu.memory_space<vmem>>, vector<16xi32>,
        %convert_element_type3A_768 = arith.extui %ge3A_757 : vector<16xi1> to vector<16xi32>
        %convert_element_type3A_769 = arith.sitofp %convert_element_type3A_768 : vector<16xi32> to vector<16xf32>
        %mul3A_770 = arith.constant 16 : i32
        %mul3A_771 = arith.muli %add3A_745, %mul3A_770 : i32
        %swap3A_772 = arith.constant 0 : i32
        %swap3A_773 = arith.index_cast %swap3A_772 : i32 to index
        %swap3A_774 = arith.index_cast %mul3A_771 : i32 to index
        %swap3A_775 = tpu.vector_load %arg9[%swap3A_773, %swap3A_774] {strides = array<i32>} : memref<2x2048xf32, #tpu.memory_space<vmem>>, vector<16xf32>,
        tpu.vector_store %arg9[%swap3A_773, %swap3A_774], %convert_element_type3A_769 {strides = array<i32>} : memref<2x2048xf32, #tpu.memory_space<vmem>>, vector<16xf32>,
        %mul3A_776 = arith.constant 8 : i32
        %mul3A_777 = arith.muli %scan3A_541, %mul3A_776 : i32
        %add3A_778 = arith.constant 7 : i32
        %add3A_779 = arith.addi %mul3A_777, %add3A_778 : i32
        %shift_right_arithmetic3A_780 = arith.constant 3 : i32
        %shift_right_arithmetic3A_781 = arith.shrsi %add3A_779, %shift_right_arithmetic3A_780 : i32
        %and3A_782 = arith.constant 7 : i32
        %and3A_783 = arith.andi %add3A_779, %and3A_782 : i32
        %mul3A_784 = arith.constant 16 : i32
        %mul3A_785 = arith.muli %and3A_783, %mul3A_784 : i32
        %get3A_786 = arith.index_cast %shift_right_arithmetic3A_781 : i32 to index
        %get3A_787 = arith.index_cast %mul3A_785 : i32 to index
        %get3A_788 = tpu.vector_load %arg6[%get3A_786, %get3A_787] {strides = array<i32>} : memref<8x128xi32, #tpu.memory_space<vmem>>, vector<16xi32>,
        %ge3A_789 = arith.constant 0 : i32
        %ge3A_790 = vector.broadcast %ge3A_789 : i32 to vector<16xi32>
        %ge3A_791 = arith.cmpi sge, %get3A_788, %ge3A_790 : vector<16xi32>
        %min3A_792 = arith.constant 99999 : i32
        %min3A_793 = vector.broadcast %min3A_792 : i32 to vector<16xi32>
        %min3A_794 = arith.minsi %get3A_788, %min3A_793 : vector<16xi32>
        %jit3A_795 = arith.constant 100000 : i32
        %broadcast_in_dim3A_796 = vector.broadcast %jit3A_795 : i32 to vector<16xi32>
        %select_n3A_797 = arith.select %ge3A_791, %min3A_794, %broadcast_in_dim3A_796 : vector<16xi1>, vector<16xi32>
        %mul3A_798 = arith.constant 16 : i32
        %mul3A_799 = arith.muli %add3A_779, %mul3A_798 : i32
        %swap3A_800 = arith.index_cast %mul3A_799 : i32 to index
        %swap3A_801 = tpu.vector_load %arg7[%swap3A_800] {strides = array<i32>} : memref<1024xi32, #tpu.memory_space<vmem>>, vector<16xi32>,
        tpu.vector_store %arg7[%swap3A_800], %select_n3A_797 {strides = array<i32>} : memref<1024xi32, #tpu.memory_space<vmem>>, vector<16xi32>,
        %convert_element_type3A_802 = arith.extui %ge3A_791 : vector<16xi1> to vector<16xi32>
        %convert_element_type3A_803 = arith.sitofp %convert_element_type3A_802 : vector<16xi32> to vector<16xf32>
        %mul3A_804 = arith.constant 16 : i32
        %mul3A_805 = arith.muli %add3A_779, %mul3A_804 : i32
        %swap3A_806 = arith.constant 0 : i32
        %swap3A_807 = arith.index_cast %swap3A_806 : i32 to index
        %swap3A_808 = arith.index_cast %mul3A_805 : i32 to index
        %swap3A_809 = tpu.vector_load %arg9[%swap3A_807, %swap3A_808] {strides = array<i32>} : memref<2x2048xf32, #tpu.memory_space<vmem>>, vector<16xf32>,
        tpu.vector_store %arg9[%swap3A_807, %swap3A_808], %convert_element_type3A_803 {strides = array<i32>} : memref<2x2048xf32, #tpu.memory_space<vmem>>, vector<16xf32>,
      }
      %scan3A_517 = arith.constant 8 : i32
      %mul3A_518 = arith.constant 1024 : i32
      %mul3A_519 = arith.muli %while3A_458, %mul3A_518 : i32
      "tpu.region"() ({
        %run_scoped3A = tpu.sem_alloc : memref<!tpu.dma_semaphore, #tpu.memory_space<semaphore_mem>>
        %dma_start3A_541 = tpu.memref_slice %arg10[%mul3A_519] : memref<262144xi32, #tpu.memory_space<vmem_shared>> -> memref<1024xi32, #tpu.memory_space<vmem_shared>>
        %dma_start3A_542 = tpu.memref_slice %arg10[%mul3A_519] : memref<262144xi32, #tpu.memory_space<vmem_shared>> -> memref<1024xi32, #tpu.memory_space<vmem_shared>>
        tpu.enqueue_dma source(%arg7 : memref<1024xi32, #tpu.memory_space<vmem>>) target(%dma_start3A_542 : memref<1024xi32, #tpu.memory_space<vmem_shared>>) target_semaphore(%run_scoped3A : memref<!tpu.dma_semaphore, #tpu.memory_space<semaphore_mem>>)
        %dma_wait3A_543 = tpu.memref_slice %arg10[%mul3A_519] : memref<262144xi32, #tpu.memory_space<vmem_shared>> -> memref<1024xi32, #tpu.memory_space<vmem_shared>>
        %dma_wait3A_544 = tpu.memref_slice %arg10[%mul3A_519] : memref<262144xi32, #tpu.memory_space<vmem_shared>> -> memref<1024xi32, #tpu.memory_space<vmem_shared>>
        tpu.wait_dma2 semaphore(%run_scoped3A : memref<!tpu.dma_semaphore, #tpu.memory_space<semaphore_mem>>) src(%arg7 : memref<1024xi32, #tpu.memory_space<vmem>>) dst(%dma_wait3A_544 : memref<1024xi32, #tpu.memory_space<vmem_shared>>)
        tpu.yield
      }) : () -> ()
      %mul3A_520 = arith.constant 1024 : i32
      %mul3A_521 = arith.muli %while3A_458, %mul3A_520 : i32
      %dma_start3A_522 = arith.constant 0 : i32
      %dma_start3A_523 = arith.constant 0 : i32
      %dma_start3A_524 = tpu.memref_slice %arg9[%dma_start3A_522, %dma_start3A_523] : memref<2x2048xf32, #tpu.memory_space<vmem>> -> memref<1x1024xf32, #tpu.memory_space<vmem>>
      %dma_start3A_525 = tpu.memref_squeeze %dma_start3A_524 : memref<1x1024xf32, #tpu.memory_space<vmem>> -> memref<1024xf32, #tpu.memory_space<vmem>>
      %dma_start3A_526 = tpu.memref_slice %arg4[%add3A_16, %mul3A_521] : memref<132x262144xf32, #tpu.memory_space<hbm>> -> memref<1x1024xf32, #tpu.memory_space<hbm>>
      %dma_start3A_527 = tpu.memref_squeeze %dma_start3A_526 : memref<1x1024xf32, #tpu.memory_space<hbm>> -> memref<1024xf32, #tpu.memory_space<hbm>>
      %dma_start3A_528 = tpu.memref_slice %arg4[%add3A_16, %mul3A_521] : memref<132x262144xf32, #tpu.memory_space<hbm>> -> memref<1x1024xf32, #tpu.memory_space<hbm>>
      %dma_start3A_529 = tpu.memref_squeeze %dma_start3A_528 : memref<1x1024xf32, #tpu.memory_space<hbm>> -> memref<1024xf32, #tpu.memory_space<hbm>>
      %dma_start3A_530 = arith.constant 0 : i32
      %dma_start3A_531 = tpu.memref_slice %arg9[%dma_start3A_522, %dma_start3A_530] : memref<2x2048xf32, #tpu.memory_space<vmem>> -> memref<1x1024xf32, #tpu.memory_space<vmem>>
      %dma_start3A_532 = tpu.memref_squeeze %dma_start3A_531 : memref<1x1024xf32, #tpu.memory_space<vmem>> -> memref<1024xf32, #tpu.memory_space<vmem>>
      tpu.enqueue_dma source(%dma_start3A_532 : memref<1024xf32, #tpu.memory_space<vmem>>) target(%dma_start3A_529 : memref<1024xf32, #tpu.memory_space<hbm>>) target_semaphore(%arg15 : memref<!tpu.dma_semaphore, #tpu.memory_space<semaphore_mem>>)
      %add3A_533 = arith.constant 1 : i32
      %add3A_534 = arith.addi %while3A_458, %add3A_533 : i32
      %add3A_535 = arith.constant 16 : i32
      %add3A_536 = arith.addi %mul3A_12, %add3A_535 : i32
      %lt3A_537 = arith.cmpi slt, %add3A_534, %add3A_536 : i32
      %convert_element_type3A_538 = arith.extui %lt3A_537 : i1 to i32
      %cond3A_539 = arith.constant 0 : i32
      %cond3A_540 = arith.cmpi ne, %convert_element_type3A_538, %cond3A_539 : i32
      scf.if %cond3A_540 {
        %add3A_541 = arith.constant 1 : i32
        %add3A_542 = arith.addi %while3A_458, %add3A_541 : i32
        %mul3A_543 = arith.constant 512 : i32
        %mul3A_544 = arith.muli %mul3A_9, %mul3A_543 : i32
        %jit3A_545 = arith.constant 4 : i32
        %div3A_546 = arith.divsi %add3A_542, %jit3A_545 : i32
        %sign3A_547 = arith.constant 0 : i32
        %sign3A_548 = arith.cmpi sgt, %add3A_542, %sign3A_547 : i32
        %sign3A_549 = arith.extui %sign3A_548 : i1 to i32
        %sign3A_550 = arith.constant 0 : i32
        %sign3A_551 = arith.cmpi slt, %add3A_542, %sign3A_550 : i32
        %sign3A_552 = arith.extui %sign3A_551 : i1 to i32
        %sign3A_553 = arith.subi %sign3A_549, %sign3A_552 : i32
        %sign3A_554 = arith.constant 0 : i32
        %sign3A_555 = arith.cmpi sgt, %jit3A_545, %sign3A_554 : i32
        %sign3A_556 = arith.extui %sign3A_555 : i1 to i32
        %sign3A_557 = arith.constant 0 : i32
        %sign3A_558 = arith.cmpi slt, %jit3A_545, %sign3A_557 : i32
        %sign3A_559 = arith.extui %sign3A_558 : i1 to i32
        %sign3A_560 = arith.subi %sign3A_556, %sign3A_559 : i32
        %ne3A_561 = arith.cmpi ne, %sign3A_553, %sign3A_560 : i32
        %rem3A_562 = arith.remsi %add3A_542, %jit3A_545 : i32
        %ne3A_563 = arith.constant 0 : i32
        %ne3A_564 = arith.cmpi ne, %rem3A_562, %ne3A_563 : i32
        %and3A_565 = arith.andi %ne3A_561, %ne3A_564 : i1
        %sub3A_566 = arith.constant 1 : i32
        %sub3A_567 = arith.subi %div3A_546, %sub3A_566 : i32
        %select_n3A_568 = arith.select %and3A_565, %sub3A_567, %div3A_546 : i32
        %mul3A_569 = arith.constant 8 : i32
        %mul3A_570 = arith.muli %select_n3A_568, %mul3A_569 : i32
        %add3A_571 = arith.addi %mul3A_544, %mul3A_570 : i32
        %jit3A_572 = arith.constant 4 : i32
        %eq3A_573 = arith.constant 0 : i32
        %eq3A_574 = arith.cmpi eq, %jit3A_572, %eq3A_573 : i32
        %jit3A_575 = arith.constant 1 : i32
        %select_n3A_576 = arith.select %eq3A_574, %jit3A_575, %jit3A_572 : i32
        %rem3A_577 = arith.remsi %add3A_542, %select_n3A_576 : i32
        %ne3A_578 = arith.constant 0 : i32
        %ne3A_579 = arith.cmpi ne, %rem3A_577, %ne3A_578 : i32
        %lt3A_580 = arith.constant 0 : i32
        %lt3A_581 = arith.cmpi slt, %rem3A_577, %lt3A_580 : i32
        %lt3A_582 = arith.constant 0 : i32
        %lt3A_583 = arith.cmpi slt, %select_n3A_576, %lt3A_582 : i32
        %ne3A_584 = arith.xori %lt3A_581, %lt3A_583 : i1
        %and3A_585 = arith.andi %ne3A_584, %ne3A_579 : i1
        %add3A_586 = arith.addi %rem3A_577, %select_n3A_576 : i32
        %select_n3A_587 = arith.select %and3A_585, %add3A_586, %rem3A_577 : i32
        %dma_start3A_588 = arith.constant 0 : i32
        %dma_start3A_589 = arith.constant 0 : i32
        %dma_start3A_590 = tpu.memref_slice %arg2[%add3A_571, %select_n3A_587, %dma_start3A_588, %dma_start3A_589] : memref<2048x4x8x128xi32, #tpu.memory_space<hbm>> -> memref<8x1x1x128xi32, #tpu.memory_space<hbm>>
        %dma_start3A_591 = tpu.memref_squeeze %dma_start3A_590 : memref<8x1x1x128xi32, #tpu.memory_space<hbm>> -> memref<8x128xi32, #tpu.memory_space<hbm>>
        %dma_start3A_592 = arith.constant 0 : i32
        %dma_start3A_593 = tpu.memref_slice %arg2[%add3A_571, %select_n3A_587, %dma_start3A_588, %dma_start3A_592] : memref<2048x4x8x128xi32, #tpu.memory_space<hbm>> -> memref<8x1x1x128xi32, #tpu.memory_space<hbm>>
        %dma_start3A_594 = tpu.memref_squeeze %dma_start3A_593 : memref<8x1x1x128xi32, #tpu.memory_space<hbm>> -> memref<8x128xi32, #tpu.memory_space<hbm>>
        tpu.enqueue_dma source(%dma_start3A_594 : memref<8x128xi32, #tpu.memory_space<hbm>>) target(%arg6 : memref<8x128xi32, #tpu.memory_space<vmem>>) target_semaphore(%arg12 : memref<!tpu.dma_semaphore, #tpu.memory_space<semaphore_mem>>)
      } else {
      }
    }
    %dma_wait3A = arith.constant 0 : i32
    %dma_wait3A_69 = arith.constant 0 : i32
    %dma_wait3A_70 = tpu.memref_slice %arg9[%dma_wait3A, %dma_wait3A_69] : memref<2x2048xf32, #tpu.memory_space<vmem>> -> memref<1x1024xf32, #tpu.memory_space<vmem>>
    %dma_wait3A_71 = tpu.memref_squeeze %dma_wait3A_70 : memref<1x1024xf32, #tpu.memory_space<vmem>> -> memref<1024xf32, #tpu.memory_space<vmem>>
    %dma_wait3A_72 = arith.constant 0 : i32
    %dma_wait3A_73 = tpu.memref_slice %arg4[%add3A_16, %dma_wait3A_72] : memref<132x262144xf32, #tpu.memory_space<hbm>> -> memref<1x1024xf32, #tpu.memory_space<hbm>>
    %dma_wait3A_74 = tpu.memref_squeeze %dma_wait3A_73 : memref<1x1024xf32, #tpu.memory_space<hbm>> -> memref<1024xf32, #tpu.memory_space<hbm>>
    %dma_wait3A_75 = arith.constant 0 : i32
    %dma_wait3A_76 = tpu.memref_slice %arg4[%add3A_16, %dma_wait3A_75] : memref<132x262144xf32, #tpu.memory_space<hbm>> -> memref<1x1024xf32, #tpu.memory_space<hbm>>
    %dma_wait3A_77 = tpu.memref_squeeze %dma_wait3A_76 : memref<1x1024xf32, #tpu.memory_space<hbm>> -> memref<1024xf32, #tpu.memory_space<hbm>>
    %dma_wait3A_78 = arith.constant 0 : i32
    %dma_wait3A_79 = tpu.memref_slice %arg9[%dma_wait3A, %dma_wait3A_78] : memref<2x2048xf32, #tpu.memory_space<vmem>> -> memref<1x1024xf32, #tpu.memory_space<vmem>>
    %dma_wait3A_80 = tpu.memref_squeeze %dma_wait3A_79 : memref<1x1024xf32, #tpu.memory_space<vmem>> -> memref<1024xf32, #tpu.memory_space<vmem>>
    tpu.wait_dma2 semaphore(%arg15 : memref<!tpu.dma_semaphore, #tpu.memory_space<semaphore_mem>>) src(%dma_wait3A_80 : memref<1024xf32, #tpu.memory_space<vmem>>) dst(%dma_wait3A_77 : memref<1024xf32, #tpu.memory_space<hbm>>)
    %barrier3A = arith.constant 0 : index
    tpu.barrier barrier_id(%barrier3A)
    %dma_wait3A_81 = arith.constant 0 : i32
    %dma_wait3A_82 = tpu.memref_slice %arg5[%dma_wait3A_81] : memref<100016xf32, #tpu.memory_space<vmem>> -> memref<100000xf32, #tpu.memory_space<vmem>>
    %dma_wait3A_83 = arith.constant 0 : i32
    %dma_wait3A_84 = tpu.memref_slice %arg3[%arg1, %dma_wait3A_83] : memref<32x100000xf32, #tpu.memory_space<hbm>> -> memref<1x100000xf32, #tpu.memory_space<hbm>>
    %dma_wait3A_85 = tpu.memref_squeeze %dma_wait3A_84 : memref<1x100000xf32, #tpu.memory_space<hbm>> -> memref<100000xf32, #tpu.memory_space<hbm>>
    %dma_wait3A_86 = arith.constant 0 : i32
    %dma_wait3A_87 = tpu.memref_slice %arg5[%dma_wait3A_86] : memref<100016xf32, #tpu.memory_space<vmem>> -> memref<100000xf32, #tpu.memory_space<vmem>>
    %dma_wait3A_88 = arith.constant 0 : i32
    %dma_wait3A_89 = tpu.memref_slice %arg3[%arg1, %dma_wait3A_88] : memref<32x100000xf32, #tpu.memory_space<hbm>> -> memref<1x100000xf32, #tpu.memory_space<hbm>>
    %dma_wait3A_90 = tpu.memref_squeeze %dma_wait3A_89 : memref<1x100000xf32, #tpu.memory_space<hbm>> -> memref<100000xf32, #tpu.memory_space<hbm>>
    tpu.wait_dma2 semaphore(%arg11 : memref<!tpu.dma_semaphore, #tpu.memory_space<semaphore_mem>>) src(%dma_wait3A_90 : memref<100000xf32, #tpu.memory_space<hbm>>) dst(%dma_wait3A_87 : memref<100000xf32, #tpu.memory_space<vmem>>)
    %broadcast_in_dim3A = arith.constant 0.000000e+00 : f32
    %broadcast_in_dim3A_91 = vector.broadcast %broadcast_in_dim3A : f32 to vector<16xf32>
    %swap3A = arith.constant 100000 : index
    %swap3A_92 = tpu.vector_load %arg5[%swap3A] {strides = array<i32>} : memref<100016xf32, #tpu.memory_space<vmem>>, vector<16xf32>,
    tpu.vector_store %arg5[%swap3A], %broadcast_in_dim3A_91 {strides = array<i32>} : memref<100016xf32, #tpu.memory_space<vmem>>, vector<16xf32>,
    %mul3A_93 = arith.constant 33 : i32
    %mul3A_94 = arith.muli %mul3A_9, %mul3A_93 : i32
    %add3A_95 = arith.addi %mul3A_94, %arg1 : i32
    %dma_start3A_96 = arith.constant 0 : i32
    %dma_start3A_97 = arith.constant 0 : i32
    %dma_start3A_98 = tpu.memref_slice %arg8[%dma_start3A_96, %dma_start3A_97] : memref<2x2048xi32, #tpu.memory_space<vmem>> -> memref<1x2048xi32, #tpu.memory_space<vmem>>
    %dma_start3A_99 = tpu.memref_squeeze %dma_start3A_98 : memref<1x2048xi32, #tpu.memory_space<vmem>> -> memref<2048xi32, #tpu.memory_space<vmem>>
    %dma_start3A_100 = arith.constant 0 : i32
    %dma_start3A_101 = tpu.memref_slice %arg10[%dma_start3A_100] : memref<262144xi32, #tpu.memory_space<vmem_shared>> -> memref<2048xi32, #tpu.memory_space<vmem_shared>>
    %dma_start3A_102 = arith.constant 0 : i32
    %dma_start3A_103 = tpu.memref_slice %arg8[%dma_start3A_96, %dma_start3A_102] : memref<2x2048xi32, #tpu.memory_space<vmem>> -> memref<1x2048xi32, #tpu.memory_space<vmem>>
    %dma_start3A_104 = tpu.memref_squeeze %dma_start3A_103 : memref<1x2048xi32, #tpu.memory_space<vmem>> -> memref<2048xi32, #tpu.memory_space<vmem>>
    %dma_start3A_105 = arith.constant 0 : i32
    %dma_start3A_106 = tpu.memref_slice %arg10[%dma_start3A_105] : memref<262144xi32, #tpu.memory_space<vmem_shared>> -> memref<2048xi32, #tpu.memory_space<vmem_shared>>
    tpu.enqueue_dma source(%dma_start3A_106 : memref<2048xi32, #tpu.memory_space<vmem_shared>>) target(%dma_start3A_104 : memref<2048xi32, #tpu.memory_space<vmem>>) target_semaphore(%arg13 : memref<!tpu.dma_semaphore, #tpu.memory_space<semaphore_mem>>)
    %dma_start3A_107 = arith.constant 1 : i32
    %dma_start3A_108 = arith.constant 0 : i32
    %dma_start3A_109 = tpu.memref_slice %arg8[%dma_start3A_107, %dma_start3A_108] : memref<2x2048xi32, #tpu.memory_space<vmem>> -> memref<1x2048xi32, #tpu.memory_space<vmem>>
    %dma_start3A_110 = tpu.memref_squeeze %dma_start3A_109 : memref<1x2048xi32, #tpu.memory_space<vmem>> -> memref<2048xi32, #tpu.memory_space<vmem>>
    %dma_start3A_111 = arith.constant 2048 : i32
    %dma_start3A_112 = tpu.memref_slice %arg10[%dma_start3A_111] : memref<262144xi32, #tpu.memory_space<vmem_shared>> -> memref<2048xi32, #tpu.memory_space<vmem_shared>>
    %dma_start3A_113 = arith.constant 0 : i32
    %dma_start3A_114 = tpu.memref_slice %arg8[%dma_start3A_107, %dma_start3A_113] : memref<2x2048xi32, #tpu.memory_space<vmem>> -> memref<1x2048xi32, #tpu.memory_space<vmem>>
    %dma_start3A_115 = tpu.memref_squeeze %dma_start3A_114 : memref<1x2048xi32, #tpu.memory_space<vmem>> -> memref<2048xi32, #tpu.memory_space<vmem>>
    %dma_start3A_116 = arith.constant 2048 : i32
    %dma_start3A_117 = tpu.memref_slice %arg10[%dma_start3A_116] : memref<262144xi32, #tpu.memory_space<vmem_shared>> -> memref<2048xi32, #tpu.memory_space<vmem_shared>>
    tpu.enqueue_dma source(%dma_start3A_117 : memref<2048xi32, #tpu.memory_space<vmem_shared>>) target(%dma_start3A_115 : memref<2048xi32, #tpu.memory_space<vmem>>) target_semaphore(%arg14 : memref<!tpu.dma_semaphore, #tpu.memory_space<semaphore_mem>>)
    %scan3A = arith.constant 0 : i32
    %scan3A_118 = arith.constant 0 : i32
    %scan3A_119 = arith.constant 64 : i32
    %scan3A_120 = arith.addi %scan3A_118, %scan3A_119 : i32
    %scan3A_121 = arith.constant 1 : i32
    scf.for %scan3A_458 = %scan3A_118 to %scan3A_120 step %scan3A_121  : i32 {
      %mul3A_459 = arith.constant 2 : i32
      %mul3A_460 = arith.muli %scan3A_458, %mul3A_459 : i32
      %add3A_461 = arith.constant 0 : i32
      %add3A_462 = arith.addi %mul3A_460, %add3A_461 : i32
      %mul3A_463 = arith.constant 2048 : i32
      %mul3A_464 = arith.muli %add3A_462, %mul3A_463 : i32
      %dma_wait3A_465 = arith.constant 0 : i32
      %dma_wait3A_466 = arith.constant 0 : i32
      %dma_wait3A_467 = tpu.memref_slice %arg8[%dma_wait3A_465, %dma_wait3A_466] : memref<2x2048xi32, #tpu.memory_space<vmem>> -> memref<1x2048xi32, #tpu.memory_space<vmem>>
      %dma_wait3A_468 = tpu.memref_squeeze %dma_wait3A_467 : memref<1x2048xi32, #tpu.memory_space<vmem>> -> memref<2048xi32, #tpu.memory_space<vmem>>
      %dma_wait3A_469 = tpu.memref_slice %arg10[%mul3A_464] : memref<262144xi32, #tpu.memory_space<vmem_shared>> -> memref<2048xi32, #tpu.memory_space<vmem_shared>>
      %dma_wait3A_470 = arith.constant 0 : i32
      %dma_wait3A_471 = tpu.memref_slice %arg8[%dma_wait3A_465, %dma_wait3A_470] : memref<2x2048xi32, #tpu.memory_space<vmem>> -> memref<1x2048xi32, #tpu.memory_space<vmem>>
      %dma_wait3A_472 = tpu.memref_squeeze %dma_wait3A_471 : memref<1x2048xi32, #tpu.memory_space<vmem>> -> memref<2048xi32, #tpu.memory_space<vmem>>
      %dma_wait3A_473 = tpu.memref_slice %arg10[%mul3A_464] : memref<262144xi32, #tpu.memory_space<vmem_shared>> -> memref<2048xi32, #tpu.memory_space<vmem_shared>>
      tpu.wait_dma2 semaphore(%arg13 : memref<!tpu.dma_semaphore, #tpu.memory_space<semaphore_mem>>) src(%dma_wait3A_473 : memref<2048xi32, #tpu.memory_space<vmem_shared>>) dst(%dma_wait3A_472 : memref<2048xi32, #tpu.memory_space<vmem>>)
      %gt3A = arith.constant 0 : i32
      %gt3A_474 = arith.cmpi sgt, %scan3A_458, %gt3A : i32
      %convert_element_type3A = arith.extui %gt3A_474 : i1 to i32
      %cond3A = arith.constant 0 : i32
      %cond3A_475 = arith.cmpi ne, %convert_element_type3A, %cond3A : i32
      scf.if %cond3A_475 {
        %dma_wait3A_548 = arith.constant 0 : i32
        %dma_wait3A_549 = arith.constant 0 : i32
        %dma_wait3A_550 = tpu.memref_slice %arg9[%dma_wait3A_548, %dma_wait3A_549] : memref<2x2048xf32, #tpu.memory_space<vmem>> -> memref<1x2048xf32, #tpu.memory_space<vmem>>
        %dma_wait3A_551 = tpu.memref_squeeze %dma_wait3A_550 : memref<1x2048xf32, #tpu.memory_space<vmem>> -> memref<2048xf32, #tpu.memory_space<vmem>>
        %dma_wait3A_552 = arith.constant 0 : i32
        %dma_wait3A_553 = tpu.memref_slice %arg4[%add3A_95, %dma_wait3A_552] : memref<132x262144xf32, #tpu.memory_space<hbm>> -> memref<1x2048xf32, #tpu.memory_space<hbm>>
        %dma_wait3A_554 = tpu.memref_squeeze %dma_wait3A_553 : memref<1x2048xf32, #tpu.memory_space<hbm>> -> memref<2048xf32, #tpu.memory_space<hbm>>
        %dma_wait3A_555 = arith.constant 0 : i32
        %dma_wait3A_556 = tpu.memref_slice %arg4[%add3A_95, %dma_wait3A_555] : memref<132x262144xf32, #tpu.memory_space<hbm>> -> memref<1x2048xf32, #tpu.memory_space<hbm>>
        %dma_wait3A_557 = tpu.memref_squeeze %dma_wait3A_556 : memref<1x2048xf32, #tpu.memory_space<hbm>> -> memref<2048xf32, #tpu.memory_space<hbm>>
        %dma_wait3A_558 = arith.constant 0 : i32
        %dma_wait3A_559 = tpu.memref_slice %arg9[%dma_wait3A_548, %dma_wait3A_558] : memref<2x2048xf32, #tpu.memory_space<vmem>> -> memref<1x2048xf32, #tpu.memory_space<vmem>>
        %dma_wait3A_560 = tpu.memref_squeeze %dma_wait3A_559 : memref<1x2048xf32, #tpu.memory_space<vmem>> -> memref<2048xf32, #tpu.memory_space<vmem>>
        tpu.wait_dma2 semaphore(%arg15 : memref<!tpu.dma_semaphore, #tpu.memory_space<semaphore_mem>>) src(%dma_wait3A_560 : memref<2048xf32, #tpu.memory_space<vmem>>) dst(%dma_wait3A_557 : memref<2048xf32, #tpu.memory_space<hbm>>)
      } else {
      }
      %scan3A_476 = arith.constant 0 : i32
      %scan3A_477 = arith.constant 0 : i32
      %scan3A_478 = arith.constant 16 : i32
      %scan3A_479 = arith.addi %scan3A_477, %scan3A_478 : i32
      %scan3A_480 = arith.constant 1 : i32
      scf.for %scan3A_548 = %scan3A_477 to %scan3A_479 step %scan3A_480  : i32 {
        %mul3A_549 = arith.constant 8 : i32
        %mul3A_550 = arith.muli %scan3A_548, %mul3A_549 : i32
        %add3A_551 = arith.constant 0 : i32
        %add3A_552 = arith.addi %mul3A_550, %add3A_551 : i32
        %mul3A_553 = arith.constant 16 : i32
        %mul3A_554 = arith.muli %add3A_552, %mul3A_553 : i32
        %get3A = arith.constant 0 : i32
        %get3A_555 = arith.index_cast %get3A : i32 to index
        %get3A_556 = arith.index_cast %mul3A_554 : i32 to index
        %get3A_557 = tpu.vector_load %arg8[%get3A_555, %get3A_556] {strides = array<i32>} : memref<2x2048xi32, #tpu.memory_space<vmem>>, vector<16xi32>,
        %gather3A = tpu.vector_load_idx %arg5[%get3A_557] : memref<100016xf32, #tpu.memory_space<vmem>>[vector<16xi32>], vector<16xf32>,
        %mul3A_558 = arith.constant 16 : i32
        %mul3A_559 = arith.muli %add3A_552, %mul3A_558 : i32
        %swap3A_560 = arith.constant 0 : i32
        %swap3A_561 = arith.index_cast %swap3A_560 : i32 to index
        %swap3A_562 = arith.index_cast %mul3A_559 : i32 to index
        %swap3A_563 = tpu.vector_load %arg9[%swap3A_561, %swap3A_562] {strides = array<i32>} : memref<2x2048xf32, #tpu.memory_space<vmem>>, vector<16xf32>,
        tpu.vector_store %arg9[%swap3A_561, %swap3A_562], %gather3A {strides = array<i32>} : memref<2x2048xf32, #tpu.memory_space<vmem>>, vector<16xf32>,
        %mul3A_564 = arith.constant 8 : i32
        %mul3A_565 = arith.muli %scan3A_548, %mul3A_564 : i32
        %add3A_566 = arith.constant 1 : i32
        %add3A_567 = arith.addi %mul3A_565, %add3A_566 : i32
        %mul3A_568 = arith.constant 16 : i32
        %mul3A_569 = arith.muli %add3A_567, %mul3A_568 : i32
        %get3A_570 = arith.constant 0 : i32
        %get3A_571 = arith.index_cast %get3A_570 : i32 to index
        %get3A_572 = arith.index_cast %mul3A_569 : i32 to index
        %get3A_573 = tpu.vector_load %arg8[%get3A_571, %get3A_572] {strides = array<i32>} : memref<2x2048xi32, #tpu.memory_space<vmem>>, vector<16xi32>,
        %gather3A_574 = tpu.vector_load_idx %arg5[%get3A_573] : memref<100016xf32, #tpu.memory_space<vmem>>[vector<16xi32>], vector<16xf32>,
        %mul3A_575 = arith.constant 16 : i32
        %mul3A_576 = arith.muli %add3A_567, %mul3A_575 : i32
        %swap3A_577 = arith.constant 0 : i32
        %swap3A_578 = arith.index_cast %swap3A_577 : i32 to index
        %swap3A_579 = arith.index_cast %mul3A_576 : i32 to index
        %swap3A_580 = tpu.vector_load %arg9[%swap3A_578, %swap3A_579] {strides = array<i32>} : memref<2x2048xf32, #tpu.memory_space<vmem>>, vector<16xf32>,
        tpu.vector_store %arg9[%swap3A_578, %swap3A_579], %gather3A_574 {strides = array<i32>} : memref<2x2048xf32, #tpu.memory_space<vmem>>, vector<16xf32>,
        %mul3A_581 = arith.constant 8 : i32
        %mul3A_582 = arith.muli %scan3A_548, %mul3A_581 : i32
        %add3A_583 = arith.constant 2 : i32
        %add3A_584 = arith.addi %mul3A_582, %add3A_583 : i32
        %mul3A_585 = arith.constant 16 : i32
        %mul3A_586 = arith.muli %add3A_584, %mul3A_585 : i32
        %get3A_587 = arith.constant 0 : i32
        %get3A_588 = arith.index_cast %get3A_587 : i32 to index
        %get3A_589 = arith.index_cast %mul3A_586 : i32 to index
        %get3A_590 = tpu.vector_load %arg8[%get3A_588, %get3A_589] {strides = array<i32>} : memref<2x2048xi32, #tpu.memory_space<vmem>>, vector<16xi32>,
        %gather3A_591 = tpu.vector_load_idx %arg5[%get3A_590] : memref<100016xf32, #tpu.memory_space<vmem>>[vector<16xi32>], vector<16xf32>,
        %mul3A_592 = arith.constant 16 : i32
        %mul3A_593 = arith.muli %add3A_584, %mul3A_592 : i32
        %swap3A_594 = arith.constant 0 : i32
        %swap3A_595 = arith.index_cast %swap3A_594 : i32 to index
        %swap3A_596 = arith.index_cast %mul3A_593 : i32 to index
        %swap3A_597 = tpu.vector_load %arg9[%swap3A_595, %swap3A_596] {strides = array<i32>} : memref<2x2048xf32, #tpu.memory_space<vmem>>, vector<16xf32>,
        tpu.vector_store %arg9[%swap3A_595, %swap3A_596], %gather3A_591 {strides = array<i32>} : memref<2x2048xf32, #tpu.memory_space<vmem>>, vector<16xf32>,
        %mul3A_598 = arith.constant 8 : i32
        %mul3A_599 = arith.muli %scan3A_548, %mul3A_598 : i32
        %add3A_600 = arith.constant 3 : i32
        %add3A_601 = arith.addi %mul3A_599, %add3A_600 : i32
        %mul3A_602 = arith.constant 16 : i32
        %mul3A_603 = arith.muli %add3A_601, %mul3A_602 : i32
        %get3A_604 = arith.constant 0 : i32
        %get3A_605 = arith.index_cast %get3A_604 : i32 to index
        %get3A_606 = arith.index_cast %mul3A_603 : i32 to index
        %get3A_607 = tpu.vector_load %arg8[%get3A_605, %get3A_606] {strides = array<i32>} : memref<2x2048xi32, #tpu.memory_space<vmem>>, vector<16xi32>,
        %gather3A_608 = tpu.vector_load_idx %arg5[%get3A_607] : memref<100016xf32, #tpu.memory_space<vmem>>[vector<16xi32>], vector<16xf32>,
        %mul3A_609 = arith.constant 16 : i32
        %mul3A_610 = arith.muli %add3A_601, %mul3A_609 : i32
        %swap3A_611 = arith.constant 0 : i32
        %swap3A_612 = arith.index_cast %swap3A_611 : i32 to index
        %swap3A_613 = arith.index_cast %mul3A_610 : i32 to index
        %swap3A_614 = tpu.vector_load %arg9[%swap3A_612, %swap3A_613] {strides = array<i32>} : memref<2x2048xf32, #tpu.memory_space<vmem>>, vector<16xf32>,
        tpu.vector_store %arg9[%swap3A_612, %swap3A_613], %gather3A_608 {strides = array<i32>} : memref<2x2048xf32, #tpu.memory_space<vmem>>, vector<16xf32>,
        %mul3A_615 = arith.constant 8 : i32
        %mul3A_616 = arith.muli %scan3A_548, %mul3A_615 : i32
        %add3A_617 = arith.constant 4 : i32
        %add3A_618 = arith.addi %mul3A_616, %add3A_617 : i32
        %mul3A_619 = arith.constant 16 : i32
        %mul3A_620 = arith.muli %add3A_618, %mul3A_619 : i32
        %get3A_621 = arith.constant 0 : i32
        %get3A_622 = arith.index_cast %get3A_621 : i32 to index
        %get3A_623 = arith.index_cast %mul3A_620 : i32 to index
        %get3A_624 = tpu.vector_load %arg8[%get3A_622, %get3A_623] {strides = array<i32>} : memref<2x2048xi32, #tpu.memory_space<vmem>>, vector<16xi32>,
        %gather3A_625 = tpu.vector_load_idx %arg5[%get3A_624] : memref<100016xf32, #tpu.memory_space<vmem>>[vector<16xi32>], vector<16xf32>,
        %mul3A_626 = arith.constant 16 : i32
        %mul3A_627 = arith.muli %add3A_618, %mul3A_626 : i32
        %swap3A_628 = arith.constant 0 : i32
        %swap3A_629 = arith.index_cast %swap3A_628 : i32 to index
        %swap3A_630 = arith.index_cast %mul3A_627 : i32 to index
        %swap3A_631 = tpu.vector_load %arg9[%swap3A_629, %swap3A_630] {strides = array<i32>} : memref<2x2048xf32, #tpu.memory_space<vmem>>, vector<16xf32>,
        tpu.vector_store %arg9[%swap3A_629, %swap3A_630], %gather3A_625 {strides = array<i32>} : memref<2x2048xf32, #tpu.memory_space<vmem>>, vector<16xf32>,
        %mul3A_632 = arith.constant 8 : i32
        %mul3A_633 = arith.muli %scan3A_548, %mul3A_632 : i32
        %add3A_634 = arith.constant 5 : i32
        %add3A_635 = arith.addi %mul3A_633, %add3A_634 : i32
        %mul3A_636 = arith.constant 16 : i32
        %mul3A_637 = arith.muli %add3A_635, %mul3A_636 : i32
        %get3A_638 = arith.constant 0 : i32
        %get3A_639 = arith.index_cast %get3A_638 : i32 to index
        %get3A_640 = arith.index_cast %mul3A_637 : i32 to index
        %get3A_641 = tpu.vector_load %arg8[%get3A_639, %get3A_640] {strides = array<i32>} : memref<2x2048xi32, #tpu.memory_space<vmem>>, vector<16xi32>,
        %gather3A_642 = tpu.vector_load_idx %arg5[%get3A_641] : memref<100016xf32, #tpu.memory_space<vmem>>[vector<16xi32>], vector<16xf32>,
        %mul3A_643 = arith.constant 16 : i32
        %mul3A_644 = arith.muli %add3A_635, %mul3A_643 : i32
        %swap3A_645 = arith.constant 0 : i32
        %swap3A_646 = arith.index_cast %swap3A_645 : i32 to index
        %swap3A_647 = arith.index_cast %mul3A_644 : i32 to index
        %swap3A_648 = tpu.vector_load %arg9[%swap3A_646, %swap3A_647] {strides = array<i32>} : memref<2x2048xf32, #tpu.memory_space<vmem>>, vector<16xf32>,
        tpu.vector_store %arg9[%swap3A_646, %swap3A_647], %gather3A_642 {strides = array<i32>} : memref<2x2048xf32, #tpu.memory_space<vmem>>, vector<16xf32>,
        %mul3A_649 = arith.constant 8 : i32
        %mul3A_650 = arith.muli %scan3A_548, %mul3A_649 : i32
        %add3A_651 = arith.constant 6 : i32
        %add3A_652 = arith.addi %mul3A_650, %add3A_651 : i32
        %mul3A_653 = arith.constant 16 : i32
        %mul3A_654 = arith.muli %add3A_652, %mul3A_653 : i32
        %get3A_655 = arith.constant 0 : i32
        %get3A_656 = arith.index_cast %get3A_655 : i32 to index
        %get3A_657 = arith.index_cast %mul3A_654 : i32 to index
        %get3A_658 = tpu.vector_load %arg8[%get3A_656, %get3A_657] {strides = array<i32>} : memref<2x2048xi32, #tpu.memory_space<vmem>>, vector<16xi32>,
        %gather3A_659 = tpu.vector_load_idx %arg5[%get3A_658] : memref<100016xf32, #tpu.memory_space<vmem>>[vector<16xi32>], vector<16xf32>,
        %mul3A_660 = arith.constant 16 : i32
        %mul3A_661 = arith.muli %add3A_652, %mul3A_660 : i32
        %swap3A_662 = arith.constant 0 : i32
        %swap3A_663 = arith.index_cast %swap3A_662 : i32 to index
        %swap3A_664 = arith.index_cast %mul3A_661 : i32 to index
        %swap3A_665 = tpu.vector_load %arg9[%swap3A_663, %swap3A_664] {strides = array<i32>} : memref<2x2048xf32, #tpu.memory_space<vmem>>, vector<16xf32>,
        tpu.vector_store %arg9[%swap3A_663, %swap3A_664], %gather3A_659 {strides = array<i32>} : memref<2x2048xf32, #tpu.memory_space<vmem>>, vector<16xf32>,
        %mul3A_666 = arith.constant 8 : i32
        %mul3A_667 = arith.muli %scan3A_548, %mul3A_666 : i32
        %add3A_668 = arith.constant 7 : i32
        %add3A_669 = arith.addi %mul3A_667, %add3A_668 : i32
        %mul3A_670 = arith.constant 16 : i32
        %mul3A_671 = arith.muli %add3A_669, %mul3A_670 : i32
        %get3A_672 = arith.constant 0 : i32
        %get3A_673 = arith.index_cast %get3A_672 : i32 to index
        %get3A_674 = arith.index_cast %mul3A_671 : i32 to index
        %get3A_675 = tpu.vector_load %arg8[%get3A_673, %get3A_674] {strides = array<i32>} : memref<2x2048xi32, #tpu.memory_space<vmem>>, vector<16xi32>,
        %gather3A_676 = tpu.vector_load_idx %arg5[%get3A_675] : memref<100016xf32, #tpu.memory_space<vmem>>[vector<16xi32>], vector<16xf32>,
        %mul3A_677 = arith.constant 16 : i32
        %mul3A_678 = arith.muli %add3A_669, %mul3A_677 : i32
        %swap3A_679 = arith.constant 0 : i32
        %swap3A_680 = arith.index_cast %swap3A_679 : i32 to index
        %swap3A_681 = arith.index_cast %mul3A_678 : i32 to index
        %swap3A_682 = tpu.vector_load %arg9[%swap3A_680, %swap3A_681] {strides = array<i32>} : memref<2x2048xf32, #tpu.memory_space<vmem>>, vector<16xf32>,
        tpu.vector_store %arg9[%swap3A_680, %swap3A_681], %gather3A_676 {strides = array<i32>} : memref<2x2048xf32, #tpu.memory_space<vmem>>, vector<16xf32>,
      }
      %scan3A_481 = arith.constant 16 : i32
      %add3A_482 = arith.constant 2 : i32
      %add3A_483 = arith.addi %add3A_462, %add3A_482 : i32
      %lt3A_484 = arith.constant 128 : i32
      %lt3A_485 = arith.cmpi slt, %add3A_483, %lt3A_484 : i32
      %convert_element_type3A_486 = arith.extui %lt3A_485 : i1 to i32
      %cond3A_487 = arith.constant 0 : i32
      %cond3A_488 = arith.cmpi ne, %convert_element_type3A_486, %cond3A_487 : i32
      scf.if %cond3A_488 {
        %add3A_548 = arith.constant 2 : i32
        %add3A_549 = arith.addi %add3A_462, %add3A_548 : i32
        %mul3A_550 = arith.constant 2048 : i32
        %mul3A_551 = arith.muli %add3A_549, %mul3A_550 : i32
        %dma_start3A_552 = arith.constant 0 : i32
        %dma_start3A_553 = arith.constant 0 : i32
        %dma_start3A_554 = tpu.memref_slice %arg8[%dma_start3A_552, %dma_start3A_553] : memref<2x2048xi32, #tpu.memory_space<vmem>> -> memref<1x2048xi32, #tpu.memory_space<vmem>>
        %dma_start3A_555 = tpu.memref_squeeze %dma_start3A_554 : memref<1x2048xi32, #tpu.memory_space<vmem>> -> memref<2048xi32, #tpu.memory_space<vmem>>
        %dma_start3A_556 = tpu.memref_slice %arg10[%mul3A_551] : memref<262144xi32, #tpu.memory_space<vmem_shared>> -> memref<2048xi32, #tpu.memory_space<vmem_shared>>
        %dma_start3A_557 = arith.constant 0 : i32
        %dma_start3A_558 = tpu.memref_slice %arg8[%dma_start3A_552, %dma_start3A_557] : memref<2x2048xi32, #tpu.memory_space<vmem>> -> memref<1x2048xi32, #tpu.memory_space<vmem>>
        %dma_start3A_559 = tpu.memref_squeeze %dma_start3A_558 : memref<1x2048xi32, #tpu.memory_space<vmem>> -> memref<2048xi32, #tpu.memory_space<vmem>>
        %dma_start3A_560 = tpu.memref_slice %arg10[%mul3A_551] : memref<262144xi32, #tpu.memory_space<vmem_shared>> -> memref<2048xi32, #tpu.memory_space<vmem_shared>>
        tpu.enqueue_dma source(%dma_start3A_560 : memref<2048xi32, #tpu.memory_space<vmem_shared>>) target(%dma_start3A_559 : memref<2048xi32, #tpu.memory_space<vmem>>) target_semaphore(%arg13 : memref<!tpu.dma_semaphore, #tpu.memory_space<semaphore_mem>>)
      } else {
      }
      %mul3A_489 = arith.constant 2048 : i32
      %mul3A_490 = arith.muli %add3A_462, %mul3A_489 : i32
      %dma_start3A_491 = arith.constant 0 : i32
      %dma_start3A_492 = arith.constant 0 : i32
      %dma_start3A_493 = tpu.memref_slice %arg9[%dma_start3A_491, %dma_start3A_492] : memref<2x2048xf32, #tpu.memory_space<vmem>> -> memref<1x2048xf32, #tpu.memory_space<vmem>>
      %dma_start3A_494 = tpu.memref_squeeze %dma_start3A_493 : memref<1x2048xf32, #tpu.memory_space<vmem>> -> memref<2048xf32, #tpu.memory_space<vmem>>
      %dma_start3A_495 = tpu.memref_slice %arg4[%add3A_95, %mul3A_490] : memref<132x262144xf32, #tpu.memory_space<hbm>> -> memref<1x2048xf32, #tpu.memory_space<hbm>>
      %dma_start3A_496 = tpu.memref_squeeze %dma_start3A_495 : memref<1x2048xf32, #tpu.memory_space<hbm>> -> memref<2048xf32, #tpu.memory_space<hbm>>
      %dma_start3A_497 = tpu.memref_slice %arg4[%add3A_95, %mul3A_490] : memref<132x262144xf32, #tpu.memory_space<hbm>> -> memref<1x2048xf32, #tpu.memory_space<hbm>>
      %dma_start3A_498 = tpu.memref_squeeze %dma_start3A_497 : memref<1x2048xf32, #tpu.memory_space<hbm>> -> memref<2048xf32, #tpu.memory_space<hbm>>
      %dma_start3A_499 = arith.constant 0 : i32
      %dma_start3A_500 = tpu.memref_slice %arg9[%dma_start3A_491, %dma_start3A_499] : memref<2x2048xf32, #tpu.memory_space<vmem>> -> memref<1x2048xf32, #tpu.memory_space<vmem>>
      %dma_start3A_501 = tpu.memref_squeeze %dma_start3A_500 : memref<1x2048xf32, #tpu.memory_space<vmem>> -> memref<2048xf32, #tpu.memory_space<vmem>>
      tpu.enqueue_dma source(%dma_start3A_501 : memref<2048xf32, #tpu.memory_space<vmem>>) target(%dma_start3A_498 : memref<2048xf32, #tpu.memory_space<hbm>>) target_semaphore(%arg15 : memref<!tpu.dma_semaphore, #tpu.memory_space<semaphore_mem>>)
      %mul3A_502 = arith.constant 2 : i32
      %mul3A_503 = arith.muli %scan3A_458, %mul3A_502 : i32
      %add3A_504 = arith.constant 1 : i32
      %add3A_505 = arith.addi %mul3A_503, %add3A_504 : i32
      %mul3A_506 = arith.constant 2048 : i32
      %mul3A_507 = arith.muli %add3A_505, %mul3A_506 : i32
      %dma_wait3A_508 = arith.constant 1 : i32
      %dma_wait3A_509 = arith.constant 0 : i32
      %dma_wait3A_510 = tpu.memref_slice %arg8[%dma_wait3A_508, %dma_wait3A_509] : memref<2x2048xi32, #tpu.memory_space<vmem>> -> memref<1x2048xi32, #tpu.memory_space<vmem>>
      %dma_wait3A_511 = tpu.memref_squeeze %dma_wait3A_510 : memref<1x2048xi32, #tpu.memory_space<vmem>> -> memref<2048xi32, #tpu.memory_space<vmem>>
      %dma_wait3A_512 = tpu.memref_slice %arg10[%mul3A_507] : memref<262144xi32, #tpu.memory_space<vmem_shared>> -> memref<2048xi32, #tpu.memory_space<vmem_shared>>
      %dma_wait3A_513 = arith.constant 0 : i32
      %dma_wait3A_514 = tpu.memref_slice %arg8[%dma_wait3A_508, %dma_wait3A_513] : memref<2x2048xi32, #tpu.memory_space<vmem>> -> memref<1x2048xi32, #tpu.memory_space<vmem>>
      %dma_wait3A_515 = tpu.memref_squeeze %dma_wait3A_514 : memref<1x2048xi32, #tpu.memory_space<vmem>> -> memref<2048xi32, #tpu.memory_space<vmem>>
      %dma_wait3A_516 = tpu.memref_slice %arg10[%mul3A_507] : memref<262144xi32, #tpu.memory_space<vmem_shared>> -> memref<2048xi32, #tpu.memory_space<vmem_shared>>
      tpu.wait_dma2 semaphore(%arg14 : memref<!tpu.dma_semaphore, #tpu.memory_space<semaphore_mem>>) src(%dma_wait3A_516 : memref<2048xi32, #tpu.memory_space<vmem_shared>>) dst(%dma_wait3A_515 : memref<2048xi32, #tpu.memory_space<vmem>>)
      %gt3A_517 = arith.constant 0 : i32
      %gt3A_518 = arith.cmpi sgt, %scan3A_458, %gt3A_517 : i32
      %convert_element_type3A_519 = arith.extui %gt3A_518 : i1 to i32
      %cond3A_520 = arith.constant 0 : i32
      %cond3A_521 = arith.cmpi ne, %convert_element_type3A_519, %cond3A_520 : i32
      scf.if %cond3A_521 {
        %dma_wait3A_548 = arith.constant 1 : i32
        %dma_wait3A_549 = arith.constant 0 : i32
        %dma_wait3A_550 = tpu.memref_slice %arg9[%dma_wait3A_548, %dma_wait3A_549] : memref<2x2048xf32, #tpu.memory_space<vmem>> -> memref<1x2048xf32, #tpu.memory_space<vmem>>
        %dma_wait3A_551 = tpu.memref_squeeze %dma_wait3A_550 : memref<1x2048xf32, #tpu.memory_space<vmem>> -> memref<2048xf32, #tpu.memory_space<vmem>>
        %dma_wait3A_552 = arith.constant 0 : i32
        %dma_wait3A_553 = tpu.memref_slice %arg4[%add3A_95, %dma_wait3A_552] : memref<132x262144xf32, #tpu.memory_space<hbm>> -> memref<1x2048xf32, #tpu.memory_space<hbm>>
        %dma_wait3A_554 = tpu.memref_squeeze %dma_wait3A_553 : memref<1x2048xf32, #tpu.memory_space<hbm>> -> memref<2048xf32, #tpu.memory_space<hbm>>
        %dma_wait3A_555 = arith.constant 0 : i32
        %dma_wait3A_556 = tpu.memref_slice %arg4[%add3A_95, %dma_wait3A_555] : memref<132x262144xf32, #tpu.memory_space<hbm>> -> memref<1x2048xf32, #tpu.memory_space<hbm>>
        %dma_wait3A_557 = tpu.memref_squeeze %dma_wait3A_556 : memref<1x2048xf32, #tpu.memory_space<hbm>> -> memref<2048xf32, #tpu.memory_space<hbm>>
        %dma_wait3A_558 = arith.constant 0 : i32
        %dma_wait3A_559 = tpu.memref_slice %arg9[%dma_wait3A_548, %dma_wait3A_558] : memref<2x2048xf32, #tpu.memory_space<vmem>> -> memref<1x2048xf32, #tpu.memory_space<vmem>>
        %dma_wait3A_560 = tpu.memref_squeeze %dma_wait3A_559 : memref<1x2048xf32, #tpu.memory_space<vmem>> -> memref<2048xf32, #tpu.memory_space<vmem>>
        tpu.wait_dma2 semaphore(%arg16 : memref<!tpu.dma_semaphore, #tpu.memory_space<semaphore_mem>>) src(%dma_wait3A_560 : memref<2048xf32, #tpu.memory_space<vmem>>) dst(%dma_wait3A_557 : memref<2048xf32, #tpu.memory_space<hbm>>)
      } else {
      }
      %scan3A_522 = arith.constant 0 : i32
      %scan3A_523 = arith.constant 0 : i32
      %scan3A_524 = arith.constant 16 : i32
      %scan3A_525 = arith.addi %scan3A_523, %scan3A_524 : i32
      %scan3A_526 = arith.constant 1 : i32
      scf.for %scan3A_548 = %scan3A_523 to %scan3A_525 step %scan3A_526  : i32 {
        %mul3A_549 = arith.constant 8 : i32
        %mul3A_550 = arith.muli %scan3A_548, %mul3A_549 : i32
        %add3A_551 = arith.constant 0 : i32
        %add3A_552 = arith.addi %mul3A_550, %add3A_551 : i32
        %mul3A_553 = arith.constant 16 : i32
        %mul3A_554 = arith.muli %add3A_552, %mul3A_553 : i32
        %get3A = arith.constant 1 : i32
        %get3A_555 = arith.index_cast %get3A : i32 to index
        %get3A_556 = arith.index_cast %mul3A_554 : i32 to index
        %get3A_557 = tpu.vector_load %arg8[%get3A_555, %get3A_556] {strides = array<i32>} : memref<2x2048xi32, #tpu.memory_space<vmem>>, vector<16xi32>,
        %gather3A = tpu.vector_load_idx %arg5[%get3A_557] : memref<100016xf32, #tpu.memory_space<vmem>>[vector<16xi32>], vector<16xf32>,
        %mul3A_558 = arith.constant 16 : i32
        %mul3A_559 = arith.muli %add3A_552, %mul3A_558 : i32
        %swap3A_560 = arith.constant 1 : i32
        %swap3A_561 = arith.index_cast %swap3A_560 : i32 to index
        %swap3A_562 = arith.index_cast %mul3A_559 : i32 to index
        %swap3A_563 = tpu.vector_load %arg9[%swap3A_561, %swap3A_562] {strides = array<i32>} : memref<2x2048xf32, #tpu.memory_space<vmem>>, vector<16xf32>,
        tpu.vector_store %arg9[%swap3A_561, %swap3A_562], %gather3A {strides = array<i32>} : memref<2x2048xf32, #tpu.memory_space<vmem>>, vector<16xf32>,
        %mul3A_564 = arith.constant 8 : i32
        %mul3A_565 = arith.muli %scan3A_548, %mul3A_564 : i32
        %add3A_566 = arith.constant 1 : i32
        %add3A_567 = arith.addi %mul3A_565, %add3A_566 : i32
        %mul3A_568 = arith.constant 16 : i32
        %mul3A_569 = arith.muli %add3A_567, %mul3A_568 : i32
        %get3A_570 = arith.constant 1 : i32
        %get3A_571 = arith.index_cast %get3A_570 : i32 to index
        %get3A_572 = arith.index_cast %mul3A_569 : i32 to index
        %get3A_573 = tpu.vector_load %arg8[%get3A_571, %get3A_572] {strides = array<i32>} : memref<2x2048xi32, #tpu.memory_space<vmem>>, vector<16xi32>,
        %gather3A_574 = tpu.vector_load_idx %arg5[%get3A_573] : memref<100016xf32, #tpu.memory_space<vmem>>[vector<16xi32>], vector<16xf32>,
        %mul3A_575 = arith.constant 16 : i32
        %mul3A_576 = arith.muli %add3A_567, %mul3A_575 : i32
        %swap3A_577 = arith.constant 1 : i32
        %swap3A_578 = arith.index_cast %swap3A_577 : i32 to index
        %swap3A_579 = arith.index_cast %mul3A_576 : i32 to index
        %swap3A_580 = tpu.vector_load %arg9[%swap3A_578, %swap3A_579] {strides = array<i32>} : memref<2x2048xf32, #tpu.memory_space<vmem>>, vector<16xf32>,
        tpu.vector_store %arg9[%swap3A_578, %swap3A_579], %gather3A_574 {strides = array<i32>} : memref<2x2048xf32, #tpu.memory_space<vmem>>, vector<16xf32>,
        %mul3A_581 = arith.constant 8 : i32
        %mul3A_582 = arith.muli %scan3A_548, %mul3A_581 : i32
        %add3A_583 = arith.constant 2 : i32
        %add3A_584 = arith.addi %mul3A_582, %add3A_583 : i32
        %mul3A_585 = arith.constant 16 : i32
        %mul3A_586 = arith.muli %add3A_584, %mul3A_585 : i32
        %get3A_587 = arith.constant 1 : i32
        %get3A_588 = arith.index_cast %get3A_587 : i32 to index
        %get3A_589 = arith.index_cast %mul3A_586 : i32 to index
        %get3A_590 = tpu.vector_load %arg8[%get3A_588, %get3A_589] {strides = array<i32>} : memref<2x2048xi32, #tpu.memory_space<vmem>>, vector<16xi32>,
        %gather3A_591 = tpu.vector_load_idx %arg5[%get3A_590] : memref<100016xf32, #tpu.memory_space<vmem>>[vector<16xi32>], vector<16xf32>,
        %mul3A_592 = arith.constant 16 : i32
        %mul3A_593 = arith.muli %add3A_584, %mul3A_592 : i32
        %swap3A_594 = arith.constant 1 : i32
        %swap3A_595 = arith.index_cast %swap3A_594 : i32 to index
        %swap3A_596 = arith.index_cast %mul3A_593 : i32 to index
        %swap3A_597 = tpu.vector_load %arg9[%swap3A_595, %swap3A_596] {strides = array<i32>} : memref<2x2048xf32, #tpu.memory_space<vmem>>, vector<16xf32>,
        tpu.vector_store %arg9[%swap3A_595, %swap3A_596], %gather3A_591 {strides = array<i32>} : memref<2x2048xf32, #tpu.memory_space<vmem>>, vector<16xf32>,
        %mul3A_598 = arith.constant 8 : i32
        %mul3A_599 = arith.muli %scan3A_548, %mul3A_598 : i32
        %add3A_600 = arith.constant 3 : i32
        %add3A_601 = arith.addi %mul3A_599, %add3A_600 : i32
        %mul3A_602 = arith.constant 16 : i32
        %mul3A_603 = arith.muli %add3A_601, %mul3A_602 : i32
        %get3A_604 = arith.constant 1 : i32
        %get3A_605 = arith.index_cast %get3A_604 : i32 to index
        %get3A_606 = arith.index_cast %mul3A_603 : i32 to index
        %get3A_607 = tpu.vector_load %arg8[%get3A_605, %get3A_606] {strides = array<i32>} : memref<2x2048xi32, #tpu.memory_space<vmem>>, vector<16xi32>,
        %gather3A_608 = tpu.vector_load_idx %arg5[%get3A_607] : memref<100016xf32, #tpu.memory_space<vmem>>[vector<16xi32>], vector<16xf32>,
        %mul3A_609 = arith.constant 16 : i32
        %mul3A_610 = arith.muli %add3A_601, %mul3A_609 : i32
        %swap3A_611 = arith.constant 1 : i32
        %swap3A_612 = arith.index_cast %swap3A_611 : i32 to index
        %swap3A_613 = arith.index_cast %mul3A_610 : i32 to index
        %swap3A_614 = tpu.vector_load %arg9[%swap3A_612, %swap3A_613] {strides = array<i32>} : memref<2x2048xf32, #tpu.memory_space<vmem>>, vector<16xf32>,
        tpu.vector_store %arg9[%swap3A_612, %swap3A_613], %gather3A_608 {strides = array<i32>} : memref<2x2048xf32, #tpu.memory_space<vmem>>, vector<16xf32>,
        %mul3A_615 = arith.constant 8 : i32
        %mul3A_616 = arith.muli %scan3A_548, %mul3A_615 : i32
        %add3A_617 = arith.constant 4 : i32
        %add3A_618 = arith.addi %mul3A_616, %add3A_617 : i32
        %mul3A_619 = arith.constant 16 : i32
        %mul3A_620 = arith.muli %add3A_618, %mul3A_619 : i32
        %get3A_621 = arith.constant 1 : i32
        %get3A_622 = arith.index_cast %get3A_621 : i32 to index
        %get3A_623 = arith.index_cast %mul3A_620 : i32 to index
        %get3A_624 = tpu.vector_load %arg8[%get3A_622, %get3A_623] {strides = array<i32>} : memref<2x2048xi32, #tpu.memory_space<vmem>>, vector<16xi32>,
        %gather3A_625 = tpu.vector_load_idx %arg5[%get3A_624] : memref<100016xf32, #tpu.memory_space<vmem>>[vector<16xi32>], vector<16xf32>,
        %mul3A_626 = arith.constant 16 : i32
        %mul3A_627 = arith.muli %add3A_618, %mul3A_626 : i32
        %swap3A_628 = arith.constant 1 : i32
        %swap3A_629 = arith.index_cast %swap3A_628 : i32 to index
        %swap3A_630 = arith.index_cast %mul3A_627 : i32 to index
        %swap3A_631 = tpu.vector_load %arg9[%swap3A_629, %swap3A_630] {strides = array<i32>} : memref<2x2048xf32, #tpu.memory_space<vmem>>, vector<16xf32>,
        tpu.vector_store %arg9[%swap3A_629, %swap3A_630], %gather3A_625 {strides = array<i32>} : memref<2x2048xf32, #tpu.memory_space<vmem>>, vector<16xf32>,
        %mul3A_632 = arith.constant 8 : i32
        %mul3A_633 = arith.muli %scan3A_548, %mul3A_632 : i32
        %add3A_634 = arith.constant 5 : i32
        %add3A_635 = arith.addi %mul3A_633, %add3A_634 : i32
        %mul3A_636 = arith.constant 16 : i32
        %mul3A_637 = arith.muli %add3A_635, %mul3A_636 : i32
        %get3A_638 = arith.constant 1 : i32
        %get3A_639 = arith.index_cast %get3A_638 : i32 to index
        %get3A_640 = arith.index_cast %mul3A_637 : i32 to index
        %get3A_641 = tpu.vector_load %arg8[%get3A_639, %get3A_640] {strides = array<i32>} : memref<2x2048xi32, #tpu.memory_space<vmem>>, vector<16xi32>,
        %gather3A_642 = tpu.vector_load_idx %arg5[%get3A_641] : memref<100016xf32, #tpu.memory_space<vmem>>[vector<16xi32>], vector<16xf32>,
        %mul3A_643 = arith.constant 16 : i32
        %mul3A_644 = arith.muli %add3A_635, %mul3A_643 : i32
        %swap3A_645 = arith.constant 1 : i32
        %swap3A_646 = arith.index_cast %swap3A_645 : i32 to index
        %swap3A_647 = arith.index_cast %mul3A_644 : i32 to index
        %swap3A_648 = tpu.vector_load %arg9[%swap3A_646, %swap3A_647] {strides = array<i32>} : memref<2x2048xf32, #tpu.memory_space<vmem>>, vector<16xf32>,
        tpu.vector_store %arg9[%swap3A_646, %swap3A_647], %gather3A_642 {strides = array<i32>} : memref<2x2048xf32, #tpu.memory_space<vmem>>, vector<16xf32>,
        %mul3A_649 = arith.constant 8 : i32
        %mul3A_650 = arith.muli %scan3A_548, %mul3A_649 : i32
        %add3A_651 = arith.constant 6 : i32
        %add3A_652 = arith.addi %mul3A_650, %add3A_651 : i32
        %mul3A_653 = arith.constant 16 : i32
        %mul3A_654 = arith.muli %add3A_652, %mul3A_653 : i32
        %get3A_655 = arith.constant 1 : i32
        %get3A_656 = arith.index_cast %get3A_655 : i32 to index
        %get3A_657 = arith.index_cast %mul3A_654 : i32 to index
        %get3A_658 = tpu.vector_load %arg8[%get3A_656, %get3A_657] {strides = array<i32>} : memref<2x2048xi32, #tpu.memory_space<vmem>>, vector<16xi32>,
        %gather3A_659 = tpu.vector_load_idx %arg5[%get3A_658] : memref<100016xf32, #tpu.memory_space<vmem>>[vector<16xi32>], vector<16xf32>,
        %mul3A_660 = arith.constant 16 : i32
        %mul3A_661 = arith.muli %add3A_652, %mul3A_660 : i32
        %swap3A_662 = arith.constant 1 : i32
        %swap3A_663 = arith.index_cast %swap3A_662 : i32 to index
        %swap3A_664 = arith.index_cast %mul3A_661 : i32 to index
        %swap3A_665 = tpu.vector_load %arg9[%swap3A_663, %swap3A_664] {strides = array<i32>} : memref<2x2048xf32, #tpu.memory_space<vmem>>, vector<16xf32>,
        tpu.vector_store %arg9[%swap3A_663, %swap3A_664], %gather3A_659 {strides = array<i32>} : memref<2x2048xf32, #tpu.memory_space<vmem>>, vector<16xf32>,
        %mul3A_666 = arith.constant 8 : i32
        %mul3A_667 = arith.muli %scan3A_548, %mul3A_666 : i32
        %add3A_668 = arith.constant 7 : i32
        %add3A_669 = arith.addi %mul3A_667, %add3A_668 : i32
        %mul3A_670 = arith.constant 16 : i32
        %mul3A_671 = arith.muli %add3A_669, %mul3A_670 : i32
        %get3A_672 = arith.constant 1 : i32
        %get3A_673 = arith.index_cast %get3A_672 : i32 to index
        %get3A_674 = arith.index_cast %mul3A_671 : i32 to index
        %get3A_675 = tpu.vector_load %arg8[%get3A_673, %get3A_674] {strides = array<i32>} : memref<2x2048xi32, #tpu.memory_space<vmem>>, vector<16xi32>,
        %gather3A_676 = tpu.vector_load_idx %arg5[%get3A_675] : memref<100016xf32, #tpu.memory_space<vmem>>[vector<16xi32>], vector<16xf32>,
        %mul3A_677 = arith.constant 16 : i32
        %mul3A_678 = arith.muli %add3A_669, %mul3A_677 : i32
        %swap3A_679 = arith.constant 1 : i32
        %swap3A_680 = arith.index_cast %swap3A_679 : i32 to index
        %swap3A_681 = arith.index_cast %mul3A_678 : i32 to index
        %swap3A_682 = tpu.vector_load %arg9[%swap3A_680, %swap3A_681] {strides = array<i32>} : memref<2x2048xf32, #tpu.memory_space<vmem>>, vector<16xf32>,
        tpu.vector_store %arg9[%swap3A_680, %swap3A_681], %gather3A_676 {strides = array<i32>} : memref<2x2048xf32, #tpu.memory_space<vmem>>, vector<16xf32>,
      }
      %scan3A_527 = arith.constant 16 : i32
      %add3A_528 = arith.constant 2 : i32
      %add3A_529 = arith.addi %add3A_505, %add3A_528 : i32
      %lt3A_530 = arith.constant 128 : i32
      %lt3A_531 = arith.cmpi slt, %add3A_529, %lt3A_530 : i32
      %convert_element_type3A_532 = arith.extui %lt3A_531 : i1 to i32
      %cond3A_533 = arith.constant 0 : i32
      %cond3A_534 = arith.cmpi ne, %convert_element_type3A_532, %cond3A_533 : i32
      scf.if %cond3A_534 {
        %add3A_548 = arith.constant 2 : i32
        %add3A_549 = arith.addi %add3A_505, %add3A_548 : i32
        %mul3A_550 = arith.constant 2048 : i32
        %mul3A_551 = arith.muli %add3A_549, %mul3A_550 : i32
        %dma_start3A_552 = arith.constant 1 : i32
        %dma_start3A_553 = arith.constant 0 : i32
        %dma_start3A_554 = tpu.memref_slice %arg8[%dma_start3A_552, %dma_start3A_553] : memref<2x2048xi32, #tpu.memory_space<vmem>> -> memref<1x2048xi32, #tpu.memory_space<vmem>>
        %dma_start3A_555 = tpu.memref_squeeze %dma_start3A_554 : memref<1x2048xi32, #tpu.memory_space<vmem>> -> memref<2048xi32, #tpu.memory_space<vmem>>
        %dma_start3A_556 = tpu.memref_slice %arg10[%mul3A_551] : memref<262144xi32, #tpu.memory_space<vmem_shared>> -> memref<2048xi32, #tpu.memory_space<vmem_shared>>
        %dma_start3A_557 = arith.constant 0 : i32
        %dma_start3A_558 = tpu.memref_slice %arg8[%dma_start3A_552, %dma_start3A_557] : memref<2x2048xi32, #tpu.memory_space<vmem>> -> memref<1x2048xi32, #tpu.memory_space<vmem>>
        %dma_start3A_559 = tpu.memref_squeeze %dma_start3A_558 : memref<1x2048xi32, #tpu.memory_space<vmem>> -> memref<2048xi32, #tpu.memory_space<vmem>>
        %dma_start3A_560 = tpu.memref_slice %arg10[%mul3A_551] : memref<262144xi32, #tpu.memory_space<vmem_shared>> -> memref<2048xi32, #tpu.memory_space<vmem_shared>>
        tpu.enqueue_dma source(%dma_start3A_560 : memref<2048xi32, #tpu.memory_space<vmem_shared>>) target(%dma_start3A_559 : memref<2048xi32, #tpu.memory_space<vmem>>) target_semaphore(%arg14 : memref<!tpu.dma_semaphore, #tpu.memory_space<semaphore_mem>>)
      } else {
      }
      %mul3A_535 = arith.constant 2048 : i32
      %mul3A_536 = arith.muli %add3A_505, %mul3A_535 : i32
      %dma_start3A_537 = arith.constant 1 : i32
      %dma_start3A_538 = arith.constant 0 : i32
      %dma_start3A_539 = tpu.memref_slice %arg9[%dma_start3A_537, %dma_start3A_538] : memref<2x2048xf32, #tpu.memory_space<vmem>> -> memref<1x2048xf32, #tpu.memory_space<vmem>>
      %dma_start3A_540 = tpu.memref_squeeze %dma_start3A_539 : memref<1x2048xf32, #tpu.memory_space<vmem>> -> memref<2048xf32, #tpu.memory_space<vmem>>
      %dma_start3A_541 = tpu.memref_slice %arg4[%add3A_95, %mul3A_536] : memref<132x262144xf32, #tpu.memory_space<hbm>> -> memref<1x2048xf32, #tpu.memory_space<hbm>>
      %dma_start3A_542 = tpu.memref_squeeze %dma_start3A_541 : memref<1x2048xf32, #tpu.memory_space<hbm>> -> memref<2048xf32, #tpu.memory_space<hbm>>
      %dma_start3A_543 = tpu.memref_slice %arg4[%add3A_95, %mul3A_536] : memref<132x262144xf32, #tpu.memory_space<hbm>> -> memref<1x2048xf32, #tpu.memory_space<hbm>>
      %dma_start3A_544 = tpu.memref_squeeze %dma_start3A_543 : memref<1x2048xf32, #tpu.memory_space<hbm>> -> memref<2048xf32, #tpu.memory_space<hbm>>
      %dma_start3A_545 = arith.constant 0 : i32
      %dma_start3A_546 = tpu.memref_slice %arg9[%dma_start3A_537, %dma_start3A_545] : memref<2x2048xf32, #tpu.memory_space<vmem>> -> memref<1x2048xf32, #tpu.memory_space<vmem>>
      %dma_start3A_547 = tpu.memref_squeeze %dma_start3A_546 : memref<1x2048xf32, #tpu.memory_space<vmem>> -> memref<2048xf32, #tpu.memory_space<vmem>>
      tpu.enqueue_dma source(%dma_start3A_547 : memref<2048xf32, #tpu.memory_space<vmem>>) target(%dma_start3A_544 : memref<2048xf32, #tpu.memory_space<hbm>>) target_semaphore(%arg16 : memref<!tpu.dma_semaphore, #tpu.memory_space<semaphore_mem>>)
    }
    %scan3A_122 = arith.constant 64 : i32
    %dma_wait3A_123 = arith.constant 0 : i32
    %dma_wait3A_124 = arith.constant 0 : i32
    %dma_wait3A_125 = tpu.memref_slice %arg9[%dma_wait3A_123, %dma_wait3A_124] : memref<2x2048xf32, #tpu.memory_space<vmem>> -> memref<1x2048xf32, #tpu.memory_space<vmem>>
    %dma_wait3A_126 = tpu.memref_squeeze %dma_wait3A_125 : memref<1x2048xf32, #tpu.memory_space<vmem>> -> memref<2048xf32, #tpu.memory_space<vmem>>
    %dma_wait3A_127 = arith.constant 0 : i32
    %dma_wait3A_128 = tpu.memref_slice %arg4[%add3A_95, %dma_wait3A_127] : memref<132x262144xf32, #tpu.memory_space<hbm>> -> memref<1x2048xf32, #tpu.memory_space<hbm>>
    %dma_wait3A_129 = tpu.memref_squeeze %dma_wait3A_128 : memref<1x2048xf32, #tpu.memory_space<hbm>> -> memref<2048xf32, #tpu.memory_space<hbm>>
    %dma_wait3A_130 = arith.constant 0 : i32
    %dma_wait3A_131 = tpu.memref_slice %arg4[%add3A_95, %dma_wait3A_130] : memref<132x262144xf32, #tpu.memory_space<hbm>> -> memref<1x2048xf32, #tpu.memory_space<hbm>>
    %dma_wait3A_132 = tpu.memref_squeeze %dma_wait3A_131 : memref<1x2048xf32, #tpu.memory_space<hbm>> -> memref<2048xf32, #tpu.memory_space<hbm>>
    %dma_wait3A_133 = arith.constant 0 : i32
    %dma_wait3A_134 = tpu.memref_slice %arg9[%dma_wait3A_123, %dma_wait3A_133] : memref<2x2048xf32, #tpu.memory_space<vmem>> -> memref<1x2048xf32, #tpu.memory_space<vmem>>
    %dma_wait3A_135 = tpu.memref_squeeze %dma_wait3A_134 : memref<1x2048xf32, #tpu.memory_space<vmem>> -> memref<2048xf32, #tpu.memory_space<vmem>>
    tpu.wait_dma2 semaphore(%arg15 : memref<!tpu.dma_semaphore, #tpu.memory_space<semaphore_mem>>) src(%dma_wait3A_135 : memref<2048xf32, #tpu.memory_space<vmem>>) dst(%dma_wait3A_132 : memref<2048xf32, #tpu.memory_space<hbm>>)
    %dma_wait3A_136 = arith.constant 1 : i32
    %dma_wait3A_137 = arith.constant 0 : i32
    %dma_wait3A_138 = tpu.memref_slice %arg9[%dma_wait3A_136, %dma_wait3A_137] : memref<2x2048xf32, #tpu.memory_space<vmem>> -> memref<1x2048xf32, #tpu.memory_space<vmem>>
    %dma_wait3A_139 = tpu.memref_squeeze %dma_wait3A_138 : memref<1x2048xf32, #tpu.memory_space<vmem>> -> memref<2048xf32, #tpu.memory_space<vmem>>
    %dma_wait3A_140 = arith.constant 0 : i32
    %dma_wait3A_141 = tpu.memref_slice %arg4[%add3A_95, %dma_wait3A_140] : memref<132x262144xf32, #tpu.memory_space<hbm>> -> memref<1x2048xf32, #tpu.memory_space<hbm>>
    %dma_wait3A_142 = tpu.memref_squeeze %dma_wait3A_141 : memref<1x2048xf32, #tpu.memory_space<hbm>> -> memref<2048xf32, #tpu.memory_space<hbm>>
    %dma_wait3A_143 = arith.constant 0 : i32
    %dma_wait3A_144 = tpu.memref_slice %arg4[%add3A_95, %dma_wait3A_143] : memref<132x262144xf32, #tpu.memory_space<hbm>> -> memref<1x2048xf32, #tpu.memory_space<hbm>>
    %dma_wait3A_145 = tpu.memref_squeeze %dma_wait3A_144 : memref<1x2048xf32, #tpu.memory_space<hbm>> -> memref<2048xf32, #tpu.memory_space<hbm>>
    %dma_wait3A_146 = arith.constant 0 : i32
    %dma_wait3A_147 = tpu.memref_slice %arg9[%dma_wait3A_136, %dma_wait3A_146] : memref<2x2048xf32, #tpu.memory_space<vmem>> -> memref<1x2048xf32, #tpu.memory_space<vmem>>
    %dma_wait3A_148 = tpu.memref_squeeze %dma_wait3A_147 : memref<1x2048xf32, #tpu.memory_space<vmem>> -> memref<2048xf32, #tpu.memory_space<vmem>>
    tpu.wait_dma2 semaphore(%arg16 : memref<!tpu.dma_semaphore, #tpu.memory_space<semaphore_mem>>) src(%dma_wait3A_148 : memref<2048xf32, #tpu.memory_space<vmem>>) dst(%dma_wait3A_145 : memref<2048xf32, #tpu.memory_space<hbm>>)
    %add3A_149 = arith.constant 16 : i32
    %add3A_150 = arith.addi %add3A_149, %arg1 : i32
    %dma_start3A_151 = arith.constant 0 : i32
    %dma_start3A_152 = tpu.memref_slice %arg5[%dma_start3A_151] : memref<100016xf32, #tpu.memory_space<vmem>> -> memref<100000xf32, #tpu.memory_space<vmem>>
    %dma_start3A_153 = arith.constant 0 : i32
    %dma_start3A_154 = tpu.memref_slice %arg3[%add3A_150, %dma_start3A_153] : memref<32x100000xf32, #tpu.memory_space<hbm>> -> memref<1x100000xf32, #tpu.memory_space<hbm>>
    %dma_start3A_155 = tpu.memref_squeeze %dma_start3A_154 : memref<1x100000xf32, #tpu.memory_space<hbm>> -> memref<100000xf32, #tpu.memory_space<hbm>>
    %dma_start3A_156 = arith.constant 0 : i32
    %dma_start3A_157 = tpu.memref_slice %arg5[%dma_start3A_156] : memref<100016xf32, #tpu.memory_space<vmem>> -> memref<100000xf32, #tpu.memory_space<vmem>>
    %dma_start3A_158 = arith.constant 0 : i32
    %dma_start3A_159 = tpu.memref_slice %arg3[%add3A_150, %dma_start3A_158] : memref<32x100000xf32, #tpu.memory_space<hbm>> -> memref<1x100000xf32, #tpu.memory_space<hbm>>
    %dma_start3A_160 = tpu.memref_squeeze %dma_start3A_159 : memref<1x100000xf32, #tpu.memory_space<hbm>> -> memref<100000xf32, #tpu.memory_space<hbm>>
    tpu.enqueue_dma source(%dma_start3A_160 : memref<100000xf32, #tpu.memory_space<hbm>>) target(%dma_start3A_157 : memref<100000xf32, #tpu.memory_space<vmem>>) target_semaphore(%arg11 : memref<!tpu.dma_semaphore, #tpu.memory_space<semaphore_mem>>)
    %add3A_161 = arith.constant 16 : i32
    %add3A_162 = arith.addi %add3A_161, %arg1 : i32
    %dma_wait3A_163 = arith.constant 0 : i32
    %dma_wait3A_164 = tpu.memref_slice %arg5[%dma_wait3A_163] : memref<100016xf32, #tpu.memory_space<vmem>> -> memref<100000xf32, #tpu.memory_space<vmem>>
    %dma_wait3A_165 = arith.constant 0 : i32
    %dma_wait3A_166 = tpu.memref_slice %arg3[%add3A_150, %dma_wait3A_165] : memref<32x100000xf32, #tpu.memory_space<hbm>> -> memref<1x100000xf32, #tpu.memory_space<hbm>>
    %dma_wait3A_167 = tpu.memref_squeeze %dma_wait3A_166 : memref<1x100000xf32, #tpu.memory_space<hbm>> -> memref<100000xf32, #tpu.memory_space<hbm>>
    %dma_wait3A_168 = arith.constant 0 : i32
    %dma_wait3A_169 = tpu.memref_slice %arg5[%dma_wait3A_168] : memref<100016xf32, #tpu.memory_space<vmem>> -> memref<100000xf32, #tpu.memory_space<vmem>>
    %dma_wait3A_170 = arith.constant 0 : i32
    %dma_wait3A_171 = tpu.memref_slice %arg3[%add3A_150, %dma_wait3A_170] : memref<32x100000xf32, #tpu.memory_space<hbm>> -> memref<1x100000xf32, #tpu.memory_space<hbm>>
    %dma_wait3A_172 = tpu.memref_squeeze %dma_wait3A_171 : memref<1x100000xf32, #tpu.memory_space<hbm>> -> memref<100000xf32, #tpu.memory_space<hbm>>
    tpu.wait_dma2 semaphore(%arg11 : memref<!tpu.dma_semaphore, #tpu.memory_space<semaphore_mem>>) src(%dma_wait3A_172 : memref<100000xf32, #tpu.memory_space<hbm>>) dst(%dma_wait3A_169 : memref<100000xf32, #tpu.memory_space<vmem>>)
    %broadcast_in_dim3A_173 = arith.constant 0.000000e+00 : f32
    %broadcast_in_dim3A_174 = vector.broadcast %broadcast_in_dim3A_173 : f32 to vector<16xf32>
    %swap3A_175 = arith.constant 100000 : index
    %swap3A_176 = tpu.vector_load %arg5[%swap3A_175] {strides = array<i32>} : memref<100016xf32, #tpu.memory_space<vmem>>, vector<16xf32>,
    tpu.vector_store %arg5[%swap3A_175], %broadcast_in_dim3A_174 {strides = array<i32>} : memref<100016xf32, #tpu.memory_space<vmem>>, vector<16xf32>,
    %mul3A_177 = arith.constant 33 : i32
    %mul3A_178 = arith.muli %mul3A_9, %mul3A_177 : i32
    %add3A_179 = arith.addi %mul3A_178, %add3A_162 : i32
    %dma_start3A_180 = arith.constant 0 : i32
    %dma_start3A_181 = arith.constant 0 : i32
    %dma_start3A_182 = tpu.memref_slice %arg8[%dma_start3A_180, %dma_start3A_181] : memref<2x2048xi32, #tpu.memory_space<vmem>> -> memref<1x2048xi32, #tpu.memory_space<vmem>>
    %dma_start3A_183 = tpu.memref_squeeze %dma_start3A_182 : memref<1x2048xi32, #tpu.memory_space<vmem>> -> memref<2048xi32, #tpu.memory_space<vmem>>
    %dma_start3A_184 = arith.constant 0 : i32
    %dma_start3A_185 = tpu.memref_slice %arg10[%dma_start3A_184] : memref<262144xi32, #tpu.memory_space<vmem_shared>> -> memref<2048xi32, #tpu.memory_space<vmem_shared>>
    %dma_start3A_186 = arith.constant 0 : i32
    %dma_start3A_187 = tpu.memref_slice %arg8[%dma_start3A_180, %dma_start3A_186] : memref<2x2048xi32, #tpu.memory_space<vmem>> -> memref<1x2048xi32, #tpu.memory_space<vmem>>
    %dma_start3A_188 = tpu.memref_squeeze %dma_start3A_187 : memref<1x2048xi32, #tpu.memory_space<vmem>> -> memref<2048xi32, #tpu.memory_space<vmem>>
    %dma_start3A_189 = arith.constant 0 : i32
    %dma_start3A_190 = tpu.memref_slice %arg10[%dma_start3A_189] : memref<262144xi32, #tpu.memory_space<vmem_shared>> -> memref<2048xi32, #tpu.memory_space<vmem_shared>>
    tpu.enqueue_dma source(%dma_start3A_190 : memref<2048xi32, #tpu.memory_space<vmem_shared>>) target(%dma_start3A_188 : memref<2048xi32, #tpu.memory_space<vmem>>) target_semaphore(%arg13 : memref<!tpu.dma_semaphore, #tpu.memory_space<semaphore_mem>>)
    %dma_start3A_191 = arith.constant 1 : i32
    %dma_start3A_192 = arith.constant 0 : i32
    %dma_start3A_193 = tpu.memref_slice %arg8[%dma_start3A_191, %dma_start3A_192] : memref<2x2048xi32, #tpu.memory_space<vmem>> -> memref<1x2048xi32, #tpu.memory_space<vmem>>
    %dma_start3A_194 = tpu.memref_squeeze %dma_start3A_193 : memref<1x2048xi32, #tpu.memory_space<vmem>> -> memref<2048xi32, #tpu.memory_space<vmem>>
    %dma_start3A_195 = arith.constant 2048 : i32
    %dma_start3A_196 = tpu.memref_slice %arg10[%dma_start3A_195] : memref<262144xi32, #tpu.memory_space<vmem_shared>> -> memref<2048xi32, #tpu.memory_space<vmem_shared>>
    %dma_start3A_197 = arith.constant 0 : i32
    %dma_start3A_198 = tpu.memref_slice %arg8[%dma_start3A_191, %dma_start3A_197] : memref<2x2048xi32, #tpu.memory_space<vmem>> -> memref<1x2048xi32, #tpu.memory_space<vmem>>
    %dma_start3A_199 = tpu.memref_squeeze %dma_start3A_198 : memref<1x2048xi32, #tpu.memory_space<vmem>> -> memref<2048xi32, #tpu.memory_space<vmem>>
    %dma_start3A_200 = arith.constant 2048 : i32
    %dma_start3A_201 = tpu.memref_slice %arg10[%dma_start3A_200] : memref<262144xi32, #tpu.memory_space<vmem_shared>> -> memref<2048xi32, #tpu.memory_space<vmem_shared>>
    tpu.enqueue_dma source(%dma_start3A_201 : memref<2048xi32, #tpu.memory_space<vmem_shared>>) target(%dma_start3A_199 : memref<2048xi32, #tpu.memory_space<vmem>>) target_semaphore(%arg14 : memref<!tpu.dma_semaphore, #tpu.memory_space<semaphore_mem>>)
    %scan3A_202 = arith.constant 0 : i32
    %scan3A_203 = arith.constant 0 : i32
    %scan3A_204 = arith.constant 64 : i32
    %scan3A_205 = arith.addi %scan3A_203, %scan3A_204 : i32
    %scan3A_206 = arith.constant 1 : i32
    scf.for %scan3A_458 = %scan3A_203 to %scan3A_205 step %scan3A_206  : i32 {
      %mul3A_459 = arith.constant 2 : i32
      %mul3A_460 = arith.muli %scan3A_458, %mul3A_459 : i32
      %add3A_461 = arith.constant 0 : i32
      %add3A_462 = arith.addi %mul3A_460, %add3A_461 : i32
      %mul3A_463 = arith.constant 2048 : i32
      %mul3A_464 = arith.muli %add3A_462, %mul3A_463 : i32
      %dma_wait3A_465 = arith.constant 0 : i32
      %dma_wait3A_466 = arith.constant 0 : i32
      %dma_wait3A_467 = tpu.memref_slice %arg8[%dma_wait3A_465, %dma_wait3A_466] : memref<2x2048xi32, #tpu.memory_space<vmem>> -> memref<1x2048xi32, #tpu.memory_space<vmem>>
      %dma_wait3A_468 = tpu.memref_squeeze %dma_wait3A_467 : memref<1x2048xi32, #tpu.memory_space<vmem>> -> memref<2048xi32, #tpu.memory_space<vmem>>
      %dma_wait3A_469 = tpu.memref_slice %arg10[%mul3A_464] : memref<262144xi32, #tpu.memory_space<vmem_shared>> -> memref<2048xi32, #tpu.memory_space<vmem_shared>>
      %dma_wait3A_470 = arith.constant 0 : i32
      %dma_wait3A_471 = tpu.memref_slice %arg8[%dma_wait3A_465, %dma_wait3A_470] : memref<2x2048xi32, #tpu.memory_space<vmem>> -> memref<1x2048xi32, #tpu.memory_space<vmem>>
      %dma_wait3A_472 = tpu.memref_squeeze %dma_wait3A_471 : memref<1x2048xi32, #tpu.memory_space<vmem>> -> memref<2048xi32, #tpu.memory_space<vmem>>
      %dma_wait3A_473 = tpu.memref_slice %arg10[%mul3A_464] : memref<262144xi32, #tpu.memory_space<vmem_shared>> -> memref<2048xi32, #tpu.memory_space<vmem_shared>>
      tpu.wait_dma2 semaphore(%arg13 : memref<!tpu.dma_semaphore, #tpu.memory_space<semaphore_mem>>) src(%dma_wait3A_473 : memref<2048xi32, #tpu.memory_space<vmem_shared>>) dst(%dma_wait3A_472 : memref<2048xi32, #tpu.memory_space<vmem>>)
      %gt3A = arith.constant 0 : i32
      %gt3A_474 = arith.cmpi sgt, %scan3A_458, %gt3A : i32
      %convert_element_type3A = arith.extui %gt3A_474 : i1 to i32
      %cond3A = arith.constant 0 : i32
      %cond3A_475 = arith.cmpi ne, %convert_element_type3A, %cond3A : i32
      scf.if %cond3A_475 {
        %dma_wait3A_548 = arith.constant 0 : i32
        %dma_wait3A_549 = arith.constant 0 : i32
        %dma_wait3A_550 = tpu.memref_slice %arg9[%dma_wait3A_548, %dma_wait3A_549] : memref<2x2048xf32, #tpu.memory_space<vmem>> -> memref<1x2048xf32, #tpu.memory_space<vmem>>
        %dma_wait3A_551 = tpu.memref_squeeze %dma_wait3A_550 : memref<1x2048xf32, #tpu.memory_space<vmem>> -> memref<2048xf32, #tpu.memory_space<vmem>>
        %dma_wait3A_552 = arith.constant 0 : i32
        %dma_wait3A_553 = tpu.memref_slice %arg4[%add3A_179, %dma_wait3A_552] : memref<132x262144xf32, #tpu.memory_space<hbm>> -> memref<1x2048xf32, #tpu.memory_space<hbm>>
        %dma_wait3A_554 = tpu.memref_squeeze %dma_wait3A_553 : memref<1x2048xf32, #tpu.memory_space<hbm>> -> memref<2048xf32, #tpu.memory_space<hbm>>
        %dma_wait3A_555 = arith.constant 0 : i32
        %dma_wait3A_556 = tpu.memref_slice %arg4[%add3A_179, %dma_wait3A_555] : memref<132x262144xf32, #tpu.memory_space<hbm>> -> memref<1x2048xf32, #tpu.memory_space<hbm>>
        %dma_wait3A_557 = tpu.memref_squeeze %dma_wait3A_556 : memref<1x2048xf32, #tpu.memory_space<hbm>> -> memref<2048xf32, #tpu.memory_space<hbm>>
        %dma_wait3A_558 = arith.constant 0 : i32
        %dma_wait3A_559 = tpu.memref_slice %arg9[%dma_wait3A_548, %dma_wait3A_558] : memref<2x2048xf32, #tpu.memory_space<vmem>> -> memref<1x2048xf32, #tpu.memory_space<vmem>>
        %dma_wait3A_560 = tpu.memref_squeeze %dma_wait3A_559 : memref<1x2048xf32, #tpu.memory_space<vmem>> -> memref<2048xf32, #tpu.memory_space<vmem>>
        tpu.wait_dma2 semaphore(%arg15 : memref<!tpu.dma_semaphore, #tpu.memory_space<semaphore_mem>>) src(%dma_wait3A_560 : memref<2048xf32, #tpu.memory_space<vmem>>) dst(%dma_wait3A_557 : memref<2048xf32, #tpu.memory_space<hbm>>)
      } else {
      }
      %scan3A_476 = arith.constant 0 : i32
      %scan3A_477 = arith.constant 0 : i32
      %scan3A_478 = arith.constant 16 : i32
      %scan3A_479 = arith.addi %scan3A_477, %scan3A_478 : i32
      %scan3A_480 = arith.constant 1 : i32
      scf.for %scan3A_548 = %scan3A_477 to %scan3A_479 step %scan3A_480  : i32 {
        %mul3A_549 = arith.constant 8 : i32
        %mul3A_550 = arith.muli %scan3A_548, %mul3A_549 : i32
        %add3A_551 = arith.constant 0 : i32
        %add3A_552 = arith.addi %mul3A_550, %add3A_551 : i32
        %mul3A_553 = arith.constant 16 : i32
        %mul3A_554 = arith.muli %add3A_552, %mul3A_553 : i32
        %get3A = arith.constant 0 : i32
        %get3A_555 = arith.index_cast %get3A : i32 to index
        %get3A_556 = arith.index_cast %mul3A_554 : i32 to index
        %get3A_557 = tpu.vector_load %arg8[%get3A_555, %get3A_556] {strides = array<i32>} : memref<2x2048xi32, #tpu.memory_space<vmem>>, vector<16xi32>,
        %gather3A = tpu.vector_load_idx %arg5[%get3A_557] : memref<100016xf32, #tpu.memory_space<vmem>>[vector<16xi32>], vector<16xf32>,
        %mul3A_558 = arith.constant 16 : i32
        %mul3A_559 = arith.muli %add3A_552, %mul3A_558 : i32
        %swap3A_560 = arith.constant 0 : i32
        %swap3A_561 = arith.index_cast %swap3A_560 : i32 to index
        %swap3A_562 = arith.index_cast %mul3A_559 : i32 to index
        %swap3A_563 = tpu.vector_load %arg9[%swap3A_561, %swap3A_562] {strides = array<i32>} : memref<2x2048xf32, #tpu.memory_space<vmem>>, vector<16xf32>,
        tpu.vector_store %arg9[%swap3A_561, %swap3A_562], %gather3A {strides = array<i32>} : memref<2x2048xf32, #tpu.memory_space<vmem>>, vector<16xf32>,
        %mul3A_564 = arith.constant 8 : i32
        %mul3A_565 = arith.muli %scan3A_548, %mul3A_564 : i32
        %add3A_566 = arith.constant 1 : i32
        %add3A_567 = arith.addi %mul3A_565, %add3A_566 : i32
        %mul3A_568 = arith.constant 16 : i32
        %mul3A_569 = arith.muli %add3A_567, %mul3A_568 : i32
        %get3A_570 = arith.constant 0 : i32
        %get3A_571 = arith.index_cast %get3A_570 : i32 to index
        %get3A_572 = arith.index_cast %mul3A_569 : i32 to index
        %get3A_573 = tpu.vector_load %arg8[%get3A_571, %get3A_572] {strides = array<i32>} : memref<2x2048xi32, #tpu.memory_space<vmem>>, vector<16xi32>,
        %gather3A_574 = tpu.vector_load_idx %arg5[%get3A_573] : memref<100016xf32, #tpu.memory_space<vmem>>[vector<16xi32>], vector<16xf32>,
        %mul3A_575 = arith.constant 16 : i32
        %mul3A_576 = arith.muli %add3A_567, %mul3A_575 : i32
        %swap3A_577 = arith.constant 0 : i32
        %swap3A_578 = arith.index_cast %swap3A_577 : i32 to index
        %swap3A_579 = arith.index_cast %mul3A_576 : i32 to index
        %swap3A_580 = tpu.vector_load %arg9[%swap3A_578, %swap3A_579] {strides = array<i32>} : memref<2x2048xf32, #tpu.memory_space<vmem>>, vector<16xf32>,
        tpu.vector_store %arg9[%swap3A_578, %swap3A_579], %gather3A_574 {strides = array<i32>} : memref<2x2048xf32, #tpu.memory_space<vmem>>, vector<16xf32>,
        %mul3A_581 = arith.constant 8 : i32
        %mul3A_582 = arith.muli %scan3A_548, %mul3A_581 : i32
        %add3A_583 = arith.constant 2 : i32
        %add3A_584 = arith.addi %mul3A_582, %add3A_583 : i32
        %mul3A_585 = arith.constant 16 : i32
        %mul3A_586 = arith.muli %add3A_584, %mul3A_585 : i32
        %get3A_587 = arith.constant 0 : i32
        %get3A_588 = arith.index_cast %get3A_587 : i32 to index
        %get3A_589 = arith.index_cast %mul3A_586 : i32 to index
        %get3A_590 = tpu.vector_load %arg8[%get3A_588, %get3A_589] {strides = array<i32>} : memref<2x2048xi32, #tpu.memory_space<vmem>>, vector<16xi32>,
        %gather3A_591 = tpu.vector_load_idx %arg5[%get3A_590] : memref<100016xf32, #tpu.memory_space<vmem>>[vector<16xi32>], vector<16xf32>,
        %mul3A_592 = arith.constant 16 : i32
        %mul3A_593 = arith.muli %add3A_584, %mul3A_592 : i32
        %swap3A_594 = arith.constant 0 : i32
        %swap3A_595 = arith.index_cast %swap3A_594 : i32 to index
        %swap3A_596 = arith.index_cast %mul3A_593 : i32 to index
        %swap3A_597 = tpu.vector_load %arg9[%swap3A_595, %swap3A_596] {strides = array<i32>} : memref<2x2048xf32, #tpu.memory_space<vmem>>, vector<16xf32>,
        tpu.vector_store %arg9[%swap3A_595, %swap3A_596], %gather3A_591 {strides = array<i32>} : memref<2x2048xf32, #tpu.memory_space<vmem>>, vector<16xf32>,
        %mul3A_598 = arith.constant 8 : i32
        %mul3A_599 = arith.muli %scan3A_548, %mul3A_598 : i32
        %add3A_600 = arith.constant 3 : i32
        %add3A_601 = arith.addi %mul3A_599, %add3A_600 : i32
        %mul3A_602 = arith.constant 16 : i32
        %mul3A_603 = arith.muli %add3A_601, %mul3A_602 : i32
        %get3A_604 = arith.constant 0 : i32
        %get3A_605 = arith.index_cast %get3A_604 : i32 to index
        %get3A_606 = arith.index_cast %mul3A_603 : i32 to index
        %get3A_607 = tpu.vector_load %arg8[%get3A_605, %get3A_606] {strides = array<i32>} : memref<2x2048xi32, #tpu.memory_space<vmem>>, vector<16xi32>,
        %gather3A_608 = tpu.vector_load_idx %arg5[%get3A_607] : memref<100016xf32, #tpu.memory_space<vmem>>[vector<16xi32>], vector<16xf32>,
        %mul3A_609 = arith.constant 16 : i32
        %mul3A_610 = arith.muli %add3A_601, %mul3A_609 : i32
        %swap3A_611 = arith.constant 0 : i32
        %swap3A_612 = arith.index_cast %swap3A_611 : i32 to index
        %swap3A_613 = arith.index_cast %mul3A_610 : i32 to index
        %swap3A_614 = tpu.vector_load %arg9[%swap3A_612, %swap3A_613] {strides = array<i32>} : memref<2x2048xf32, #tpu.memory_space<vmem>>, vector<16xf32>,
        tpu.vector_store %arg9[%swap3A_612, %swap3A_613], %gather3A_608 {strides = array<i32>} : memref<2x2048xf32, #tpu.memory_space<vmem>>, vector<16xf32>,
        %mul3A_615 = arith.constant 8 : i32
        %mul3A_616 = arith.muli %scan3A_548, %mul3A_615 : i32
        %add3A_617 = arith.constant 4 : i32
        %add3A_618 = arith.addi %mul3A_616, %add3A_617 : i32
        %mul3A_619 = arith.constant 16 : i32
        %mul3A_620 = arith.muli %add3A_618, %mul3A_619 : i32
        %get3A_621 = arith.constant 0 : i32
        %get3A_622 = arith.index_cast %get3A_621 : i32 to index
        %get3A_623 = arith.index_cast %mul3A_620 : i32 to index
        %get3A_624 = tpu.vector_load %arg8[%get3A_622, %get3A_623] {strides = array<i32>} : memref<2x2048xi32, #tpu.memory_space<vmem>>, vector<16xi32>,
        %gather3A_625 = tpu.vector_load_idx %arg5[%get3A_624] : memref<100016xf32, #tpu.memory_space<vmem>>[vector<16xi32>], vector<16xf32>,
        %mul3A_626 = arith.constant 16 : i32
        %mul3A_627 = arith.muli %add3A_618, %mul3A_626 : i32
        %swap3A_628 = arith.constant 0 : i32
        %swap3A_629 = arith.index_cast %swap3A_628 : i32 to index
        %swap3A_630 = arith.index_cast %mul3A_627 : i32 to index
        %swap3A_631 = tpu.vector_load %arg9[%swap3A_629, %swap3A_630] {strides = array<i32>} : memref<2x2048xf32, #tpu.memory_space<vmem>>, vector<16xf32>,
        tpu.vector_store %arg9[%swap3A_629, %swap3A_630], %gather3A_625 {strides = array<i32>} : memref<2x2048xf32, #tpu.memory_space<vmem>>, vector<16xf32>,
        %mul3A_632 = arith.constant 8 : i32
        %mul3A_633 = arith.muli %scan3A_548, %mul3A_632 : i32
        %add3A_634 = arith.constant 5 : i32
        %add3A_635 = arith.addi %mul3A_633, %add3A_634 : i32
        %mul3A_636 = arith.constant 16 : i32
        %mul3A_637 = arith.muli %add3A_635, %mul3A_636 : i32
        %get3A_638 = arith.constant 0 : i32
        %get3A_639 = arith.index_cast %get3A_638 : i32 to index
        %get3A_640 = arith.index_cast %mul3A_637 : i32 to index
        %get3A_641 = tpu.vector_load %arg8[%get3A_639, %get3A_640] {strides = array<i32>} : memref<2x2048xi32, #tpu.memory_space<vmem>>, vector<16xi32>,
        %gather3A_642 = tpu.vector_load_idx %arg5[%get3A_641] : memref<100016xf32, #tpu.memory_space<vmem>>[vector<16xi32>], vector<16xf32>,
        %mul3A_643 = arith.constant 16 : i32
        %mul3A_644 = arith.muli %add3A_635, %mul3A_643 : i32
        %swap3A_645 = arith.constant 0 : i32
        %swap3A_646 = arith.index_cast %swap3A_645 : i32 to index
        %swap3A_647 = arith.index_cast %mul3A_644 : i32 to index
        %swap3A_648 = tpu.vector_load %arg9[%swap3A_646, %swap3A_647] {strides = array<i32>} : memref<2x2048xf32, #tpu.memory_space<vmem>>, vector<16xf32>,
        tpu.vector_store %arg9[%swap3A_646, %swap3A_647], %gather3A_642 {strides = array<i32>} : memref<2x2048xf32, #tpu.memory_space<vmem>>, vector<16xf32>,
        %mul3A_649 = arith.constant 8 : i32
        %mul3A_650 = arith.muli %scan3A_548, %mul3A_649 : i32
        %add3A_651 = arith.constant 6 : i32
        %add3A_652 = arith.addi %mul3A_650, %add3A_651 : i32
        %mul3A_653 = arith.constant 16 : i32
        %mul3A_654 = arith.muli %add3A_652, %mul3A_653 : i32
        %get3A_655 = arith.constant 0 : i32
        %get3A_656 = arith.index_cast %get3A_655 : i32 to index
        %get3A_657 = arith.index_cast %mul3A_654 : i32 to index
        %get3A_658 = tpu.vector_load %arg8[%get3A_656, %get3A_657] {strides = array<i32>} : memref<2x2048xi32, #tpu.memory_space<vmem>>, vector<16xi32>,
        %gather3A_659 = tpu.vector_load_idx %arg5[%get3A_658] : memref<100016xf32, #tpu.memory_space<vmem>>[vector<16xi32>], vector<16xf32>,
        %mul3A_660 = arith.constant 16 : i32
        %mul3A_661 = arith.muli %add3A_652, %mul3A_660 : i32
        %swap3A_662 = arith.constant 0 : i32
        %swap3A_663 = arith.index_cast %swap3A_662 : i32 to index
        %swap3A_664 = arith.index_cast %mul3A_661 : i32 to index
        %swap3A_665 = tpu.vector_load %arg9[%swap3A_663, %swap3A_664] {strides = array<i32>} : memref<2x2048xf32, #tpu.memory_space<vmem>>, vector<16xf32>,
        tpu.vector_store %arg9[%swap3A_663, %swap3A_664], %gather3A_659 {strides = array<i32>} : memref<2x2048xf32, #tpu.memory_space<vmem>>, vector<16xf32>,
        %mul3A_666 = arith.constant 8 : i32
        %mul3A_667 = arith.muli %scan3A_548, %mul3A_666 : i32
        %add3A_668 = arith.constant 7 : i32
        %add3A_669 = arith.addi %mul3A_667, %add3A_668 : i32
        %mul3A_670 = arith.constant 16 : i32
        %mul3A_671 = arith.muli %add3A_669, %mul3A_670 : i32
        %get3A_672 = arith.constant 0 : i32
        %get3A_673 = arith.index_cast %get3A_672 : i32 to index
        %get3A_674 = arith.index_cast %mul3A_671 : i32 to index
        %get3A_675 = tpu.vector_load %arg8[%get3A_673, %get3A_674] {strides = array<i32>} : memref<2x2048xi32, #tpu.memory_space<vmem>>, vector<16xi32>,
        %gather3A_676 = tpu.vector_load_idx %arg5[%get3A_675] : memref<100016xf32, #tpu.memory_space<vmem>>[vector<16xi32>], vector<16xf32>,
        %mul3A_677 = arith.constant 16 : i32
        %mul3A_678 = arith.muli %add3A_669, %mul3A_677 : i32
        %swap3A_679 = arith.constant 0 : i32
        %swap3A_680 = arith.index_cast %swap3A_679 : i32 to index
        %swap3A_681 = arith.index_cast %mul3A_678 : i32 to index
        %swap3A_682 = tpu.vector_load %arg9[%swap3A_680, %swap3A_681] {strides = array<i32>} : memref<2x2048xf32, #tpu.memory_space<vmem>>, vector<16xf32>,
        tpu.vector_store %arg9[%swap3A_680, %swap3A_681], %gather3A_676 {strides = array<i32>} : memref<2x2048xf32, #tpu.memory_space<vmem>>, vector<16xf32>,
      }
      %scan3A_481 = arith.constant 16 : i32
      %add3A_482 = arith.constant 2 : i32
      %add3A_483 = arith.addi %add3A_462, %add3A_482 : i32
      %lt3A_484 = arith.constant 128 : i32
      %lt3A_485 = arith.cmpi slt, %add3A_483, %lt3A_484 : i32
      %convert_element_type3A_486 = arith.extui %lt3A_485 : i1 to i32
      %cond3A_487 = arith.constant 0 : i32
      %cond3A_488 = arith.cmpi ne, %convert_element_type3A_486, %cond3A_487 : i32
      scf.if %cond3A_488 {
        %add3A_548 = arith.constant 2 : i32
        %add3A_549 = arith.addi %add3A_462, %add3A_548 : i32
        %mul3A_550 = arith.constant 2048 : i32
        %mul3A_551 = arith.muli %add3A_549, %mul3A_550 : i32
        %dma_start3A_552 = arith.constant 0 : i32
        %dma_start3A_553 = arith.constant 0 : i32
        %dma_start3A_554 = tpu.memref_slice %arg8[%dma_start3A_552, %dma_start3A_553] : memref<2x2048xi32, #tpu.memory_space<vmem>> -> memref<1x2048xi32, #tpu.memory_space<vmem>>
        %dma_start3A_555 = tpu.memref_squeeze %dma_start3A_554 : memref<1x2048xi32, #tpu.memory_space<vmem>> -> memref<2048xi32, #tpu.memory_space<vmem>>
        %dma_start3A_556 = tpu.memref_slice %arg10[%mul3A_551] : memref<262144xi32, #tpu.memory_space<vmem_shared>> -> memref<2048xi32, #tpu.memory_space<vmem_shared>>
        %dma_start3A_557 = arith.constant 0 : i32
        %dma_start3A_558 = tpu.memref_slice %arg8[%dma_start3A_552, %dma_start3A_557] : memref<2x2048xi32, #tpu.memory_space<vmem>> -> memref<1x2048xi32, #tpu.memory_space<vmem>>
        %dma_start3A_559 = tpu.memref_squeeze %dma_start3A_558 : memref<1x2048xi32, #tpu.memory_space<vmem>> -> memref<2048xi32, #tpu.memory_space<vmem>>
        %dma_start3A_560 = tpu.memref_slice %arg10[%mul3A_551] : memref<262144xi32, #tpu.memory_space<vmem_shared>> -> memref<2048xi32, #tpu.memory_space<vmem_shared>>
        tpu.enqueue_dma source(%dma_start3A_560 : memref<2048xi32, #tpu.memory_space<vmem_shared>>) target(%dma_start3A_559 : memref<2048xi32, #tpu.memory_space<vmem>>) target_semaphore(%arg13 : memref<!tpu.dma_semaphore, #tpu.memory_space<semaphore_mem>>)
      } else {
      }
      %mul3A_489 = arith.constant 2048 : i32
      %mul3A_490 = arith.muli %add3A_462, %mul3A_489 : i32
      %dma_start3A_491 = arith.constant 0 : i32
      %dma_start3A_492 = arith.constant 0 : i32
      %dma_start3A_493 = tpu.memref_slice %arg9[%dma_start3A_491, %dma_start3A_492] : memref<2x2048xf32, #tpu.memory_space<vmem>> -> memref<1x2048xf32, #tpu.memory_space<vmem>>
      %dma_start3A_494 = tpu.memref_squeeze %dma_start3A_493 : memref<1x2048xf32, #tpu.memory_space<vmem>> -> memref<2048xf32, #tpu.memory_space<vmem>>
      %dma_start3A_495 = tpu.memref_slice %arg4[%add3A_179, %mul3A_490] : memref<132x262144xf32, #tpu.memory_space<hbm>> -> memref<1x2048xf32, #tpu.memory_space<hbm>>
      %dma_start3A_496 = tpu.memref_squeeze %dma_start3A_495 : memref<1x2048xf32, #tpu.memory_space<hbm>> -> memref<2048xf32, #tpu.memory_space<hbm>>
      %dma_start3A_497 = tpu.memref_slice %arg4[%add3A_179, %mul3A_490] : memref<132x262144xf32, #tpu.memory_space<hbm>> -> memref<1x2048xf32, #tpu.memory_space<hbm>>
      %dma_start3A_498 = tpu.memref_squeeze %dma_start3A_497 : memref<1x2048xf32, #tpu.memory_space<hbm>> -> memref<2048xf32, #tpu.memory_space<hbm>>
      %dma_start3A_499 = arith.constant 0 : i32
      %dma_start3A_500 = tpu.memref_slice %arg9[%dma_start3A_491, %dma_start3A_499] : memref<2x2048xf32, #tpu.memory_space<vmem>> -> memref<1x2048xf32, #tpu.memory_space<vmem>>
      %dma_start3A_501 = tpu.memref_squeeze %dma_start3A_500 : memref<1x2048xf32, #tpu.memory_space<vmem>> -> memref<2048xf32, #tpu.memory_space<vmem>>
      tpu.enqueue_dma source(%dma_start3A_501 : memref<2048xf32, #tpu.memory_space<vmem>>) target(%dma_start3A_498 : memref<2048xf32, #tpu.memory_space<hbm>>) target_semaphore(%arg15 : memref<!tpu.dma_semaphore, #tpu.memory_space<semaphore_mem>>)
      %mul3A_502 = arith.constant 2 : i32
      %mul3A_503 = arith.muli %scan3A_458, %mul3A_502 : i32
      %add3A_504 = arith.constant 1 : i32
      %add3A_505 = arith.addi %mul3A_503, %add3A_504 : i32
      %mul3A_506 = arith.constant 2048 : i32
      %mul3A_507 = arith.muli %add3A_505, %mul3A_506 : i32
      %dma_wait3A_508 = arith.constant 1 : i32
      %dma_wait3A_509 = arith.constant 0 : i32
      %dma_wait3A_510 = tpu.memref_slice %arg8[%dma_wait3A_508, %dma_wait3A_509] : memref<2x2048xi32, #tpu.memory_space<vmem>> -> memref<1x2048xi32, #tpu.memory_space<vmem>>
      %dma_wait3A_511 = tpu.memref_squeeze %dma_wait3A_510 : memref<1x2048xi32, #tpu.memory_space<vmem>> -> memref<2048xi32, #tpu.memory_space<vmem>>
      %dma_wait3A_512 = tpu.memref_slice %arg10[%mul3A_507] : memref<262144xi32, #tpu.memory_space<vmem_shared>> -> memref<2048xi32, #tpu.memory_space<vmem_shared>>
      %dma_wait3A_513 = arith.constant 0 : i32
      %dma_wait3A_514 = tpu.memref_slice %arg8[%dma_wait3A_508, %dma_wait3A_513] : memref<2x2048xi32, #tpu.memory_space<vmem>> -> memref<1x2048xi32, #tpu.memory_space<vmem>>
      %dma_wait3A_515 = tpu.memref_squeeze %dma_wait3A_514 : memref<1x2048xi32, #tpu.memory_space<vmem>> -> memref<2048xi32, #tpu.memory_space<vmem>>
      %dma_wait3A_516 = tpu.memref_slice %arg10[%mul3A_507] : memref<262144xi32, #tpu.memory_space<vmem_shared>> -> memref<2048xi32, #tpu.memory_space<vmem_shared>>
      tpu.wait_dma2 semaphore(%arg14 : memref<!tpu.dma_semaphore, #tpu.memory_space<semaphore_mem>>) src(%dma_wait3A_516 : memref<2048xi32, #tpu.memory_space<vmem_shared>>) dst(%dma_wait3A_515 : memref<2048xi32, #tpu.memory_space<vmem>>)
      %gt3A_517 = arith.constant 0 : i32
      %gt3A_518 = arith.cmpi sgt, %scan3A_458, %gt3A_517 : i32
      %convert_element_type3A_519 = arith.extui %gt3A_518 : i1 to i32
      %cond3A_520 = arith.constant 0 : i32
      %cond3A_521 = arith.cmpi ne, %convert_element_type3A_519, %cond3A_520 : i32
      scf.if %cond3A_521 {
        %dma_wait3A_548 = arith.constant 1 : i32
        %dma_wait3A_549 = arith.constant 0 : i32
        %dma_wait3A_550 = tpu.memref_slice %arg9[%dma_wait3A_548, %dma_wait3A_549] : memref<2x2048xf32, #tpu.memory_space<vmem>> -> memref<1x2048xf32, #tpu.memory_space<vmem>>
        %dma_wait3A_551 = tpu.memref_squeeze %dma_wait3A_550 : memref<1x2048xf32, #tpu.memory_space<vmem>> -> memref<2048xf32, #tpu.memory_space<vmem>>
        %dma_wait3A_552 = arith.constant 0 : i32
        %dma_wait3A_553 = tpu.memref_slice %arg4[%add3A_179, %dma_wait3A_552] : memref<132x262144xf32, #tpu.memory_space<hbm>> -> memref<1x2048xf32, #tpu.memory_space<hbm>>
        %dma_wait3A_554 = tpu.memref_squeeze %dma_wait3A_553 : memref<1x2048xf32, #tpu.memory_space<hbm>> -> memref<2048xf32, #tpu.memory_space<hbm>>
        %dma_wait3A_555 = arith.constant 0 : i32
        %dma_wait3A_556 = tpu.memref_slice %arg4[%add3A_179, %dma_wait3A_555] : memref<132x262144xf32, #tpu.memory_space<hbm>> -> memref<1x2048xf32, #tpu.memory_space<hbm>>
        %dma_wait3A_557 = tpu.memref_squeeze %dma_wait3A_556 : memref<1x2048xf32, #tpu.memory_space<hbm>> -> memref<2048xf32, #tpu.memory_space<hbm>>
        %dma_wait3A_558 = arith.constant 0 : i32
        %dma_wait3A_559 = tpu.memref_slice %arg9[%dma_wait3A_548, %dma_wait3A_558] : memref<2x2048xf32, #tpu.memory_space<vmem>> -> memref<1x2048xf32, #tpu.memory_space<vmem>>
        %dma_wait3A_560 = tpu.memref_squeeze %dma_wait3A_559 : memref<1x2048xf32, #tpu.memory_space<vmem>> -> memref<2048xf32, #tpu.memory_space<vmem>>
        tpu.wait_dma2 semaphore(%arg16 : memref<!tpu.dma_semaphore, #tpu.memory_space<semaphore_mem>>) src(%dma_wait3A_560 : memref<2048xf32, #tpu.memory_space<vmem>>) dst(%dma_wait3A_557 : memref<2048xf32, #tpu.memory_space<hbm>>)
      } else {
      }
      %scan3A_522 = arith.constant 0 : i32
      %scan3A_523 = arith.constant 0 : i32
      %scan3A_524 = arith.constant 16 : i32
      %scan3A_525 = arith.addi %scan3A_523, %scan3A_524 : i32
      %scan3A_526 = arith.constant 1 : i32
      scf.for %scan3A_548 = %scan3A_523 to %scan3A_525 step %scan3A_526  : i32 {
        %mul3A_549 = arith.constant 8 : i32
        %mul3A_550 = arith.muli %scan3A_548, %mul3A_549 : i32
        %add3A_551 = arith.constant 0 : i32
        %add3A_552 = arith.addi %mul3A_550, %add3A_551 : i32
        %mul3A_553 = arith.constant 16 : i32
        %mul3A_554 = arith.muli %add3A_552, %mul3A_553 : i32
        %get3A = arith.constant 1 : i32
        %get3A_555 = arith.index_cast %get3A : i32 to index
        %get3A_556 = arith.index_cast %mul3A_554 : i32 to index
        %get3A_557 = tpu.vector_load %arg8[%get3A_555, %get3A_556] {strides = array<i32>} : memref<2x2048xi32, #tpu.memory_space<vmem>>, vector<16xi32>,
        %gather3A = tpu.vector_load_idx %arg5[%get3A_557] : memref<100016xf32, #tpu.memory_space<vmem>>[vector<16xi32>], vector<16xf32>,
        %mul3A_558 = arith.constant 16 : i32
        %mul3A_559 = arith.muli %add3A_552, %mul3A_558 : i32
        %swap3A_560 = arith.constant 1 : i32
        %swap3A_561 = arith.index_cast %swap3A_560 : i32 to index
        %swap3A_562 = arith.index_cast %mul3A_559 : i32 to index
        %swap3A_563 = tpu.vector_load %arg9[%swap3A_561, %swap3A_562] {strides = array<i32>} : memref<2x2048xf32, #tpu.memory_space<vmem>>, vector<16xf32>,
        tpu.vector_store %arg9[%swap3A_561, %swap3A_562], %gather3A {strides = array<i32>} : memref<2x2048xf32, #tpu.memory_space<vmem>>, vector<16xf32>,
        %mul3A_564 = arith.constant 8 : i32
        %mul3A_565 = arith.muli %scan3A_548, %mul3A_564 : i32
        %add3A_566 = arith.constant 1 : i32
        %add3A_567 = arith.addi %mul3A_565, %add3A_566 : i32
        %mul3A_568 = arith.constant 16 : i32
        %mul3A_569 = arith.muli %add3A_567, %mul3A_568 : i32
        %get3A_570 = arith.constant 1 : i32
        %get3A_571 = arith.index_cast %get3A_570 : i32 to index
        %get3A_572 = arith.index_cast %mul3A_569 : i32 to index
        %get3A_573 = tpu.vector_load %arg8[%get3A_571, %get3A_572] {strides = array<i32>} : memref<2x2048xi32, #tpu.memory_space<vmem>>, vector<16xi32>,
        %gather3A_574 = tpu.vector_load_idx %arg5[%get3A_573] : memref<100016xf32, #tpu.memory_space<vmem>>[vector<16xi32>], vector<16xf32>,
        %mul3A_575 = arith.constant 16 : i32
        %mul3A_576 = arith.muli %add3A_567, %mul3A_575 : i32
        %swap3A_577 = arith.constant 1 : i32
        %swap3A_578 = arith.index_cast %swap3A_577 : i32 to index
        %swap3A_579 = arith.index_cast %mul3A_576 : i32 to index
        %swap3A_580 = tpu.vector_load %arg9[%swap3A_578, %swap3A_579] {strides = array<i32>} : memref<2x2048xf32, #tpu.memory_space<vmem>>, vector<16xf32>,
        tpu.vector_store %arg9[%swap3A_578, %swap3A_579], %gather3A_574 {strides = array<i32>} : memref<2x2048xf32, #tpu.memory_space<vmem>>, vector<16xf32>,
        %mul3A_581 = arith.constant 8 : i32
        %mul3A_582 = arith.muli %scan3A_548, %mul3A_581 : i32
        %add3A_583 = arith.constant 2 : i32
        %add3A_584 = arith.addi %mul3A_582, %add3A_583 : i32
        %mul3A_585 = arith.constant 16 : i32
        %mul3A_586 = arith.muli %add3A_584, %mul3A_585 : i32
        %get3A_587 = arith.constant 1 : i32
        %get3A_588 = arith.index_cast %get3A_587 : i32 to index
        %get3A_589 = arith.index_cast %mul3A_586 : i32 to index
        %get3A_590 = tpu.vector_load %arg8[%get3A_588, %get3A_589] {strides = array<i32>} : memref<2x2048xi32, #tpu.memory_space<vmem>>, vector<16xi32>,
        %gather3A_591 = tpu.vector_load_idx %arg5[%get3A_590] : memref<100016xf32, #tpu.memory_space<vmem>>[vector<16xi32>], vector<16xf32>,
        %mul3A_592 = arith.constant 16 : i32
        %mul3A_593 = arith.muli %add3A_584, %mul3A_592 : i32
        %swap3A_594 = arith.constant 1 : i32
        %swap3A_595 = arith.index_cast %swap3A_594 : i32 to index
        %swap3A_596 = arith.index_cast %mul3A_593 : i32 to index
        %swap3A_597 = tpu.vector_load %arg9[%swap3A_595, %swap3A_596] {strides = array<i32>} : memref<2x2048xf32, #tpu.memory_space<vmem>>, vector<16xf32>,
        tpu.vector_store %arg9[%swap3A_595, %swap3A_596], %gather3A_591 {strides = array<i32>} : memref<2x2048xf32, #tpu.memory_space<vmem>>, vector<16xf32>,
        %mul3A_598 = arith.constant 8 : i32
        %mul3A_599 = arith.muli %scan3A_548, %mul3A_598 : i32
        %add3A_600 = arith.constant 3 : i32
        %add3A_601 = arith.addi %mul3A_599, %add3A_600 : i32
        %mul3A_602 = arith.constant 16 : i32
        %mul3A_603 = arith.muli %add3A_601, %mul3A_602 : i32
        %get3A_604 = arith.constant 1 : i32
        %get3A_605 = arith.index_cast %get3A_604 : i32 to index
        %get3A_606 = arith.index_cast %mul3A_603 : i32 to index
        %get3A_607 = tpu.vector_load %arg8[%get3A_605, %get3A_606] {strides = array<i32>} : memref<2x2048xi32, #tpu.memory_space<vmem>>, vector<16xi32>,
        %gather3A_608 = tpu.vector_load_idx %arg5[%get3A_607] : memref<100016xf32, #tpu.memory_space<vmem>>[vector<16xi32>], vector<16xf32>,
        %mul3A_609 = arith.constant 16 : i32
        %mul3A_610 = arith.muli %add3A_601, %mul3A_609 : i32
        %swap3A_611 = arith.constant 1 : i32
        %swap3A_612 = arith.index_cast %swap3A_611 : i32 to index
        %swap3A_613 = arith.index_cast %mul3A_610 : i32 to index
        %swap3A_614 = tpu.vector_load %arg9[%swap3A_612, %swap3A_613] {strides = array<i32>} : memref<2x2048xf32, #tpu.memory_space<vmem>>, vector<16xf32>,
        tpu.vector_store %arg9[%swap3A_612, %swap3A_613], %gather3A_608 {strides = array<i32>} : memref<2x2048xf32, #tpu.memory_space<vmem>>, vector<16xf32>,
        %mul3A_615 = arith.constant 8 : i32
        %mul3A_616 = arith.muli %scan3A_548, %mul3A_615 : i32
        %add3A_617 = arith.constant 4 : i32
        %add3A_618 = arith.addi %mul3A_616, %add3A_617 : i32
        %mul3A_619 = arith.constant 16 : i32
        %mul3A_620 = arith.muli %add3A_618, %mul3A_619 : i32
        %get3A_621 = arith.constant 1 : i32
        %get3A_622 = arith.index_cast %get3A_621 : i32 to index
        %get3A_623 = arith.index_cast %mul3A_620 : i32 to index
        %get3A_624 = tpu.vector_load %arg8[%get3A_622, %get3A_623] {strides = array<i32>} : memref<2x2048xi32, #tpu.memory_space<vmem>>, vector<16xi32>,
        %gather3A_625 = tpu.vector_load_idx %arg5[%get3A_624] : memref<100016xf32, #tpu.memory_space<vmem>>[vector<16xi32>], vector<16xf32>,
        %mul3A_626 = arith.constant 16 : i32
        %mul3A_627 = arith.muli %add3A_618, %mul3A_626 : i32
        %swap3A_628 = arith.constant 1 : i32
        %swap3A_629 = arith.index_cast %swap3A_628 : i32 to index
        %swap3A_630 = arith.index_cast %mul3A_627 : i32 to index
        %swap3A_631 = tpu.vector_load %arg9[%swap3A_629, %swap3A_630] {strides = array<i32>} : memref<2x2048xf32, #tpu.memory_space<vmem>>, vector<16xf32>,
        tpu.vector_store %arg9[%swap3A_629, %swap3A_630], %gather3A_625 {strides = array<i32>} : memref<2x2048xf32, #tpu.memory_space<vmem>>, vector<16xf32>,
        %mul3A_632 = arith.constant 8 : i32
        %mul3A_633 = arith.muli %scan3A_548, %mul3A_632 : i32
        %add3A_634 = arith.constant 5 : i32
        %add3A_635 = arith.addi %mul3A_633, %add3A_634 : i32
        %mul3A_636 = arith.constant 16 : i32
        %mul3A_637 = arith.muli %add3A_635, %mul3A_636 : i32
        %get3A_638 = arith.constant 1 : i32
        %get3A_639 = arith.index_cast %get3A_638 : i32 to index
        %get3A_640 = arith.index_cast %mul3A_637 : i32 to index
        %get3A_641 = tpu.vector_load %arg8[%get3A_639, %get3A_640] {strides = array<i32>} : memref<2x2048xi32, #tpu.memory_space<vmem>>, vector<16xi32>,
        %gather3A_642 = tpu.vector_load_idx %arg5[%get3A_641] : memref<100016xf32, #tpu.memory_space<vmem>>[vector<16xi32>], vector<16xf32>,
        %mul3A_643 = arith.constant 16 : i32
        %mul3A_644 = arith.muli %add3A_635, %mul3A_643 : i32
        %swap3A_645 = arith.constant 1 : i32
        %swap3A_646 = arith.index_cast %swap3A_645 : i32 to index
        %swap3A_647 = arith.index_cast %mul3A_644 : i32 to index
        %swap3A_648 = tpu.vector_load %arg9[%swap3A_646, %swap3A_647] {strides = array<i32>} : memref<2x2048xf32, #tpu.memory_space<vmem>>, vector<16xf32>,
        tpu.vector_store %arg9[%swap3A_646, %swap3A_647], %gather3A_642 {strides = array<i32>} : memref<2x2048xf32, #tpu.memory_space<vmem>>, vector<16xf32>,
        %mul3A_649 = arith.constant 8 : i32
        %mul3A_650 = arith.muli %scan3A_548, %mul3A_649 : i32
        %add3A_651 = arith.constant 6 : i32
        %add3A_652 = arith.addi %mul3A_650, %add3A_651 : i32
        %mul3A_653 = arith.constant 16 : i32
        %mul3A_654 = arith.muli %add3A_652, %mul3A_653 : i32
        %get3A_655 = arith.constant 1 : i32
        %get3A_656 = arith.index_cast %get3A_655 : i32 to index
        %get3A_657 = arith.index_cast %mul3A_654 : i32 to index
        %get3A_658 = tpu.vector_load %arg8[%get3A_656, %get3A_657] {strides = array<i32>} : memref<2x2048xi32, #tpu.memory_space<vmem>>, vector<16xi32>,
        %gather3A_659 = tpu.vector_load_idx %arg5[%get3A_658] : memref<100016xf32, #tpu.memory_space<vmem>>[vector<16xi32>], vector<16xf32>,
        %mul3A_660 = arith.constant 16 : i32
        %mul3A_661 = arith.muli %add3A_652, %mul3A_660 : i32
        %swap3A_662 = arith.constant 1 : i32
        %swap3A_663 = arith.index_cast %swap3A_662 : i32 to index
        %swap3A_664 = arith.index_cast %mul3A_661 : i32 to index
        %swap3A_665 = tpu.vector_load %arg9[%swap3A_663, %swap3A_664] {strides = array<i32>} : memref<2x2048xf32, #tpu.memory_space<vmem>>, vector<16xf32>,
        tpu.vector_store %arg9[%swap3A_663, %swap3A_664], %gather3A_659 {strides = array<i32>} : memref<2x2048xf32, #tpu.memory_space<vmem>>, vector<16xf32>,
        %mul3A_666 = arith.constant 8 : i32
        %mul3A_667 = arith.muli %scan3A_548, %mul3A_666 : i32
        %add3A_668 = arith.constant 7 : i32
        %add3A_669 = arith.addi %mul3A_667, %add3A_668 : i32
        %mul3A_670 = arith.constant 16 : i32
        %mul3A_671 = arith.muli %add3A_669, %mul3A_670 : i32
        %get3A_672 = arith.constant 1 : i32
        %get3A_673 = arith.index_cast %get3A_672 : i32 to index
        %get3A_674 = arith.index_cast %mul3A_671 : i32 to index
        %get3A_675 = tpu.vector_load %arg8[%get3A_673, %get3A_674] {strides = array<i32>} : memref<2x2048xi32, #tpu.memory_space<vmem>>, vector<16xi32>,
        %gather3A_676 = tpu.vector_load_idx %arg5[%get3A_675] : memref<100016xf32, #tpu.memory_space<vmem>>[vector<16xi32>], vector<16xf32>,
        %mul3A_677 = arith.constant 16 : i32
        %mul3A_678 = arith.muli %add3A_669, %mul3A_677 : i32
        %swap3A_679 = arith.constant 1 : i32
        %swap3A_680 = arith.index_cast %swap3A_679 : i32 to index
        %swap3A_681 = arith.index_cast %mul3A_678 : i32 to index
        %swap3A_682 = tpu.vector_load %arg9[%swap3A_680, %swap3A_681] {strides = array<i32>} : memref<2x2048xf32, #tpu.memory_space<vmem>>, vector<16xf32>,
        tpu.vector_store %arg9[%swap3A_680, %swap3A_681], %gather3A_676 {strides = array<i32>} : memref<2x2048xf32, #tpu.memory_space<vmem>>, vector<16xf32>,
      }
      %scan3A_527 = arith.constant 16 : i32
      %add3A_528 = arith.constant 2 : i32
      %add3A_529 = arith.addi %add3A_505, %add3A_528 : i32
      %lt3A_530 = arith.constant 128 : i32
      %lt3A_531 = arith.cmpi slt, %add3A_529, %lt3A_530 : i32
      %convert_element_type3A_532 = arith.extui %lt3A_531 : i1 to i32
      %cond3A_533 = arith.constant 0 : i32
      %cond3A_534 = arith.cmpi ne, %convert_element_type3A_532, %cond3A_533 : i32
      scf.if %cond3A_534 {
        %add3A_548 = arith.constant 2 : i32
        %add3A_549 = arith.addi %add3A_505, %add3A_548 : i32
        %mul3A_550 = arith.constant 2048 : i32
        %mul3A_551 = arith.muli %add3A_549, %mul3A_550 : i32
        %dma_start3A_552 = arith.constant 1 : i32
        %dma_start3A_553 = arith.constant 0 : i32
        %dma_start3A_554 = tpu.memref_slice %arg8[%dma_start3A_552, %dma_start3A_553] : memref<2x2048xi32, #tpu.memory_space<vmem>> -> memref<1x2048xi32, #tpu.memory_space<vmem>>
        %dma_start3A_555 = tpu.memref_squeeze %dma_start3A_554 : memref<1x2048xi32, #tpu.memory_space<vmem>> -> memref<2048xi32, #tpu.memory_space<vmem>>
        %dma_start3A_556 = tpu.memref_slice %arg10[%mul3A_551] : memref<262144xi32, #tpu.memory_space<vmem_shared>> -> memref<2048xi32, #tpu.memory_space<vmem_shared>>
        %dma_start3A_557 = arith.constant 0 : i32
        %dma_start3A_558 = tpu.memref_slice %arg8[%dma_start3A_552, %dma_start3A_557] : memref<2x2048xi32, #tpu.memory_space<vmem>> -> memref<1x2048xi32, #tpu.memory_space<vmem>>
        %dma_start3A_559 = tpu.memref_squeeze %dma_start3A_558 : memref<1x2048xi32, #tpu.memory_space<vmem>> -> memref<2048xi32, #tpu.memory_space<vmem>>
        %dma_start3A_560 = tpu.memref_slice %arg10[%mul3A_551] : memref<262144xi32, #tpu.memory_space<vmem_shared>> -> memref<2048xi32, #tpu.memory_space<vmem_shared>>
        tpu.enqueue_dma source(%dma_start3A_560 : memref<2048xi32, #tpu.memory_space<vmem_shared>>) target(%dma_start3A_559 : memref<2048xi32, #tpu.memory_space<vmem>>) target_semaphore(%arg14 : memref<!tpu.dma_semaphore, #tpu.memory_space<semaphore_mem>>)
      } else {
      }
      %mul3A_535 = arith.constant 2048 : i32
      %mul3A_536 = arith.muli %add3A_505, %mul3A_535 : i32
      %dma_start3A_537 = arith.constant 1 : i32
      %dma_start3A_538 = arith.constant 0 : i32
      %dma_start3A_539 = tpu.memref_slice %arg9[%dma_start3A_537, %dma_start3A_538] : memref<2x2048xf32, #tpu.memory_space<vmem>> -> memref<1x2048xf32, #tpu.memory_space<vmem>>
      %dma_start3A_540 = tpu.memref_squeeze %dma_start3A_539 : memref<1x2048xf32, #tpu.memory_space<vmem>> -> memref<2048xf32, #tpu.memory_space<vmem>>
      %dma_start3A_541 = tpu.memref_slice %arg4[%add3A_179, %mul3A_536] : memref<132x262144xf32, #tpu.memory_space<hbm>> -> memref<1x2048xf32, #tpu.memory_space<hbm>>
      %dma_start3A_542 = tpu.memref_squeeze %dma_start3A_541 : memref<1x2048xf32, #tpu.memory_space<hbm>> -> memref<2048xf32, #tpu.memory_space<hbm>>
      %dma_start3A_543 = tpu.memref_slice %arg4[%add3A_179, %mul3A_536] : memref<132x262144xf32, #tpu.memory_space<hbm>> -> memref<1x2048xf32, #tpu.memory_space<hbm>>
      %dma_start3A_544 = tpu.memref_squeeze %dma_start3A_543 : memref<1x2048xf32, #tpu.memory_space<hbm>> -> memref<2048xf32, #tpu.memory_space<hbm>>
      %dma_start3A_545 = arith.constant 0 : i32
      %dma_start3A_546 = tpu.memref_slice %arg9[%dma_start3A_537, %dma_start3A_545] : memref<2x2048xf32, #tpu.memory_space<vmem>> -> memref<1x2048xf32, #tpu.memory_space<vmem>>
      %dma_start3A_547 = tpu.memref_squeeze %dma_start3A_546 : memref<1x2048xf32, #tpu.memory_space<vmem>> -> memref<2048xf32, #tpu.memory_space<vmem>>
      tpu.enqueue_dma source(%dma_start3A_547 : memref<2048xf32, #tpu.memory_space<vmem>>) target(%dma_start3A_544 : memref<2048xf32, #tpu.memory_space<hbm>>) target_semaphore(%arg16 : memref<!tpu.dma_semaphore, #tpu.memory_space<semaphore_mem>>)
    }
    %scan3A_207 = arith.constant 64 : i32
    %dma_wait3A_208 = arith.constant 0 : i32
    %dma_wait3A_209 = arith.constant 0 : i32
    %dma_wait3A_210 = tpu.memref_slice %arg9[%dma_wait3A_208, %dma_wait3A_209] : memref<2x2048xf32, #tpu.memory_space<vmem>> -> memref<1x2048xf32, #tpu.memory_space<vmem>>
    %dma_wait3A_211 = tpu.memref_squeeze %dma_wait3A_210 : memref<1x2048xf32, #tpu.memory_space<vmem>> -> memref<2048xf32, #tpu.memory_space<vmem>>
    %dma_wait3A_212 = arith.constant 0 : i32
    %dma_wait3A_213 = tpu.memref_slice %arg4[%add3A_179, %dma_wait3A_212] : memref<132x262144xf32, #tpu.memory_space<hbm>> -> memref<1x2048xf32, #tpu.memory_space<hbm>>
    %dma_wait3A_214 = tpu.memref_squeeze %dma_wait3A_213 : memref<1x2048xf32, #tpu.memory_space<hbm>> -> memref<2048xf32, #tpu.memory_space<hbm>>
    %dma_wait3A_215 = arith.constant 0 : i32
    %dma_wait3A_216 = tpu.memref_slice %arg4[%add3A_179, %dma_wait3A_215] : memref<132x262144xf32, #tpu.memory_space<hbm>> -> memref<1x2048xf32, #tpu.memory_space<hbm>>
    %dma_wait3A_217 = tpu.memref_squeeze %dma_wait3A_216 : memref<1x2048xf32, #tpu.memory_space<hbm>> -> memref<2048xf32, #tpu.memory_space<hbm>>
    %dma_wait3A_218 = arith.constant 0 : i32
    %dma_wait3A_219 = tpu.memref_slice %arg9[%dma_wait3A_208, %dma_wait3A_218] : memref<2x2048xf32, #tpu.memory_space<vmem>> -> memref<1x2048xf32, #tpu.memory_space<vmem>>
    %dma_wait3A_220 = tpu.memref_squeeze %dma_wait3A_219 : memref<1x2048xf32, #tpu.memory_space<vmem>> -> memref<2048xf32, #tpu.memory_space<vmem>>
    tpu.wait_dma2 semaphore(%arg15 : memref<!tpu.dma_semaphore, #tpu.memory_space<semaphore_mem>>) src(%dma_wait3A_220 : memref<2048xf32, #tpu.memory_space<vmem>>) dst(%dma_wait3A_217 : memref<2048xf32, #tpu.memory_space<hbm>>)
    %dma_wait3A_221 = arith.constant 1 : i32
    %dma_wait3A_222 = arith.constant 0 : i32
    %dma_wait3A_223 = tpu.memref_slice %arg9[%dma_wait3A_221, %dma_wait3A_222] : memref<2x2048xf32, #tpu.memory_space<vmem>> -> memref<1x2048xf32, #tpu.memory_space<vmem>>
    %dma_wait3A_224 = tpu.memref_squeeze %dma_wait3A_223 : memref<1x2048xf32, #tpu.memory_space<vmem>> -> memref<2048xf32, #tpu.memory_space<vmem>>
    %dma_wait3A_225 = arith.constant 0 : i32
    %dma_wait3A_226 = tpu.memref_slice %arg4[%add3A_179, %dma_wait3A_225] : memref<132x262144xf32, #tpu.memory_space<hbm>> -> memref<1x2048xf32, #tpu.memory_space<hbm>>
    %dma_wait3A_227 = tpu.memref_squeeze %dma_wait3A_226 : memref<1x2048xf32, #tpu.memory_space<hbm>> -> memref<2048xf32, #tpu.memory_space<hbm>>
    %dma_wait3A_228 = arith.constant 0 : i32
    %dma_wait3A_229 = tpu.memref_slice %arg4[%add3A_179, %dma_wait3A_228] : memref<132x262144xf32, #tpu.memory_space<hbm>> -> memref<1x2048xf32, #tpu.memory_space<hbm>>
    %dma_wait3A_230 = tpu.memref_squeeze %dma_wait3A_229 : memref<1x2048xf32, #tpu.memory_space<hbm>> -> memref<2048xf32, #tpu.memory_space<hbm>>
    %dma_wait3A_231 = arith.constant 0 : i32
    %dma_wait3A_232 = tpu.memref_slice %arg9[%dma_wait3A_221, %dma_wait3A_231] : memref<2x2048xf32, #tpu.memory_space<vmem>> -> memref<1x2048xf32, #tpu.memory_space<vmem>>
    %dma_wait3A_233 = tpu.memref_squeeze %dma_wait3A_232 : memref<1x2048xf32, #tpu.memory_space<vmem>> -> memref<2048xf32, #tpu.memory_space<vmem>>
    tpu.wait_dma2 semaphore(%arg16 : memref<!tpu.dma_semaphore, #tpu.memory_space<semaphore_mem>>) src(%dma_wait3A_233 : memref<2048xf32, #tpu.memory_space<vmem>>) dst(%dma_wait3A_230 : memref<2048xf32, #tpu.memory_space<hbm>>)
    %barrier3A_234 = arith.constant 0 : index
    tpu.barrier barrier_id(%barrier3A_234)
    %mul3A_235 = arith.constant 16 : i32
    %mul3A_236 = arith.muli %arg1, %mul3A_235 : i32
    %mul3A_237 = arith.constant 33 : i32
    %mul3A_238 = arith.muli %add3A_10, %mul3A_237 : i32
    %add3A_239 = arith.constant 32 : i32
    %add3A_240 = arith.addi %mul3A_238, %add3A_239 : i32
    %mul3A_241 = arith.constant 512 : i32
    %mul3A_242 = arith.muli %add3A_10, %mul3A_241 : i32
    %jit3A_243 = arith.constant 4 : i32
    %div3A_244 = arith.divsi %mul3A_236, %jit3A_243 : i32
    %sign3A_245 = arith.constant 0 : i32
    %sign3A_246 = arith.cmpi sgt, %mul3A_236, %sign3A_245 : i32
    %sign3A_247 = arith.extui %sign3A_246 : i1 to i32
    %sign3A_248 = arith.constant 0 : i32
    %sign3A_249 = arith.cmpi slt, %mul3A_236, %sign3A_248 : i32
    %sign3A_250 = arith.extui %sign3A_249 : i1 to i32
    %sign3A_251 = arith.subi %sign3A_247, %sign3A_250 : i32
    %sign3A_252 = arith.constant 0 : i32
    %sign3A_253 = arith.cmpi sgt, %jit3A_243, %sign3A_252 : i32
    %sign3A_254 = arith.extui %sign3A_253 : i1 to i32
    %sign3A_255 = arith.constant 0 : i32
    %sign3A_256 = arith.cmpi slt, %jit3A_243, %sign3A_255 : i32
    %sign3A_257 = arith.extui %sign3A_256 : i1 to i32
    %sign3A_258 = arith.subi %sign3A_254, %sign3A_257 : i32
    %ne3A_259 = arith.cmpi ne, %sign3A_251, %sign3A_258 : i32
    %rem3A_260 = arith.remsi %mul3A_236, %jit3A_243 : i32
    %ne3A_261 = arith.constant 0 : i32
    %ne3A_262 = arith.cmpi ne, %rem3A_260, %ne3A_261 : i32
    %and3A_263 = arith.andi %ne3A_259, %ne3A_262 : i1
    %sub3A_264 = arith.constant 1 : i32
    %sub3A_265 = arith.subi %div3A_244, %sub3A_264 : i32
    %select_n3A_266 = arith.select %and3A_263, %sub3A_265, %div3A_244 : i32
    %mul3A_267 = arith.constant 8 : i32
    %mul3A_268 = arith.muli %select_n3A_266, %mul3A_267 : i32
    %add3A_269 = arith.addi %mul3A_242, %mul3A_268 : i32
    %jit3A_270 = arith.constant 4 : i32
    %eq3A_271 = arith.constant 0 : i32
    %eq3A_272 = arith.cmpi eq, %jit3A_270, %eq3A_271 : i32
    %jit3A_273 = arith.constant 1 : i32
    %select_n3A_274 = arith.select %eq3A_272, %jit3A_273, %jit3A_270 : i32
    %rem3A_275 = arith.remsi %mul3A_236, %select_n3A_274 : i32
    %ne3A_276 = arith.constant 0 : i32
    %ne3A_277 = arith.cmpi ne, %rem3A_275, %ne3A_276 : i32
    %lt3A_278 = arith.constant 0 : i32
    %lt3A_279 = arith.cmpi slt, %rem3A_275, %lt3A_278 : i32
    %lt3A_280 = arith.constant 0 : i32
    %lt3A_281 = arith.cmpi slt, %select_n3A_274, %lt3A_280 : i32
    %ne3A_282 = arith.xori %lt3A_279, %lt3A_281 : i1
    %and3A_283 = arith.andi %ne3A_282, %ne3A_277 : i1
    %add3A_284 = arith.addi %rem3A_275, %select_n3A_274 : i32
    %select_n3A_285 = arith.select %and3A_283, %add3A_284, %rem3A_275 : i32
    %dma_start3A_286 = arith.constant 0 : i32
    %dma_start3A_287 = arith.constant 0 : i32
    %dma_start3A_288 = tpu.memref_slice %arg2[%add3A_269, %select_n3A_285, %dma_start3A_286, %dma_start3A_287] : memref<2048x4x8x128xi32, #tpu.memory_space<hbm>> -> memref<8x1x1x128xi32, #tpu.memory_space<hbm>>
    %dma_start3A_289 = tpu.memref_squeeze %dma_start3A_288 : memref<8x1x1x128xi32, #tpu.memory_space<hbm>> -> memref<8x128xi32, #tpu.memory_space<hbm>>
    %dma_start3A_290 = arith.constant 0 : i32
    %dma_start3A_291 = tpu.memref_slice %arg2[%add3A_269, %select_n3A_285, %dma_start3A_286, %dma_start3A_290] : memref<2048x4x8x128xi32, #tpu.memory_space<hbm>> -> memref<8x1x1x128xi32, #tpu.memory_space<hbm>>
    %dma_start3A_292 = tpu.memref_squeeze %dma_start3A_291 : memref<8x1x1x128xi32, #tpu.memory_space<hbm>> -> memref<8x128xi32, #tpu.memory_space<hbm>>
    tpu.enqueue_dma source(%dma_start3A_292 : memref<8x128xi32, #tpu.memory_space<hbm>>) target(%arg6 : memref<8x128xi32, #tpu.memory_space<vmem>>) target_semaphore(%arg12 : memref<!tpu.dma_semaphore, #tpu.memory_space<semaphore_mem>>)
    %add3A_293 = arith.constant 16 : i32
    %add3A_294 = arith.addi %mul3A_236, %add3A_293 : i32
    %while3A_295 = arith.constant 0 : i32
    %while3A_296 = arith.subi %add3A_294, %mul3A_236 : i32
    %while3A_297 = arith.addi %mul3A_236, %while3A_296 : i32
    %while3A_298 = arith.constant 1 : i32
    %while3A_299 = arith.divsi %while3A_296, %while3A_298 : i32
    %while3A_300 = arith.muli %while3A_299, %while3A_298 : i32
    %while3A_301 = arith.addi %mul3A_236, %while3A_300 : i32
    %while3A_302 = arith.constant 1 : i32
    scf.for %while3A_458 = %mul3A_236 to %while3A_301 step %while3A_302  : i32 {
      %mul3A_459 = arith.constant 512 : i32
      %mul3A_460 = arith.muli %add3A_10, %mul3A_459 : i32
      %jit3A_461 = arith.constant 4 : i32
      %div3A_462 = arith.divsi %while3A_458, %jit3A_461 : i32
      %sign3A_463 = arith.constant 0 : i32
      %sign3A_464 = arith.cmpi sgt, %while3A_458, %sign3A_463 : i32
      %sign3A_465 = arith.extui %sign3A_464 : i1 to i32
      %sign3A_466 = arith.constant 0 : i32
      %sign3A_467 = arith.cmpi slt, %while3A_458, %sign3A_466 : i32
      %sign3A_468 = arith.extui %sign3A_467 : i1 to i32
      %sign3A_469 = arith.subi %sign3A_465, %sign3A_468 : i32
      %sign3A_470 = arith.constant 0 : i32
      %sign3A_471 = arith.cmpi sgt, %jit3A_461, %sign3A_470 : i32
      %sign3A_472 = arith.extui %sign3A_471 : i1 to i32
      %sign3A_473 = arith.constant 0 : i32
      %sign3A_474 = arith.cmpi slt, %jit3A_461, %sign3A_473 : i32
      %sign3A_475 = arith.extui %sign3A_474 : i1 to i32
      %sign3A_476 = arith.subi %sign3A_472, %sign3A_475 : i32
      %ne3A_477 = arith.cmpi ne, %sign3A_469, %sign3A_476 : i32
      %rem3A_478 = arith.remsi %while3A_458, %jit3A_461 : i32
      %ne3A_479 = arith.constant 0 : i32
      %ne3A_480 = arith.cmpi ne, %rem3A_478, %ne3A_479 : i32
      %and3A_481 = arith.andi %ne3A_477, %ne3A_480 : i1
      %sub3A_482 = arith.constant 1 : i32
      %sub3A_483 = arith.subi %div3A_462, %sub3A_482 : i32
      %select_n3A_484 = arith.select %and3A_481, %sub3A_483, %div3A_462 : i32
      %mul3A_485 = arith.constant 8 : i32
      %mul3A_486 = arith.muli %select_n3A_484, %mul3A_485 : i32
      %add3A_487 = arith.addi %mul3A_460, %mul3A_486 : i32
      %jit3A_488 = arith.constant 4 : i32
      %eq3A_489 = arith.constant 0 : i32
      %eq3A_490 = arith.cmpi eq, %jit3A_488, %eq3A_489 : i32
      %jit3A_491 = arith.constant 1 : i32
      %select_n3A_492 = arith.select %eq3A_490, %jit3A_491, %jit3A_488 : i32
      %rem3A_493 = arith.remsi %while3A_458, %select_n3A_492 : i32
      %ne3A_494 = arith.constant 0 : i32
      %ne3A_495 = arith.cmpi ne, %rem3A_493, %ne3A_494 : i32
      %lt3A_496 = arith.constant 0 : i32
      %lt3A_497 = arith.cmpi slt, %rem3A_493, %lt3A_496 : i32
      %lt3A_498 = arith.constant 0 : i32
      %lt3A_499 = arith.cmpi slt, %select_n3A_492, %lt3A_498 : i32
      %ne3A_500 = arith.xori %lt3A_497, %lt3A_499 : i1
      %and3A_501 = arith.andi %ne3A_500, %ne3A_495 : i1
      %add3A_502 = arith.addi %rem3A_493, %select_n3A_492 : i32
      %select_n3A_503 = arith.select %and3A_501, %add3A_502, %rem3A_493 : i32
      %dma_wait3A_504 = arith.constant 0 : i32
      %dma_wait3A_505 = arith.constant 0 : i32
      %dma_wait3A_506 = tpu.memref_slice %arg2[%add3A_487, %select_n3A_503, %dma_wait3A_504, %dma_wait3A_505] : memref<2048x4x8x128xi32, #tpu.memory_space<hbm>> -> memref<8x1x1x128xi32, #tpu.memory_space<hbm>>
      %dma_wait3A_507 = tpu.memref_squeeze %dma_wait3A_506 : memref<8x1x1x128xi32, #tpu.memory_space<hbm>> -> memref<8x128xi32, #tpu.memory_space<hbm>>
      %dma_wait3A_508 = arith.constant 0 : i32
      %dma_wait3A_509 = tpu.memref_slice %arg2[%add3A_487, %select_n3A_503, %dma_wait3A_504, %dma_wait3A_508] : memref<2048x4x8x128xi32, #tpu.memory_space<hbm>> -> memref<8x1x1x128xi32, #tpu.memory_space<hbm>>
      %dma_wait3A_510 = tpu.memref_squeeze %dma_wait3A_509 : memref<8x1x1x128xi32, #tpu.memory_space<hbm>> -> memref<8x128xi32, #tpu.memory_space<hbm>>
      tpu.wait_dma2 semaphore(%arg12 : memref<!tpu.dma_semaphore, #tpu.memory_space<semaphore_mem>>) src(%dma_wait3A_510 : memref<8x128xi32, #tpu.memory_space<hbm>>) dst(%arg6 : memref<8x128xi32, #tpu.memory_space<vmem>>)
      %gt3A = arith.cmpi sgt, %while3A_458, %mul3A_236 : i32
      %convert_element_type3A = arith.extui %gt3A : i1 to i32
      %cond3A = arith.constant 0 : i32
      %cond3A_511 = arith.cmpi ne, %convert_element_type3A, %cond3A : i32
      scf.if %cond3A_511 {
        %dma_wait3A_541 = arith.constant 0 : i32
        %dma_wait3A_542 = arith.constant 0 : i32
        %dma_wait3A_543 = tpu.memref_slice %arg9[%dma_wait3A_541, %dma_wait3A_542] : memref<2x2048xf32, #tpu.memory_space<vmem>> -> memref<1x1024xf32, #tpu.memory_space<vmem>>
        %dma_wait3A_544 = tpu.memref_squeeze %dma_wait3A_543 : memref<1x1024xf32, #tpu.memory_space<vmem>> -> memref<1024xf32, #tpu.memory_space<vmem>>
        %dma_wait3A_545 = arith.constant 0 : i32
        %dma_wait3A_546 = tpu.memref_slice %arg4[%add3A_240, %dma_wait3A_545] : memref<132x262144xf32, #tpu.memory_space<hbm>> -> memref<1x1024xf32, #tpu.memory_space<hbm>>
        %dma_wait3A_547 = tpu.memref_squeeze %dma_wait3A_546 : memref<1x1024xf32, #tpu.memory_space<hbm>> -> memref<1024xf32, #tpu.memory_space<hbm>>
        %dma_wait3A_548 = arith.constant 0 : i32
        %dma_wait3A_549 = tpu.memref_slice %arg4[%add3A_240, %dma_wait3A_548] : memref<132x262144xf32, #tpu.memory_space<hbm>> -> memref<1x1024xf32, #tpu.memory_space<hbm>>
        %dma_wait3A_550 = tpu.memref_squeeze %dma_wait3A_549 : memref<1x1024xf32, #tpu.memory_space<hbm>> -> memref<1024xf32, #tpu.memory_space<hbm>>
        %dma_wait3A_551 = arith.constant 0 : i32
        %dma_wait3A_552 = tpu.memref_slice %arg9[%dma_wait3A_541, %dma_wait3A_551] : memref<2x2048xf32, #tpu.memory_space<vmem>> -> memref<1x1024xf32, #tpu.memory_space<vmem>>
        %dma_wait3A_553 = tpu.memref_squeeze %dma_wait3A_552 : memref<1x1024xf32, #tpu.memory_space<vmem>> -> memref<1024xf32, #tpu.memory_space<vmem>>
        tpu.wait_dma2 semaphore(%arg15 : memref<!tpu.dma_semaphore, #tpu.memory_space<semaphore_mem>>) src(%dma_wait3A_553 : memref<1024xf32, #tpu.memory_space<vmem>>) dst(%dma_wait3A_550 : memref<1024xf32, #tpu.memory_space<hbm>>)
      } else {
      }
      %scan3A_512 = arith.constant 0 : i32
      %scan3A_513 = arith.constant 0 : i32
      %scan3A_514 = arith.constant 8 : i32
      %scan3A_515 = arith.addi %scan3A_513, %scan3A_514 : i32
      %scan3A_516 = arith.constant 1 : i32
      scf.for %scan3A_541 = %scan3A_513 to %scan3A_515 step %scan3A_516  : i32 {
        %mul3A_542 = arith.constant 8 : i32
        %mul3A_543 = arith.muli %scan3A_541, %mul3A_542 : i32
        %add3A_544 = arith.constant 0 : i32
        %add3A_545 = arith.addi %mul3A_543, %add3A_544 : i32
        %shift_right_arithmetic3A = arith.constant 3 : i32
        %shift_right_arithmetic3A_546 = arith.shrsi %add3A_545, %shift_right_arithmetic3A : i32
        %and3A_547 = arith.constant 7 : i32
        %and3A_548 = arith.andi %add3A_545, %and3A_547 : i32
        %mul3A_549 = arith.constant 16 : i32
        %mul3A_550 = arith.muli %and3A_548, %mul3A_549 : i32
        %get3A = arith.index_cast %shift_right_arithmetic3A_546 : i32 to index
        %get3A_551 = arith.index_cast %mul3A_550 : i32 to index
        %get3A_552 = tpu.vector_load %arg6[%get3A, %get3A_551] {strides = array<i32>} : memref<8x128xi32, #tpu.memory_space<vmem>>, vector<16xi32>,
        %ge3A = arith.constant 0 : i32
        %ge3A_553 = vector.broadcast %ge3A : i32 to vector<16xi32>
        %ge3A_554 = arith.cmpi sge, %get3A_552, %ge3A_553 : vector<16xi32>
        %min3A = arith.constant 99999 : i32
        %min3A_555 = vector.broadcast %min3A : i32 to vector<16xi32>
        %min3A_556 = arith.minsi %get3A_552, %min3A_555 : vector<16xi32>
        %jit3A_557 = arith.constant 100000 : i32
        %broadcast_in_dim3A_558 = vector.broadcast %jit3A_557 : i32 to vector<16xi32>
        %select_n3A_559 = arith.select %ge3A_554, %min3A_556, %broadcast_in_dim3A_558 : vector<16xi1>, vector<16xi32>
        %mul3A_560 = arith.constant 16 : i32
        %mul3A_561 = arith.muli %add3A_545, %mul3A_560 : i32
        %swap3A_562 = arith.index_cast %mul3A_561 : i32 to index
        %swap3A_563 = tpu.vector_load %arg7[%swap3A_562] {strides = array<i32>} : memref<1024xi32, #tpu.memory_space<vmem>>, vector<16xi32>,
        tpu.vector_store %arg7[%swap3A_562], %select_n3A_559 {strides = array<i32>} : memref<1024xi32, #tpu.memory_space<vmem>>, vector<16xi32>,
        %convert_element_type3A_564 = arith.extui %ge3A_554 : vector<16xi1> to vector<16xi32>
        %convert_element_type3A_565 = arith.sitofp %convert_element_type3A_564 : vector<16xi32> to vector<16xf32>
        %mul3A_566 = arith.constant 16 : i32
        %mul3A_567 = arith.muli %add3A_545, %mul3A_566 : i32
        %swap3A_568 = arith.constant 0 : i32
        %swap3A_569 = arith.index_cast %swap3A_568 : i32 to index
        %swap3A_570 = arith.index_cast %mul3A_567 : i32 to index
        %swap3A_571 = tpu.vector_load %arg9[%swap3A_569, %swap3A_570] {strides = array<i32>} : memref<2x2048xf32, #tpu.memory_space<vmem>>, vector<16xf32>,
        tpu.vector_store %arg9[%swap3A_569, %swap3A_570], %convert_element_type3A_565 {strides = array<i32>} : memref<2x2048xf32, #tpu.memory_space<vmem>>, vector<16xf32>,
        %mul3A_572 = arith.constant 8 : i32
        %mul3A_573 = arith.muli %scan3A_541, %mul3A_572 : i32
        %add3A_574 = arith.constant 1 : i32
        %add3A_575 = arith.addi %mul3A_573, %add3A_574 : i32
        %shift_right_arithmetic3A_576 = arith.constant 3 : i32
        %shift_right_arithmetic3A_577 = arith.shrsi %add3A_575, %shift_right_arithmetic3A_576 : i32
        %and3A_578 = arith.constant 7 : i32
        %and3A_579 = arith.andi %add3A_575, %and3A_578 : i32
        %mul3A_580 = arith.constant 16 : i32
        %mul3A_581 = arith.muli %and3A_579, %mul3A_580 : i32
        %get3A_582 = arith.index_cast %shift_right_arithmetic3A_577 : i32 to index
        %get3A_583 = arith.index_cast %mul3A_581 : i32 to index
        %get3A_584 = tpu.vector_load %arg6[%get3A_582, %get3A_583] {strides = array<i32>} : memref<8x128xi32, #tpu.memory_space<vmem>>, vector<16xi32>,
        %ge3A_585 = arith.constant 0 : i32
        %ge3A_586 = vector.broadcast %ge3A_585 : i32 to vector<16xi32>
        %ge3A_587 = arith.cmpi sge, %get3A_584, %ge3A_586 : vector<16xi32>
        %min3A_588 = arith.constant 99999 : i32
        %min3A_589 = vector.broadcast %min3A_588 : i32 to vector<16xi32>
        %min3A_590 = arith.minsi %get3A_584, %min3A_589 : vector<16xi32>
        %jit3A_591 = arith.constant 100000 : i32
        %broadcast_in_dim3A_592 = vector.broadcast %jit3A_591 : i32 to vector<16xi32>
        %select_n3A_593 = arith.select %ge3A_587, %min3A_590, %broadcast_in_dim3A_592 : vector<16xi1>, vector<16xi32>
        %mul3A_594 = arith.constant 16 : i32
        %mul3A_595 = arith.muli %add3A_575, %mul3A_594 : i32
        %swap3A_596 = arith.index_cast %mul3A_595 : i32 to index
        %swap3A_597 = tpu.vector_load %arg7[%swap3A_596] {strides = array<i32>} : memref<1024xi32, #tpu.memory_space<vmem>>, vector<16xi32>,
        tpu.vector_store %arg7[%swap3A_596], %select_n3A_593 {strides = array<i32>} : memref<1024xi32, #tpu.memory_space<vmem>>, vector<16xi32>,
        %convert_element_type3A_598 = arith.extui %ge3A_587 : vector<16xi1> to vector<16xi32>
        %convert_element_type3A_599 = arith.sitofp %convert_element_type3A_598 : vector<16xi32> to vector<16xf32>
        %mul3A_600 = arith.constant 16 : i32
        %mul3A_601 = arith.muli %add3A_575, %mul3A_600 : i32
        %swap3A_602 = arith.constant 0 : i32
        %swap3A_603 = arith.index_cast %swap3A_602 : i32 to index
        %swap3A_604 = arith.index_cast %mul3A_601 : i32 to index
        %swap3A_605 = tpu.vector_load %arg9[%swap3A_603, %swap3A_604] {strides = array<i32>} : memref<2x2048xf32, #tpu.memory_space<vmem>>, vector<16xf32>,
        tpu.vector_store %arg9[%swap3A_603, %swap3A_604], %convert_element_type3A_599 {strides = array<i32>} : memref<2x2048xf32, #tpu.memory_space<vmem>>, vector<16xf32>,
        %mul3A_606 = arith.constant 8 : i32
        %mul3A_607 = arith.muli %scan3A_541, %mul3A_606 : i32
        %add3A_608 = arith.constant 2 : i32
        %add3A_609 = arith.addi %mul3A_607, %add3A_608 : i32
        %shift_right_arithmetic3A_610 = arith.constant 3 : i32
        %shift_right_arithmetic3A_611 = arith.shrsi %add3A_609, %shift_right_arithmetic3A_610 : i32
        %and3A_612 = arith.constant 7 : i32
        %and3A_613 = arith.andi %add3A_609, %and3A_612 : i32
        %mul3A_614 = arith.constant 16 : i32
        %mul3A_615 = arith.muli %and3A_613, %mul3A_614 : i32
        %get3A_616 = arith.index_cast %shift_right_arithmetic3A_611 : i32 to index
        %get3A_617 = arith.index_cast %mul3A_615 : i32 to index
        %get3A_618 = tpu.vector_load %arg6[%get3A_616, %get3A_617] {strides = array<i32>} : memref<8x128xi32, #tpu.memory_space<vmem>>, vector<16xi32>,
        %ge3A_619 = arith.constant 0 : i32
        %ge3A_620 = vector.broadcast %ge3A_619 : i32 to vector<16xi32>
        %ge3A_621 = arith.cmpi sge, %get3A_618, %ge3A_620 : vector<16xi32>
        %min3A_622 = arith.constant 99999 : i32
        %min3A_623 = vector.broadcast %min3A_622 : i32 to vector<16xi32>
        %min3A_624 = arith.minsi %get3A_618, %min3A_623 : vector<16xi32>
        %jit3A_625 = arith.constant 100000 : i32
        %broadcast_in_dim3A_626 = vector.broadcast %jit3A_625 : i32 to vector<16xi32>
        %select_n3A_627 = arith.select %ge3A_621, %min3A_624, %broadcast_in_dim3A_626 : vector<16xi1>, vector<16xi32>
        %mul3A_628 = arith.constant 16 : i32
        %mul3A_629 = arith.muli %add3A_609, %mul3A_628 : i32
        %swap3A_630 = arith.index_cast %mul3A_629 : i32 to index
        %swap3A_631 = tpu.vector_load %arg7[%swap3A_630] {strides = array<i32>} : memref<1024xi32, #tpu.memory_space<vmem>>, vector<16xi32>,
        tpu.vector_store %arg7[%swap3A_630], %select_n3A_627 {strides = array<i32>} : memref<1024xi32, #tpu.memory_space<vmem>>, vector<16xi32>,
        %convert_element_type3A_632 = arith.extui %ge3A_621 : vector<16xi1> to vector<16xi32>
        %convert_element_type3A_633 = arith.sitofp %convert_element_type3A_632 : vector<16xi32> to vector<16xf32>
        %mul3A_634 = arith.constant 16 : i32
        %mul3A_635 = arith.muli %add3A_609, %mul3A_634 : i32
        %swap3A_636 = arith.constant 0 : i32
        %swap3A_637 = arith.index_cast %swap3A_636 : i32 to index
        %swap3A_638 = arith.index_cast %mul3A_635 : i32 to index
        %swap3A_639 = tpu.vector_load %arg9[%swap3A_637, %swap3A_638] {strides = array<i32>} : memref<2x2048xf32, #tpu.memory_space<vmem>>, vector<16xf32>,
        tpu.vector_store %arg9[%swap3A_637, %swap3A_638], %convert_element_type3A_633 {strides = array<i32>} : memref<2x2048xf32, #tpu.memory_space<vmem>>, vector<16xf32>,
        %mul3A_640 = arith.constant 8 : i32
        %mul3A_641 = arith.muli %scan3A_541, %mul3A_640 : i32
        %add3A_642 = arith.constant 3 : i32
        %add3A_643 = arith.addi %mul3A_641, %add3A_642 : i32
        %shift_right_arithmetic3A_644 = arith.constant 3 : i32
        %shift_right_arithmetic3A_645 = arith.shrsi %add3A_643, %shift_right_arithmetic3A_644 : i32
        %and3A_646 = arith.constant 7 : i32
        %and3A_647 = arith.andi %add3A_643, %and3A_646 : i32
        %mul3A_648 = arith.constant 16 : i32
        %mul3A_649 = arith.muli %and3A_647, %mul3A_648 : i32
        %get3A_650 = arith.index_cast %shift_right_arithmetic3A_645 : i32 to index
        %get3A_651 = arith.index_cast %mul3A_649 : i32 to index
        %get3A_652 = tpu.vector_load %arg6[%get3A_650, %get3A_651] {strides = array<i32>} : memref<8x128xi32, #tpu.memory_space<vmem>>, vector<16xi32>,
        %ge3A_653 = arith.constant 0 : i32
        %ge3A_654 = vector.broadcast %ge3A_653 : i32 to vector<16xi32>
        %ge3A_655 = arith.cmpi sge, %get3A_652, %ge3A_654 : vector<16xi32>
        %min3A_656 = arith.constant 99999 : i32
        %min3A_657 = vector.broadcast %min3A_656 : i32 to vector<16xi32>
        %min3A_658 = arith.minsi %get3A_652, %min3A_657 : vector<16xi32>
        %jit3A_659 = arith.constant 100000 : i32
        %broadcast_in_dim3A_660 = vector.broadcast %jit3A_659 : i32 to vector<16xi32>
        %select_n3A_661 = arith.select %ge3A_655, %min3A_658, %broadcast_in_dim3A_660 : vector<16xi1>, vector<16xi32>
        %mul3A_662 = arith.constant 16 : i32
        %mul3A_663 = arith.muli %add3A_643, %mul3A_662 : i32
        %swap3A_664 = arith.index_cast %mul3A_663 : i32 to index
        %swap3A_665 = tpu.vector_load %arg7[%swap3A_664] {strides = array<i32>} : memref<1024xi32, #tpu.memory_space<vmem>>, vector<16xi32>,
        tpu.vector_store %arg7[%swap3A_664], %select_n3A_661 {strides = array<i32>} : memref<1024xi32, #tpu.memory_space<vmem>>, vector<16xi32>,
        %convert_element_type3A_666 = arith.extui %ge3A_655 : vector<16xi1> to vector<16xi32>
        %convert_element_type3A_667 = arith.sitofp %convert_element_type3A_666 : vector<16xi32> to vector<16xf32>
        %mul3A_668 = arith.constant 16 : i32
        %mul3A_669 = arith.muli %add3A_643, %mul3A_668 : i32
        %swap3A_670 = arith.constant 0 : i32
        %swap3A_671 = arith.index_cast %swap3A_670 : i32 to index
        %swap3A_672 = arith.index_cast %mul3A_669 : i32 to index
        %swap3A_673 = tpu.vector_load %arg9[%swap3A_671, %swap3A_672] {strides = array<i32>} : memref<2x2048xf32, #tpu.memory_space<vmem>>, vector<16xf32>,
        tpu.vector_store %arg9[%swap3A_671, %swap3A_672], %convert_element_type3A_667 {strides = array<i32>} : memref<2x2048xf32, #tpu.memory_space<vmem>>, vector<16xf32>,
        %mul3A_674 = arith.constant 8 : i32
        %mul3A_675 = arith.muli %scan3A_541, %mul3A_674 : i32
        %add3A_676 = arith.constant 4 : i32
        %add3A_677 = arith.addi %mul3A_675, %add3A_676 : i32
        %shift_right_arithmetic3A_678 = arith.constant 3 : i32
        %shift_right_arithmetic3A_679 = arith.shrsi %add3A_677, %shift_right_arithmetic3A_678 : i32
        %and3A_680 = arith.constant 7 : i32
        %and3A_681 = arith.andi %add3A_677, %and3A_680 : i32
        %mul3A_682 = arith.constant 16 : i32
        %mul3A_683 = arith.muli %and3A_681, %mul3A_682 : i32
        %get3A_684 = arith.index_cast %shift_right_arithmetic3A_679 : i32 to index
        %get3A_685 = arith.index_cast %mul3A_683 : i32 to index
        %get3A_686 = tpu.vector_load %arg6[%get3A_684, %get3A_685] {strides = array<i32>} : memref<8x128xi32, #tpu.memory_space<vmem>>, vector<16xi32>,
        %ge3A_687 = arith.constant 0 : i32
        %ge3A_688 = vector.broadcast %ge3A_687 : i32 to vector<16xi32>
        %ge3A_689 = arith.cmpi sge, %get3A_686, %ge3A_688 : vector<16xi32>
        %min3A_690 = arith.constant 99999 : i32
        %min3A_691 = vector.broadcast %min3A_690 : i32 to vector<16xi32>
        %min3A_692 = arith.minsi %get3A_686, %min3A_691 : vector<16xi32>
        %jit3A_693 = arith.constant 100000 : i32
        %broadcast_in_dim3A_694 = vector.broadcast %jit3A_693 : i32 to vector<16xi32>
        %select_n3A_695 = arith.select %ge3A_689, %min3A_692, %broadcast_in_dim3A_694 : vector<16xi1>, vector<16xi32>
        %mul3A_696 = arith.constant 16 : i32
        %mul3A_697 = arith.muli %add3A_677, %mul3A_696 : i32
        %swap3A_698 = arith.index_cast %mul3A_697 : i32 to index
        %swap3A_699 = tpu.vector_load %arg7[%swap3A_698] {strides = array<i32>} : memref<1024xi32, #tpu.memory_space<vmem>>, vector<16xi32>,
        tpu.vector_store %arg7[%swap3A_698], %select_n3A_695 {strides = array<i32>} : memref<1024xi32, #tpu.memory_space<vmem>>, vector<16xi32>,
        %convert_element_type3A_700 = arith.extui %ge3A_689 : vector<16xi1> to vector<16xi32>
        %convert_element_type3A_701 = arith.sitofp %convert_element_type3A_700 : vector<16xi32> to vector<16xf32>
        %mul3A_702 = arith.constant 16 : i32
        %mul3A_703 = arith.muli %add3A_677, %mul3A_702 : i32
        %swap3A_704 = arith.constant 0 : i32
        %swap3A_705 = arith.index_cast %swap3A_704 : i32 to index
        %swap3A_706 = arith.index_cast %mul3A_703 : i32 to index
        %swap3A_707 = tpu.vector_load %arg9[%swap3A_705, %swap3A_706] {strides = array<i32>} : memref<2x2048xf32, #tpu.memory_space<vmem>>, vector<16xf32>,
        tpu.vector_store %arg9[%swap3A_705, %swap3A_706], %convert_element_type3A_701 {strides = array<i32>} : memref<2x2048xf32, #tpu.memory_space<vmem>>, vector<16xf32>,
        %mul3A_708 = arith.constant 8 : i32
        %mul3A_709 = arith.muli %scan3A_541, %mul3A_708 : i32
        %add3A_710 = arith.constant 5 : i32
        %add3A_711 = arith.addi %mul3A_709, %add3A_710 : i32
        %shift_right_arithmetic3A_712 = arith.constant 3 : i32
        %shift_right_arithmetic3A_713 = arith.shrsi %add3A_711, %shift_right_arithmetic3A_712 : i32
        %and3A_714 = arith.constant 7 : i32
        %and3A_715 = arith.andi %add3A_711, %and3A_714 : i32
        %mul3A_716 = arith.constant 16 : i32
        %mul3A_717 = arith.muli %and3A_715, %mul3A_716 : i32
        %get3A_718 = arith.index_cast %shift_right_arithmetic3A_713 : i32 to index
        %get3A_719 = arith.index_cast %mul3A_717 : i32 to index
        %get3A_720 = tpu.vector_load %arg6[%get3A_718, %get3A_719] {strides = array<i32>} : memref<8x128xi32, #tpu.memory_space<vmem>>, vector<16xi32>,
        %ge3A_721 = arith.constant 0 : i32
        %ge3A_722 = vector.broadcast %ge3A_721 : i32 to vector<16xi32>
        %ge3A_723 = arith.cmpi sge, %get3A_720, %ge3A_722 : vector<16xi32>
        %min3A_724 = arith.constant 99999 : i32
        %min3A_725 = vector.broadcast %min3A_724 : i32 to vector<16xi32>
        %min3A_726 = arith.minsi %get3A_720, %min3A_725 : vector<16xi32>
        %jit3A_727 = arith.constant 100000 : i32
        %broadcast_in_dim3A_728 = vector.broadcast %jit3A_727 : i32 to vector<16xi32>
        %select_n3A_729 = arith.select %ge3A_723, %min3A_726, %broadcast_in_dim3A_728 : vector<16xi1>, vector<16xi32>
        %mul3A_730 = arith.constant 16 : i32
        %mul3A_731 = arith.muli %add3A_711, %mul3A_730 : i32
        %swap3A_732 = arith.index_cast %mul3A_731 : i32 to index
        %swap3A_733 = tpu.vector_load %arg7[%swap3A_732] {strides = array<i32>} : memref<1024xi32, #tpu.memory_space<vmem>>, vector<16xi32>,
        tpu.vector_store %arg7[%swap3A_732], %select_n3A_729 {strides = array<i32>} : memref<1024xi32, #tpu.memory_space<vmem>>, vector<16xi32>,
        %convert_element_type3A_734 = arith.extui %ge3A_723 : vector<16xi1> to vector<16xi32>
        %convert_element_type3A_735 = arith.sitofp %convert_element_type3A_734 : vector<16xi32> to vector<16xf32>
        %mul3A_736 = arith.constant 16 : i32
        %mul3A_737 = arith.muli %add3A_711, %mul3A_736 : i32
        %swap3A_738 = arith.constant 0 : i32
        %swap3A_739 = arith.index_cast %swap3A_738 : i32 to index
        %swap3A_740 = arith.index_cast %mul3A_737 : i32 to index
        %swap3A_741 = tpu.vector_load %arg9[%swap3A_739, %swap3A_740] {strides = array<i32>} : memref<2x2048xf32, #tpu.memory_space<vmem>>, vector<16xf32>,
        tpu.vector_store %arg9[%swap3A_739, %swap3A_740], %convert_element_type3A_735 {strides = array<i32>} : memref<2x2048xf32, #tpu.memory_space<vmem>>, vector<16xf32>,
        %mul3A_742 = arith.constant 8 : i32
        %mul3A_743 = arith.muli %scan3A_541, %mul3A_742 : i32
        %add3A_744 = arith.constant 6 : i32
        %add3A_745 = arith.addi %mul3A_743, %add3A_744 : i32
        %shift_right_arithmetic3A_746 = arith.constant 3 : i32
        %shift_right_arithmetic3A_747 = arith.shrsi %add3A_745, %shift_right_arithmetic3A_746 : i32
        %and3A_748 = arith.constant 7 : i32
        %and3A_749 = arith.andi %add3A_745, %and3A_748 : i32
        %mul3A_750 = arith.constant 16 : i32
        %mul3A_751 = arith.muli %and3A_749, %mul3A_750 : i32
        %get3A_752 = arith.index_cast %shift_right_arithmetic3A_747 : i32 to index
        %get3A_753 = arith.index_cast %mul3A_751 : i32 to index
        %get3A_754 = tpu.vector_load %arg6[%get3A_752, %get3A_753] {strides = array<i32>} : memref<8x128xi32, #tpu.memory_space<vmem>>, vector<16xi32>,
        %ge3A_755 = arith.constant 0 : i32
        %ge3A_756 = vector.broadcast %ge3A_755 : i32 to vector<16xi32>
        %ge3A_757 = arith.cmpi sge, %get3A_754, %ge3A_756 : vector<16xi32>
        %min3A_758 = arith.constant 99999 : i32
        %min3A_759 = vector.broadcast %min3A_758 : i32 to vector<16xi32>
        %min3A_760 = arith.minsi %get3A_754, %min3A_759 : vector<16xi32>
        %jit3A_761 = arith.constant 100000 : i32
        %broadcast_in_dim3A_762 = vector.broadcast %jit3A_761 : i32 to vector<16xi32>
        %select_n3A_763 = arith.select %ge3A_757, %min3A_760, %broadcast_in_dim3A_762 : vector<16xi1>, vector<16xi32>
        %mul3A_764 = arith.constant 16 : i32
        %mul3A_765 = arith.muli %add3A_745, %mul3A_764 : i32
        %swap3A_766 = arith.index_cast %mul3A_765 : i32 to index
        %swap3A_767 = tpu.vector_load %arg7[%swap3A_766] {strides = array<i32>} : memref<1024xi32, #tpu.memory_space<vmem>>, vector<16xi32>,
        tpu.vector_store %arg7[%swap3A_766], %select_n3A_763 {strides = array<i32>} : memref<1024xi32, #tpu.memory_space<vmem>>, vector<16xi32>,
        %convert_element_type3A_768 = arith.extui %ge3A_757 : vector<16xi1> to vector<16xi32>
        %convert_element_type3A_769 = arith.sitofp %convert_element_type3A_768 : vector<16xi32> to vector<16xf32>
        %mul3A_770 = arith.constant 16 : i32
        %mul3A_771 = arith.muli %add3A_745, %mul3A_770 : i32
        %swap3A_772 = arith.constant 0 : i32
        %swap3A_773 = arith.index_cast %swap3A_772 : i32 to index
        %swap3A_774 = arith.index_cast %mul3A_771 : i32 to index
        %swap3A_775 = tpu.vector_load %arg9[%swap3A_773, %swap3A_774] {strides = array<i32>} : memref<2x2048xf32, #tpu.memory_space<vmem>>, vector<16xf32>,
        tpu.vector_store %arg9[%swap3A_773, %swap3A_774], %convert_element_type3A_769 {strides = array<i32>} : memref<2x2048xf32, #tpu.memory_space<vmem>>, vector<16xf32>,
        %mul3A_776 = arith.constant 8 : i32
        %mul3A_777 = arith.muli %scan3A_541, %mul3A_776 : i32
        %add3A_778 = arith.constant 7 : i32
        %add3A_779 = arith.addi %mul3A_777, %add3A_778 : i32
        %shift_right_arithmetic3A_780 = arith.constant 3 : i32
        %shift_right_arithmetic3A_781 = arith.shrsi %add3A_779, %shift_right_arithmetic3A_780 : i32
        %and3A_782 = arith.constant 7 : i32
        %and3A_783 = arith.andi %add3A_779, %and3A_782 : i32
        %mul3A_784 = arith.constant 16 : i32
        %mul3A_785 = arith.muli %and3A_783, %mul3A_784 : i32
        %get3A_786 = arith.index_cast %shift_right_arithmetic3A_781 : i32 to index
        %get3A_787 = arith.index_cast %mul3A_785 : i32 to index
        %get3A_788 = tpu.vector_load %arg6[%get3A_786, %get3A_787] {strides = array<i32>} : memref<8x128xi32, #tpu.memory_space<vmem>>, vector<16xi32>,
        %ge3A_789 = arith.constant 0 : i32
        %ge3A_790 = vector.broadcast %ge3A_789 : i32 to vector<16xi32>
        %ge3A_791 = arith.cmpi sge, %get3A_788, %ge3A_790 : vector<16xi32>
        %min3A_792 = arith.constant 99999 : i32
        %min3A_793 = vector.broadcast %min3A_792 : i32 to vector<16xi32>
        %min3A_794 = arith.minsi %get3A_788, %min3A_793 : vector<16xi32>
        %jit3A_795 = arith.constant 100000 : i32
        %broadcast_in_dim3A_796 = vector.broadcast %jit3A_795 : i32 to vector<16xi32>
        %select_n3A_797 = arith.select %ge3A_791, %min3A_794, %broadcast_in_dim3A_796 : vector<16xi1>, vector<16xi32>
        %mul3A_798 = arith.constant 16 : i32
        %mul3A_799 = arith.muli %add3A_779, %mul3A_798 : i32
        %swap3A_800 = arith.index_cast %mul3A_799 : i32 to index
        %swap3A_801 = tpu.vector_load %arg7[%swap3A_800] {strides = array<i32>} : memref<1024xi32, #tpu.memory_space<vmem>>, vector<16xi32>,
        tpu.vector_store %arg7[%swap3A_800], %select_n3A_797 {strides = array<i32>} : memref<1024xi32, #tpu.memory_space<vmem>>, vector<16xi32>,
        %convert_element_type3A_802 = arith.extui %ge3A_791 : vector<16xi1> to vector<16xi32>
        %convert_element_type3A_803 = arith.sitofp %convert_element_type3A_802 : vector<16xi32> to vector<16xf32>
        %mul3A_804 = arith.constant 16 : i32
        %mul3A_805 = arith.muli %add3A_779, %mul3A_804 : i32
        %swap3A_806 = arith.constant 0 : i32
        %swap3A_807 = arith.index_cast %swap3A_806 : i32 to index
        %swap3A_808 = arith.index_cast %mul3A_805 : i32 to index
        %swap3A_809 = tpu.vector_load %arg9[%swap3A_807, %swap3A_808] {strides = array<i32>} : memref<2x2048xf32, #tpu.memory_space<vmem>>, vector<16xf32>,
        tpu.vector_store %arg9[%swap3A_807, %swap3A_808], %convert_element_type3A_803 {strides = array<i32>} : memref<2x2048xf32, #tpu.memory_space<vmem>>, vector<16xf32>,
      }
      %scan3A_517 = arith.constant 8 : i32
      %mul3A_518 = arith.constant 1024 : i32
      %mul3A_519 = arith.muli %while3A_458, %mul3A_518 : i32
      "tpu.region"() ({
        %run_scoped3A = tpu.sem_alloc : memref<!tpu.dma_semaphore, #tpu.memory_space<semaphore_mem>>
        %dma_start3A_541 = tpu.memref_slice %arg10[%mul3A_519] : memref<262144xi32, #tpu.memory_space<vmem_shared>> -> memref<1024xi32, #tpu.memory_space<vmem_shared>>
        %dma_start3A_542 = tpu.memref_slice %arg10[%mul3A_519] : memref<262144xi32, #tpu.memory_space<vmem_shared>> -> memref<1024xi32, #tpu.memory_space<vmem_shared>>
        tpu.enqueue_dma source(%arg7 : memref<1024xi32, #tpu.memory_space<vmem>>) target(%dma_start3A_542 : memref<1024xi32, #tpu.memory_space<vmem_shared>>) target_semaphore(%run_scoped3A : memref<!tpu.dma_semaphore, #tpu.memory_space<semaphore_mem>>)
        %dma_wait3A_543 = tpu.memref_slice %arg10[%mul3A_519] : memref<262144xi32, #tpu.memory_space<vmem_shared>> -> memref<1024xi32, #tpu.memory_space<vmem_shared>>
        %dma_wait3A_544 = tpu.memref_slice %arg10[%mul3A_519] : memref<262144xi32, #tpu.memory_space<vmem_shared>> -> memref<1024xi32, #tpu.memory_space<vmem_shared>>
        tpu.wait_dma2 semaphore(%run_scoped3A : memref<!tpu.dma_semaphore, #tpu.memory_space<semaphore_mem>>) src(%arg7 : memref<1024xi32, #tpu.memory_space<vmem>>) dst(%dma_wait3A_544 : memref<1024xi32, #tpu.memory_space<vmem_shared>>)
        tpu.yield
      }) : () -> ()
      %mul3A_520 = arith.constant 1024 : i32
      %mul3A_521 = arith.muli %while3A_458, %mul3A_520 : i32
      %dma_start3A_522 = arith.constant 0 : i32
      %dma_start3A_523 = arith.constant 0 : i32
      %dma_start3A_524 = tpu.memref_slice %arg9[%dma_start3A_522, %dma_start3A_523] : memref<2x2048xf32, #tpu.memory_space<vmem>> -> memref<1x1024xf32, #tpu.memory_space<vmem>>
      %dma_start3A_525 = tpu.memref_squeeze %dma_start3A_524 : memref<1x1024xf32, #tpu.memory_space<vmem>> -> memref<1024xf32, #tpu.memory_space<vmem>>
      %dma_start3A_526 = tpu.memref_slice %arg4[%add3A_240, %mul3A_521] : memref<132x262144xf32, #tpu.memory_space<hbm>> -> memref<1x1024xf32, #tpu.memory_space<hbm>>
      %dma_start3A_527 = tpu.memref_squeeze %dma_start3A_526 : memref<1x1024xf32, #tpu.memory_space<hbm>> -> memref<1024xf32, #tpu.memory_space<hbm>>
      %dma_start3A_528 = tpu.memref_slice %arg4[%add3A_240, %mul3A_521] : memref<132x262144xf32, #tpu.memory_space<hbm>> -> memref<1x1024xf32, #tpu.memory_space<hbm>>
      %dma_start3A_529 = tpu.memref_squeeze %dma_start3A_528 : memref<1x1024xf32, #tpu.memory_space<hbm>> -> memref<1024xf32, #tpu.memory_space<hbm>>
      %dma_start3A_530 = arith.constant 0 : i32
      %dma_start3A_531 = tpu.memref_slice %arg9[%dma_start3A_522, %dma_start3A_530] : memref<2x2048xf32, #tpu.memory_space<vmem>> -> memref<1x1024xf32, #tpu.memory_space<vmem>>
      %dma_start3A_532 = tpu.memref_squeeze %dma_start3A_531 : memref<1x1024xf32, #tpu.memory_space<vmem>> -> memref<1024xf32, #tpu.memory_space<vmem>>
      tpu.enqueue_dma source(%dma_start3A_532 : memref<1024xf32, #tpu.memory_space<vmem>>) target(%dma_start3A_529 : memref<1024xf32, #tpu.memory_space<hbm>>) target_semaphore(%arg15 : memref<!tpu.dma_semaphore, #tpu.memory_space<semaphore_mem>>)
      %add3A_533 = arith.constant 1 : i32
      %add3A_534 = arith.addi %while3A_458, %add3A_533 : i32
      %add3A_535 = arith.constant 16 : i32
      %add3A_536 = arith.addi %mul3A_236, %add3A_535 : i32
      %lt3A_537 = arith.cmpi slt, %add3A_534, %add3A_536 : i32
      %convert_element_type3A_538 = arith.extui %lt3A_537 : i1 to i32
      %cond3A_539 = arith.constant 0 : i32
      %cond3A_540 = arith.cmpi ne, %convert_element_type3A_538, %cond3A_539 : i32
      scf.if %cond3A_540 {
        %add3A_541 = arith.constant 1 : i32
        %add3A_542 = arith.addi %while3A_458, %add3A_541 : i32
        %mul3A_543 = arith.constant 512 : i32
        %mul3A_544 = arith.muli %add3A_10, %mul3A_543 : i32
        %jit3A_545 = arith.constant 4 : i32
        %div3A_546 = arith.divsi %add3A_542, %jit3A_545 : i32
        %sign3A_547 = arith.constant 0 : i32
        %sign3A_548 = arith.cmpi sgt, %add3A_542, %sign3A_547 : i32
        %sign3A_549 = arith.extui %sign3A_548 : i1 to i32
        %sign3A_550 = arith.constant 0 : i32
        %sign3A_551 = arith.cmpi slt, %add3A_542, %sign3A_550 : i32
        %sign3A_552 = arith.extui %sign3A_551 : i1 to i32
        %sign3A_553 = arith.subi %sign3A_549, %sign3A_552 : i32
        %sign3A_554 = arith.constant 0 : i32
        %sign3A_555 = arith.cmpi sgt, %jit3A_545, %sign3A_554 : i32
        %sign3A_556 = arith.extui %sign3A_555 : i1 to i32
        %sign3A_557 = arith.constant 0 : i32
        %sign3A_558 = arith.cmpi slt, %jit3A_545, %sign3A_557 : i32
        %sign3A_559 = arith.extui %sign3A_558 : i1 to i32
        %sign3A_560 = arith.subi %sign3A_556, %sign3A_559 : i32
        %ne3A_561 = arith.cmpi ne, %sign3A_553, %sign3A_560 : i32
        %rem3A_562 = arith.remsi %add3A_542, %jit3A_545 : i32
        %ne3A_563 = arith.constant 0 : i32
        %ne3A_564 = arith.cmpi ne, %rem3A_562, %ne3A_563 : i32
        %and3A_565 = arith.andi %ne3A_561, %ne3A_564 : i1
        %sub3A_566 = arith.constant 1 : i32
        %sub3A_567 = arith.subi %div3A_546, %sub3A_566 : i32
        %select_n3A_568 = arith.select %and3A_565, %sub3A_567, %div3A_546 : i32
        %mul3A_569 = arith.constant 8 : i32
        %mul3A_570 = arith.muli %select_n3A_568, %mul3A_569 : i32
        %add3A_571 = arith.addi %mul3A_544, %mul3A_570 : i32
        %jit3A_572 = arith.constant 4 : i32
        %eq3A_573 = arith.constant 0 : i32
        %eq3A_574 = arith.cmpi eq, %jit3A_572, %eq3A_573 : i32
        %jit3A_575 = arith.constant 1 : i32
        %select_n3A_576 = arith.select %eq3A_574, %jit3A_575, %jit3A_572 : i32
        %rem3A_577 = arith.remsi %add3A_542, %select_n3A_576 : i32
        %ne3A_578 = arith.constant 0 : i32
        %ne3A_579 = arith.cmpi ne, %rem3A_577, %ne3A_578 : i32
        %lt3A_580 = arith.constant 0 : i32
        %lt3A_581 = arith.cmpi slt, %rem3A_577, %lt3A_580 : i32
        %lt3A_582 = arith.constant 0 : i32
        %lt3A_583 = arith.cmpi slt, %select_n3A_576, %lt3A_582 : i32
        %ne3A_584 = arith.xori %lt3A_581, %lt3A_583 : i1
        %and3A_585 = arith.andi %ne3A_584, %ne3A_579 : i1
        %add3A_586 = arith.addi %rem3A_577, %select_n3A_576 : i32
        %select_n3A_587 = arith.select %and3A_585, %add3A_586, %rem3A_577 : i32
        %dma_start3A_588 = arith.constant 0 : i32
        %dma_start3A_589 = arith.constant 0 : i32
        %dma_start3A_590 = tpu.memref_slice %arg2[%add3A_571, %select_n3A_587, %dma_start3A_588, %dma_start3A_589] : memref<2048x4x8x128xi32, #tpu.memory_space<hbm>> -> memref<8x1x1x128xi32, #tpu.memory_space<hbm>>
        %dma_start3A_591 = tpu.memref_squeeze %dma_start3A_590 : memref<8x1x1x128xi32, #tpu.memory_space<hbm>> -> memref<8x128xi32, #tpu.memory_space<hbm>>
        %dma_start3A_592 = arith.constant 0 : i32
        %dma_start3A_593 = tpu.memref_slice %arg2[%add3A_571, %select_n3A_587, %dma_start3A_588, %dma_start3A_592] : memref<2048x4x8x128xi32, #tpu.memory_space<hbm>> -> memref<8x1x1x128xi32, #tpu.memory_space<hbm>>
        %dma_start3A_594 = tpu.memref_squeeze %dma_start3A_593 : memref<8x1x1x128xi32, #tpu.memory_space<hbm>> -> memref<8x128xi32, #tpu.memory_space<hbm>>
        tpu.enqueue_dma source(%dma_start3A_594 : memref<8x128xi32, #tpu.memory_space<hbm>>) target(%arg6 : memref<8x128xi32, #tpu.memory_space<vmem>>) target_semaphore(%arg12 : memref<!tpu.dma_semaphore, #tpu.memory_space<semaphore_mem>>)
      } else {
      }
    }
    %while3A_303 = arith.constant 1 : i32
    scf.for %while3A_458 = %while3A_301 to %while3A_297 step %while3A_303  : i32 {
      %mul3A_459 = arith.constant 512 : i32
      %mul3A_460 = arith.muli %add3A_10, %mul3A_459 : i32
      %jit3A_461 = arith.constant 4 : i32
      %div3A_462 = arith.divsi %while3A_458, %jit3A_461 : i32
      %sign3A_463 = arith.constant 0 : i32
      %sign3A_464 = arith.cmpi sgt, %while3A_458, %sign3A_463 : i32
      %sign3A_465 = arith.extui %sign3A_464 : i1 to i32
      %sign3A_466 = arith.constant 0 : i32
      %sign3A_467 = arith.cmpi slt, %while3A_458, %sign3A_466 : i32
      %sign3A_468 = arith.extui %sign3A_467 : i1 to i32
      %sign3A_469 = arith.subi %sign3A_465, %sign3A_468 : i32
      %sign3A_470 = arith.constant 0 : i32
      %sign3A_471 = arith.cmpi sgt, %jit3A_461, %sign3A_470 : i32
      %sign3A_472 = arith.extui %sign3A_471 : i1 to i32
      %sign3A_473 = arith.constant 0 : i32
      %sign3A_474 = arith.cmpi slt, %jit3A_461, %sign3A_473 : i32
      %sign3A_475 = arith.extui %sign3A_474 : i1 to i32
      %sign3A_476 = arith.subi %sign3A_472, %sign3A_475 : i32
      %ne3A_477 = arith.cmpi ne, %sign3A_469, %sign3A_476 : i32
      %rem3A_478 = arith.remsi %while3A_458, %jit3A_461 : i32
      %ne3A_479 = arith.constant 0 : i32
      %ne3A_480 = arith.cmpi ne, %rem3A_478, %ne3A_479 : i32
      %and3A_481 = arith.andi %ne3A_477, %ne3A_480 : i1
      %sub3A_482 = arith.constant 1 : i32
      %sub3A_483 = arith.subi %div3A_462, %sub3A_482 : i32
      %select_n3A_484 = arith.select %and3A_481, %sub3A_483, %div3A_462 : i32
      %mul3A_485 = arith.constant 8 : i32
      %mul3A_486 = arith.muli %select_n3A_484, %mul3A_485 : i32
      %add3A_487 = arith.addi %mul3A_460, %mul3A_486 : i32
      %jit3A_488 = arith.constant 4 : i32
      %eq3A_489 = arith.constant 0 : i32
      %eq3A_490 = arith.cmpi eq, %jit3A_488, %eq3A_489 : i32
      %jit3A_491 = arith.constant 1 : i32
      %select_n3A_492 = arith.select %eq3A_490, %jit3A_491, %jit3A_488 : i32
      %rem3A_493 = arith.remsi %while3A_458, %select_n3A_492 : i32
      %ne3A_494 = arith.constant 0 : i32
      %ne3A_495 = arith.cmpi ne, %rem3A_493, %ne3A_494 : i32
      %lt3A_496 = arith.constant 0 : i32
      %lt3A_497 = arith.cmpi slt, %rem3A_493, %lt3A_496 : i32
      %lt3A_498 = arith.constant 0 : i32
      %lt3A_499 = arith.cmpi slt, %select_n3A_492, %lt3A_498 : i32
      %ne3A_500 = arith.xori %lt3A_497, %lt3A_499 : i1
      %and3A_501 = arith.andi %ne3A_500, %ne3A_495 : i1
      %add3A_502 = arith.addi %rem3A_493, %select_n3A_492 : i32
      %select_n3A_503 = arith.select %and3A_501, %add3A_502, %rem3A_493 : i32
      %dma_wait3A_504 = arith.constant 0 : i32
      %dma_wait3A_505 = arith.constant 0 : i32
      %dma_wait3A_506 = tpu.memref_slice %arg2[%add3A_487, %select_n3A_503, %dma_wait3A_504, %dma_wait3A_505] : memref<2048x4x8x128xi32, #tpu.memory_space<hbm>> -> memref<8x1x1x128xi32, #tpu.memory_space<hbm>>
      %dma_wait3A_507 = tpu.memref_squeeze %dma_wait3A_506 : memref<8x1x1x128xi32, #tpu.memory_space<hbm>> -> memref<8x128xi32, #tpu.memory_space<hbm>>
      %dma_wait3A_508 = arith.constant 0 : i32
      %dma_wait3A_509 = tpu.memref_slice %arg2[%add3A_487, %select_n3A_503, %dma_wait3A_504, %dma_wait3A_508] : memref<2048x4x8x128xi32, #tpu.memory_space<hbm>> -> memref<8x1x1x128xi32, #tpu.memory_space<hbm>>
      %dma_wait3A_510 = tpu.memref_squeeze %dma_wait3A_509 : memref<8x1x1x128xi32, #tpu.memory_space<hbm>> -> memref<8x128xi32, #tpu.memory_space<hbm>>
      tpu.wait_dma2 semaphore(%arg12 : memref<!tpu.dma_semaphore, #tpu.memory_space<semaphore_mem>>) src(%dma_wait3A_510 : memref<8x128xi32, #tpu.memory_space<hbm>>) dst(%arg6 : memref<8x128xi32, #tpu.memory_space<vmem>>)
      %gt3A = arith.cmpi sgt, %while3A_458, %mul3A_236 : i32
      %convert_element_type3A = arith.extui %gt3A : i1 to i32
      %cond3A = arith.constant 0 : i32
      %cond3A_511 = arith.cmpi ne, %convert_element_type3A, %cond3A : i32
      scf.if %cond3A_511 {
        %dma_wait3A_541 = arith.constant 0 : i32
        %dma_wait3A_542 = arith.constant 0 : i32
        %dma_wait3A_543 = tpu.memref_slice %arg9[%dma_wait3A_541, %dma_wait3A_542] : memref<2x2048xf32, #tpu.memory_space<vmem>> -> memref<1x1024xf32, #tpu.memory_space<vmem>>
        %dma_wait3A_544 = tpu.memref_squeeze %dma_wait3A_543 : memref<1x1024xf32, #tpu.memory_space<vmem>> -> memref<1024xf32, #tpu.memory_space<vmem>>
        %dma_wait3A_545 = arith.constant 0 : i32
        %dma_wait3A_546 = tpu.memref_slice %arg4[%add3A_240, %dma_wait3A_545] : memref<132x262144xf32, #tpu.memory_space<hbm>> -> memref<1x1024xf32, #tpu.memory_space<hbm>>
        %dma_wait3A_547 = tpu.memref_squeeze %dma_wait3A_546 : memref<1x1024xf32, #tpu.memory_space<hbm>> -> memref<1024xf32, #tpu.memory_space<hbm>>
        %dma_wait3A_548 = arith.constant 0 : i32
        %dma_wait3A_549 = tpu.memref_slice %arg4[%add3A_240, %dma_wait3A_548] : memref<132x262144xf32, #tpu.memory_space<hbm>> -> memref<1x1024xf32, #tpu.memory_space<hbm>>
        %dma_wait3A_550 = tpu.memref_squeeze %dma_wait3A_549 : memref<1x1024xf32, #tpu.memory_space<hbm>> -> memref<1024xf32, #tpu.memory_space<hbm>>
        %dma_wait3A_551 = arith.constant 0 : i32
        %dma_wait3A_552 = tpu.memref_slice %arg9[%dma_wait3A_541, %dma_wait3A_551] : memref<2x2048xf32, #tpu.memory_space<vmem>> -> memref<1x1024xf32, #tpu.memory_space<vmem>>
        %dma_wait3A_553 = tpu.memref_squeeze %dma_wait3A_552 : memref<1x1024xf32, #tpu.memory_space<vmem>> -> memref<1024xf32, #tpu.memory_space<vmem>>
        tpu.wait_dma2 semaphore(%arg15 : memref<!tpu.dma_semaphore, #tpu.memory_space<semaphore_mem>>) src(%dma_wait3A_553 : memref<1024xf32, #tpu.memory_space<vmem>>) dst(%dma_wait3A_550 : memref<1024xf32, #tpu.memory_space<hbm>>)
      } else {
      }
      %scan3A_512 = arith.constant 0 : i32
      %scan3A_513 = arith.constant 0 : i32
      %scan3A_514 = arith.constant 8 : i32
      %scan3A_515 = arith.addi %scan3A_513, %scan3A_514 : i32
      %scan3A_516 = arith.constant 1 : i32
      scf.for %scan3A_541 = %scan3A_513 to %scan3A_515 step %scan3A_516  : i32 {
        %mul3A_542 = arith.constant 8 : i32
        %mul3A_543 = arith.muli %scan3A_541, %mul3A_542 : i32
        %add3A_544 = arith.constant 0 : i32
        %add3A_545 = arith.addi %mul3A_543, %add3A_544 : i32
        %shift_right_arithmetic3A = arith.constant 3 : i32
        %shift_right_arithmetic3A_546 = arith.shrsi %add3A_545, %shift_right_arithmetic3A : i32
        %and3A_547 = arith.constant 7 : i32
        %and3A_548 = arith.andi %add3A_545, %and3A_547 : i32
        %mul3A_549 = arith.constant 16 : i32
        %mul3A_550 = arith.muli %and3A_548, %mul3A_549 : i32
        %get3A = arith.index_cast %shift_right_arithmetic3A_546 : i32 to index
        %get3A_551 = arith.index_cast %mul3A_550 : i32 to index
        %get3A_552 = tpu.vector_load %arg6[%get3A, %get3A_551] {strides = array<i32>} : memref<8x128xi32, #tpu.memory_space<vmem>>, vector<16xi32>,
        %ge3A = arith.constant 0 : i32
        %ge3A_553 = vector.broadcast %ge3A : i32 to vector<16xi32>
        %ge3A_554 = arith.cmpi sge, %get3A_552, %ge3A_553 : vector<16xi32>
        %min3A = arith.constant 99999 : i32
        %min3A_555 = vector.broadcast %min3A : i32 to vector<16xi32>
        %min3A_556 = arith.minsi %get3A_552, %min3A_555 : vector<16xi32>
        %jit3A_557 = arith.constant 100000 : i32
        %broadcast_in_dim3A_558 = vector.broadcast %jit3A_557 : i32 to vector<16xi32>
        %select_n3A_559 = arith.select %ge3A_554, %min3A_556, %broadcast_in_dim3A_558 : vector<16xi1>, vector<16xi32>
        %mul3A_560 = arith.constant 16 : i32
        %mul3A_561 = arith.muli %add3A_545, %mul3A_560 : i32
        %swap3A_562 = arith.index_cast %mul3A_561 : i32 to index
        %swap3A_563 = tpu.vector_load %arg7[%swap3A_562] {strides = array<i32>} : memref<1024xi32, #tpu.memory_space<vmem>>, vector<16xi32>,
        tpu.vector_store %arg7[%swap3A_562], %select_n3A_559 {strides = array<i32>} : memref<1024xi32, #tpu.memory_space<vmem>>, vector<16xi32>,
        %convert_element_type3A_564 = arith.extui %ge3A_554 : vector<16xi1> to vector<16xi32>
        %convert_element_type3A_565 = arith.sitofp %convert_element_type3A_564 : vector<16xi32> to vector<16xf32>
        %mul3A_566 = arith.constant 16 : i32
        %mul3A_567 = arith.muli %add3A_545, %mul3A_566 : i32
        %swap3A_568 = arith.constant 0 : i32
        %swap3A_569 = arith.index_cast %swap3A_568 : i32 to index
        %swap3A_570 = arith.index_cast %mul3A_567 : i32 to index
        %swap3A_571 = tpu.vector_load %arg9[%swap3A_569, %swap3A_570] {strides = array<i32>} : memref<2x2048xf32, #tpu.memory_space<vmem>>, vector<16xf32>,
        tpu.vector_store %arg9[%swap3A_569, %swap3A_570], %convert_element_type3A_565 {strides = array<i32>} : memref<2x2048xf32, #tpu.memory_space<vmem>>, vector<16xf32>,
        %mul3A_572 = arith.constant 8 : i32
        %mul3A_573 = arith.muli %scan3A_541, %mul3A_572 : i32
        %add3A_574 = arith.constant 1 : i32
        %add3A_575 = arith.addi %mul3A_573, %add3A_574 : i32
        %shift_right_arithmetic3A_576 = arith.constant 3 : i32
        %shift_right_arithmetic3A_577 = arith.shrsi %add3A_575, %shift_right_arithmetic3A_576 : i32
        %and3A_578 = arith.constant 7 : i32
        %and3A_579 = arith.andi %add3A_575, %and3A_578 : i32
        %mul3A_580 = arith.constant 16 : i32
        %mul3A_581 = arith.muli %and3A_579, %mul3A_580 : i32
        %get3A_582 = arith.index_cast %shift_right_arithmetic3A_577 : i32 to index
        %get3A_583 = arith.index_cast %mul3A_581 : i32 to index
        %get3A_584 = tpu.vector_load %arg6[%get3A_582, %get3A_583] {strides = array<i32>} : memref<8x128xi32, #tpu.memory_space<vmem>>, vector<16xi32>,
        %ge3A_585 = arith.constant 0 : i32
        %ge3A_586 = vector.broadcast %ge3A_585 : i32 to vector<16xi32>
        %ge3A_587 = arith.cmpi sge, %get3A_584, %ge3A_586 : vector<16xi32>
        %min3A_588 = arith.constant 99999 : i32
        %min3A_589 = vector.broadcast %min3A_588 : i32 to vector<16xi32>
        %min3A_590 = arith.minsi %get3A_584, %min3A_589 : vector<16xi32>
        %jit3A_591 = arith.constant 100000 : i32
        %broadcast_in_dim3A_592 = vector.broadcast %jit3A_591 : i32 to vector<16xi32>
        %select_n3A_593 = arith.select %ge3A_587, %min3A_590, %broadcast_in_dim3A_592 : vector<16xi1>, vector<16xi32>
        %mul3A_594 = arith.constant 16 : i32
        %mul3A_595 = arith.muli %add3A_575, %mul3A_594 : i32
        %swap3A_596 = arith.index_cast %mul3A_595 : i32 to index
        %swap3A_597 = tpu.vector_load %arg7[%swap3A_596] {strides = array<i32>} : memref<1024xi32, #tpu.memory_space<vmem>>, vector<16xi32>,
        tpu.vector_store %arg7[%swap3A_596], %select_n3A_593 {strides = array<i32>} : memref<1024xi32, #tpu.memory_space<vmem>>, vector<16xi32>,
        %convert_element_type3A_598 = arith.extui %ge3A_587 : vector<16xi1> to vector<16xi32>
        %convert_element_type3A_599 = arith.sitofp %convert_element_type3A_598 : vector<16xi32> to vector<16xf32>
        %mul3A_600 = arith.constant 16 : i32
        %mul3A_601 = arith.muli %add3A_575, %mul3A_600 : i32
        %swap3A_602 = arith.constant 0 : i32
        %swap3A_603 = arith.index_cast %swap3A_602 : i32 to index
        %swap3A_604 = arith.index_cast %mul3A_601 : i32 to index
        %swap3A_605 = tpu.vector_load %arg9[%swap3A_603, %swap3A_604] {strides = array<i32>} : memref<2x2048xf32, #tpu.memory_space<vmem>>, vector<16xf32>,
        tpu.vector_store %arg9[%swap3A_603, %swap3A_604], %convert_element_type3A_599 {strides = array<i32>} : memref<2x2048xf32, #tpu.memory_space<vmem>>, vector<16xf32>,
        %mul3A_606 = arith.constant 8 : i32
        %mul3A_607 = arith.muli %scan3A_541, %mul3A_606 : i32
        %add3A_608 = arith.constant 2 : i32
        %add3A_609 = arith.addi %mul3A_607, %add3A_608 : i32
        %shift_right_arithmetic3A_610 = arith.constant 3 : i32
        %shift_right_arithmetic3A_611 = arith.shrsi %add3A_609, %shift_right_arithmetic3A_610 : i32
        %and3A_612 = arith.constant 7 : i32
        %and3A_613 = arith.andi %add3A_609, %and3A_612 : i32
        %mul3A_614 = arith.constant 16 : i32
        %mul3A_615 = arith.muli %and3A_613, %mul3A_614 : i32
        %get3A_616 = arith.index_cast %shift_right_arithmetic3A_611 : i32 to index
        %get3A_617 = arith.index_cast %mul3A_615 : i32 to index
        %get3A_618 = tpu.vector_load %arg6[%get3A_616, %get3A_617] {strides = array<i32>} : memref<8x128xi32, #tpu.memory_space<vmem>>, vector<16xi32>,
        %ge3A_619 = arith.constant 0 : i32
        %ge3A_620 = vector.broadcast %ge3A_619 : i32 to vector<16xi32>
        %ge3A_621 = arith.cmpi sge, %get3A_618, %ge3A_620 : vector<16xi32>
        %min3A_622 = arith.constant 99999 : i32
        %min3A_623 = vector.broadcast %min3A_622 : i32 to vector<16xi32>
        %min3A_624 = arith.minsi %get3A_618, %min3A_623 : vector<16xi32>
        %jit3A_625 = arith.constant 100000 : i32
        %broadcast_in_dim3A_626 = vector.broadcast %jit3A_625 : i32 to vector<16xi32>
        %select_n3A_627 = arith.select %ge3A_621, %min3A_624, %broadcast_in_dim3A_626 : vector<16xi1>, vector<16xi32>
        %mul3A_628 = arith.constant 16 : i32
        %mul3A_629 = arith.muli %add3A_609, %mul3A_628 : i32
        %swap3A_630 = arith.index_cast %mul3A_629 : i32 to index
        %swap3A_631 = tpu.vector_load %arg7[%swap3A_630] {strides = array<i32>} : memref<1024xi32, #tpu.memory_space<vmem>>, vector<16xi32>,
        tpu.vector_store %arg7[%swap3A_630], %select_n3A_627 {strides = array<i32>} : memref<1024xi32, #tpu.memory_space<vmem>>, vector<16xi32>,
        %convert_element_type3A_632 = arith.extui %ge3A_621 : vector<16xi1> to vector<16xi32>
        %convert_element_type3A_633 = arith.sitofp %convert_element_type3A_632 : vector<16xi32> to vector<16xf32>
        %mul3A_634 = arith.constant 16 : i32
        %mul3A_635 = arith.muli %add3A_609, %mul3A_634 : i32
        %swap3A_636 = arith.constant 0 : i32
        %swap3A_637 = arith.index_cast %swap3A_636 : i32 to index
        %swap3A_638 = arith.index_cast %mul3A_635 : i32 to index
        %swap3A_639 = tpu.vector_load %arg9[%swap3A_637, %swap3A_638] {strides = array<i32>} : memref<2x2048xf32, #tpu.memory_space<vmem>>, vector<16xf32>,
        tpu.vector_store %arg9[%swap3A_637, %swap3A_638], %convert_element_type3A_633 {strides = array<i32>} : memref<2x2048xf32, #tpu.memory_space<vmem>>, vector<16xf32>,
        %mul3A_640 = arith.constant 8 : i32
        %mul3A_641 = arith.muli %scan3A_541, %mul3A_640 : i32
        %add3A_642 = arith.constant 3 : i32
        %add3A_643 = arith.addi %mul3A_641, %add3A_642 : i32
        %shift_right_arithmetic3A_644 = arith.constant 3 : i32
        %shift_right_arithmetic3A_645 = arith.shrsi %add3A_643, %shift_right_arithmetic3A_644 : i32
        %and3A_646 = arith.constant 7 : i32
        %and3A_647 = arith.andi %add3A_643, %and3A_646 : i32
        %mul3A_648 = arith.constant 16 : i32
        %mul3A_649 = arith.muli %and3A_647, %mul3A_648 : i32
        %get3A_650 = arith.index_cast %shift_right_arithmetic3A_645 : i32 to index
        %get3A_651 = arith.index_cast %mul3A_649 : i32 to index
        %get3A_652 = tpu.vector_load %arg6[%get3A_650, %get3A_651] {strides = array<i32>} : memref<8x128xi32, #tpu.memory_space<vmem>>, vector<16xi32>,
        %ge3A_653 = arith.constant 0 : i32
        %ge3A_654 = vector.broadcast %ge3A_653 : i32 to vector<16xi32>
        %ge3A_655 = arith.cmpi sge, %get3A_652, %ge3A_654 : vector<16xi32>
        %min3A_656 = arith.constant 99999 : i32
        %min3A_657 = vector.broadcast %min3A_656 : i32 to vector<16xi32>
        %min3A_658 = arith.minsi %get3A_652, %min3A_657 : vector<16xi32>
        %jit3A_659 = arith.constant 100000 : i32
        %broadcast_in_dim3A_660 = vector.broadcast %jit3A_659 : i32 to vector<16xi32>
        %select_n3A_661 = arith.select %ge3A_655, %min3A_658, %broadcast_in_dim3A_660 : vector<16xi1>, vector<16xi32>
        %mul3A_662 = arith.constant 16 : i32
        %mul3A_663 = arith.muli %add3A_643, %mul3A_662 : i32
        %swap3A_664 = arith.index_cast %mul3A_663 : i32 to index
        %swap3A_665 = tpu.vector_load %arg7[%swap3A_664] {strides = array<i32>} : memref<1024xi32, #tpu.memory_space<vmem>>, vector<16xi32>,
        tpu.vector_store %arg7[%swap3A_664], %select_n3A_661 {strides = array<i32>} : memref<1024xi32, #tpu.memory_space<vmem>>, vector<16xi32>,
        %convert_element_type3A_666 = arith.extui %ge3A_655 : vector<16xi1> to vector<16xi32>
        %convert_element_type3A_667 = arith.sitofp %convert_element_type3A_666 : vector<16xi32> to vector<16xf32>
        %mul3A_668 = arith.constant 16 : i32
        %mul3A_669 = arith.muli %add3A_643, %mul3A_668 : i32
        %swap3A_670 = arith.constant 0 : i32
        %swap3A_671 = arith.index_cast %swap3A_670 : i32 to index
        %swap3A_672 = arith.index_cast %mul3A_669 : i32 to index
        %swap3A_673 = tpu.vector_load %arg9[%swap3A_671, %swap3A_672] {strides = array<i32>} : memref<2x2048xf32, #tpu.memory_space<vmem>>, vector<16xf32>,
        tpu.vector_store %arg9[%swap3A_671, %swap3A_672], %convert_element_type3A_667 {strides = array<i32>} : memref<2x2048xf32, #tpu.memory_space<vmem>>, vector<16xf32>,
        %mul3A_674 = arith.constant 8 : i32
        %mul3A_675 = arith.muli %scan3A_541, %mul3A_674 : i32
        %add3A_676 = arith.constant 4 : i32
        %add3A_677 = arith.addi %mul3A_675, %add3A_676 : i32
        %shift_right_arithmetic3A_678 = arith.constant 3 : i32
        %shift_right_arithmetic3A_679 = arith.shrsi %add3A_677, %shift_right_arithmetic3A_678 : i32
        %and3A_680 = arith.constant 7 : i32
        %and3A_681 = arith.andi %add3A_677, %and3A_680 : i32
        %mul3A_682 = arith.constant 16 : i32
        %mul3A_683 = arith.muli %and3A_681, %mul3A_682 : i32
        %get3A_684 = arith.index_cast %shift_right_arithmetic3A_679 : i32 to index
        %get3A_685 = arith.index_cast %mul3A_683 : i32 to index
        %get3A_686 = tpu.vector_load %arg6[%get3A_684, %get3A_685] {strides = array<i32>} : memref<8x128xi32, #tpu.memory_space<vmem>>, vector<16xi32>,
        %ge3A_687 = arith.constant 0 : i32
        %ge3A_688 = vector.broadcast %ge3A_687 : i32 to vector<16xi32>
        %ge3A_689 = arith.cmpi sge, %get3A_686, %ge3A_688 : vector<16xi32>
        %min3A_690 = arith.constant 99999 : i32
        %min3A_691 = vector.broadcast %min3A_690 : i32 to vector<16xi32>
        %min3A_692 = arith.minsi %get3A_686, %min3A_691 : vector<16xi32>
        %jit3A_693 = arith.constant 100000 : i32
        %broadcast_in_dim3A_694 = vector.broadcast %jit3A_693 : i32 to vector<16xi32>
        %select_n3A_695 = arith.select %ge3A_689, %min3A_692, %broadcast_in_dim3A_694 : vector<16xi1>, vector<16xi32>
        %mul3A_696 = arith.constant 16 : i32
        %mul3A_697 = arith.muli %add3A_677, %mul3A_696 : i32
        %swap3A_698 = arith.index_cast %mul3A_697 : i32 to index
        %swap3A_699 = tpu.vector_load %arg7[%swap3A_698] {strides = array<i32>} : memref<1024xi32, #tpu.memory_space<vmem>>, vector<16xi32>,
        tpu.vector_store %arg7[%swap3A_698], %select_n3A_695 {strides = array<i32>} : memref<1024xi32, #tpu.memory_space<vmem>>, vector<16xi32>,
        %convert_element_type3A_700 = arith.extui %ge3A_689 : vector<16xi1> to vector<16xi32>
        %convert_element_type3A_701 = arith.sitofp %convert_element_type3A_700 : vector<16xi32> to vector<16xf32>
        %mul3A_702 = arith.constant 16 : i32
        %mul3A_703 = arith.muli %add3A_677, %mul3A_702 : i32
        %swap3A_704 = arith.constant 0 : i32
        %swap3A_705 = arith.index_cast %swap3A_704 : i32 to index
        %swap3A_706 = arith.index_cast %mul3A_703 : i32 to index
        %swap3A_707 = tpu.vector_load %arg9[%swap3A_705, %swap3A_706] {strides = array<i32>} : memref<2x2048xf32, #tpu.memory_space<vmem>>, vector<16xf32>,
        tpu.vector_store %arg9[%swap3A_705, %swap3A_706], %convert_element_type3A_701 {strides = array<i32>} : memref<2x2048xf32, #tpu.memory_space<vmem>>, vector<16xf32>,
        %mul3A_708 = arith.constant 8 : i32
        %mul3A_709 = arith.muli %scan3A_541, %mul3A_708 : i32
        %add3A_710 = arith.constant 5 : i32
        %add3A_711 = arith.addi %mul3A_709, %add3A_710 : i32
        %shift_right_arithmetic3A_712 = arith.constant 3 : i32
        %shift_right_arithmetic3A_713 = arith.shrsi %add3A_711, %shift_right_arithmetic3A_712 : i32
        %and3A_714 = arith.constant 7 : i32
        %and3A_715 = arith.andi %add3A_711, %and3A_714 : i32
        %mul3A_716 = arith.constant 16 : i32
        %mul3A_717 = arith.muli %and3A_715, %mul3A_716 : i32
        %get3A_718 = arith.index_cast %shift_right_arithmetic3A_713 : i32 to index
        %get3A_719 = arith.index_cast %mul3A_717 : i32 to index
        %get3A_720 = tpu.vector_load %arg6[%get3A_718, %get3A_719] {strides = array<i32>} : memref<8x128xi32, #tpu.memory_space<vmem>>, vector<16xi32>,
        %ge3A_721 = arith.constant 0 : i32
        %ge3A_722 = vector.broadcast %ge3A_721 : i32 to vector<16xi32>
        %ge3A_723 = arith.cmpi sge, %get3A_720, %ge3A_722 : vector<16xi32>
        %min3A_724 = arith.constant 99999 : i32
        %min3A_725 = vector.broadcast %min3A_724 : i32 to vector<16xi32>
        %min3A_726 = arith.minsi %get3A_720, %min3A_725 : vector<16xi32>
        %jit3A_727 = arith.constant 100000 : i32
        %broadcast_in_dim3A_728 = vector.broadcast %jit3A_727 : i32 to vector<16xi32>
        %select_n3A_729 = arith.select %ge3A_723, %min3A_726, %broadcast_in_dim3A_728 : vector<16xi1>, vector<16xi32>
        %mul3A_730 = arith.constant 16 : i32
        %mul3A_731 = arith.muli %add3A_711, %mul3A_730 : i32
        %swap3A_732 = arith.index_cast %mul3A_731 : i32 to index
        %swap3A_733 = tpu.vector_load %arg7[%swap3A_732] {strides = array<i32>} : memref<1024xi32, #tpu.memory_space<vmem>>, vector<16xi32>,
        tpu.vector_store %arg7[%swap3A_732], %select_n3A_729 {strides = array<i32>} : memref<1024xi32, #tpu.memory_space<vmem>>, vector<16xi32>,
        %convert_element_type3A_734 = arith.extui %ge3A_723 : vector<16xi1> to vector<16xi32>
        %convert_element_type3A_735 = arith.sitofp %convert_element_type3A_734 : vector<16xi32> to vector<16xf32>
        %mul3A_736 = arith.constant 16 : i32
        %mul3A_737 = arith.muli %add3A_711, %mul3A_736 : i32
        %swap3A_738 = arith.constant 0 : i32
        %swap3A_739 = arith.index_cast %swap3A_738 : i32 to index
        %swap3A_740 = arith.index_cast %mul3A_737 : i32 to index
        %swap3A_741 = tpu.vector_load %arg9[%swap3A_739, %swap3A_740] {strides = array<i32>} : memref<2x2048xf32, #tpu.memory_space<vmem>>, vector<16xf32>,
        tpu.vector_store %arg9[%swap3A_739, %swap3A_740], %convert_element_type3A_735 {strides = array<i32>} : memref<2x2048xf32, #tpu.memory_space<vmem>>, vector<16xf32>,
        %mul3A_742 = arith.constant 8 : i32
        %mul3A_743 = arith.muli %scan3A_541, %mul3A_742 : i32
        %add3A_744 = arith.constant 6 : i32
        %add3A_745 = arith.addi %mul3A_743, %add3A_744 : i32
        %shift_right_arithmetic3A_746 = arith.constant 3 : i32
        %shift_right_arithmetic3A_747 = arith.shrsi %add3A_745, %shift_right_arithmetic3A_746 : i32
        %and3A_748 = arith.constant 7 : i32
        %and3A_749 = arith.andi %add3A_745, %and3A_748 : i32
        %mul3A_750 = arith.constant 16 : i32
        %mul3A_751 = arith.muli %and3A_749, %mul3A_750 : i32
        %get3A_752 = arith.index_cast %shift_right_arithmetic3A_747 : i32 to index
        %get3A_753 = arith.index_cast %mul3A_751 : i32 to index
        %get3A_754 = tpu.vector_load %arg6[%get3A_752, %get3A_753] {strides = array<i32>} : memref<8x128xi32, #tpu.memory_space<vmem>>, vector<16xi32>,
        %ge3A_755 = arith.constant 0 : i32
        %ge3A_756 = vector.broadcast %ge3A_755 : i32 to vector<16xi32>
        %ge3A_757 = arith.cmpi sge, %get3A_754, %ge3A_756 : vector<16xi32>
        %min3A_758 = arith.constant 99999 : i32
        %min3A_759 = vector.broadcast %min3A_758 : i32 to vector<16xi32>
        %min3A_760 = arith.minsi %get3A_754, %min3A_759 : vector<16xi32>
        %jit3A_761 = arith.constant 100000 : i32
        %broadcast_in_dim3A_762 = vector.broadcast %jit3A_761 : i32 to vector<16xi32>
        %select_n3A_763 = arith.select %ge3A_757, %min3A_760, %broadcast_in_dim3A_762 : vector<16xi1>, vector<16xi32>
        %mul3A_764 = arith.constant 16 : i32
        %mul3A_765 = arith.muli %add3A_745, %mul3A_764 : i32
        %swap3A_766 = arith.index_cast %mul3A_765 : i32 to index
        %swap3A_767 = tpu.vector_load %arg7[%swap3A_766] {strides = array<i32>} : memref<1024xi32, #tpu.memory_space<vmem>>, vector<16xi32>,
        tpu.vector_store %arg7[%swap3A_766], %select_n3A_763 {strides = array<i32>} : memref<1024xi32, #tpu.memory_space<vmem>>, vector<16xi32>,
        %convert_element_type3A_768 = arith.extui %ge3A_757 : vector<16xi1> to vector<16xi32>
        %convert_element_type3A_769 = arith.sitofp %convert_element_type3A_768 : vector<16xi32> to vector<16xf32>
        %mul3A_770 = arith.constant 16 : i32
        %mul3A_771 = arith.muli %add3A_745, %mul3A_770 : i32
        %swap3A_772 = arith.constant 0 : i32
        %swap3A_773 = arith.index_cast %swap3A_772 : i32 to index
        %swap3A_774 = arith.index_cast %mul3A_771 : i32 to index
        %swap3A_775 = tpu.vector_load %arg9[%swap3A_773, %swap3A_774] {strides = array<i32>} : memref<2x2048xf32, #tpu.memory_space<vmem>>, vector<16xf32>,
        tpu.vector_store %arg9[%swap3A_773, %swap3A_774], %convert_element_type3A_769 {strides = array<i32>} : memref<2x2048xf32, #tpu.memory_space<vmem>>, vector<16xf32>,
        %mul3A_776 = arith.constant 8 : i32
        %mul3A_777 = arith.muli %scan3A_541, %mul3A_776 : i32
        %add3A_778 = arith.constant 7 : i32
        %add3A_779 = arith.addi %mul3A_777, %add3A_778 : i32
        %shift_right_arithmetic3A_780 = arith.constant 3 : i32
        %shift_right_arithmetic3A_781 = arith.shrsi %add3A_779, %shift_right_arithmetic3A_780 : i32
        %and3A_782 = arith.constant 7 : i32
        %and3A_783 = arith.andi %add3A_779, %and3A_782 : i32
        %mul3A_784 = arith.constant 16 : i32
        %mul3A_785 = arith.muli %and3A_783, %mul3A_784 : i32
        %get3A_786 = arith.index_cast %shift_right_arithmetic3A_781 : i32 to index
        %get3A_787 = arith.index_cast %mul3A_785 : i32 to index
        %get3A_788 = tpu.vector_load %arg6[%get3A_786, %get3A_787] {strides = array<i32>} : memref<8x128xi32, #tpu.memory_space<vmem>>, vector<16xi32>,
        %ge3A_789 = arith.constant 0 : i32
        %ge3A_790 = vector.broadcast %ge3A_789 : i32 to vector<16xi32>
        %ge3A_791 = arith.cmpi sge, %get3A_788, %ge3A_790 : vector<16xi32>
        %min3A_792 = arith.constant 99999 : i32
        %min3A_793 = vector.broadcast %min3A_792 : i32 to vector<16xi32>
        %min3A_794 = arith.minsi %get3A_788, %min3A_793 : vector<16xi32>
        %jit3A_795 = arith.constant 100000 : i32
        %broadcast_in_dim3A_796 = vector.broadcast %jit3A_795 : i32 to vector<16xi32>
        %select_n3A_797 = arith.select %ge3A_791, %min3A_794, %broadcast_in_dim3A_796 : vector<16xi1>, vector<16xi32>
        %mul3A_798 = arith.constant 16 : i32
        %mul3A_799 = arith.muli %add3A_779, %mul3A_798 : i32
        %swap3A_800 = arith.index_cast %mul3A_799 : i32 to index
        %swap3A_801 = tpu.vector_load %arg7[%swap3A_800] {strides = array<i32>} : memref<1024xi32, #tpu.memory_space<vmem>>, vector<16xi32>,
        tpu.vector_store %arg7[%swap3A_800], %select_n3A_797 {strides = array<i32>} : memref<1024xi32, #tpu.memory_space<vmem>>, vector<16xi32>,
        %convert_element_type3A_802 = arith.extui %ge3A_791 : vector<16xi1> to vector<16xi32>
        %convert_element_type3A_803 = arith.sitofp %convert_element_type3A_802 : vector<16xi32> to vector<16xf32>
        %mul3A_804 = arith.constant 16 : i32
        %mul3A_805 = arith.muli %add3A_779, %mul3A_804 : i32
        %swap3A_806 = arith.constant 0 : i32
        %swap3A_807 = arith.index_cast %swap3A_806 : i32 to index
        %swap3A_808 = arith.index_cast %mul3A_805 : i32 to index
        %swap3A_809 = tpu.vector_load %arg9[%swap3A_807, %swap3A_808] {strides = array<i32>} : memref<2x2048xf32, #tpu.memory_space<vmem>>, vector<16xf32>,
        tpu.vector_store %arg9[%swap3A_807, %swap3A_808], %convert_element_type3A_803 {strides = array<i32>} : memref<2x2048xf32, #tpu.memory_space<vmem>>, vector<16xf32>,
      }
      %scan3A_517 = arith.constant 8 : i32
      %mul3A_518 = arith.constant 1024 : i32
      %mul3A_519 = arith.muli %while3A_458, %mul3A_518 : i32
      "tpu.region"() ({
        %run_scoped3A = tpu.sem_alloc : memref<!tpu.dma_semaphore, #tpu.memory_space<semaphore_mem>>
        %dma_start3A_541 = tpu.memref_slice %arg10[%mul3A_519] : memref<262144xi32, #tpu.memory_space<vmem_shared>> -> memref<1024xi32, #tpu.memory_space<vmem_shared>>
        %dma_start3A_542 = tpu.memref_slice %arg10[%mul3A_519] : memref<262144xi32, #tpu.memory_space<vmem_shared>> -> memref<1024xi32, #tpu.memory_space<vmem_shared>>
        tpu.enqueue_dma source(%arg7 : memref<1024xi32, #tpu.memory_space<vmem>>) target(%dma_start3A_542 : memref<1024xi32, #tpu.memory_space<vmem_shared>>) target_semaphore(%run_scoped3A : memref<!tpu.dma_semaphore, #tpu.memory_space<semaphore_mem>>)
        %dma_wait3A_543 = tpu.memref_slice %arg10[%mul3A_519] : memref<262144xi32, #tpu.memory_space<vmem_shared>> -> memref<1024xi32, #tpu.memory_space<vmem_shared>>
        %dma_wait3A_544 = tpu.memref_slice %arg10[%mul3A_519] : memref<262144xi32, #tpu.memory_space<vmem_shared>> -> memref<1024xi32, #tpu.memory_space<vmem_shared>>
        tpu.wait_dma2 semaphore(%run_scoped3A : memref<!tpu.dma_semaphore, #tpu.memory_space<semaphore_mem>>) src(%arg7 : memref<1024xi32, #tpu.memory_space<vmem>>) dst(%dma_wait3A_544 : memref<1024xi32, #tpu.memory_space<vmem_shared>>)
        tpu.yield
      }) : () -> ()
      %mul3A_520 = arith.constant 1024 : i32
      %mul3A_521 = arith.muli %while3A_458, %mul3A_520 : i32
      %dma_start3A_522 = arith.constant 0 : i32
      %dma_start3A_523 = arith.constant 0 : i32
      %dma_start3A_524 = tpu.memref_slice %arg9[%dma_start3A_522, %dma_start3A_523] : memref<2x2048xf32, #tpu.memory_space<vmem>> -> memref<1x1024xf32, #tpu.memory_space<vmem>>
      %dma_start3A_525 = tpu.memref_squeeze %dma_start3A_524 : memref<1x1024xf32, #tpu.memory_space<vmem>> -> memref<1024xf32, #tpu.memory_space<vmem>>
      %dma_start3A_526 = tpu.memref_slice %arg4[%add3A_240, %mul3A_521] : memref<132x262144xf32, #tpu.memory_space<hbm>> -> memref<1x1024xf32, #tpu.memory_space<hbm>>
      %dma_start3A_527 = tpu.memref_squeeze %dma_start3A_526 : memref<1x1024xf32, #tpu.memory_space<hbm>> -> memref<1024xf32, #tpu.memory_space<hbm>>
      %dma_start3A_528 = tpu.memref_slice %arg4[%add3A_240, %mul3A_521] : memref<132x262144xf32, #tpu.memory_space<hbm>> -> memref<1x1024xf32, #tpu.memory_space<hbm>>
      %dma_start3A_529 = tpu.memref_squeeze %dma_start3A_528 : memref<1x1024xf32, #tpu.memory_space<hbm>> -> memref<1024xf32, #tpu.memory_space<hbm>>
      %dma_start3A_530 = arith.constant 0 : i32
      %dma_start3A_531 = tpu.memref_slice %arg9[%dma_start3A_522, %dma_start3A_530] : memref<2x2048xf32, #tpu.memory_space<vmem>> -> memref<1x1024xf32, #tpu.memory_space<vmem>>
      %dma_start3A_532 = tpu.memref_squeeze %dma_start3A_531 : memref<1x1024xf32, #tpu.memory_space<vmem>> -> memref<1024xf32, #tpu.memory_space<vmem>>
      tpu.enqueue_dma source(%dma_start3A_532 : memref<1024xf32, #tpu.memory_space<vmem>>) target(%dma_start3A_529 : memref<1024xf32, #tpu.memory_space<hbm>>) target_semaphore(%arg15 : memref<!tpu.dma_semaphore, #tpu.memory_space<semaphore_mem>>)
      %add3A_533 = arith.constant 1 : i32
      %add3A_534 = arith.addi %while3A_458, %add3A_533 : i32
      %add3A_535 = arith.constant 16 : i32
      %add3A_536 = arith.addi %mul3A_236, %add3A_535 : i32
      %lt3A_537 = arith.cmpi slt, %add3A_534, %add3A_536 : i32
      %convert_element_type3A_538 = arith.extui %lt3A_537 : i1 to i32
      %cond3A_539 = arith.constant 0 : i32
      %cond3A_540 = arith.cmpi ne, %convert_element_type3A_538, %cond3A_539 : i32
      scf.if %cond3A_540 {
        %add3A_541 = arith.constant 1 : i32
        %add3A_542 = arith.addi %while3A_458, %add3A_541 : i32
        %mul3A_543 = arith.constant 512 : i32
        %mul3A_544 = arith.muli %add3A_10, %mul3A_543 : i32
        %jit3A_545 = arith.constant 4 : i32
        %div3A_546 = arith.divsi %add3A_542, %jit3A_545 : i32
        %sign3A_547 = arith.constant 0 : i32
        %sign3A_548 = arith.cmpi sgt, %add3A_542, %sign3A_547 : i32
        %sign3A_549 = arith.extui %sign3A_548 : i1 to i32
        %sign3A_550 = arith.constant 0 : i32
        %sign3A_551 = arith.cmpi slt, %add3A_542, %sign3A_550 : i32
        %sign3A_552 = arith.extui %sign3A_551 : i1 to i32
        %sign3A_553 = arith.subi %sign3A_549, %sign3A_552 : i32
        %sign3A_554 = arith.constant 0 : i32
        %sign3A_555 = arith.cmpi sgt, %jit3A_545, %sign3A_554 : i32
        %sign3A_556 = arith.extui %sign3A_555 : i1 to i32
        %sign3A_557 = arith.constant 0 : i32
        %sign3A_558 = arith.cmpi slt, %jit3A_545, %sign3A_557 : i32
        %sign3A_559 = arith.extui %sign3A_558 : i1 to i32
        %sign3A_560 = arith.subi %sign3A_556, %sign3A_559 : i32
        %ne3A_561 = arith.cmpi ne, %sign3A_553, %sign3A_560 : i32
        %rem3A_562 = arith.remsi %add3A_542, %jit3A_545 : i32
        %ne3A_563 = arith.constant 0 : i32
        %ne3A_564 = arith.cmpi ne, %rem3A_562, %ne3A_563 : i32
        %and3A_565 = arith.andi %ne3A_561, %ne3A_564 : i1
        %sub3A_566 = arith.constant 1 : i32
        %sub3A_567 = arith.subi %div3A_546, %sub3A_566 : i32
        %select_n3A_568 = arith.select %and3A_565, %sub3A_567, %div3A_546 : i32
        %mul3A_569 = arith.constant 8 : i32
        %mul3A_570 = arith.muli %select_n3A_568, %mul3A_569 : i32
        %add3A_571 = arith.addi %mul3A_544, %mul3A_570 : i32
        %jit3A_572 = arith.constant 4 : i32
        %eq3A_573 = arith.constant 0 : i32
        %eq3A_574 = arith.cmpi eq, %jit3A_572, %eq3A_573 : i32
        %jit3A_575 = arith.constant 1 : i32
        %select_n3A_576 = arith.select %eq3A_574, %jit3A_575, %jit3A_572 : i32
        %rem3A_577 = arith.remsi %add3A_542, %select_n3A_576 : i32
        %ne3A_578 = arith.constant 0 : i32
        %ne3A_579 = arith.cmpi ne, %rem3A_577, %ne3A_578 : i32
        %lt3A_580 = arith.constant 0 : i32
        %lt3A_581 = arith.cmpi slt, %rem3A_577, %lt3A_580 : i32
        %lt3A_582 = arith.constant 0 : i32
        %lt3A_583 = arith.cmpi slt, %select_n3A_576, %lt3A_582 : i32
        %ne3A_584 = arith.xori %lt3A_581, %lt3A_583 : i1
        %and3A_585 = arith.andi %ne3A_584, %ne3A_579 : i1
        %add3A_586 = arith.addi %rem3A_577, %select_n3A_576 : i32
        %select_n3A_587 = arith.select %and3A_585, %add3A_586, %rem3A_577 : i32
        %dma_start3A_588 = arith.constant 0 : i32
        %dma_start3A_589 = arith.constant 0 : i32
        %dma_start3A_590 = tpu.memref_slice %arg2[%add3A_571, %select_n3A_587, %dma_start3A_588, %dma_start3A_589] : memref<2048x4x8x128xi32, #tpu.memory_space<hbm>> -> memref<8x1x1x128xi32, #tpu.memory_space<hbm>>
        %dma_start3A_591 = tpu.memref_squeeze %dma_start3A_590 : memref<8x1x1x128xi32, #tpu.memory_space<hbm>> -> memref<8x128xi32, #tpu.memory_space<hbm>>
        %dma_start3A_592 = arith.constant 0 : i32
        %dma_start3A_593 = tpu.memref_slice %arg2[%add3A_571, %select_n3A_587, %dma_start3A_588, %dma_start3A_592] : memref<2048x4x8x128xi32, #tpu.memory_space<hbm>> -> memref<8x1x1x128xi32, #tpu.memory_space<hbm>>
        %dma_start3A_594 = tpu.memref_squeeze %dma_start3A_593 : memref<8x1x1x128xi32, #tpu.memory_space<hbm>> -> memref<8x128xi32, #tpu.memory_space<hbm>>
        tpu.enqueue_dma source(%dma_start3A_594 : memref<8x128xi32, #tpu.memory_space<hbm>>) target(%arg6 : memref<8x128xi32, #tpu.memory_space<vmem>>) target_semaphore(%arg12 : memref<!tpu.dma_semaphore, #tpu.memory_space<semaphore_mem>>)
      } else {
      }
    }
    %dma_wait3A_304 = arith.constant 0 : i32
    %dma_wait3A_305 = arith.constant 0 : i32
    %dma_wait3A_306 = tpu.memref_slice %arg9[%dma_wait3A_304, %dma_wait3A_305] : memref<2x2048xf32, #tpu.memory_space<vmem>> -> memref<1x1024xf32, #tpu.memory_space<vmem>>
    %dma_wait3A_307 = tpu.memref_squeeze %dma_wait3A_306 : memref<1x1024xf32, #tpu.memory_space<vmem>> -> memref<1024xf32, #tpu.memory_space<vmem>>
    %dma_wait3A_308 = arith.constant 0 : i32
    %dma_wait3A_309 = tpu.memref_slice %arg4[%add3A_240, %dma_wait3A_308] : memref<132x262144xf32, #tpu.memory_space<hbm>> -> memref<1x1024xf32, #tpu.memory_space<hbm>>
    %dma_wait3A_310 = tpu.memref_squeeze %dma_wait3A_309 : memref<1x1024xf32, #tpu.memory_space<hbm>> -> memref<1024xf32, #tpu.memory_space<hbm>>
    %dma_wait3A_311 = arith.constant 0 : i32
    %dma_wait3A_312 = tpu.memref_slice %arg4[%add3A_240, %dma_wait3A_311] : memref<132x262144xf32, #tpu.memory_space<hbm>> -> memref<1x1024xf32, #tpu.memory_space<hbm>>
    %dma_wait3A_313 = tpu.memref_squeeze %dma_wait3A_312 : memref<1x1024xf32, #tpu.memory_space<hbm>> -> memref<1024xf32, #tpu.memory_space<hbm>>
    %dma_wait3A_314 = arith.constant 0 : i32
    %dma_wait3A_315 = tpu.memref_slice %arg9[%dma_wait3A_304, %dma_wait3A_314] : memref<2x2048xf32, #tpu.memory_space<vmem>> -> memref<1x1024xf32, #tpu.memory_space<vmem>>
    %dma_wait3A_316 = tpu.memref_squeeze %dma_wait3A_315 : memref<1x1024xf32, #tpu.memory_space<vmem>> -> memref<1024xf32, #tpu.memory_space<vmem>>
    tpu.wait_dma2 semaphore(%arg15 : memref<!tpu.dma_semaphore, #tpu.memory_space<semaphore_mem>>) src(%dma_wait3A_316 : memref<1024xf32, #tpu.memory_space<vmem>>) dst(%dma_wait3A_313 : memref<1024xf32, #tpu.memory_space<hbm>>)
    %barrier3A_317 = arith.constant 0 : index
    tpu.barrier barrier_id(%barrier3A_317)
    %add3A_318 = arith.constant 16 : i32
    %add3A_319 = arith.addi %add3A_318, %arg1 : i32
    %mul3A_320 = arith.constant 33 : i32
    %mul3A_321 = arith.muli %add3A_10, %mul3A_320 : i32
    %add3A_322 = arith.addi %mul3A_321, %add3A_319 : i32
    %dma_start3A_323 = arith.constant 0 : i32
    %dma_start3A_324 = arith.constant 0 : i32
    %dma_start3A_325 = tpu.memref_slice %arg8[%dma_start3A_323, %dma_start3A_324] : memref<2x2048xi32, #tpu.memory_space<vmem>> -> memref<1x2048xi32, #tpu.memory_space<vmem>>
    %dma_start3A_326 = tpu.memref_squeeze %dma_start3A_325 : memref<1x2048xi32, #tpu.memory_space<vmem>> -> memref<2048xi32, #tpu.memory_space<vmem>>
    %dma_start3A_327 = arith.constant 0 : i32
    %dma_start3A_328 = tpu.memref_slice %arg10[%dma_start3A_327] : memref<262144xi32, #tpu.memory_space<vmem_shared>> -> memref<2048xi32, #tpu.memory_space<vmem_shared>>
    %dma_start3A_329 = arith.constant 0 : i32
    %dma_start3A_330 = tpu.memref_slice %arg8[%dma_start3A_323, %dma_start3A_329] : memref<2x2048xi32, #tpu.memory_space<vmem>> -> memref<1x2048xi32, #tpu.memory_space<vmem>>
    %dma_start3A_331 = tpu.memref_squeeze %dma_start3A_330 : memref<1x2048xi32, #tpu.memory_space<vmem>> -> memref<2048xi32, #tpu.memory_space<vmem>>
    %dma_start3A_332 = arith.constant 0 : i32
    %dma_start3A_333 = tpu.memref_slice %arg10[%dma_start3A_332] : memref<262144xi32, #tpu.memory_space<vmem_shared>> -> memref<2048xi32, #tpu.memory_space<vmem_shared>>
    tpu.enqueue_dma source(%dma_start3A_333 : memref<2048xi32, #tpu.memory_space<vmem_shared>>) target(%dma_start3A_331 : memref<2048xi32, #tpu.memory_space<vmem>>) target_semaphore(%arg13 : memref<!tpu.dma_semaphore, #tpu.memory_space<semaphore_mem>>)
    %dma_start3A_334 = arith.constant 1 : i32
    %dma_start3A_335 = arith.constant 0 : i32
    %dma_start3A_336 = tpu.memref_slice %arg8[%dma_start3A_334, %dma_start3A_335] : memref<2x2048xi32, #tpu.memory_space<vmem>> -> memref<1x2048xi32, #tpu.memory_space<vmem>>
    %dma_start3A_337 = tpu.memref_squeeze %dma_start3A_336 : memref<1x2048xi32, #tpu.memory_space<vmem>> -> memref<2048xi32, #tpu.memory_space<vmem>>
    %dma_start3A_338 = arith.constant 2048 : i32
    %dma_start3A_339 = tpu.memref_slice %arg10[%dma_start3A_338] : memref<262144xi32, #tpu.memory_space<vmem_shared>> -> memref<2048xi32, #tpu.memory_space<vmem_shared>>
    %dma_start3A_340 = arith.constant 0 : i32
    %dma_start3A_341 = tpu.memref_slice %arg8[%dma_start3A_334, %dma_start3A_340] : memref<2x2048xi32, #tpu.memory_space<vmem>> -> memref<1x2048xi32, #tpu.memory_space<vmem>>
    %dma_start3A_342 = tpu.memref_squeeze %dma_start3A_341 : memref<1x2048xi32, #tpu.memory_space<vmem>> -> memref<2048xi32, #tpu.memory_space<vmem>>
    %dma_start3A_343 = arith.constant 2048 : i32
    %dma_start3A_344 = tpu.memref_slice %arg10[%dma_start3A_343] : memref<262144xi32, #tpu.memory_space<vmem_shared>> -> memref<2048xi32, #tpu.memory_space<vmem_shared>>
    tpu.enqueue_dma source(%dma_start3A_344 : memref<2048xi32, #tpu.memory_space<vmem_shared>>) target(%dma_start3A_342 : memref<2048xi32, #tpu.memory_space<vmem>>) target_semaphore(%arg14 : memref<!tpu.dma_semaphore, #tpu.memory_space<semaphore_mem>>)
    %scan3A_345 = arith.constant 0 : i32
    %scan3A_346 = arith.constant 0 : i32
    %scan3A_347 = arith.constant 64 : i32
    %scan3A_348 = arith.addi %scan3A_346, %scan3A_347 : i32
    %scan3A_349 = arith.constant 1 : i32
    scf.for %scan3A_458 = %scan3A_346 to %scan3A_348 step %scan3A_349  : i32 {
      %mul3A_459 = arith.constant 2 : i32
      %mul3A_460 = arith.muli %scan3A_458, %mul3A_459 : i32
      %add3A_461 = arith.constant 0 : i32
      %add3A_462 = arith.addi %mul3A_460, %add3A_461 : i32
      %mul3A_463 = arith.constant 2048 : i32
      %mul3A_464 = arith.muli %add3A_462, %mul3A_463 : i32
      %dma_wait3A_465 = arith.constant 0 : i32
      %dma_wait3A_466 = arith.constant 0 : i32
      %dma_wait3A_467 = tpu.memref_slice %arg8[%dma_wait3A_465, %dma_wait3A_466] : memref<2x2048xi32, #tpu.memory_space<vmem>> -> memref<1x2048xi32, #tpu.memory_space<vmem>>
      %dma_wait3A_468 = tpu.memref_squeeze %dma_wait3A_467 : memref<1x2048xi32, #tpu.memory_space<vmem>> -> memref<2048xi32, #tpu.memory_space<vmem>>
      %dma_wait3A_469 = tpu.memref_slice %arg10[%mul3A_464] : memref<262144xi32, #tpu.memory_space<vmem_shared>> -> memref<2048xi32, #tpu.memory_space<vmem_shared>>
      %dma_wait3A_470 = arith.constant 0 : i32
      %dma_wait3A_471 = tpu.memref_slice %arg8[%dma_wait3A_465, %dma_wait3A_470] : memref<2x2048xi32, #tpu.memory_space<vmem>> -> memref<1x2048xi32, #tpu.memory_space<vmem>>
      %dma_wait3A_472 = tpu.memref_squeeze %dma_wait3A_471 : memref<1x2048xi32, #tpu.memory_space<vmem>> -> memref<2048xi32, #tpu.memory_space<vmem>>
      %dma_wait3A_473 = tpu.memref_slice %arg10[%mul3A_464] : memref<262144xi32, #tpu.memory_space<vmem_shared>> -> memref<2048xi32, #tpu.memory_space<vmem_shared>>
      tpu.wait_dma2 semaphore(%arg13 : memref<!tpu.dma_semaphore, #tpu.memory_space<semaphore_mem>>) src(%dma_wait3A_473 : memref<2048xi32, #tpu.memory_space<vmem_shared>>) dst(%dma_wait3A_472 : memref<2048xi32, #tpu.memory_space<vmem>>)
      %gt3A = arith.constant 0 : i32
      %gt3A_474 = arith.cmpi sgt, %scan3A_458, %gt3A : i32
      %convert_element_type3A = arith.extui %gt3A_474 : i1 to i32
      %cond3A = arith.constant 0 : i32
      %cond3A_475 = arith.cmpi ne, %convert_element_type3A, %cond3A : i32
      scf.if %cond3A_475 {
        %dma_wait3A_548 = arith.constant 0 : i32
        %dma_wait3A_549 = arith.constant 0 : i32
        %dma_wait3A_550 = tpu.memref_slice %arg9[%dma_wait3A_548, %dma_wait3A_549] : memref<2x2048xf32, #tpu.memory_space<vmem>> -> memref<1x2048xf32, #tpu.memory_space<vmem>>
        %dma_wait3A_551 = tpu.memref_squeeze %dma_wait3A_550 : memref<1x2048xf32, #tpu.memory_space<vmem>> -> memref<2048xf32, #tpu.memory_space<vmem>>
        %dma_wait3A_552 = arith.constant 0 : i32
        %dma_wait3A_553 = tpu.memref_slice %arg4[%add3A_322, %dma_wait3A_552] : memref<132x262144xf32, #tpu.memory_space<hbm>> -> memref<1x2048xf32, #tpu.memory_space<hbm>>
        %dma_wait3A_554 = tpu.memref_squeeze %dma_wait3A_553 : memref<1x2048xf32, #tpu.memory_space<hbm>> -> memref<2048xf32, #tpu.memory_space<hbm>>
        %dma_wait3A_555 = arith.constant 0 : i32
        %dma_wait3A_556 = tpu.memref_slice %arg4[%add3A_322, %dma_wait3A_555] : memref<132x262144xf32, #tpu.memory_space<hbm>> -> memref<1x2048xf32, #tpu.memory_space<hbm>>
        %dma_wait3A_557 = tpu.memref_squeeze %dma_wait3A_556 : memref<1x2048xf32, #tpu.memory_space<hbm>> -> memref<2048xf32, #tpu.memory_space<hbm>>
        %dma_wait3A_558 = arith.constant 0 : i32
        %dma_wait3A_559 = tpu.memref_slice %arg9[%dma_wait3A_548, %dma_wait3A_558] : memref<2x2048xf32, #tpu.memory_space<vmem>> -> memref<1x2048xf32, #tpu.memory_space<vmem>>
        %dma_wait3A_560 = tpu.memref_squeeze %dma_wait3A_559 : memref<1x2048xf32, #tpu.memory_space<vmem>> -> memref<2048xf32, #tpu.memory_space<vmem>>
        tpu.wait_dma2 semaphore(%arg15 : memref<!tpu.dma_semaphore, #tpu.memory_space<semaphore_mem>>) src(%dma_wait3A_560 : memref<2048xf32, #tpu.memory_space<vmem>>) dst(%dma_wait3A_557 : memref<2048xf32, #tpu.memory_space<hbm>>)
      } else {
      }
      %scan3A_476 = arith.constant 0 : i32
      %scan3A_477 = arith.constant 0 : i32
      %scan3A_478 = arith.constant 16 : i32
      %scan3A_479 = arith.addi %scan3A_477, %scan3A_478 : i32
      %scan3A_480 = arith.constant 1 : i32
      scf.for %scan3A_548 = %scan3A_477 to %scan3A_479 step %scan3A_480  : i32 {
        %mul3A_549 = arith.constant 8 : i32
        %mul3A_550 = arith.muli %scan3A_548, %mul3A_549 : i32
        %add3A_551 = arith.constant 0 : i32
        %add3A_552 = arith.addi %mul3A_550, %add3A_551 : i32
        %mul3A_553 = arith.constant 16 : i32
        %mul3A_554 = arith.muli %add3A_552, %mul3A_553 : i32
        %get3A = arith.constant 0 : i32
        %get3A_555 = arith.index_cast %get3A : i32 to index
        %get3A_556 = arith.index_cast %mul3A_554 : i32 to index
        %get3A_557 = tpu.vector_load %arg8[%get3A_555, %get3A_556] {strides = array<i32>} : memref<2x2048xi32, #tpu.memory_space<vmem>>, vector<16xi32>,
        %gather3A = tpu.vector_load_idx %arg5[%get3A_557] : memref<100016xf32, #tpu.memory_space<vmem>>[vector<16xi32>], vector<16xf32>,
        %mul3A_558 = arith.constant 16 : i32
        %mul3A_559 = arith.muli %add3A_552, %mul3A_558 : i32
        %swap3A_560 = arith.constant 0 : i32
        %swap3A_561 = arith.index_cast %swap3A_560 : i32 to index
        %swap3A_562 = arith.index_cast %mul3A_559 : i32 to index
        %swap3A_563 = tpu.vector_load %arg9[%swap3A_561, %swap3A_562] {strides = array<i32>} : memref<2x2048xf32, #tpu.memory_space<vmem>>, vector<16xf32>,
        tpu.vector_store %arg9[%swap3A_561, %swap3A_562], %gather3A {strides = array<i32>} : memref<2x2048xf32, #tpu.memory_space<vmem>>, vector<16xf32>,
        %mul3A_564 = arith.constant 8 : i32
        %mul3A_565 = arith.muli %scan3A_548, %mul3A_564 : i32
        %add3A_566 = arith.constant 1 : i32
        %add3A_567 = arith.addi %mul3A_565, %add3A_566 : i32
        %mul3A_568 = arith.constant 16 : i32
        %mul3A_569 = arith.muli %add3A_567, %mul3A_568 : i32
        %get3A_570 = arith.constant 0 : i32
        %get3A_571 = arith.index_cast %get3A_570 : i32 to index
        %get3A_572 = arith.index_cast %mul3A_569 : i32 to index
        %get3A_573 = tpu.vector_load %arg8[%get3A_571, %get3A_572] {strides = array<i32>} : memref<2x2048xi32, #tpu.memory_space<vmem>>, vector<16xi32>,
        %gather3A_574 = tpu.vector_load_idx %arg5[%get3A_573] : memref<100016xf32, #tpu.memory_space<vmem>>[vector<16xi32>], vector<16xf32>,
        %mul3A_575 = arith.constant 16 : i32
        %mul3A_576 = arith.muli %add3A_567, %mul3A_575 : i32
        %swap3A_577 = arith.constant 0 : i32
        %swap3A_578 = arith.index_cast %swap3A_577 : i32 to index
        %swap3A_579 = arith.index_cast %mul3A_576 : i32 to index
        %swap3A_580 = tpu.vector_load %arg9[%swap3A_578, %swap3A_579] {strides = array<i32>} : memref<2x2048xf32, #tpu.memory_space<vmem>>, vector<16xf32>,
        tpu.vector_store %arg9[%swap3A_578, %swap3A_579], %gather3A_574 {strides = array<i32>} : memref<2x2048xf32, #tpu.memory_space<vmem>>, vector<16xf32>,
        %mul3A_581 = arith.constant 8 : i32
        %mul3A_582 = arith.muli %scan3A_548, %mul3A_581 : i32
        %add3A_583 = arith.constant 2 : i32
        %add3A_584 = arith.addi %mul3A_582, %add3A_583 : i32
        %mul3A_585 = arith.constant 16 : i32
        %mul3A_586 = arith.muli %add3A_584, %mul3A_585 : i32
        %get3A_587 = arith.constant 0 : i32
        %get3A_588 = arith.index_cast %get3A_587 : i32 to index
        %get3A_589 = arith.index_cast %mul3A_586 : i32 to index
        %get3A_590 = tpu.vector_load %arg8[%get3A_588, %get3A_589] {strides = array<i32>} : memref<2x2048xi32, #tpu.memory_space<vmem>>, vector<16xi32>,
        %gather3A_591 = tpu.vector_load_idx %arg5[%get3A_590] : memref<100016xf32, #tpu.memory_space<vmem>>[vector<16xi32>], vector<16xf32>,
        %mul3A_592 = arith.constant 16 : i32
        %mul3A_593 = arith.muli %add3A_584, %mul3A_592 : i32
        %swap3A_594 = arith.constant 0 : i32
        %swap3A_595 = arith.index_cast %swap3A_594 : i32 to index
        %swap3A_596 = arith.index_cast %mul3A_593 : i32 to index
        %swap3A_597 = tpu.vector_load %arg9[%swap3A_595, %swap3A_596] {strides = array<i32>} : memref<2x2048xf32, #tpu.memory_space<vmem>>, vector<16xf32>,
        tpu.vector_store %arg9[%swap3A_595, %swap3A_596], %gather3A_591 {strides = array<i32>} : memref<2x2048xf32, #tpu.memory_space<vmem>>, vector<16xf32>,
        %mul3A_598 = arith.constant 8 : i32
        %mul3A_599 = arith.muli %scan3A_548, %mul3A_598 : i32
        %add3A_600 = arith.constant 3 : i32
        %add3A_601 = arith.addi %mul3A_599, %add3A_600 : i32
        %mul3A_602 = arith.constant 16 : i32
        %mul3A_603 = arith.muli %add3A_601, %mul3A_602 : i32
        %get3A_604 = arith.constant 0 : i32
        %get3A_605 = arith.index_cast %get3A_604 : i32 to index
        %get3A_606 = arith.index_cast %mul3A_603 : i32 to index
        %get3A_607 = tpu.vector_load %arg8[%get3A_605, %get3A_606] {strides = array<i32>} : memref<2x2048xi32, #tpu.memory_space<vmem>>, vector<16xi32>,
        %gather3A_608 = tpu.vector_load_idx %arg5[%get3A_607] : memref<100016xf32, #tpu.memory_space<vmem>>[vector<16xi32>], vector<16xf32>,
        %mul3A_609 = arith.constant 16 : i32
        %mul3A_610 = arith.muli %add3A_601, %mul3A_609 : i32
        %swap3A_611 = arith.constant 0 : i32
        %swap3A_612 = arith.index_cast %swap3A_611 : i32 to index
        %swap3A_613 = arith.index_cast %mul3A_610 : i32 to index
        %swap3A_614 = tpu.vector_load %arg9[%swap3A_612, %swap3A_613] {strides = array<i32>} : memref<2x2048xf32, #tpu.memory_space<vmem>>, vector<16xf32>,
        tpu.vector_store %arg9[%swap3A_612, %swap3A_613], %gather3A_608 {strides = array<i32>} : memref<2x2048xf32, #tpu.memory_space<vmem>>, vector<16xf32>,
        %mul3A_615 = arith.constant 8 : i32
        %mul3A_616 = arith.muli %scan3A_548, %mul3A_615 : i32
        %add3A_617 = arith.constant 4 : i32
        %add3A_618 = arith.addi %mul3A_616, %add3A_617 : i32
        %mul3A_619 = arith.constant 16 : i32
        %mul3A_620 = arith.muli %add3A_618, %mul3A_619 : i32
        %get3A_621 = arith.constant 0 : i32
        %get3A_622 = arith.index_cast %get3A_621 : i32 to index
        %get3A_623 = arith.index_cast %mul3A_620 : i32 to index
        %get3A_624 = tpu.vector_load %arg8[%get3A_622, %get3A_623] {strides = array<i32>} : memref<2x2048xi32, #tpu.memory_space<vmem>>, vector<16xi32>,
        %gather3A_625 = tpu.vector_load_idx %arg5[%get3A_624] : memref<100016xf32, #tpu.memory_space<vmem>>[vector<16xi32>], vector<16xf32>,
        %mul3A_626 = arith.constant 16 : i32
        %mul3A_627 = arith.muli %add3A_618, %mul3A_626 : i32
        %swap3A_628 = arith.constant 0 : i32
        %swap3A_629 = arith.index_cast %swap3A_628 : i32 to index
        %swap3A_630 = arith.index_cast %mul3A_627 : i32 to index
        %swap3A_631 = tpu.vector_load %arg9[%swap3A_629, %swap3A_630] {strides = array<i32>} : memref<2x2048xf32, #tpu.memory_space<vmem>>, vector<16xf32>,
        tpu.vector_store %arg9[%swap3A_629, %swap3A_630], %gather3A_625 {strides = array<i32>} : memref<2x2048xf32, #tpu.memory_space<vmem>>, vector<16xf32>,
        %mul3A_632 = arith.constant 8 : i32
        %mul3A_633 = arith.muli %scan3A_548, %mul3A_632 : i32
        %add3A_634 = arith.constant 5 : i32
        %add3A_635 = arith.addi %mul3A_633, %add3A_634 : i32
        %mul3A_636 = arith.constant 16 : i32
        %mul3A_637 = arith.muli %add3A_635, %mul3A_636 : i32
        %get3A_638 = arith.constant 0 : i32
        %get3A_639 = arith.index_cast %get3A_638 : i32 to index
        %get3A_640 = arith.index_cast %mul3A_637 : i32 to index
        %get3A_641 = tpu.vector_load %arg8[%get3A_639, %get3A_640] {strides = array<i32>} : memref<2x2048xi32, #tpu.memory_space<vmem>>, vector<16xi32>,
        %gather3A_642 = tpu.vector_load_idx %arg5[%get3A_641] : memref<100016xf32, #tpu.memory_space<vmem>>[vector<16xi32>], vector<16xf32>,
        %mul3A_643 = arith.constant 16 : i32
        %mul3A_644 = arith.muli %add3A_635, %mul3A_643 : i32
        %swap3A_645 = arith.constant 0 : i32
        %swap3A_646 = arith.index_cast %swap3A_645 : i32 to index
        %swap3A_647 = arith.index_cast %mul3A_644 : i32 to index
        %swap3A_648 = tpu.vector_load %arg9[%swap3A_646, %swap3A_647] {strides = array<i32>} : memref<2x2048xf32, #tpu.memory_space<vmem>>, vector<16xf32>,
        tpu.vector_store %arg9[%swap3A_646, %swap3A_647], %gather3A_642 {strides = array<i32>} : memref<2x2048xf32, #tpu.memory_space<vmem>>, vector<16xf32>,
        %mul3A_649 = arith.constant 8 : i32
        %mul3A_650 = arith.muli %scan3A_548, %mul3A_649 : i32
        %add3A_651 = arith.constant 6 : i32
        %add3A_652 = arith.addi %mul3A_650, %add3A_651 : i32
        %mul3A_653 = arith.constant 16 : i32
        %mul3A_654 = arith.muli %add3A_652, %mul3A_653 : i32
        %get3A_655 = arith.constant 0 : i32
        %get3A_656 = arith.index_cast %get3A_655 : i32 to index
        %get3A_657 = arith.index_cast %mul3A_654 : i32 to index
        %get3A_658 = tpu.vector_load %arg8[%get3A_656, %get3A_657] {strides = array<i32>} : memref<2x2048xi32, #tpu.memory_space<vmem>>, vector<16xi32>,
        %gather3A_659 = tpu.vector_load_idx %arg5[%get3A_658] : memref<100016xf32, #tpu.memory_space<vmem>>[vector<16xi32>], vector<16xf32>,
        %mul3A_660 = arith.constant 16 : i32
        %mul3A_661 = arith.muli %add3A_652, %mul3A_660 : i32
        %swap3A_662 = arith.constant 0 : i32
        %swap3A_663 = arith.index_cast %swap3A_662 : i32 to index
        %swap3A_664 = arith.index_cast %mul3A_661 : i32 to index
        %swap3A_665 = tpu.vector_load %arg9[%swap3A_663, %swap3A_664] {strides = array<i32>} : memref<2x2048xf32, #tpu.memory_space<vmem>>, vector<16xf32>,
        tpu.vector_store %arg9[%swap3A_663, %swap3A_664], %gather3A_659 {strides = array<i32>} : memref<2x2048xf32, #tpu.memory_space<vmem>>, vector<16xf32>,
        %mul3A_666 = arith.constant 8 : i32
        %mul3A_667 = arith.muli %scan3A_548, %mul3A_666 : i32
        %add3A_668 = arith.constant 7 : i32
        %add3A_669 = arith.addi %mul3A_667, %add3A_668 : i32
        %mul3A_670 = arith.constant 16 : i32
        %mul3A_671 = arith.muli %add3A_669, %mul3A_670 : i32
        %get3A_672 = arith.constant 0 : i32
        %get3A_673 = arith.index_cast %get3A_672 : i32 to index
        %get3A_674 = arith.index_cast %mul3A_671 : i32 to index
        %get3A_675 = tpu.vector_load %arg8[%get3A_673, %get3A_674] {strides = array<i32>} : memref<2x2048xi32, #tpu.memory_space<vmem>>, vector<16xi32>,
        %gather3A_676 = tpu.vector_load_idx %arg5[%get3A_675] : memref<100016xf32, #tpu.memory_space<vmem>>[vector<16xi32>], vector<16xf32>,
        %mul3A_677 = arith.constant 16 : i32
        %mul3A_678 = arith.muli %add3A_669, %mul3A_677 : i32
        %swap3A_679 = arith.constant 0 : i32
        %swap3A_680 = arith.index_cast %swap3A_679 : i32 to index
        %swap3A_681 = arith.index_cast %mul3A_678 : i32 to index
        %swap3A_682 = tpu.vector_load %arg9[%swap3A_680, %swap3A_681] {strides = array<i32>} : memref<2x2048xf32, #tpu.memory_space<vmem>>, vector<16xf32>,
        tpu.vector_store %arg9[%swap3A_680, %swap3A_681], %gather3A_676 {strides = array<i32>} : memref<2x2048xf32, #tpu.memory_space<vmem>>, vector<16xf32>,
      }
      %scan3A_481 = arith.constant 16 : i32
      %add3A_482 = arith.constant 2 : i32
      %add3A_483 = arith.addi %add3A_462, %add3A_482 : i32
      %lt3A_484 = arith.constant 128 : i32
      %lt3A_485 = arith.cmpi slt, %add3A_483, %lt3A_484 : i32
      %convert_element_type3A_486 = arith.extui %lt3A_485 : i1 to i32
      %cond3A_487 = arith.constant 0 : i32
      %cond3A_488 = arith.cmpi ne, %convert_element_type3A_486, %cond3A_487 : i32
      scf.if %cond3A_488 {
        %add3A_548 = arith.constant 2 : i32
        %add3A_549 = arith.addi %add3A_462, %add3A_548 : i32
        %mul3A_550 = arith.constant 2048 : i32
        %mul3A_551 = arith.muli %add3A_549, %mul3A_550 : i32
        %dma_start3A_552 = arith.constant 0 : i32
        %dma_start3A_553 = arith.constant 0 : i32
        %dma_start3A_554 = tpu.memref_slice %arg8[%dma_start3A_552, %dma_start3A_553] : memref<2x2048xi32, #tpu.memory_space<vmem>> -> memref<1x2048xi32, #tpu.memory_space<vmem>>
        %dma_start3A_555 = tpu.memref_squeeze %dma_start3A_554 : memref<1x2048xi32, #tpu.memory_space<vmem>> -> memref<2048xi32, #tpu.memory_space<vmem>>
        %dma_start3A_556 = tpu.memref_slice %arg10[%mul3A_551] : memref<262144xi32, #tpu.memory_space<vmem_shared>> -> memref<2048xi32, #tpu.memory_space<vmem_shared>>
        %dma_start3A_557 = arith.constant 0 : i32
        %dma_start3A_558 = tpu.memref_slice %arg8[%dma_start3A_552, %dma_start3A_557] : memref<2x2048xi32, #tpu.memory_space<vmem>> -> memref<1x2048xi32, #tpu.memory_space<vmem>>
        %dma_start3A_559 = tpu.memref_squeeze %dma_start3A_558 : memref<1x2048xi32, #tpu.memory_space<vmem>> -> memref<2048xi32, #tpu.memory_space<vmem>>
        %dma_start3A_560 = tpu.memref_slice %arg10[%mul3A_551] : memref<262144xi32, #tpu.memory_space<vmem_shared>> -> memref<2048xi32, #tpu.memory_space<vmem_shared>>
        tpu.enqueue_dma source(%dma_start3A_560 : memref<2048xi32, #tpu.memory_space<vmem_shared>>) target(%dma_start3A_559 : memref<2048xi32, #tpu.memory_space<vmem>>) target_semaphore(%arg13 : memref<!tpu.dma_semaphore, #tpu.memory_space<semaphore_mem>>)
      } else {
      }
      %mul3A_489 = arith.constant 2048 : i32
      %mul3A_490 = arith.muli %add3A_462, %mul3A_489 : i32
      %dma_start3A_491 = arith.constant 0 : i32
      %dma_start3A_492 = arith.constant 0 : i32
      %dma_start3A_493 = tpu.memref_slice %arg9[%dma_start3A_491, %dma_start3A_492] : memref<2x2048xf32, #tpu.memory_space<vmem>> -> memref<1x2048xf32, #tpu.memory_space<vmem>>
      %dma_start3A_494 = tpu.memref_squeeze %dma_start3A_493 : memref<1x2048xf32, #tpu.memory_space<vmem>> -> memref<2048xf32, #tpu.memory_space<vmem>>
      %dma_start3A_495 = tpu.memref_slice %arg4[%add3A_322, %mul3A_490] : memref<132x262144xf32, #tpu.memory_space<hbm>> -> memref<1x2048xf32, #tpu.memory_space<hbm>>
      %dma_start3A_496 = tpu.memref_squeeze %dma_start3A_495 : memref<1x2048xf32, #tpu.memory_space<hbm>> -> memref<2048xf32, #tpu.memory_space<hbm>>
      %dma_start3A_497 = tpu.memref_slice %arg4[%add3A_322, %mul3A_490] : memref<132x262144xf32, #tpu.memory_space<hbm>> -> memref<1x2048xf32, #tpu.memory_space<hbm>>
      %dma_start3A_498 = tpu.memref_squeeze %dma_start3A_497 : memref<1x2048xf32, #tpu.memory_space<hbm>> -> memref<2048xf32, #tpu.memory_space<hbm>>
      %dma_start3A_499 = arith.constant 0 : i32
      %dma_start3A_500 = tpu.memref_slice %arg9[%dma_start3A_491, %dma_start3A_499] : memref<2x2048xf32, #tpu.memory_space<vmem>> -> memref<1x2048xf32, #tpu.memory_space<vmem>>
      %dma_start3A_501 = tpu.memref_squeeze %dma_start3A_500 : memref<1x2048xf32, #tpu.memory_space<vmem>> -> memref<2048xf32, #tpu.memory_space<vmem>>
      tpu.enqueue_dma source(%dma_start3A_501 : memref<2048xf32, #tpu.memory_space<vmem>>) target(%dma_start3A_498 : memref<2048xf32, #tpu.memory_space<hbm>>) target_semaphore(%arg15 : memref<!tpu.dma_semaphore, #tpu.memory_space<semaphore_mem>>)
      %mul3A_502 = arith.constant 2 : i32
      %mul3A_503 = arith.muli %scan3A_458, %mul3A_502 : i32
      %add3A_504 = arith.constant 1 : i32
      %add3A_505 = arith.addi %mul3A_503, %add3A_504 : i32
      %mul3A_506 = arith.constant 2048 : i32
      %mul3A_507 = arith.muli %add3A_505, %mul3A_506 : i32
      %dma_wait3A_508 = arith.constant 1 : i32
      %dma_wait3A_509 = arith.constant 0 : i32
      %dma_wait3A_510 = tpu.memref_slice %arg8[%dma_wait3A_508, %dma_wait3A_509] : memref<2x2048xi32, #tpu.memory_space<vmem>> -> memref<1x2048xi32, #tpu.memory_space<vmem>>
      %dma_wait3A_511 = tpu.memref_squeeze %dma_wait3A_510 : memref<1x2048xi32, #tpu.memory_space<vmem>> -> memref<2048xi32, #tpu.memory_space<vmem>>
      %dma_wait3A_512 = tpu.memref_slice %arg10[%mul3A_507] : memref<262144xi32, #tpu.memory_space<vmem_shared>> -> memref<2048xi32, #tpu.memory_space<vmem_shared>>
      %dma_wait3A_513 = arith.constant 0 : i32
      %dma_wait3A_514 = tpu.memref_slice %arg8[%dma_wait3A_508, %dma_wait3A_513] : memref<2x2048xi32, #tpu.memory_space<vmem>> -> memref<1x2048xi32, #tpu.memory_space<vmem>>
      %dma_wait3A_515 = tpu.memref_squeeze %dma_wait3A_514 : memref<1x2048xi32, #tpu.memory_space<vmem>> -> memref<2048xi32, #tpu.memory_space<vmem>>
      %dma_wait3A_516 = tpu.memref_slice %arg10[%mul3A_507] : memref<262144xi32, #tpu.memory_space<vmem_shared>> -> memref<2048xi32, #tpu.memory_space<vmem_shared>>
      tpu.wait_dma2 semaphore(%arg14 : memref<!tpu.dma_semaphore, #tpu.memory_space<semaphore_mem>>) src(%dma_wait3A_516 : memref<2048xi32, #tpu.memory_space<vmem_shared>>) dst(%dma_wait3A_515 : memref<2048xi32, #tpu.memory_space<vmem>>)
      %gt3A_517 = arith.constant 0 : i32
      %gt3A_518 = arith.cmpi sgt, %scan3A_458, %gt3A_517 : i32
      %convert_element_type3A_519 = arith.extui %gt3A_518 : i1 to i32
      %cond3A_520 = arith.constant 0 : i32
      %cond3A_521 = arith.cmpi ne, %convert_element_type3A_519, %cond3A_520 : i32
      scf.if %cond3A_521 {
        %dma_wait3A_548 = arith.constant 1 : i32
        %dma_wait3A_549 = arith.constant 0 : i32
        %dma_wait3A_550 = tpu.memref_slice %arg9[%dma_wait3A_548, %dma_wait3A_549] : memref<2x2048xf32, #tpu.memory_space<vmem>> -> memref<1x2048xf32, #tpu.memory_space<vmem>>
        %dma_wait3A_551 = tpu.memref_squeeze %dma_wait3A_550 : memref<1x2048xf32, #tpu.memory_space<vmem>> -> memref<2048xf32, #tpu.memory_space<vmem>>
        %dma_wait3A_552 = arith.constant 0 : i32
        %dma_wait3A_553 = tpu.memref_slice %arg4[%add3A_322, %dma_wait3A_552] : memref<132x262144xf32, #tpu.memory_space<hbm>> -> memref<1x2048xf32, #tpu.memory_space<hbm>>
        %dma_wait3A_554 = tpu.memref_squeeze %dma_wait3A_553 : memref<1x2048xf32, #tpu.memory_space<hbm>> -> memref<2048xf32, #tpu.memory_space<hbm>>
        %dma_wait3A_555 = arith.constant 0 : i32
        %dma_wait3A_556 = tpu.memref_slice %arg4[%add3A_322, %dma_wait3A_555] : memref<132x262144xf32, #tpu.memory_space<hbm>> -> memref<1x2048xf32, #tpu.memory_space<hbm>>
        %dma_wait3A_557 = tpu.memref_squeeze %dma_wait3A_556 : memref<1x2048xf32, #tpu.memory_space<hbm>> -> memref<2048xf32, #tpu.memory_space<hbm>>
        %dma_wait3A_558 = arith.constant 0 : i32
        %dma_wait3A_559 = tpu.memref_slice %arg9[%dma_wait3A_548, %dma_wait3A_558] : memref<2x2048xf32, #tpu.memory_space<vmem>> -> memref<1x2048xf32, #tpu.memory_space<vmem>>
        %dma_wait3A_560 = tpu.memref_squeeze %dma_wait3A_559 : memref<1x2048xf32, #tpu.memory_space<vmem>> -> memref<2048xf32, #tpu.memory_space<vmem>>
        tpu.wait_dma2 semaphore(%arg16 : memref<!tpu.dma_semaphore, #tpu.memory_space<semaphore_mem>>) src(%dma_wait3A_560 : memref<2048xf32, #tpu.memory_space<vmem>>) dst(%dma_wait3A_557 : memref<2048xf32, #tpu.memory_space<hbm>>)
      } else {
      }
      %scan3A_522 = arith.constant 0 : i32
      %scan3A_523 = arith.constant 0 : i32
      %scan3A_524 = arith.constant 16 : i32
      %scan3A_525 = arith.addi %scan3A_523, %scan3A_524 : i32
      %scan3A_526 = arith.constant 1 : i32
      scf.for %scan3A_548 = %scan3A_523 to %scan3A_525 step %scan3A_526  : i32 {
        %mul3A_549 = arith.constant 8 : i32
        %mul3A_550 = arith.muli %scan3A_548, %mul3A_549 : i32
        %add3A_551 = arith.constant 0 : i32
        %add3A_552 = arith.addi %mul3A_550, %add3A_551 : i32
        %mul3A_553 = arith.constant 16 : i32
        %mul3A_554 = arith.muli %add3A_552, %mul3A_553 : i32
        %get3A = arith.constant 1 : i32
        %get3A_555 = arith.index_cast %get3A : i32 to index
        %get3A_556 = arith.index_cast %mul3A_554 : i32 to index
        %get3A_557 = tpu.vector_load %arg8[%get3A_555, %get3A_556] {strides = array<i32>} : memref<2x2048xi32, #tpu.memory_space<vmem>>, vector<16xi32>,
        %gather3A = tpu.vector_load_idx %arg5[%get3A_557] : memref<100016xf32, #tpu.memory_space<vmem>>[vector<16xi32>], vector<16xf32>,
        %mul3A_558 = arith.constant 16 : i32
        %mul3A_559 = arith.muli %add3A_552, %mul3A_558 : i32
        %swap3A_560 = arith.constant 1 : i32
        %swap3A_561 = arith.index_cast %swap3A_560 : i32 to index
        %swap3A_562 = arith.index_cast %mul3A_559 : i32 to index
        %swap3A_563 = tpu.vector_load %arg9[%swap3A_561, %swap3A_562] {strides = array<i32>} : memref<2x2048xf32, #tpu.memory_space<vmem>>, vector<16xf32>,
        tpu.vector_store %arg9[%swap3A_561, %swap3A_562], %gather3A {strides = array<i32>} : memref<2x2048xf32, #tpu.memory_space<vmem>>, vector<16xf32>,
        %mul3A_564 = arith.constant 8 : i32
        %mul3A_565 = arith.muli %scan3A_548, %mul3A_564 : i32
        %add3A_566 = arith.constant 1 : i32
        %add3A_567 = arith.addi %mul3A_565, %add3A_566 : i32
        %mul3A_568 = arith.constant 16 : i32
        %mul3A_569 = arith.muli %add3A_567, %mul3A_568 : i32
        %get3A_570 = arith.constant 1 : i32
        %get3A_571 = arith.index_cast %get3A_570 : i32 to index
        %get3A_572 = arith.index_cast %mul3A_569 : i32 to index
        %get3A_573 = tpu.vector_load %arg8[%get3A_571, %get3A_572] {strides = array<i32>} : memref<2x2048xi32, #tpu.memory_space<vmem>>, vector<16xi32>,
        %gather3A_574 = tpu.vector_load_idx %arg5[%get3A_573] : memref<100016xf32, #tpu.memory_space<vmem>>[vector<16xi32>], vector<16xf32>,
        %mul3A_575 = arith.constant 16 : i32
        %mul3A_576 = arith.muli %add3A_567, %mul3A_575 : i32
        %swap3A_577 = arith.constant 1 : i32
        %swap3A_578 = arith.index_cast %swap3A_577 : i32 to index
        %swap3A_579 = arith.index_cast %mul3A_576 : i32 to index
        %swap3A_580 = tpu.vector_load %arg9[%swap3A_578, %swap3A_579] {strides = array<i32>} : memref<2x2048xf32, #tpu.memory_space<vmem>>, vector<16xf32>,
        tpu.vector_store %arg9[%swap3A_578, %swap3A_579], %gather3A_574 {strides = array<i32>} : memref<2x2048xf32, #tpu.memory_space<vmem>>, vector<16xf32>,
        %mul3A_581 = arith.constant 8 : i32
        %mul3A_582 = arith.muli %scan3A_548, %mul3A_581 : i32
        %add3A_583 = arith.constant 2 : i32
        %add3A_584 = arith.addi %mul3A_582, %add3A_583 : i32
        %mul3A_585 = arith.constant 16 : i32
        %mul3A_586 = arith.muli %add3A_584, %mul3A_585 : i32
        %get3A_587 = arith.constant 1 : i32
        %get3A_588 = arith.index_cast %get3A_587 : i32 to index
        %get3A_589 = arith.index_cast %mul3A_586 : i32 to index
        %get3A_590 = tpu.vector_load %arg8[%get3A_588, %get3A_589] {strides = array<i32>} : memref<2x2048xi32, #tpu.memory_space<vmem>>, vector<16xi32>,
        %gather3A_591 = tpu.vector_load_idx %arg5[%get3A_590] : memref<100016xf32, #tpu.memory_space<vmem>>[vector<16xi32>], vector<16xf32>,
        %mul3A_592 = arith.constant 16 : i32
        %mul3A_593 = arith.muli %add3A_584, %mul3A_592 : i32
        %swap3A_594 = arith.constant 1 : i32
        %swap3A_595 = arith.index_cast %swap3A_594 : i32 to index
        %swap3A_596 = arith.index_cast %mul3A_593 : i32 to index
        %swap3A_597 = tpu.vector_load %arg9[%swap3A_595, %swap3A_596] {strides = array<i32>} : memref<2x2048xf32, #tpu.memory_space<vmem>>, vector<16xf32>,
        tpu.vector_store %arg9[%swap3A_595, %swap3A_596], %gather3A_591 {strides = array<i32>} : memref<2x2048xf32, #tpu.memory_space<vmem>>, vector<16xf32>,
        %mul3A_598 = arith.constant 8 : i32
        %mul3A_599 = arith.muli %scan3A_548, %mul3A_598 : i32
        %add3A_600 = arith.constant 3 : i32
        %add3A_601 = arith.addi %mul3A_599, %add3A_600 : i32
        %mul3A_602 = arith.constant 16 : i32
        %mul3A_603 = arith.muli %add3A_601, %mul3A_602 : i32
        %get3A_604 = arith.constant 1 : i32
        %get3A_605 = arith.index_cast %get3A_604 : i32 to index
        %get3A_606 = arith.index_cast %mul3A_603 : i32 to index
        %get3A_607 = tpu.vector_load %arg8[%get3A_605, %get3A_606] {strides = array<i32>} : memref<2x2048xi32, #tpu.memory_space<vmem>>, vector<16xi32>,
        %gather3A_608 = tpu.vector_load_idx %arg5[%get3A_607] : memref<100016xf32, #tpu.memory_space<vmem>>[vector<16xi32>], vector<16xf32>,
        %mul3A_609 = arith.constant 16 : i32
        %mul3A_610 = arith.muli %add3A_601, %mul3A_609 : i32
        %swap3A_611 = arith.constant 1 : i32
        %swap3A_612 = arith.index_cast %swap3A_611 : i32 to index
        %swap3A_613 = arith.index_cast %mul3A_610 : i32 to index
        %swap3A_614 = tpu.vector_load %arg9[%swap3A_612, %swap3A_613] {strides = array<i32>} : memref<2x2048xf32, #tpu.memory_space<vmem>>, vector<16xf32>,
        tpu.vector_store %arg9[%swap3A_612, %swap3A_613], %gather3A_608 {strides = array<i32>} : memref<2x2048xf32, #tpu.memory_space<vmem>>, vector<16xf32>,
        %mul3A_615 = arith.constant 8 : i32
        %mul3A_616 = arith.muli %scan3A_548, %mul3A_615 : i32
        %add3A_617 = arith.constant 4 : i32
        %add3A_618 = arith.addi %mul3A_616, %add3A_617 : i32
        %mul3A_619 = arith.constant 16 : i32
        %mul3A_620 = arith.muli %add3A_618, %mul3A_619 : i32
        %get3A_621 = arith.constant 1 : i32
        %get3A_622 = arith.index_cast %get3A_621 : i32 to index
        %get3A_623 = arith.index_cast %mul3A_620 : i32 to index
        %get3A_624 = tpu.vector_load %arg8[%get3A_622, %get3A_623] {strides = array<i32>} : memref<2x2048xi32, #tpu.memory_space<vmem>>, vector<16xi32>,
        %gather3A_625 = tpu.vector_load_idx %arg5[%get3A_624] : memref<100016xf32, #tpu.memory_space<vmem>>[vector<16xi32>], vector<16xf32>,
        %mul3A_626 = arith.constant 16 : i32
        %mul3A_627 = arith.muli %add3A_618, %mul3A_626 : i32
        %swap3A_628 = arith.constant 1 : i32
        %swap3A_629 = arith.index_cast %swap3A_628 : i32 to index
        %swap3A_630 = arith.index_cast %mul3A_627 : i32 to index
        %swap3A_631 = tpu.vector_load %arg9[%swap3A_629, %swap3A_630] {strides = array<i32>} : memref<2x2048xf32, #tpu.memory_space<vmem>>, vector<16xf32>,
        tpu.vector_store %arg9[%swap3A_629, %swap3A_630], %gather3A_625 {strides = array<i32>} : memref<2x2048xf32, #tpu.memory_space<vmem>>, vector<16xf32>,
        %mul3A_632 = arith.constant 8 : i32
        %mul3A_633 = arith.muli %scan3A_548, %mul3A_632 : i32
        %add3A_634 = arith.constant 5 : i32
        %add3A_635 = arith.addi %mul3A_633, %add3A_634 : i32
        %mul3A_636 = arith.constant 16 : i32
        %mul3A_637 = arith.muli %add3A_635, %mul3A_636 : i32
        %get3A_638 = arith.constant 1 : i32
        %get3A_639 = arith.index_cast %get3A_638 : i32 to index
        %get3A_640 = arith.index_cast %mul3A_637 : i32 to index
        %get3A_641 = tpu.vector_load %arg8[%get3A_639, %get3A_640] {strides = array<i32>} : memref<2x2048xi32, #tpu.memory_space<vmem>>, vector<16xi32>,
        %gather3A_642 = tpu.vector_load_idx %arg5[%get3A_641] : memref<100016xf32, #tpu.memory_space<vmem>>[vector<16xi32>], vector<16xf32>,
        %mul3A_643 = arith.constant 16 : i32
        %mul3A_644 = arith.muli %add3A_635, %mul3A_643 : i32
        %swap3A_645 = arith.constant 1 : i32
        %swap3A_646 = arith.index_cast %swap3A_645 : i32 to index
        %swap3A_647 = arith.index_cast %mul3A_644 : i32 to index
        %swap3A_648 = tpu.vector_load %arg9[%swap3A_646, %swap3A_647] {strides = array<i32>} : memref<2x2048xf32, #tpu.memory_space<vmem>>, vector<16xf32>,
        tpu.vector_store %arg9[%swap3A_646, %swap3A_647], %gather3A_642 {strides = array<i32>} : memref<2x2048xf32, #tpu.memory_space<vmem>>, vector<16xf32>,
        %mul3A_649 = arith.constant 8 : i32
        %mul3A_650 = arith.muli %scan3A_548, %mul3A_649 : i32
        %add3A_651 = arith.constant 6 : i32
        %add3A_652 = arith.addi %mul3A_650, %add3A_651 : i32
        %mul3A_653 = arith.constant 16 : i32
        %mul3A_654 = arith.muli %add3A_652, %mul3A_653 : i32
        %get3A_655 = arith.constant 1 : i32
        %get3A_656 = arith.index_cast %get3A_655 : i32 to index
        %get3A_657 = arith.index_cast %mul3A_654 : i32 to index
        %get3A_658 = tpu.vector_load %arg8[%get3A_656, %get3A_657] {strides = array<i32>} : memref<2x2048xi32, #tpu.memory_space<vmem>>, vector<16xi32>,
        %gather3A_659 = tpu.vector_load_idx %arg5[%get3A_658] : memref<100016xf32, #tpu.memory_space<vmem>>[vector<16xi32>], vector<16xf32>,
        %mul3A_660 = arith.constant 16 : i32
        %mul3A_661 = arith.muli %add3A_652, %mul3A_660 : i32
        %swap3A_662 = arith.constant 1 : i32
        %swap3A_663 = arith.index_cast %swap3A_662 : i32 to index
        %swap3A_664 = arith.index_cast %mul3A_661 : i32 to index
        %swap3A_665 = tpu.vector_load %arg9[%swap3A_663, %swap3A_664] {strides = array<i32>} : memref<2x2048xf32, #tpu.memory_space<vmem>>, vector<16xf32>,
        tpu.vector_store %arg9[%swap3A_663, %swap3A_664], %gather3A_659 {strides = array<i32>} : memref<2x2048xf32, #tpu.memory_space<vmem>>, vector<16xf32>,
        %mul3A_666 = arith.constant 8 : i32
        %mul3A_667 = arith.muli %scan3A_548, %mul3A_666 : i32
        %add3A_668 = arith.constant 7 : i32
        %add3A_669 = arith.addi %mul3A_667, %add3A_668 : i32
        %mul3A_670 = arith.constant 16 : i32
        %mul3A_671 = arith.muli %add3A_669, %mul3A_670 : i32
        %get3A_672 = arith.constant 1 : i32
        %get3A_673 = arith.index_cast %get3A_672 : i32 to index
        %get3A_674 = arith.index_cast %mul3A_671 : i32 to index
        %get3A_675 = tpu.vector_load %arg8[%get3A_673, %get3A_674] {strides = array<i32>} : memref<2x2048xi32, #tpu.memory_space<vmem>>, vector<16xi32>,
        %gather3A_676 = tpu.vector_load_idx %arg5[%get3A_675] : memref<100016xf32, #tpu.memory_space<vmem>>[vector<16xi32>], vector<16xf32>,
        %mul3A_677 = arith.constant 16 : i32
        %mul3A_678 = arith.muli %add3A_669, %mul3A_677 : i32
        %swap3A_679 = arith.constant 1 : i32
        %swap3A_680 = arith.index_cast %swap3A_679 : i32 to index
        %swap3A_681 = arith.index_cast %mul3A_678 : i32 to index
        %swap3A_682 = tpu.vector_load %arg9[%swap3A_680, %swap3A_681] {strides = array<i32>} : memref<2x2048xf32, #tpu.memory_space<vmem>>, vector<16xf32>,
        tpu.vector_store %arg9[%swap3A_680, %swap3A_681], %gather3A_676 {strides = array<i32>} : memref<2x2048xf32, #tpu.memory_space<vmem>>, vector<16xf32>,
      }
      %scan3A_527 = arith.constant 16 : i32
      %add3A_528 = arith.constant 2 : i32
      %add3A_529 = arith.addi %add3A_505, %add3A_528 : i32
      %lt3A_530 = arith.constant 128 : i32
      %lt3A_531 = arith.cmpi slt, %add3A_529, %lt3A_530 : i32
      %convert_element_type3A_532 = arith.extui %lt3A_531 : i1 to i32
      %cond3A_533 = arith.constant 0 : i32
      %cond3A_534 = arith.cmpi ne, %convert_element_type3A_532, %cond3A_533 : i32
      scf.if %cond3A_534 {
        %add3A_548 = arith.constant 2 : i32
        %add3A_549 = arith.addi %add3A_505, %add3A_548 : i32
        %mul3A_550 = arith.constant 2048 : i32
        %mul3A_551 = arith.muli %add3A_549, %mul3A_550 : i32
        %dma_start3A_552 = arith.constant 1 : i32
        %dma_start3A_553 = arith.constant 0 : i32
        %dma_start3A_554 = tpu.memref_slice %arg8[%dma_start3A_552, %dma_start3A_553] : memref<2x2048xi32, #tpu.memory_space<vmem>> -> memref<1x2048xi32, #tpu.memory_space<vmem>>
        %dma_start3A_555 = tpu.memref_squeeze %dma_start3A_554 : memref<1x2048xi32, #tpu.memory_space<vmem>> -> memref<2048xi32, #tpu.memory_space<vmem>>
        %dma_start3A_556 = tpu.memref_slice %arg10[%mul3A_551] : memref<262144xi32, #tpu.memory_space<vmem_shared>> -> memref<2048xi32, #tpu.memory_space<vmem_shared>>
        %dma_start3A_557 = arith.constant 0 : i32
        %dma_start3A_558 = tpu.memref_slice %arg8[%dma_start3A_552, %dma_start3A_557] : memref<2x2048xi32, #tpu.memory_space<vmem>> -> memref<1x2048xi32, #tpu.memory_space<vmem>>
        %dma_start3A_559 = tpu.memref_squeeze %dma_start3A_558 : memref<1x2048xi32, #tpu.memory_space<vmem>> -> memref<2048xi32, #tpu.memory_space<vmem>>
        %dma_start3A_560 = tpu.memref_slice %arg10[%mul3A_551] : memref<262144xi32, #tpu.memory_space<vmem_shared>> -> memref<2048xi32, #tpu.memory_space<vmem_shared>>
        tpu.enqueue_dma source(%dma_start3A_560 : memref<2048xi32, #tpu.memory_space<vmem_shared>>) target(%dma_start3A_559 : memref<2048xi32, #tpu.memory_space<vmem>>) target_semaphore(%arg14 : memref<!tpu.dma_semaphore, #tpu.memory_space<semaphore_mem>>)
      } else {
      }
      %mul3A_535 = arith.constant 2048 : i32
      %mul3A_536 = arith.muli %add3A_505, %mul3A_535 : i32
      %dma_start3A_537 = arith.constant 1 : i32
      %dma_start3A_538 = arith.constant 0 : i32
      %dma_start3A_539 = tpu.memref_slice %arg9[%dma_start3A_537, %dma_start3A_538] : memref<2x2048xf32, #tpu.memory_space<vmem>> -> memref<1x2048xf32, #tpu.memory_space<vmem>>
      %dma_start3A_540 = tpu.memref_squeeze %dma_start3A_539 : memref<1x2048xf32, #tpu.memory_space<vmem>> -> memref<2048xf32, #tpu.memory_space<vmem>>
      %dma_start3A_541 = tpu.memref_slice %arg4[%add3A_322, %mul3A_536] : memref<132x262144xf32, #tpu.memory_space<hbm>> -> memref<1x2048xf32, #tpu.memory_space<hbm>>
      %dma_start3A_542 = tpu.memref_squeeze %dma_start3A_541 : memref<1x2048xf32, #tpu.memory_space<hbm>> -> memref<2048xf32, #tpu.memory_space<hbm>>
      %dma_start3A_543 = tpu.memref_slice %arg4[%add3A_322, %mul3A_536] : memref<132x262144xf32, #tpu.memory_space<hbm>> -> memref<1x2048xf32, #tpu.memory_space<hbm>>
      %dma_start3A_544 = tpu.memref_squeeze %dma_start3A_543 : memref<1x2048xf32, #tpu.memory_space<hbm>> -> memref<2048xf32, #tpu.memory_space<hbm>>
      %dma_start3A_545 = arith.constant 0 : i32
      %dma_start3A_546 = tpu.memref_slice %arg9[%dma_start3A_537, %dma_start3A_545] : memref<2x2048xf32, #tpu.memory_space<vmem>> -> memref<1x2048xf32, #tpu.memory_space<vmem>>
      %dma_start3A_547 = tpu.memref_squeeze %dma_start3A_546 : memref<1x2048xf32, #tpu.memory_space<vmem>> -> memref<2048xf32, #tpu.memory_space<vmem>>
      tpu.enqueue_dma source(%dma_start3A_547 : memref<2048xf32, #tpu.memory_space<vmem>>) target(%dma_start3A_544 : memref<2048xf32, #tpu.memory_space<hbm>>) target_semaphore(%arg16 : memref<!tpu.dma_semaphore, #tpu.memory_space<semaphore_mem>>)
    }
    %scan3A_350 = arith.constant 64 : i32
    %dma_wait3A_351 = arith.constant 0 : i32
    %dma_wait3A_352 = arith.constant 0 : i32
    %dma_wait3A_353 = tpu.memref_slice %arg9[%dma_wait3A_351, %dma_wait3A_352] : memref<2x2048xf32, #tpu.memory_space<vmem>> -> memref<1x2048xf32, #tpu.memory_space<vmem>>
    %dma_wait3A_354 = tpu.memref_squeeze %dma_wait3A_353 : memref<1x2048xf32, #tpu.memory_space<vmem>> -> memref<2048xf32, #tpu.memory_space<vmem>>
    %dma_wait3A_355 = arith.constant 0 : i32
    %dma_wait3A_356 = tpu.memref_slice %arg4[%add3A_322, %dma_wait3A_355] : memref<132x262144xf32, #tpu.memory_space<hbm>> -> memref<1x2048xf32, #tpu.memory_space<hbm>>
    %dma_wait3A_357 = tpu.memref_squeeze %dma_wait3A_356 : memref<1x2048xf32, #tpu.memory_space<hbm>> -> memref<2048xf32, #tpu.memory_space<hbm>>
    %dma_wait3A_358 = arith.constant 0 : i32
    %dma_wait3A_359 = tpu.memref_slice %arg4[%add3A_322, %dma_wait3A_358] : memref<132x262144xf32, #tpu.memory_space<hbm>> -> memref<1x2048xf32, #tpu.memory_space<hbm>>
    %dma_wait3A_360 = tpu.memref_squeeze %dma_wait3A_359 : memref<1x2048xf32, #tpu.memory_space<hbm>> -> memref<2048xf32, #tpu.memory_space<hbm>>
    %dma_wait3A_361 = arith.constant 0 : i32
    %dma_wait3A_362 = tpu.memref_slice %arg9[%dma_wait3A_351, %dma_wait3A_361] : memref<2x2048xf32, #tpu.memory_space<vmem>> -> memref<1x2048xf32, #tpu.memory_space<vmem>>
    %dma_wait3A_363 = tpu.memref_squeeze %dma_wait3A_362 : memref<1x2048xf32, #tpu.memory_space<vmem>> -> memref<2048xf32, #tpu.memory_space<vmem>>
    tpu.wait_dma2 semaphore(%arg15 : memref<!tpu.dma_semaphore, #tpu.memory_space<semaphore_mem>>) src(%dma_wait3A_363 : memref<2048xf32, #tpu.memory_space<vmem>>) dst(%dma_wait3A_360 : memref<2048xf32, #tpu.memory_space<hbm>>)
    %dma_wait3A_364 = arith.constant 1 : i32
    %dma_wait3A_365 = arith.constant 0 : i32
    %dma_wait3A_366 = tpu.memref_slice %arg9[%dma_wait3A_364, %dma_wait3A_365] : memref<2x2048xf32, #tpu.memory_space<vmem>> -> memref<1x2048xf32, #tpu.memory_space<vmem>>
    %dma_wait3A_367 = tpu.memref_squeeze %dma_wait3A_366 : memref<1x2048xf32, #tpu.memory_space<vmem>> -> memref<2048xf32, #tpu.memory_space<vmem>>
    %dma_wait3A_368 = arith.constant 0 : i32
    %dma_wait3A_369 = tpu.memref_slice %arg4[%add3A_322, %dma_wait3A_368] : memref<132x262144xf32, #tpu.memory_space<hbm>> -> memref<1x2048xf32, #tpu.memory_space<hbm>>
    %dma_wait3A_370 = tpu.memref_squeeze %dma_wait3A_369 : memref<1x2048xf32, #tpu.memory_space<hbm>> -> memref<2048xf32, #tpu.memory_space<hbm>>
    %dma_wait3A_371 = arith.constant 0 : i32
    %dma_wait3A_372 = tpu.memref_slice %arg4[%add3A_322, %dma_wait3A_371] : memref<132x262144xf32, #tpu.memory_space<hbm>> -> memref<1x2048xf32, #tpu.memory_space<hbm>>
    %dma_wait3A_373 = tpu.memref_squeeze %dma_wait3A_372 : memref<1x2048xf32, #tpu.memory_space<hbm>> -> memref<2048xf32, #tpu.memory_space<hbm>>
    %dma_wait3A_374 = arith.constant 0 : i32
    %dma_wait3A_375 = tpu.memref_slice %arg9[%dma_wait3A_364, %dma_wait3A_374] : memref<2x2048xf32, #tpu.memory_space<vmem>> -> memref<1x2048xf32, #tpu.memory_space<vmem>>
    %dma_wait3A_376 = tpu.memref_squeeze %dma_wait3A_375 : memref<1x2048xf32, #tpu.memory_space<vmem>> -> memref<2048xf32, #tpu.memory_space<vmem>>
    tpu.wait_dma2 semaphore(%arg16 : memref<!tpu.dma_semaphore, #tpu.memory_space<semaphore_mem>>) src(%dma_wait3A_376 : memref<2048xf32, #tpu.memory_space<vmem>>) dst(%dma_wait3A_373 : memref<2048xf32, #tpu.memory_space<hbm>>)
    %dma_start3A_377 = arith.constant 0 : i32
    %dma_start3A_378 = tpu.memref_slice %arg5[%dma_start3A_377] : memref<100016xf32, #tpu.memory_space<vmem>> -> memref<100000xf32, #tpu.memory_space<vmem>>
    %dma_start3A_379 = arith.constant 0 : i32
    %dma_start3A_380 = tpu.memref_slice %arg3[%arg1, %dma_start3A_379] : memref<32x100000xf32, #tpu.memory_space<hbm>> -> memref<1x100000xf32, #tpu.memory_space<hbm>>
    %dma_start3A_381 = tpu.memref_squeeze %dma_start3A_380 : memref<1x100000xf32, #tpu.memory_space<hbm>> -> memref<100000xf32, #tpu.memory_space<hbm>>
    %dma_start3A_382 = arith.constant 0 : i32
    %dma_start3A_383 = tpu.memref_slice %arg5[%dma_start3A_382] : memref<100016xf32, #tpu.memory_space<vmem>> -> memref<100000xf32, #tpu.memory_space<vmem>>
    %dma_start3A_384 = arith.constant 0 : i32
    %dma_start3A_385 = tpu.memref_slice %arg3[%arg1, %dma_start3A_384] : memref<32x100000xf32, #tpu.memory_space<hbm>> -> memref<1x100000xf32, #tpu.memory_space<hbm>>
    %dma_start3A_386 = tpu.memref_squeeze %dma_start3A_385 : memref<1x100000xf32, #tpu.memory_space<hbm>> -> memref<100000xf32, #tpu.memory_space<hbm>>
    tpu.enqueue_dma source(%dma_start3A_386 : memref<100000xf32, #tpu.memory_space<hbm>>) target(%dma_start3A_383 : memref<100000xf32, #tpu.memory_space<vmem>>) target_semaphore(%arg11 : memref<!tpu.dma_semaphore, #tpu.memory_space<semaphore_mem>>)
    %dma_wait3A_387 = arith.constant 0 : i32
    %dma_wait3A_388 = tpu.memref_slice %arg5[%dma_wait3A_387] : memref<100016xf32, #tpu.memory_space<vmem>> -> memref<100000xf32, #tpu.memory_space<vmem>>
    %dma_wait3A_389 = arith.constant 0 : i32
    %dma_wait3A_390 = tpu.memref_slice %arg3[%arg1, %dma_wait3A_389] : memref<32x100000xf32, #tpu.memory_space<hbm>> -> memref<1x100000xf32, #tpu.memory_space<hbm>>
    %dma_wait3A_391 = tpu.memref_squeeze %dma_wait3A_390 : memref<1x100000xf32, #tpu.memory_space<hbm>> -> memref<100000xf32, #tpu.memory_space<hbm>>
    %dma_wait3A_392 = arith.constant 0 : i32
    %dma_wait3A_393 = tpu.memref_slice %arg5[%dma_wait3A_392] : memref<100016xf32, #tpu.memory_space<vmem>> -> memref<100000xf32, #tpu.memory_space<vmem>>
    %dma_wait3A_394 = arith.constant 0 : i32
    %dma_wait3A_395 = tpu.memref_slice %arg3[%arg1, %dma_wait3A_394] : memref<32x100000xf32, #tpu.memory_space<hbm>> -> memref<1x100000xf32, #tpu.memory_space<hbm>>
    %dma_wait3A_396 = tpu.memref_squeeze %dma_wait3A_395 : memref<1x100000xf32, #tpu.memory_space<hbm>> -> memref<100000xf32, #tpu.memory_space<hbm>>
    tpu.wait_dma2 semaphore(%arg11 : memref<!tpu.dma_semaphore, #tpu.memory_space<semaphore_mem>>) src(%dma_wait3A_396 : memref<100000xf32, #tpu.memory_space<hbm>>) dst(%dma_wait3A_393 : memref<100000xf32, #tpu.memory_space<vmem>>)
    %broadcast_in_dim3A_397 = arith.constant 0.000000e+00 : f32
    %broadcast_in_dim3A_398 = vector.broadcast %broadcast_in_dim3A_397 : f32 to vector<16xf32>
    %swap3A_399 = arith.constant 100000 : index
    %swap3A_400 = tpu.vector_load %arg5[%swap3A_399] {strides = array<i32>} : memref<100016xf32, #tpu.memory_space<vmem>>, vector<16xf32>,
    tpu.vector_store %arg5[%swap3A_399], %broadcast_in_dim3A_398 {strides = array<i32>} : memref<100016xf32, #tpu.memory_space<vmem>>, vector<16xf32>,
    %mul3A_401 = arith.constant 33 : i32
    %mul3A_402 = arith.muli %add3A_10, %mul3A_401 : i32
    %add3A_403 = arith.addi %mul3A_402, %arg1 : i32
    %dma_start3A_404 = arith.constant 0 : i32
    %dma_start3A_405 = arith.constant 0 : i32
    %dma_start3A_406 = tpu.memref_slice %arg8[%dma_start3A_404, %dma_start3A_405] : memref<2x2048xi32, #tpu.memory_space<vmem>> -> memref<1x2048xi32, #tpu.memory_space<vmem>>
    %dma_start3A_407 = tpu.memref_squeeze %dma_start3A_406 : memref<1x2048xi32, #tpu.memory_space<vmem>> -> memref<2048xi32, #tpu.memory_space<vmem>>
    %dma_start3A_408 = arith.constant 0 : i32
    %dma_start3A_409 = tpu.memref_slice %arg10[%dma_start3A_408] : memref<262144xi32, #tpu.memory_space<vmem_shared>> -> memref<2048xi32, #tpu.memory_space<vmem_shared>>
    %dma_start3A_410 = arith.constant 0 : i32
    %dma_start3A_411 = tpu.memref_slice %arg8[%dma_start3A_404, %dma_start3A_410] : memref<2x2048xi32, #tpu.memory_space<vmem>> -> memref<1x2048xi32, #tpu.memory_space<vmem>>
    %dma_start3A_412 = tpu.memref_squeeze %dma_start3A_411 : memref<1x2048xi32, #tpu.memory_space<vmem>> -> memref<2048xi32, #tpu.memory_space<vmem>>
    %dma_start3A_413 = arith.constant 0 : i32
    %dma_start3A_414 = tpu.memref_slice %arg10[%dma_start3A_413] : memref<262144xi32, #tpu.memory_space<vmem_shared>> -> memref<2048xi32, #tpu.memory_space<vmem_shared>>
    tpu.enqueue_dma source(%dma_start3A_414 : memref<2048xi32, #tpu.memory_space<vmem_shared>>) target(%dma_start3A_412 : memref<2048xi32, #tpu.memory_space<vmem>>) target_semaphore(%arg13 : memref<!tpu.dma_semaphore, #tpu.memory_space<semaphore_mem>>)
    %dma_start3A_415 = arith.constant 1 : i32
    %dma_start3A_416 = arith.constant 0 : i32
    %dma_start3A_417 = tpu.memref_slice %arg8[%dma_start3A_415, %dma_start3A_416] : memref<2x2048xi32, #tpu.memory_space<vmem>> -> memref<1x2048xi32, #tpu.memory_space<vmem>>
    %dma_start3A_418 = tpu.memref_squeeze %dma_start3A_417 : memref<1x2048xi32, #tpu.memory_space<vmem>> -> memref<2048xi32, #tpu.memory_space<vmem>>
    %dma_start3A_419 = arith.constant 2048 : i32
    %dma_start3A_420 = tpu.memref_slice %arg10[%dma_start3A_419] : memref<262144xi32, #tpu.memory_space<vmem_shared>> -> memref<2048xi32, #tpu.memory_space<vmem_shared>>
    %dma_start3A_421 = arith.constant 0 : i32
    %dma_start3A_422 = tpu.memref_slice %arg8[%dma_start3A_415, %dma_start3A_421] : memref<2x2048xi32, #tpu.memory_space<vmem>> -> memref<1x2048xi32, #tpu.memory_space<vmem>>
    %dma_start3A_423 = tpu.memref_squeeze %dma_start3A_422 : memref<1x2048xi32, #tpu.memory_space<vmem>> -> memref<2048xi32, #tpu.memory_space<vmem>>
    %dma_start3A_424 = arith.constant 2048 : i32
    %dma_start3A_425 = tpu.memref_slice %arg10[%dma_start3A_424] : memref<262144xi32, #tpu.memory_space<vmem_shared>> -> memref<2048xi32, #tpu.memory_space<vmem_shared>>
    tpu.enqueue_dma source(%dma_start3A_425 : memref<2048xi32, #tpu.memory_space<vmem_shared>>) target(%dma_start3A_423 : memref<2048xi32, #tpu.memory_space<vmem>>) target_semaphore(%arg14 : memref<!tpu.dma_semaphore, #tpu.memory_space<semaphore_mem>>)
    %scan3A_426 = arith.constant 0 : i32
    %scan3A_427 = arith.constant 0 : i32
    %scan3A_428 = arith.constant 64 : i32
    %scan3A_429 = arith.addi %scan3A_427, %scan3A_428 : i32
    %scan3A_430 = arith.constant 1 : i32
    scf.for %scan3A_458 = %scan3A_427 to %scan3A_429 step %scan3A_430  : i32 {
      %mul3A_459 = arith.constant 2 : i32
      %mul3A_460 = arith.muli %scan3A_458, %mul3A_459 : i32
      %add3A_461 = arith.constant 0 : i32
      %add3A_462 = arith.addi %mul3A_460, %add3A_461 : i32
      %mul3A_463 = arith.constant 2048 : i32
      %mul3A_464 = arith.muli %add3A_462, %mul3A_463 : i32
      %dma_wait3A_465 = arith.constant 0 : i32
      %dma_wait3A_466 = arith.constant 0 : i32
      %dma_wait3A_467 = tpu.memref_slice %arg8[%dma_wait3A_465, %dma_wait3A_466] : memref<2x2048xi32, #tpu.memory_space<vmem>> -> memref<1x2048xi32, #tpu.memory_space<vmem>>
      %dma_wait3A_468 = tpu.memref_squeeze %dma_wait3A_467 : memref<1x2048xi32, #tpu.memory_space<vmem>> -> memref<2048xi32, #tpu.memory_space<vmem>>
      %dma_wait3A_469 = tpu.memref_slice %arg10[%mul3A_464] : memref<262144xi32, #tpu.memory_space<vmem_shared>> -> memref<2048xi32, #tpu.memory_space<vmem_shared>>
      %dma_wait3A_470 = arith.constant 0 : i32
      %dma_wait3A_471 = tpu.memref_slice %arg8[%dma_wait3A_465, %dma_wait3A_470] : memref<2x2048xi32, #tpu.memory_space<vmem>> -> memref<1x2048xi32, #tpu.memory_space<vmem>>
      %dma_wait3A_472 = tpu.memref_squeeze %dma_wait3A_471 : memref<1x2048xi32, #tpu.memory_space<vmem>> -> memref<2048xi32, #tpu.memory_space<vmem>>
      %dma_wait3A_473 = tpu.memref_slice %arg10[%mul3A_464] : memref<262144xi32, #tpu.memory_space<vmem_shared>> -> memref<2048xi32, #tpu.memory_space<vmem_shared>>
      tpu.wait_dma2 semaphore(%arg13 : memref<!tpu.dma_semaphore, #tpu.memory_space<semaphore_mem>>) src(%dma_wait3A_473 : memref<2048xi32, #tpu.memory_space<vmem_shared>>) dst(%dma_wait3A_472 : memref<2048xi32, #tpu.memory_space<vmem>>)
      %gt3A = arith.constant 0 : i32
      %gt3A_474 = arith.cmpi sgt, %scan3A_458, %gt3A : i32
      %convert_element_type3A = arith.extui %gt3A_474 : i1 to i32
      %cond3A = arith.constant 0 : i32
      %cond3A_475 = arith.cmpi ne, %convert_element_type3A, %cond3A : i32
      scf.if %cond3A_475 {
        %dma_wait3A_548 = arith.constant 0 : i32
        %dma_wait3A_549 = arith.constant 0 : i32
        %dma_wait3A_550 = tpu.memref_slice %arg9[%dma_wait3A_548, %dma_wait3A_549] : memref<2x2048xf32, #tpu.memory_space<vmem>> -> memref<1x2048xf32, #tpu.memory_space<vmem>>
        %dma_wait3A_551 = tpu.memref_squeeze %dma_wait3A_550 : memref<1x2048xf32, #tpu.memory_space<vmem>> -> memref<2048xf32, #tpu.memory_space<vmem>>
        %dma_wait3A_552 = arith.constant 0 : i32
        %dma_wait3A_553 = tpu.memref_slice %arg4[%add3A_403, %dma_wait3A_552] : memref<132x262144xf32, #tpu.memory_space<hbm>> -> memref<1x2048xf32, #tpu.memory_space<hbm>>
        %dma_wait3A_554 = tpu.memref_squeeze %dma_wait3A_553 : memref<1x2048xf32, #tpu.memory_space<hbm>> -> memref<2048xf32, #tpu.memory_space<hbm>>
        %dma_wait3A_555 = arith.constant 0 : i32
        %dma_wait3A_556 = tpu.memref_slice %arg4[%add3A_403, %dma_wait3A_555] : memref<132x262144xf32, #tpu.memory_space<hbm>> -> memref<1x2048xf32, #tpu.memory_space<hbm>>
        %dma_wait3A_557 = tpu.memref_squeeze %dma_wait3A_556 : memref<1x2048xf32, #tpu.memory_space<hbm>> -> memref<2048xf32, #tpu.memory_space<hbm>>
        %dma_wait3A_558 = arith.constant 0 : i32
        %dma_wait3A_559 = tpu.memref_slice %arg9[%dma_wait3A_548, %dma_wait3A_558] : memref<2x2048xf32, #tpu.memory_space<vmem>> -> memref<1x2048xf32, #tpu.memory_space<vmem>>
        %dma_wait3A_560 = tpu.memref_squeeze %dma_wait3A_559 : memref<1x2048xf32, #tpu.memory_space<vmem>> -> memref<2048xf32, #tpu.memory_space<vmem>>
        tpu.wait_dma2 semaphore(%arg15 : memref<!tpu.dma_semaphore, #tpu.memory_space<semaphore_mem>>) src(%dma_wait3A_560 : memref<2048xf32, #tpu.memory_space<vmem>>) dst(%dma_wait3A_557 : memref<2048xf32, #tpu.memory_space<hbm>>)
      } else {
      }
      %scan3A_476 = arith.constant 0 : i32
      %scan3A_477 = arith.constant 0 : i32
      %scan3A_478 = arith.constant 16 : i32
      %scan3A_479 = arith.addi %scan3A_477, %scan3A_478 : i32
      %scan3A_480 = arith.constant 1 : i32
      scf.for %scan3A_548 = %scan3A_477 to %scan3A_479 step %scan3A_480  : i32 {
        %mul3A_549 = arith.constant 8 : i32
        %mul3A_550 = arith.muli %scan3A_548, %mul3A_549 : i32
        %add3A_551 = arith.constant 0 : i32
        %add3A_552 = arith.addi %mul3A_550, %add3A_551 : i32
        %mul3A_553 = arith.constant 16 : i32
        %mul3A_554 = arith.muli %add3A_552, %mul3A_553 : i32
        %get3A = arith.constant 0 : i32
        %get3A_555 = arith.index_cast %get3A : i32 to index
        %get3A_556 = arith.index_cast %mul3A_554 : i32 to index
        %get3A_557 = tpu.vector_load %arg8[%get3A_555, %get3A_556] {strides = array<i32>} : memref<2x2048xi32, #tpu.memory_space<vmem>>, vector<16xi32>,
        %gather3A = tpu.vector_load_idx %arg5[%get3A_557] : memref<100016xf32, #tpu.memory_space<vmem>>[vector<16xi32>], vector<16xf32>,
        %mul3A_558 = arith.constant 16 : i32
        %mul3A_559 = arith.muli %add3A_552, %mul3A_558 : i32
        %swap3A_560 = arith.constant 0 : i32
        %swap3A_561 = arith.index_cast %swap3A_560 : i32 to index
        %swap3A_562 = arith.index_cast %mul3A_559 : i32 to index
        %swap3A_563 = tpu.vector_load %arg9[%swap3A_561, %swap3A_562] {strides = array<i32>} : memref<2x2048xf32, #tpu.memory_space<vmem>>, vector<16xf32>,
        tpu.vector_store %arg9[%swap3A_561, %swap3A_562], %gather3A {strides = array<i32>} : memref<2x2048xf32, #tpu.memory_space<vmem>>, vector<16xf32>,
        %mul3A_564 = arith.constant 8 : i32
        %mul3A_565 = arith.muli %scan3A_548, %mul3A_564 : i32
        %add3A_566 = arith.constant 1 : i32
        %add3A_567 = arith.addi %mul3A_565, %add3A_566 : i32
        %mul3A_568 = arith.constant 16 : i32
        %mul3A_569 = arith.muli %add3A_567, %mul3A_568 : i32
        %get3A_570 = arith.constant 0 : i32
        %get3A_571 = arith.index_cast %get3A_570 : i32 to index
        %get3A_572 = arith.index_cast %mul3A_569 : i32 to index
        %get3A_573 = tpu.vector_load %arg8[%get3A_571, %get3A_572] {strides = array<i32>} : memref<2x2048xi32, #tpu.memory_space<vmem>>, vector<16xi32>,
        %gather3A_574 = tpu.vector_load_idx %arg5[%get3A_573] : memref<100016xf32, #tpu.memory_space<vmem>>[vector<16xi32>], vector<16xf32>,
        %mul3A_575 = arith.constant 16 : i32
        %mul3A_576 = arith.muli %add3A_567, %mul3A_575 : i32
        %swap3A_577 = arith.constant 0 : i32
        %swap3A_578 = arith.index_cast %swap3A_577 : i32 to index
        %swap3A_579 = arith.index_cast %mul3A_576 : i32 to index
        %swap3A_580 = tpu.vector_load %arg9[%swap3A_578, %swap3A_579] {strides = array<i32>} : memref<2x2048xf32, #tpu.memory_space<vmem>>, vector<16xf32>,
        tpu.vector_store %arg9[%swap3A_578, %swap3A_579], %gather3A_574 {strides = array<i32>} : memref<2x2048xf32, #tpu.memory_space<vmem>>, vector<16xf32>,
        %mul3A_581 = arith.constant 8 : i32
        %mul3A_582 = arith.muli %scan3A_548, %mul3A_581 : i32
        %add3A_583 = arith.constant 2 : i32
        %add3A_584 = arith.addi %mul3A_582, %add3A_583 : i32
        %mul3A_585 = arith.constant 16 : i32
        %mul3A_586 = arith.muli %add3A_584, %mul3A_585 : i32
        %get3A_587 = arith.constant 0 : i32
        %get3A_588 = arith.index_cast %get3A_587 : i32 to index
        %get3A_589 = arith.index_cast %mul3A_586 : i32 to index
        %get3A_590 = tpu.vector_load %arg8[%get3A_588, %get3A_589] {strides = array<i32>} : memref<2x2048xi32, #tpu.memory_space<vmem>>, vector<16xi32>,
        %gather3A_591 = tpu.vector_load_idx %arg5[%get3A_590] : memref<100016xf32, #tpu.memory_space<vmem>>[vector<16xi32>], vector<16xf32>,
        %mul3A_592 = arith.constant 16 : i32
        %mul3A_593 = arith.muli %add3A_584, %mul3A_592 : i32
        %swap3A_594 = arith.constant 0 : i32
        %swap3A_595 = arith.index_cast %swap3A_594 : i32 to index
        %swap3A_596 = arith.index_cast %mul3A_593 : i32 to index
        %swap3A_597 = tpu.vector_load %arg9[%swap3A_595, %swap3A_596] {strides = array<i32>} : memref<2x2048xf32, #tpu.memory_space<vmem>>, vector<16xf32>,
        tpu.vector_store %arg9[%swap3A_595, %swap3A_596], %gather3A_591 {strides = array<i32>} : memref<2x2048xf32, #tpu.memory_space<vmem>>, vector<16xf32>,
        %mul3A_598 = arith.constant 8 : i32
        %mul3A_599 = arith.muli %scan3A_548, %mul3A_598 : i32
        %add3A_600 = arith.constant 3 : i32
        %add3A_601 = arith.addi %mul3A_599, %add3A_600 : i32
        %mul3A_602 = arith.constant 16 : i32
        %mul3A_603 = arith.muli %add3A_601, %mul3A_602 : i32
        %get3A_604 = arith.constant 0 : i32
        %get3A_605 = arith.index_cast %get3A_604 : i32 to index
        %get3A_606 = arith.index_cast %mul3A_603 : i32 to index
        %get3A_607 = tpu.vector_load %arg8[%get3A_605, %get3A_606] {strides = array<i32>} : memref<2x2048xi32, #tpu.memory_space<vmem>>, vector<16xi32>,
        %gather3A_608 = tpu.vector_load_idx %arg5[%get3A_607] : memref<100016xf32, #tpu.memory_space<vmem>>[vector<16xi32>], vector<16xf32>,
        %mul3A_609 = arith.constant 16 : i32
        %mul3A_610 = arith.muli %add3A_601, %mul3A_609 : i32
        %swap3A_611 = arith.constant 0 : i32
        %swap3A_612 = arith.index_cast %swap3A_611 : i32 to index
        %swap3A_613 = arith.index_cast %mul3A_610 : i32 to index
        %swap3A_614 = tpu.vector_load %arg9[%swap3A_612, %swap3A_613] {strides = array<i32>} : memref<2x2048xf32, #tpu.memory_space<vmem>>, vector<16xf32>,
        tpu.vector_store %arg9[%swap3A_612, %swap3A_613], %gather3A_608 {strides = array<i32>} : memref<2x2048xf32, #tpu.memory_space<vmem>>, vector<16xf32>,
        %mul3A_615 = arith.constant 8 : i32
        %mul3A_616 = arith.muli %scan3A_548, %mul3A_615 : i32
        %add3A_617 = arith.constant 4 : i32
        %add3A_618 = arith.addi %mul3A_616, %add3A_617 : i32
        %mul3A_619 = arith.constant 16 : i32
        %mul3A_620 = arith.muli %add3A_618, %mul3A_619 : i32
        %get3A_621 = arith.constant 0 : i32
        %get3A_622 = arith.index_cast %get3A_621 : i32 to index
        %get3A_623 = arith.index_cast %mul3A_620 : i32 to index
        %get3A_624 = tpu.vector_load %arg8[%get3A_622, %get3A_623] {strides = array<i32>} : memref<2x2048xi32, #tpu.memory_space<vmem>>, vector<16xi32>,
        %gather3A_625 = tpu.vector_load_idx %arg5[%get3A_624] : memref<100016xf32, #tpu.memory_space<vmem>>[vector<16xi32>], vector<16xf32>,
        %mul3A_626 = arith.constant 16 : i32
        %mul3A_627 = arith.muli %add3A_618, %mul3A_626 : i32
        %swap3A_628 = arith.constant 0 : i32
        %swap3A_629 = arith.index_cast %swap3A_628 : i32 to index
        %swap3A_630 = arith.index_cast %mul3A_627 : i32 to index
        %swap3A_631 = tpu.vector_load %arg9[%swap3A_629, %swap3A_630] {strides = array<i32>} : memref<2x2048xf32, #tpu.memory_space<vmem>>, vector<16xf32>,
        tpu.vector_store %arg9[%swap3A_629, %swap3A_630], %gather3A_625 {strides = array<i32>} : memref<2x2048xf32, #tpu.memory_space<vmem>>, vector<16xf32>,
        %mul3A_632 = arith.constant 8 : i32
        %mul3A_633 = arith.muli %scan3A_548, %mul3A_632 : i32
        %add3A_634 = arith.constant 5 : i32
        %add3A_635 = arith.addi %mul3A_633, %add3A_634 : i32
        %mul3A_636 = arith.constant 16 : i32
        %mul3A_637 = arith.muli %add3A_635, %mul3A_636 : i32
        %get3A_638 = arith.constant 0 : i32
        %get3A_639 = arith.index_cast %get3A_638 : i32 to index
        %get3A_640 = arith.index_cast %mul3A_637 : i32 to index
        %get3A_641 = tpu.vector_load %arg8[%get3A_639, %get3A_640] {strides = array<i32>} : memref<2x2048xi32, #tpu.memory_space<vmem>>, vector<16xi32>,
        %gather3A_642 = tpu.vector_load_idx %arg5[%get3A_641] : memref<100016xf32, #tpu.memory_space<vmem>>[vector<16xi32>], vector<16xf32>,
        %mul3A_643 = arith.constant 16 : i32
        %mul3A_644 = arith.muli %add3A_635, %mul3A_643 : i32
        %swap3A_645 = arith.constant 0 : i32
        %swap3A_646 = arith.index_cast %swap3A_645 : i32 to index
        %swap3A_647 = arith.index_cast %mul3A_644 : i32 to index
        %swap3A_648 = tpu.vector_load %arg9[%swap3A_646, %swap3A_647] {strides = array<i32>} : memref<2x2048xf32, #tpu.memory_space<vmem>>, vector<16xf32>,
        tpu.vector_store %arg9[%swap3A_646, %swap3A_647], %gather3A_642 {strides = array<i32>} : memref<2x2048xf32, #tpu.memory_space<vmem>>, vector<16xf32>,
        %mul3A_649 = arith.constant 8 : i32
        %mul3A_650 = arith.muli %scan3A_548, %mul3A_649 : i32
        %add3A_651 = arith.constant 6 : i32
        %add3A_652 = arith.addi %mul3A_650, %add3A_651 : i32
        %mul3A_653 = arith.constant 16 : i32
        %mul3A_654 = arith.muli %add3A_652, %mul3A_653 : i32
        %get3A_655 = arith.constant 0 : i32
        %get3A_656 = arith.index_cast %get3A_655 : i32 to index
        %get3A_657 = arith.index_cast %mul3A_654 : i32 to index
        %get3A_658 = tpu.vector_load %arg8[%get3A_656, %get3A_657] {strides = array<i32>} : memref<2x2048xi32, #tpu.memory_space<vmem>>, vector<16xi32>,
        %gather3A_659 = tpu.vector_load_idx %arg5[%get3A_658] : memref<100016xf32, #tpu.memory_space<vmem>>[vector<16xi32>], vector<16xf32>,
        %mul3A_660 = arith.constant 16 : i32
        %mul3A_661 = arith.muli %add3A_652, %mul3A_660 : i32
        %swap3A_662 = arith.constant 0 : i32
        %swap3A_663 = arith.index_cast %swap3A_662 : i32 to index
        %swap3A_664 = arith.index_cast %mul3A_661 : i32 to index
        %swap3A_665 = tpu.vector_load %arg9[%swap3A_663, %swap3A_664] {strides = array<i32>} : memref<2x2048xf32, #tpu.memory_space<vmem>>, vector<16xf32>,
        tpu.vector_store %arg9[%swap3A_663, %swap3A_664], %gather3A_659 {strides = array<i32>} : memref<2x2048xf32, #tpu.memory_space<vmem>>, vector<16xf32>,
        %mul3A_666 = arith.constant 8 : i32
        %mul3A_667 = arith.muli %scan3A_548, %mul3A_666 : i32
        %add3A_668 = arith.constant 7 : i32
        %add3A_669 = arith.addi %mul3A_667, %add3A_668 : i32
        %mul3A_670 = arith.constant 16 : i32
        %mul3A_671 = arith.muli %add3A_669, %mul3A_670 : i32
        %get3A_672 = arith.constant 0 : i32
        %get3A_673 = arith.index_cast %get3A_672 : i32 to index
        %get3A_674 = arith.index_cast %mul3A_671 : i32 to index
        %get3A_675 = tpu.vector_load %arg8[%get3A_673, %get3A_674] {strides = array<i32>} : memref<2x2048xi32, #tpu.memory_space<vmem>>, vector<16xi32>,
        %gather3A_676 = tpu.vector_load_idx %arg5[%get3A_675] : memref<100016xf32, #tpu.memory_space<vmem>>[vector<16xi32>], vector<16xf32>,
        %mul3A_677 = arith.constant 16 : i32
        %mul3A_678 = arith.muli %add3A_669, %mul3A_677 : i32
        %swap3A_679 = arith.constant 0 : i32
        %swap3A_680 = arith.index_cast %swap3A_679 : i32 to index
        %swap3A_681 = arith.index_cast %mul3A_678 : i32 to index
        %swap3A_682 = tpu.vector_load %arg9[%swap3A_680, %swap3A_681] {strides = array<i32>} : memref<2x2048xf32, #tpu.memory_space<vmem>>, vector<16xf32>,
        tpu.vector_store %arg9[%swap3A_680, %swap3A_681], %gather3A_676 {strides = array<i32>} : memref<2x2048xf32, #tpu.memory_space<vmem>>, vector<16xf32>,
      }
      %scan3A_481 = arith.constant 16 : i32
      %add3A_482 = arith.constant 2 : i32
      %add3A_483 = arith.addi %add3A_462, %add3A_482 : i32
      %lt3A_484 = arith.constant 128 : i32
      %lt3A_485 = arith.cmpi slt, %add3A_483, %lt3A_484 : i32
      %convert_element_type3A_486 = arith.extui %lt3A_485 : i1 to i32
      %cond3A_487 = arith.constant 0 : i32
      %cond3A_488 = arith.cmpi ne, %convert_element_type3A_486, %cond3A_487 : i32
      scf.if %cond3A_488 {
        %add3A_548 = arith.constant 2 : i32
        %add3A_549 = arith.addi %add3A_462, %add3A_548 : i32
        %mul3A_550 = arith.constant 2048 : i32
        %mul3A_551 = arith.muli %add3A_549, %mul3A_550 : i32
        %dma_start3A_552 = arith.constant 0 : i32
        %dma_start3A_553 = arith.constant 0 : i32
        %dma_start3A_554 = tpu.memref_slice %arg8[%dma_start3A_552, %dma_start3A_553] : memref<2x2048xi32, #tpu.memory_space<vmem>> -> memref<1x2048xi32, #tpu.memory_space<vmem>>
        %dma_start3A_555 = tpu.memref_squeeze %dma_start3A_554 : memref<1x2048xi32, #tpu.memory_space<vmem>> -> memref<2048xi32, #tpu.memory_space<vmem>>
        %dma_start3A_556 = tpu.memref_slice %arg10[%mul3A_551] : memref<262144xi32, #tpu.memory_space<vmem_shared>> -> memref<2048xi32, #tpu.memory_space<vmem_shared>>
        %dma_start3A_557 = arith.constant 0 : i32
        %dma_start3A_558 = tpu.memref_slice %arg8[%dma_start3A_552, %dma_start3A_557] : memref<2x2048xi32, #tpu.memory_space<vmem>> -> memref<1x2048xi32, #tpu.memory_space<vmem>>
        %dma_start3A_559 = tpu.memref_squeeze %dma_start3A_558 : memref<1x2048xi32, #tpu.memory_space<vmem>> -> memref<2048xi32, #tpu.memory_space<vmem>>
        %dma_start3A_560 = tpu.memref_slice %arg10[%mul3A_551] : memref<262144xi32, #tpu.memory_space<vmem_shared>> -> memref<2048xi32, #tpu.memory_space<vmem_shared>>
        tpu.enqueue_dma source(%dma_start3A_560 : memref<2048xi32, #tpu.memory_space<vmem_shared>>) target(%dma_start3A_559 : memref<2048xi32, #tpu.memory_space<vmem>>) target_semaphore(%arg13 : memref<!tpu.dma_semaphore, #tpu.memory_space<semaphore_mem>>)
      } else {
      }
      %mul3A_489 = arith.constant 2048 : i32
      %mul3A_490 = arith.muli %add3A_462, %mul3A_489 : i32
      %dma_start3A_491 = arith.constant 0 : i32
      %dma_start3A_492 = arith.constant 0 : i32
      %dma_start3A_493 = tpu.memref_slice %arg9[%dma_start3A_491, %dma_start3A_492] : memref<2x2048xf32, #tpu.memory_space<vmem>> -> memref<1x2048xf32, #tpu.memory_space<vmem>>
      %dma_start3A_494 = tpu.memref_squeeze %dma_start3A_493 : memref<1x2048xf32, #tpu.memory_space<vmem>> -> memref<2048xf32, #tpu.memory_space<vmem>>
      %dma_start3A_495 = tpu.memref_slice %arg4[%add3A_403, %mul3A_490] : memref<132x262144xf32, #tpu.memory_space<hbm>> -> memref<1x2048xf32, #tpu.memory_space<hbm>>
      %dma_start3A_496 = tpu.memref_squeeze %dma_start3A_495 : memref<1x2048xf32, #tpu.memory_space<hbm>> -> memref<2048xf32, #tpu.memory_space<hbm>>
      %dma_start3A_497 = tpu.memref_slice %arg4[%add3A_403, %mul3A_490] : memref<132x262144xf32, #tpu.memory_space<hbm>> -> memref<1x2048xf32, #tpu.memory_space<hbm>>
      %dma_start3A_498 = tpu.memref_squeeze %dma_start3A_497 : memref<1x2048xf32, #tpu.memory_space<hbm>> -> memref<2048xf32, #tpu.memory_space<hbm>>
      %dma_start3A_499 = arith.constant 0 : i32
      %dma_start3A_500 = tpu.memref_slice %arg9[%dma_start3A_491, %dma_start3A_499] : memref<2x2048xf32, #tpu.memory_space<vmem>> -> memref<1x2048xf32, #tpu.memory_space<vmem>>
      %dma_start3A_501 = tpu.memref_squeeze %dma_start3A_500 : memref<1x2048xf32, #tpu.memory_space<vmem>> -> memref<2048xf32, #tpu.memory_space<vmem>>
      tpu.enqueue_dma source(%dma_start3A_501 : memref<2048xf32, #tpu.memory_space<vmem>>) target(%dma_start3A_498 : memref<2048xf32, #tpu.memory_space<hbm>>) target_semaphore(%arg15 : memref<!tpu.dma_semaphore, #tpu.memory_space<semaphore_mem>>)
      %mul3A_502 = arith.constant 2 : i32
      %mul3A_503 = arith.muli %scan3A_458, %mul3A_502 : i32
      %add3A_504 = arith.constant 1 : i32
      %add3A_505 = arith.addi %mul3A_503, %add3A_504 : i32
      %mul3A_506 = arith.constant 2048 : i32
      %mul3A_507 = arith.muli %add3A_505, %mul3A_506 : i32
      %dma_wait3A_508 = arith.constant 1 : i32
      %dma_wait3A_509 = arith.constant 0 : i32
      %dma_wait3A_510 = tpu.memref_slice %arg8[%dma_wait3A_508, %dma_wait3A_509] : memref<2x2048xi32, #tpu.memory_space<vmem>> -> memref<1x2048xi32, #tpu.memory_space<vmem>>
      %dma_wait3A_511 = tpu.memref_squeeze %dma_wait3A_510 : memref<1x2048xi32, #tpu.memory_space<vmem>> -> memref<2048xi32, #tpu.memory_space<vmem>>
      %dma_wait3A_512 = tpu.memref_slice %arg10[%mul3A_507] : memref<262144xi32, #tpu.memory_space<vmem_shared>> -> memref<2048xi32, #tpu.memory_space<vmem_shared>>
      %dma_wait3A_513 = arith.constant 0 : i32
      %dma_wait3A_514 = tpu.memref_slice %arg8[%dma_wait3A_508, %dma_wait3A_513] : memref<2x2048xi32, #tpu.memory_space<vmem>> -> memref<1x2048xi32, #tpu.memory_space<vmem>>
      %dma_wait3A_515 = tpu.memref_squeeze %dma_wait3A_514 : memref<1x2048xi32, #tpu.memory_space<vmem>> -> memref<2048xi32, #tpu.memory_space<vmem>>
      %dma_wait3A_516 = tpu.memref_slice %arg10[%mul3A_507] : memref<262144xi32, #tpu.memory_space<vmem_shared>> -> memref<2048xi32, #tpu.memory_space<vmem_shared>>
      tpu.wait_dma2 semaphore(%arg14 : memref<!tpu.dma_semaphore, #tpu.memory_space<semaphore_mem>>) src(%dma_wait3A_516 : memref<2048xi32, #tpu.memory_space<vmem_shared>>) dst(%dma_wait3A_515 : memref<2048xi32, #tpu.memory_space<vmem>>)
      %gt3A_517 = arith.constant 0 : i32
      %gt3A_518 = arith.cmpi sgt, %scan3A_458, %gt3A_517 : i32
      %convert_element_type3A_519 = arith.extui %gt3A_518 : i1 to i32
      %cond3A_520 = arith.constant 0 : i32
      %cond3A_521 = arith.cmpi ne, %convert_element_type3A_519, %cond3A_520 : i32
      scf.if %cond3A_521 {
        %dma_wait3A_548 = arith.constant 1 : i32
        %dma_wait3A_549 = arith.constant 0 : i32
        %dma_wait3A_550 = tpu.memref_slice %arg9[%dma_wait3A_548, %dma_wait3A_549] : memref<2x2048xf32, #tpu.memory_space<vmem>> -> memref<1x2048xf32, #tpu.memory_space<vmem>>
        %dma_wait3A_551 = tpu.memref_squeeze %dma_wait3A_550 : memref<1x2048xf32, #tpu.memory_space<vmem>> -> memref<2048xf32, #tpu.memory_space<vmem>>
        %dma_wait3A_552 = arith.constant 0 : i32
        %dma_wait3A_553 = tpu.memref_slice %arg4[%add3A_403, %dma_wait3A_552] : memref<132x262144xf32, #tpu.memory_space<hbm>> -> memref<1x2048xf32, #tpu.memory_space<hbm>>
        %dma_wait3A_554 = tpu.memref_squeeze %dma_wait3A_553 : memref<1x2048xf32, #tpu.memory_space<hbm>> -> memref<2048xf32, #tpu.memory_space<hbm>>
        %dma_wait3A_555 = arith.constant 0 : i32
        %dma_wait3A_556 = tpu.memref_slice %arg4[%add3A_403, %dma_wait3A_555] : memref<132x262144xf32, #tpu.memory_space<hbm>> -> memref<1x2048xf32, #tpu.memory_space<hbm>>
        %dma_wait3A_557 = tpu.memref_squeeze %dma_wait3A_556 : memref<1x2048xf32, #tpu.memory_space<hbm>> -> memref<2048xf32, #tpu.memory_space<hbm>>
        %dma_wait3A_558 = arith.constant 0 : i32
        %dma_wait3A_559 = tpu.memref_slice %arg9[%dma_wait3A_548, %dma_wait3A_558] : memref<2x2048xf32, #tpu.memory_space<vmem>> -> memref<1x2048xf32, #tpu.memory_space<vmem>>
        %dma_wait3A_560 = tpu.memref_squeeze %dma_wait3A_559 : memref<1x2048xf32, #tpu.memory_space<vmem>> -> memref<2048xf32, #tpu.memory_space<vmem>>
        tpu.wait_dma2 semaphore(%arg16 : memref<!tpu.dma_semaphore, #tpu.memory_space<semaphore_mem>>) src(%dma_wait3A_560 : memref<2048xf32, #tpu.memory_space<vmem>>) dst(%dma_wait3A_557 : memref<2048xf32, #tpu.memory_space<hbm>>)
      } else {
      }
      %scan3A_522 = arith.constant 0 : i32
      %scan3A_523 = arith.constant 0 : i32
      %scan3A_524 = arith.constant 16 : i32
      %scan3A_525 = arith.addi %scan3A_523, %scan3A_524 : i32
      %scan3A_526 = arith.constant 1 : i32
      scf.for %scan3A_548 = %scan3A_523 to %scan3A_525 step %scan3A_526  : i32 {
        %mul3A_549 = arith.constant 8 : i32
        %mul3A_550 = arith.muli %scan3A_548, %mul3A_549 : i32
        %add3A_551 = arith.constant 0 : i32
        %add3A_552 = arith.addi %mul3A_550, %add3A_551 : i32
        %mul3A_553 = arith.constant 16 : i32
        %mul3A_554 = arith.muli %add3A_552, %mul3A_553 : i32
        %get3A = arith.constant 1 : i32
        %get3A_555 = arith.index_cast %get3A : i32 to index
        %get3A_556 = arith.index_cast %mul3A_554 : i32 to index
        %get3A_557 = tpu.vector_load %arg8[%get3A_555, %get3A_556] {strides = array<i32>} : memref<2x2048xi32, #tpu.memory_space<vmem>>, vector<16xi32>,
        %gather3A = tpu.vector_load_idx %arg5[%get3A_557] : memref<100016xf32, #tpu.memory_space<vmem>>[vector<16xi32>], vector<16xf32>,
        %mul3A_558 = arith.constant 16 : i32
        %mul3A_559 = arith.muli %add3A_552, %mul3A_558 : i32
        %swap3A_560 = arith.constant 1 : i32
        %swap3A_561 = arith.index_cast %swap3A_560 : i32 to index
        %swap3A_562 = arith.index_cast %mul3A_559 : i32 to index
        %swap3A_563 = tpu.vector_load %arg9[%swap3A_561, %swap3A_562] {strides = array<i32>} : memref<2x2048xf32, #tpu.memory_space<vmem>>, vector<16xf32>,
        tpu.vector_store %arg9[%swap3A_561, %swap3A_562], %gather3A {strides = array<i32>} : memref<2x2048xf32, #tpu.memory_space<vmem>>, vector<16xf32>,
        %mul3A_564 = arith.constant 8 : i32
        %mul3A_565 = arith.muli %scan3A_548, %mul3A_564 : i32
        %add3A_566 = arith.constant 1 : i32
        %add3A_567 = arith.addi %mul3A_565, %add3A_566 : i32
        %mul3A_568 = arith.constant 16 : i32
        %mul3A_569 = arith.muli %add3A_567, %mul3A_568 : i32
        %get3A_570 = arith.constant 1 : i32
        %get3A_571 = arith.index_cast %get3A_570 : i32 to index
        %get3A_572 = arith.index_cast %mul3A_569 : i32 to index
        %get3A_573 = tpu.vector_load %arg8[%get3A_571, %get3A_572] {strides = array<i32>} : memref<2x2048xi32, #tpu.memory_space<vmem>>, vector<16xi32>,
        %gather3A_574 = tpu.vector_load_idx %arg5[%get3A_573] : memref<100016xf32, #tpu.memory_space<vmem>>[vector<16xi32>], vector<16xf32>,
        %mul3A_575 = arith.constant 16 : i32
        %mul3A_576 = arith.muli %add3A_567, %mul3A_575 : i32
        %swap3A_577 = arith.constant 1 : i32
        %swap3A_578 = arith.index_cast %swap3A_577 : i32 to index
        %swap3A_579 = arith.index_cast %mul3A_576 : i32 to index
        %swap3A_580 = tpu.vector_load %arg9[%swap3A_578, %swap3A_579] {strides = array<i32>} : memref<2x2048xf32, #tpu.memory_space<vmem>>, vector<16xf32>,
        tpu.vector_store %arg9[%swap3A_578, %swap3A_579], %gather3A_574 {strides = array<i32>} : memref<2x2048xf32, #tpu.memory_space<vmem>>, vector<16xf32>,
        %mul3A_581 = arith.constant 8 : i32
        %mul3A_582 = arith.muli %scan3A_548, %mul3A_581 : i32
        %add3A_583 = arith.constant 2 : i32
        %add3A_584 = arith.addi %mul3A_582, %add3A_583 : i32
        %mul3A_585 = arith.constant 16 : i32
        %mul3A_586 = arith.muli %add3A_584, %mul3A_585 : i32
        %get3A_587 = arith.constant 1 : i32
        %get3A_588 = arith.index_cast %get3A_587 : i32 to index
        %get3A_589 = arith.index_cast %mul3A_586 : i32 to index
        %get3A_590 = tpu.vector_load %arg8[%get3A_588, %get3A_589] {strides = array<i32>} : memref<2x2048xi32, #tpu.memory_space<vmem>>, vector<16xi32>,
        %gather3A_591 = tpu.vector_load_idx %arg5[%get3A_590] : memref<100016xf32, #tpu.memory_space<vmem>>[vector<16xi32>], vector<16xf32>,
        %mul3A_592 = arith.constant 16 : i32
        %mul3A_593 = arith.muli %add3A_584, %mul3A_592 : i32
        %swap3A_594 = arith.constant 1 : i32
        %swap3A_595 = arith.index_cast %swap3A_594 : i32 to index
        %swap3A_596 = arith.index_cast %mul3A_593 : i32 to index
        %swap3A_597 = tpu.vector_load %arg9[%swap3A_595, %swap3A_596] {strides = array<i32>} : memref<2x2048xf32, #tpu.memory_space<vmem>>, vector<16xf32>,
        tpu.vector_store %arg9[%swap3A_595, %swap3A_596], %gather3A_591 {strides = array<i32>} : memref<2x2048xf32, #tpu.memory_space<vmem>>, vector<16xf32>,
        %mul3A_598 = arith.constant 8 : i32
        %mul3A_599 = arith.muli %scan3A_548, %mul3A_598 : i32
        %add3A_600 = arith.constant 3 : i32
        %add3A_601 = arith.addi %mul3A_599, %add3A_600 : i32
        %mul3A_602 = arith.constant 16 : i32
        %mul3A_603 = arith.muli %add3A_601, %mul3A_602 : i32
        %get3A_604 = arith.constant 1 : i32
        %get3A_605 = arith.index_cast %get3A_604 : i32 to index
        %get3A_606 = arith.index_cast %mul3A_603 : i32 to index
        %get3A_607 = tpu.vector_load %arg8[%get3A_605, %get3A_606] {strides = array<i32>} : memref<2x2048xi32, #tpu.memory_space<vmem>>, vector<16xi32>,
        %gather3A_608 = tpu.vector_load_idx %arg5[%get3A_607] : memref<100016xf32, #tpu.memory_space<vmem>>[vector<16xi32>], vector<16xf32>,
        %mul3A_609 = arith.constant 16 : i32
        %mul3A_610 = arith.muli %add3A_601, %mul3A_609 : i32
        %swap3A_611 = arith.constant 1 : i32
        %swap3A_612 = arith.index_cast %swap3A_611 : i32 to index
        %swap3A_613 = arith.index_cast %mul3A_610 : i32 to index
        %swap3A_614 = tpu.vector_load %arg9[%swap3A_612, %swap3A_613] {strides = array<i32>} : memref<2x2048xf32, #tpu.memory_space<vmem>>, vector<16xf32>,
        tpu.vector_store %arg9[%swap3A_612, %swap3A_613], %gather3A_608 {strides = array<i32>} : memref<2x2048xf32, #tpu.memory_space<vmem>>, vector<16xf32>,
        %mul3A_615 = arith.constant 8 : i32
        %mul3A_616 = arith.muli %scan3A_548, %mul3A_615 : i32
        %add3A_617 = arith.constant 4 : i32
        %add3A_618 = arith.addi %mul3A_616, %add3A_617 : i32
        %mul3A_619 = arith.constant 16 : i32
        %mul3A_620 = arith.muli %add3A_618, %mul3A_619 : i32
        %get3A_621 = arith.constant 1 : i32
        %get3A_622 = arith.index_cast %get3A_621 : i32 to index
        %get3A_623 = arith.index_cast %mul3A_620 : i32 to index
        %get3A_624 = tpu.vector_load %arg8[%get3A_622, %get3A_623] {strides = array<i32>} : memref<2x2048xi32, #tpu.memory_space<vmem>>, vector<16xi32>,
        %gather3A_625 = tpu.vector_load_idx %arg5[%get3A_624] : memref<100016xf32, #tpu.memory_space<vmem>>[vector<16xi32>], vector<16xf32>,
        %mul3A_626 = arith.constant 16 : i32
        %mul3A_627 = arith.muli %add3A_618, %mul3A_626 : i32
        %swap3A_628 = arith.constant 1 : i32
        %swap3A_629 = arith.index_cast %swap3A_628 : i32 to index
        %swap3A_630 = arith.index_cast %mul3A_627 : i32 to index
        %swap3A_631 = tpu.vector_load %arg9[%swap3A_629, %swap3A_630] {strides = array<i32>} : memref<2x2048xf32, #tpu.memory_space<vmem>>, vector<16xf32>,
        tpu.vector_store %arg9[%swap3A_629, %swap3A_630], %gather3A_625 {strides = array<i32>} : memref<2x2048xf32, #tpu.memory_space<vmem>>, vector<16xf32>,
        %mul3A_632 = arith.constant 8 : i32
        %mul3A_633 = arith.muli %scan3A_548, %mul3A_632 : i32
        %add3A_634 = arith.constant 5 : i32
        %add3A_635 = arith.addi %mul3A_633, %add3A_634 : i32
        %mul3A_636 = arith.constant 16 : i32
        %mul3A_637 = arith.muli %add3A_635, %mul3A_636 : i32
        %get3A_638 = arith.constant 1 : i32
        %get3A_639 = arith.index_cast %get3A_638 : i32 to index
        %get3A_640 = arith.index_cast %mul3A_637 : i32 to index
        %get3A_641 = tpu.vector_load %arg8[%get3A_639, %get3A_640] {strides = array<i32>} : memref<2x2048xi32, #tpu.memory_space<vmem>>, vector<16xi32>,
        %gather3A_642 = tpu.vector_load_idx %arg5[%get3A_641] : memref<100016xf32, #tpu.memory_space<vmem>>[vector<16xi32>], vector<16xf32>,
        %mul3A_643 = arith.constant 16 : i32
        %mul3A_644 = arith.muli %add3A_635, %mul3A_643 : i32
        %swap3A_645 = arith.constant 1 : i32
        %swap3A_646 = arith.index_cast %swap3A_645 : i32 to index
        %swap3A_647 = arith.index_cast %mul3A_644 : i32 to index
        %swap3A_648 = tpu.vector_load %arg9[%swap3A_646, %swap3A_647] {strides = array<i32>} : memref<2x2048xf32, #tpu.memory_space<vmem>>, vector<16xf32>,
        tpu.vector_store %arg9[%swap3A_646, %swap3A_647], %gather3A_642 {strides = array<i32>} : memref<2x2048xf32, #tpu.memory_space<vmem>>, vector<16xf32>,
        %mul3A_649 = arith.constant 8 : i32
        %mul3A_650 = arith.muli %scan3A_548, %mul3A_649 : i32
        %add3A_651 = arith.constant 6 : i32
        %add3A_652 = arith.addi %mul3A_650, %add3A_651 : i32
        %mul3A_653 = arith.constant 16 : i32
        %mul3A_654 = arith.muli %add3A_652, %mul3A_653 : i32
        %get3A_655 = arith.constant 1 : i32
        %get3A_656 = arith.index_cast %get3A_655 : i32 to index
        %get3A_657 = arith.index_cast %mul3A_654 : i32 to index
        %get3A_658 = tpu.vector_load %arg8[%get3A_656, %get3A_657] {strides = array<i32>} : memref<2x2048xi32, #tpu.memory_space<vmem>>, vector<16xi32>,
        %gather3A_659 = tpu.vector_load_idx %arg5[%get3A_658] : memref<100016xf32, #tpu.memory_space<vmem>>[vector<16xi32>], vector<16xf32>,
        %mul3A_660 = arith.constant 16 : i32
        %mul3A_661 = arith.muli %add3A_652, %mul3A_660 : i32
        %swap3A_662 = arith.constant 1 : i32
        %swap3A_663 = arith.index_cast %swap3A_662 : i32 to index
        %swap3A_664 = arith.index_cast %mul3A_661 : i32 to index
        %swap3A_665 = tpu.vector_load %arg9[%swap3A_663, %swap3A_664] {strides = array<i32>} : memref<2x2048xf32, #tpu.memory_space<vmem>>, vector<16xf32>,
        tpu.vector_store %arg9[%swap3A_663, %swap3A_664], %gather3A_659 {strides = array<i32>} : memref<2x2048xf32, #tpu.memory_space<vmem>>, vector<16xf32>,
        %mul3A_666 = arith.constant 8 : i32
        %mul3A_667 = arith.muli %scan3A_548, %mul3A_666 : i32
        %add3A_668 = arith.constant 7 : i32
        %add3A_669 = arith.addi %mul3A_667, %add3A_668 : i32
        %mul3A_670 = arith.constant 16 : i32
        %mul3A_671 = arith.muli %add3A_669, %mul3A_670 : i32
        %get3A_672 = arith.constant 1 : i32
        %get3A_673 = arith.index_cast %get3A_672 : i32 to index
        %get3A_674 = arith.index_cast %mul3A_671 : i32 to index
        %get3A_675 = tpu.vector_load %arg8[%get3A_673, %get3A_674] {strides = array<i32>} : memref<2x2048xi32, #tpu.memory_space<vmem>>, vector<16xi32>,
        %gather3A_676 = tpu.vector_load_idx %arg5[%get3A_675] : memref<100016xf32, #tpu.memory_space<vmem>>[vector<16xi32>], vector<16xf32>,
        %mul3A_677 = arith.constant 16 : i32
        %mul3A_678 = arith.muli %add3A_669, %mul3A_677 : i32
        %swap3A_679 = arith.constant 1 : i32
        %swap3A_680 = arith.index_cast %swap3A_679 : i32 to index
        %swap3A_681 = arith.index_cast %mul3A_678 : i32 to index
        %swap3A_682 = tpu.vector_load %arg9[%swap3A_680, %swap3A_681] {strides = array<i32>} : memref<2x2048xf32, #tpu.memory_space<vmem>>, vector<16xf32>,
        tpu.vector_store %arg9[%swap3A_680, %swap3A_681], %gather3A_676 {strides = array<i32>} : memref<2x2048xf32, #tpu.memory_space<vmem>>, vector<16xf32>,
      }
      %scan3A_527 = arith.constant 16 : i32
      %add3A_528 = arith.constant 2 : i32
      %add3A_529 = arith.addi %add3A_505, %add3A_528 : i32
      %lt3A_530 = arith.constant 128 : i32
      %lt3A_531 = arith.cmpi slt, %add3A_529, %lt3A_530 : i32
      %convert_element_type3A_532 = arith.extui %lt3A_531 : i1 to i32
      %cond3A_533 = arith.constant 0 : i32
      %cond3A_534 = arith.cmpi ne, %convert_element_type3A_532, %cond3A_533 : i32
      scf.if %cond3A_534 {
        %add3A_548 = arith.constant 2 : i32
        %add3A_549 = arith.addi %add3A_505, %add3A_548 : i32
        %mul3A_550 = arith.constant 2048 : i32
        %mul3A_551 = arith.muli %add3A_549, %mul3A_550 : i32
        %dma_start3A_552 = arith.constant 1 : i32
        %dma_start3A_553 = arith.constant 0 : i32
        %dma_start3A_554 = tpu.memref_slice %arg8[%dma_start3A_552, %dma_start3A_553] : memref<2x2048xi32, #tpu.memory_space<vmem>> -> memref<1x2048xi32, #tpu.memory_space<vmem>>
        %dma_start3A_555 = tpu.memref_squeeze %dma_start3A_554 : memref<1x2048xi32, #tpu.memory_space<vmem>> -> memref<2048xi32, #tpu.memory_space<vmem>>
        %dma_start3A_556 = tpu.memref_slice %arg10[%mul3A_551] : memref<262144xi32, #tpu.memory_space<vmem_shared>> -> memref<2048xi32, #tpu.memory_space<vmem_shared>>
        %dma_start3A_557 = arith.constant 0 : i32
        %dma_start3A_558 = tpu.memref_slice %arg8[%dma_start3A_552, %dma_start3A_557] : memref<2x2048xi32, #tpu.memory_space<vmem>> -> memref<1x2048xi32, #tpu.memory_space<vmem>>
        %dma_start3A_559 = tpu.memref_squeeze %dma_start3A_558 : memref<1x2048xi32, #tpu.memory_space<vmem>> -> memref<2048xi32, #tpu.memory_space<vmem>>
        %dma_start3A_560 = tpu.memref_slice %arg10[%mul3A_551] : memref<262144xi32, #tpu.memory_space<vmem_shared>> -> memref<2048xi32, #tpu.memory_space<vmem_shared>>
        tpu.enqueue_dma source(%dma_start3A_560 : memref<2048xi32, #tpu.memory_space<vmem_shared>>) target(%dma_start3A_559 : memref<2048xi32, #tpu.memory_space<vmem>>) target_semaphore(%arg14 : memref<!tpu.dma_semaphore, #tpu.memory_space<semaphore_mem>>)
      } else {
      }
      %mul3A_535 = arith.constant 2048 : i32
      %mul3A_536 = arith.muli %add3A_505, %mul3A_535 : i32
      %dma_start3A_537 = arith.constant 1 : i32
      %dma_start3A_538 = arith.constant 0 : i32
      %dma_start3A_539 = tpu.memref_slice %arg9[%dma_start3A_537, %dma_start3A_538] : memref<2x2048xf32, #tpu.memory_space<vmem>> -> memref<1x2048xf32, #tpu.memory_space<vmem>>
      %dma_start3A_540 = tpu.memref_squeeze %dma_start3A_539 : memref<1x2048xf32, #tpu.memory_space<vmem>> -> memref<2048xf32, #tpu.memory_space<vmem>>
      %dma_start3A_541 = tpu.memref_slice %arg4[%add3A_403, %mul3A_536] : memref<132x262144xf32, #tpu.memory_space<hbm>> -> memref<1x2048xf32, #tpu.memory_space<hbm>>
      %dma_start3A_542 = tpu.memref_squeeze %dma_start3A_541 : memref<1x2048xf32, #tpu.memory_space<hbm>> -> memref<2048xf32, #tpu.memory_space<hbm>>
      %dma_start3A_543 = tpu.memref_slice %arg4[%add3A_403, %mul3A_536] : memref<132x262144xf32, #tpu.memory_space<hbm>> -> memref<1x2048xf32, #tpu.memory_space<hbm>>
      %dma_start3A_544 = tpu.memref_squeeze %dma_start3A_543 : memref<1x2048xf32, #tpu.memory_space<hbm>> -> memref<2048xf32, #tpu.memory_space<hbm>>
      %dma_start3A_545 = arith.constant 0 : i32
      %dma_start3A_546 = tpu.memref_slice %arg9[%dma_start3A_537, %dma_start3A_545] : memref<2x2048xf32, #tpu.memory_space<vmem>> -> memref<1x2048xf32, #tpu.memory_space<vmem>>
      %dma_start3A_547 = tpu.memref_squeeze %dma_start3A_546 : memref<1x2048xf32, #tpu.memory_space<vmem>> -> memref<2048xf32, #tpu.memory_space<vmem>>
      tpu.enqueue_dma source(%dma_start3A_547 : memref<2048xf32, #tpu.memory_space<vmem>>) target(%dma_start3A_544 : memref<2048xf32, #tpu.memory_space<hbm>>) target_semaphore(%arg16 : memref<!tpu.dma_semaphore, #tpu.memory_space<semaphore_mem>>)
    }
    %scan3A_431 = arith.constant 64 : i32
    %dma_wait3A_432 = arith.constant 0 : i32
    %dma_wait3A_433 = arith.constant 0 : i32
    %dma_wait3A_434 = tpu.memref_slice %arg9[%dma_wait3A_432, %dma_wait3A_433] : memref<2x2048xf32, #tpu.memory_space<vmem>> -> memref<1x2048xf32, #tpu.memory_space<vmem>>
    %dma_wait3A_435 = tpu.memref_squeeze %dma_wait3A_434 : memref<1x2048xf32, #tpu.memory_space<vmem>> -> memref<2048xf32, #tpu.memory_space<vmem>>
    %dma_wait3A_436 = arith.constant 0 : i32
    %dma_wait3A_437 = tpu.memref_slice %arg4[%add3A_403, %dma_wait3A_436] : memref<132x262144xf32, #tpu.memory_space<hbm>> -> memref<1x2048xf32, #tpu.memory_space<hbm>>
    %dma_wait3A_438 = tpu.memref_squeeze %dma_wait3A_437 : memref<1x2048xf32, #tpu.memory_space<hbm>> -> memref<2048xf32, #tpu.memory_space<hbm>>
    %dma_wait3A_439 = arith.constant 0 : i32
    %dma_wait3A_440 = tpu.memref_slice %arg4[%add3A_403, %dma_wait3A_439] : memref<132x262144xf32, #tpu.memory_space<hbm>> -> memref<1x2048xf32, #tpu.memory_space<hbm>>
    %dma_wait3A_441 = tpu.memref_squeeze %dma_wait3A_440 : memref<1x2048xf32, #tpu.memory_space<hbm>> -> memref<2048xf32, #tpu.memory_space<hbm>>
    %dma_wait3A_442 = arith.constant 0 : i32
    %dma_wait3A_443 = tpu.memref_slice %arg9[%dma_wait3A_432, %dma_wait3A_442] : memref<2x2048xf32, #tpu.memory_space<vmem>> -> memref<1x2048xf32, #tpu.memory_space<vmem>>
    %dma_wait3A_444 = tpu.memref_squeeze %dma_wait3A_443 : memref<1x2048xf32, #tpu.memory_space<vmem>> -> memref<2048xf32, #tpu.memory_space<vmem>>
    tpu.wait_dma2 semaphore(%arg15 : memref<!tpu.dma_semaphore, #tpu.memory_space<semaphore_mem>>) src(%dma_wait3A_444 : memref<2048xf32, #tpu.memory_space<vmem>>) dst(%dma_wait3A_441 : memref<2048xf32, #tpu.memory_space<hbm>>)
    %dma_wait3A_445 = arith.constant 1 : i32
    %dma_wait3A_446 = arith.constant 0 : i32
    %dma_wait3A_447 = tpu.memref_slice %arg9[%dma_wait3A_445, %dma_wait3A_446] : memref<2x2048xf32, #tpu.memory_space<vmem>> -> memref<1x2048xf32, #tpu.memory_space<vmem>>
    %dma_wait3A_448 = tpu.memref_squeeze %dma_wait3A_447 : memref<1x2048xf32, #tpu.memory_space<vmem>> -> memref<2048xf32, #tpu.memory_space<vmem>>
    %dma_wait3A_449 = arith.constant 0 : i32
    %dma_wait3A_450 = tpu.memref_slice %arg4[%add3A_403, %dma_wait3A_449] : memref<132x262144xf32, #tpu.memory_space<hbm>> -> memref<1x2048xf32, #tpu.memory_space<hbm>>
    %dma_wait3A_451 = tpu.memref_squeeze %dma_wait3A_450 : memref<1x2048xf32, #tpu.memory_space<hbm>> -> memref<2048xf32, #tpu.memory_space<hbm>>
    %dma_wait3A_452 = arith.constant 0 : i32
    %dma_wait3A_453 = tpu.memref_slice %arg4[%add3A_403, %dma_wait3A_452] : memref<132x262144xf32, #tpu.memory_space<hbm>> -> memref<1x2048xf32, #tpu.memory_space<hbm>>
    %dma_wait3A_454 = tpu.memref_squeeze %dma_wait3A_453 : memref<1x2048xf32, #tpu.memory_space<hbm>> -> memref<2048xf32, #tpu.memory_space<hbm>>
    %dma_wait3A_455 = arith.constant 0 : i32
    %dma_wait3A_456 = tpu.memref_slice %arg9[%dma_wait3A_445, %dma_wait3A_455] : memref<2x2048xf32, #tpu.memory_space<vmem>> -> memref<1x2048xf32, #tpu.memory_space<vmem>>
    %dma_wait3A_457 = tpu.memref_squeeze %dma_wait3A_456 : memref<1x2048xf32, #tpu.memory_space<vmem>> -> memref<2048xf32, #tpu.memory_space<vmem>>
    tpu.wait_dma2 semaphore(%arg16 : memref<!tpu.dma_semaphore, #tpu.memory_space<semaphore_mem>>) src(%dma_wait3A_457 : memref<2048xf32, #tpu.memory_space<vmem>>) dst(%dma_wait3A_454 : memref<2048xf32, #tpu.memory_space<hbm>>)
    return
  }
}

module attributes {stable_mosaic.version = 14 : i64} {
  func.func @body(%arg0: i32, %arg1: memref<32x4x8x128xi32, #tpu.memory_space<vmem>>, %arg2: memref<32x4x8x128xf32, #tpu.memory_space<vmem>>, %arg3: memref<32x4x8x128xf32, #tpu.memory_space<vmem>>) attributes {dimension_semantics = [#tpu.dimension_semantics<arbitrary>], iteration_bounds = array<i64: 64>, scalar_prefetch = 0 : i64, scratch_operands = 0 : i64, tpu.core_type = #tpu.core_type<tc>, window_params = [{transform_indices = @transform_0, window_bounds = array<i64: 32, 4, 8, 128>}, {transform_indices = @transform_1, window_bounds = array<i64: 32, 4, 8, 128>}, {transform_indices = @transform_2, window_bounds = array<i64: 32, 4, 8, 128>}]} {
    %get3A = arith.constant 0 : index
    %get3A_0 = arith.constant 0 : index
    %get3A_1 = arith.constant 0 : index
    %get3A_2 = arith.constant 0 : index
    %get3A_3 = vector.load %arg1[%get3A, %get3A_0, %get3A_1, %get3A_2] : memref<32x4x8x128xi32, #tpu.memory_space<vmem>>, vector<32x4x1x128xi32>
    %ge3A = arith.constant 0 : i32
    %ge3A_4 = vector.broadcast %ge3A : i32 to vector<32x4x1x128xi32>
    %ge3A_5 = arith.cmpi sge, %get3A_3, %ge3A_4 : vector<32x4x1x128xi32>
    %convert_element_type3A = arith.extui %ge3A_5 : vector<32x4x1x128xi1> to vector<32x4x1x128xi32>
    %convert_element_type3A_6 = arith.sitofp %convert_element_type3A : vector<32x4x1x128xi32> to vector<32x4x1x128xf32>
    %get3A_7 = arith.constant 0 : index
    %get3A_8 = arith.constant 0 : index
    %get3A_9 = arith.constant 0 : index
    %get3A_10 = arith.constant 0 : index
    %get3A_11 = vector.load %arg2[%get3A_7, %get3A_8, %get3A_9, %get3A_10] : memref<32x4x8x128xf32, #tpu.memory_space<vmem>>, vector<32x4x8x128xf32>
    %mul3A = vector.broadcast %convert_element_type3A_6 : vector<32x4x1x128xf32> to vector<32x4x8x128xf32>
    %mul3A_12 = arith.mulf %get3A_11, %mul3A : vector<32x4x8x128xf32>
    %swap3A = arith.constant 0 : index
    %swap3A_13 = arith.constant 0 : index
    %swap3A_14 = arith.constant 0 : index
    %swap3A_15 = arith.constant 0 : index
    %swap3A_16 = vector.load %arg3[%swap3A, %swap3A_13, %swap3A_14, %swap3A_15] : memref<32x4x8x128xf32, #tpu.memory_space<vmem>>, vector<32x4x8x128xf32>
    tpu.vector_store %arg3[%swap3A, %swap3A_13, %swap3A_14, %swap3A_15], %mul3A_12 {strides = array<i32>} : memref<32x4x8x128xf32, #tpu.memory_space<vmem>>, vector<32x4x8x128xf32>,
    return
  }
  func.func @transform_0(%arg0: i32) -> (i32, i32, i32, i32) {
    %c0_i32 = arith.constant 0 : i32
    %c0_i32_0 = arith.constant 0 : i32
    %c0_i32_1 = arith.constant 0 : i32
    %c0_i32_2 = arith.constant 0 : i32
    return %arg0, %c0_i32, %c0_i32_0, %c0_i32_1 : i32, i32, i32, i32
  }
  func.func @transform_1(%arg0: i32) -> (i32, i32, i32, i32) {
    %c0_i32 = arith.constant 0 : i32
    %c0_i32_0 = arith.constant 0 : i32
    %c0_i32_1 = arith.constant 0 : i32
    %c0_i32_2 = arith.constant 0 : i32
    return %arg0, %c0_i32, %c0_i32_0, %c0_i32_1 : i32, i32, i32, i32
  }
  func.func @transform_2(%arg0: i32) -> (i32, i32, i32, i32) {
    %c0_i32 = arith.constant 0 : i32
    %c0_i32_0 = arith.constant 0 : i32
    %c0_i32_1 = arith.constant 0 : i32
    %c0_i32_2 = arith.constant 0 : i32
    return %arg0, %c0_i32, %c0_i32_0, %c0_i32_1 : i32, i32, i32, i32
  }
}

</mosaic_0001>

<sc_bundles>
// kernel: kernel.4.cloned.1.call-start
scs
__scs_entry_jumppad:
0x0: {  	(pc) =	sbr.rel $0x88, $3  }
0x1: {  	(tag) =	ssettag $0x0;
	lr =	simm.s32 $0x1  }
0x2: {  	[smem:$0x3F9E] =	sst lr;
	_ =	strace $0xD0000000  }
0x3: {  	_ = 	snop  }
0x4: {  	_ = 	snop  }
0x5: {  	_ = 	snop  }
0x6: {  	_ = 	snop  }
0x7: {  	_ = 	snop  }
__scs_overlays_trampoline_lowered:
0x8: {  	[smem:$0x3FAD] =	sst s0  }
0x9: {  	[smem:$0x3FAE] =	sst s1  }
0xa: {  	[smem:$0x3FAF] =	sst s2  }
0xb: {  	[smem:$0x3FB0] =	sst s3  }
0xc: {  	[smem:$0x3FB1] =	sst s4  }
0xd: {  	[smem:$0x3FB2] =	sst s5  }
0xe: {  	[smem:$0x3FB3] =	sst s6  }
0xf: {  	[smem:$0x3FB4] =	sst s7  }
0x10: {  	[smem:$0x3FB5] =	sst s8  }
0x11: {  	[smem:$0x3FB6] =	sst s9;
	s0 =	simm.s32 @!p0 $0x0  }
0x12: {  	s1 =	sld [smem:$0x3F9C];
	s0 =	simm.s32 @p0 $0x1  }
0x13: {  	[smem:$0x3FB7] =	sst s0;
	s0 =	simm.s32 @!p1 $0x0  }
0x14: {  	s2 =	sld [smem:$0x3F9B];
	s0 =	simm.s32 @p1 $0x1  }
0x15: {  	[smem:$0x3FB8] =	sst s0;
	s0 =	simm.s32 @!p2 $0x0  }
0x16: {  	s3 =	sld [smem:$0x3FDB];
	s0 =	simm.s32 @p2 $0x1  }
0x17: {  	s4 =	simm.s32 $0x1BF5;
	[smem:$0x3FBA] =	sst s0  }
0x18: {  	s0 =	sld [smem:$0x3F9D];
	_ =	swait.ge [sflag:s4], $0x0  }
0x19: {  	s7 =	sld [smem:$0x3F9E]  }
0x1a: {  	s8 =	sadd.s32 $0xFFFFE003, lr  }
0x1b: {  	s9 =	sadd.s32 $0xFFFFFEF7, lr;
	s5 =	simm.s32 $0xFFFFFFFF;
	p2 =	slt.u32 s8, $0xFFFFF086  }
0x1c: {  	p1 =	slt.u32 s9, $0xF7A;
	s5 =	simm.s32 @!p2 $0x0  }
0x1d: {  	s5 =	simm.s32 @p1 $0x1;
	p0 =	seq.s32 s7, s2  }
0x1e: {  	s7 =	smul.u32 @!p0 $0xF7A, s2;
	p2 =	seq.s32 @!p0 s5, $0x0  }
0x1f: {  	s9 =	smul.u32 $0xF7A, s1;
	s8 =	simm.s32 @!p0 $0x1BF5;
	p2 =	por !p2, p0  }
0x20: {  	[sflag:s8] =	ssyncset.s32 @!p0 $0xFFFFF086;
	s6 =	sadd.s32 @!p0 s3, s7;
	s7 =	simm.s32 @!p0 $0x108  }
0x21: {  	s3 =	sadd.s32 s3, s9;
	s6 =	sadd.s32 @!p0 $0x88, s6;
	s7 =	simm.s32 @p2 $0x1082  }
0x22: {  	[simem:s7], [sflag:s8] =	dma.local @!p0 [hbm:s6], $0xF7A  }
0x23: {  	s9 =	sor.u32 $0xD0000000, s2;
	s6 =	simm.s32 $0x108;
	_ =	swait.ge @!p0 [sflag:s8], $0x0  }
0x24: {  	s3 =	sadd.s32 $0x88, s3;
	s6 =	simm.s32 @!p1 $0x1082;
	[sflag:s4] =	ssyncset.s32 $0xFFFFF086  }
0x25: {  	[simem:s6], [sflag:s4] =	dma.local [hbm:s3], $0xF7A  }
0x26: {  	[smem:$0x3F9E] =	sst s1;
	(tag) =	ssettag s2;
	_ =	strace s9  }
0x27: {  	s1 =	sld [smem:$0x3FAE]  }
0x28: {  	s2 =	sld [smem:$0x3FAF]  }
0x29: {  	s4 =	sld [smem:$0x3FB1]  }
0x2a: {  	p0 =	seq.s32 s5, $0x0;
	s5 =	sld [smem:$0x3FB2]  }
0x2b: {  	s6 =	sld [smem:$0x3FB3]  }
0x2c: {  	s7 =	sld [smem:$0x3FB4]  }
0x2d: {  	s3 =	simm.s32 $0x108;
	s8 =	sld [smem:$0x3FB5]  }
0x2e: {  	s3 =	simm.s32 @!p0 $0x1082;
	s9 =	sld [smem:$0x3FB6]  }
0x2f: {  	lr =	sadd.s32 s0, s3;
	s0 =	sld [smem:$0x3FAD]  }
0x30: {  	s3 =	sld [smem:$0x3FB0]  }
0x31: {  	[smem:$0x3FB9] =	sst s10  }
0x32: {  	s10 =	sld [smem:$0x3FB7];
	_ =	sdelay $0x3  }
0x33: {  	p0 =	seq.s32 s10, $0x1;
	s10 =	sld [smem:$0x3FB9];
	_ =	sdelay $0x3  }
0x34: {  	[smem:$0x3FB9] =	sst s10  }
0x35: {  	s10 =	sld [smem:$0x3FB8];
	_ =	sdelay $0x3  }
0x36: {  	p1 =	seq.s32 s10, $0x1;
	s10 =	sld [smem:$0x3FB9];
	_ =	sdelay $0x3  }
0x37: {  	[smem:$0x3FB9] =	sst s10  }
0x38: {  	s10 =	sld [smem:$0x3FBA]  }
0x39: {  	_ = 	snop;
	(pc) =	sbr.ind lr, $3  }
0x3a: {  	_ = 	snop  }
0x3b: {  	_ = 	snop  }
0x3c: {  	p2 =	seq.s32 s10, $0x1;
	s10 =	sld [smem:$0x3FB9]  }
0x3d: {  	_ =	shalt  }
0x3e: {  	_ =	shalt  }
0x3f: {  	_ =	shalt  }
0x40: {  	_ =	shalt  }
0x41: {  	_ =	shalt  }
0x42: {  	_ =	shalt  }
0x43: {  	_ =	shalt  }
0x44: {  	_ =	shalt  }
0x45: {  	_ =	shalt  }
0x46: {  	_ =	shalt  }
0x47: {  	_ =	shalt  }
0x48: {  	_ =	shalt  }
0x49: {  	_ =	shalt  }
0x4a: {  	_ =	shalt  }
0x4b: {  	_ =	shalt  }
0x4c: {  	_ =	shalt  }
0x4d: {  	_ =	shalt  }
0x4e: {  	_ =	shalt  }
0x4f: {  	_ =	shalt  }
0x50: {  	_ =	shalt  }
0x51: {  	_ =	shalt  }
0x52: {  	_ =	shalt  }
0x53: {  	_ =	shalt  }
0x54: {  	_ =	shalt  }
0x55: {  	_ =	shalt  }
0x56: {  	_ =	shalt  }
0x57: {  	_ =	shalt  }
0x58: {  	_ =	shalt  }
0x59: {  	_ =	shalt  }
0x5a: {  	_ =	shalt  }
0x5b: {  	_ =	shalt  }
0x5c: {  	_ =	shalt  }
0x5d: {  	_ =	shalt  }
0x5e: {  	_ =	shalt  }
0x5f: {  	_ =	shalt  }
0x60: {  	_ =	shalt  }
0x61: {  	_ =	shalt  }
0x62: {  	_ =	shalt  }
0x63: {  	_ =	shalt  }
0x64: {  	_ =	shalt  }
0x65: {  	_ =	shalt  }
0x66: {  	_ =	shalt  }
0x67: {  	_ =	shalt  }
0x68: {  	_ =	shalt  }
0x69: {  	_ =	shalt  }
0x6a: {  	_ =	shalt  }
0x6b: {  	_ =	shalt  }
0x6c: {  	_ =	shalt  }
0x6d: {  	_ =	shalt  }
0x6e: {  	_ =	shalt  }
0x6f: {  	_ =	shalt  }
0x70: {  	_ =	shalt  }
0x71: {  	_ =	shalt  }
0x72: {  	_ =	shalt  }
0x73: {  	_ =	shalt  }
0x74: {  	_ =	shalt  }
0x75: {  	_ =	shalt  }
0x76: {  	_ =	shalt  }
0x77: {  	_ =	shalt  }
0x78: {  	_ =	shalt  }
0x79: {  	_ =	shalt  }
0x7a: {  	_ =	shalt  }
0x7b: {  	_ =	shalt  }
0x7c: {  	_ =	shalt  }
0x7d: {  	_ =	shalt  }
0x7e: {  	_ =	shalt  }
0x7f: {  	_ =	shalt  }
0x80: {  	_ =	shalt  }
0x81: {  	_ =	shalt  }
0x82: {  	_ =	shalt  }
0x83: {  	_ =	shalt  }
0x84: {  	_ =	shalt  }
0x85: {  	_ =	shalt  }
0x86: {  	_ =	shalt  }
0x87: {  	_ =	shalt  }
.Lfunc_end0:
.L_simem_size_0:
called_computation_lowered:
.L_overlay_start_0:
0x88: {  	s2 =	sld [smem:$0x3FD9]  }
0x89: {  	s3 =	sld [smem:$0x3FFE];
	_ =	sdelay $0x1  }
0x8a: {  	s1 =	srdreg.scid  }
0x8b: {  	s0 =	sand.u32 $0x1, s1  }
0x8c: {  	s14 =	sshll.u32 s0, $0xA;
	s2 =	sadd.s32 s3, s2  }
0x8d: {  	s2 =	sadd.s32 s2, s14  }
0x8e: {  	[smem:$0x3FC5] =	sst s2  }
0x8f: {  	_ = 	snop  }
0x90: {  	s2 =	sld [smem:$0x3FD0];
	_ =	sdelay $0x2  }
0x91: {  	s4 =	simm.s32 $0xA;
	s5 =	simm.s32 $0x10;
	s15 =	sld [smem:$0x3FC9]  }
0x92: {  	[smem:s5], [sflag:s4] =	dma.local [hbm:s2], $0x1  }
0x93: {  	_ =	swait.eq [sflag:s4], $0x1  }
0x94: {  	[sflag:s4] =	ssyncset.done $0x0  }
0x95: {  	[sflag:s4] =	ssyncadd.s32 $0xFFFFFFFF  }
0x96: {  	s16 =	sld [smem:$0x10];
	(tm) =	ssettm $0x1  }
0x97: {  	s17 =	sld [smem:$0x3FFB];
	_ =	sdelay $0x3  }
0x98: {  	_ =	strace s17  }
0x99: {  	s4 =	sld [smem:$0x3FFC];
	_ =	sdelay $0x3  }
0x9a: {  	_ =	strace s4  }
0x9b: {  	s4 =	sld [smem:$0x3FFD];
	_ =	sdelay $0x3  }
0x9c: {  	_ =	strace s4  }
0x9d: {  	_ =	strace $0x8FFFFFFF  }
0x9e: {  	s18 =	sld [smem:$0x3FDB];
	_ =	sdelay $0x1  }
0x9f: {  	s19 =	simm.s32 $_scs_section_size  }
0xa0: {  	s6 =	simm.s32 $_size__tile_overlayer_lowered;
	s7 =	simm.s32 $_tile_overlayer_lowered  }
0xa1: {  	s22 =	simm.s32 $0x1BFF;
	s21 =	sshll.u32 s7, $0x1;
	s4 =	sadd.s32 s19, s18  }
0xa2: {  	s8 =	simm.s32 $0x0;
	s20 =	sshll.u32 s6, $0x1;
	s6 =	sadd.s32 s21, s4  }
0xa3: {  	[timem:s8], [sflag:s22] =	dma.local [hbm:s6], s20  }
0xa4: {  	_ =	swait.ge [sflag:s22], s20  }
0xa5: {  	s5 =	ssub.s32 $0x0, s20;
	[sflag:s22] =	ssyncset.done $0x0  }
0xa6: {  	[sflag:s22] =	ssyncadd.s32 s5;
	_ =	sdelay $0x1  }
0xa7: {  	s23 =	simm.s32 $0x1B8B  }
0xa8: {  	_ =	swait.ge [sflag:s23], $0x1  }
0xa9: {  	[sflag:s23] =	ssyncset.done $0x0  }
0xaa: {  	s25 =	simm.s32 $0x1B8E;
	s24 =	sld [smem:$0x3FFE];
	[sflag:s23] =	ssyncadd.s32 $0xFFFFFFFF  }
0xab: {  	s26 =	simm.s32 $execute0_lowered;
	[smem:$0x3FD2] =	sst s25  }
0xac: {  	s6 =	sshll.u32 s26, $0x1;
	_ =	strace $0x80000046;
	[dreg:$0x1] =	wrdreg $0xFFFFFFFF  }
0xad: {  	s28 =	simm.s32 $_size_execute0_lowered;
	s4 =	sadd.s32 s4, s6;
	[dreg:$0x0] =	wrdreg $0x0  }
0xae: {  	s6 =	sshll.u32 s28, $0x1;
	[dreg:$0x2] =	wrdreg s4  }
0xaf: {  	[dreg:$0x3] =	wrdreg s6  }
0xb0: {  	[dreg:$0x4] =	wrdreg $0xC0  }
0xb1: {  	_ =	task [dreg:s8], $0x5FFFF  }
0xb2: {  	[dreg:$0x1] =	wrdreg $0xFFFFFFFF  }
0xb3: {  	[dreg:$0x0] =	wrdreg $0x60  }
0xb4: {  	[dreg:$0x2] =	wrdreg s15  }
0xb5: {  	[dreg:$0x3] =	wrdreg s24  }
0xb6: {  	[dreg:$0x4] =	wrdreg s16  }
0xb7: {  	[dreg:$0x5] =	wrdreg $0x1AEB00  }
0xb8: {  	[dreg:$0x6] =	wrdreg $0x9  }
0xb9: {  	_ =	task.clear_ibuf [dreg:s8], $0x7FFFF;
	_ =	strace $0x90000046  }
0xba: {  	s29 =	simm.s32 $0x9;
	_ =	strace $0x80000048  }
0xbb: {  	_ =	swait.ge [sflag:s29], $0x1  }
0xbc: {  	[sflag:s29] =	ssyncadd.s32 $0xFFFFFFFF  }
0xbd: {  	_ =	strace $0x90000048  }
0xbe: {  	_ =	sfence  }
0xbf: {  	s30 =	sld [smem:$0x0];
	_ =	sdelay $0x2  }
0xc0: {  	s31 =	sshll.u32 s1, $0xD;
	s1 =	sshrl.u32 s1, $0x2  }
0xc1: {  	s3 =	sand.u32 $0x4000, s31;
	s1 =	sadd.s32 s1, s30  }
0xc2: {  	s0 =	sor.u32 s3, s0;
	s1 =	sshll.u32 s1, $0x11  }
0xc3: {  	s0 =	sor.u32 s1, s0  }
0xc4: {  	s0 =	sadd.s32 $0x8F2B, s0  }
0xc5: {  	[sflag:s0] =	ssyncadd.remote.s32 $0x1  }
0xc6: {  	_ =	sfence.sel $0xFFFF  }
0xc7: {  	[dreg:$0x0] =	wrdreg $0xFFFFFFFF;
	(pc) =	sbr.abs _section_cstart, $3  }
0xc8: {  	[dreg:$0x1] =	wrdreg $0xFFFFFFFF  }
0xc9: {  	_ =	task.clear_ibuf [dreg:s8], $0x2FFFF;
	_ =	strace $0x9FFFFFFF  }
0xca: {  	(tm) =	ssettm $0x7FFFFFFF  }
0xcb: {  	_ =	shalt  }
tec
execute0_lowered:
.L_overlay_start_1:
0x0: {  	(tag) =	ssettag $0x1  }
0x1: {  	s1 =	rddreg [dreg:$0x0]  }
0x2: {  	s0 =	rddreg [dreg:$0x1]  }
0x3: {  	s2 =	rddreg [dreg:$0x2]  }
0x4: {  	s3 =	rddreg [dreg:$0x3]  }
0x5: {  	s4 =	srdreg.scid;
	s5 =	simm.s32 $0x0;
	s21 =	stileid.u32  }
0x6: {  	s30 =	simm.s32 $0x2;
	s31 =	simm.s32 $0x18AB0;
	s4 =	sand.u32 $0x1, s4  }
0x7: {  	[smem:$0x7FF] =	sst s5;
	s8 =	smul.u32 $0x30D4, s21;
	s0 =	sadd.s32 $0x400, s0  }
0x8: {  	s19 =	sshll.u32 s21, $0xE;
	s18 =	sor.u32 $0x10, s21;
	s20 =	sadd.s32 $0x800, s3  }
0x9: {  	s6 =	ssub.s32 $0x2, s4;
	_ =	strace $0x80000047;
	s13 =	smul.u32 $0x42, s4  }
0xa: {  	s29 =	sshllo.u32 s4, $0x1;
	s9 =	sshll.u32 s4, $0x13;
	s10 =	smul.u32 $0x1080000, s4  }
0xb: {  	s15 =	sadd.s32 s1, s19;
	s16 =	smul.u32 $0x30D4, s18;
	s12 =	sshll.u32 s4, $0x16  }
0xc: {  	[dreg:$0x7] =	wrdreg s20;
	s4 =	simm.s32 $0x19EB0;
	s7 =	sshrl.u32 s6, $0x1  }
0xd: {  	s28 =	sadd.s32 s0, s8;
	s9 =	sadd.s32 s9, s15;
	s23 =	smul.u32 $0x21, s29  }
0xe: {  	s24 =	sshll.u32 s29, $0x12;
	s25 =	smul.u32 $0x840000, s29;
	[dreg:$0x5] =	wrdreg s28  }
0xf: {  	s6 =	ssub.s32 s6, s7;
	s7 =	sshll.u32 s21, $0x4;
	[dreg:$0x6] =	wrdreg s9  }
0x10: {  	s11 =	sadd.s32 s21, s13;
	s10 =	sadd.s32 $0x800000, s10;
	s0 =	sadd.s32 s0, s16  }
0x11: {  	s22 =	sadd.s32 s18, s13;
	s13 =	simm.s32 $0x0;
	s9 =	sadd.s32 $0x10, s7  }
0x12: {  	s11 =	sshll.u32 s11, $0x12;
	[dreg:$0x8] =	wrdreg s0;
	s16 =	sshll.u32 s22, $0x12  }
0x13: {  	s0 =	sadd.s32 s24, s15;
	s26 =	sadd.s32 s18, s23;
	s19 =	sadd.s32 $0x800000, s25  }
0x14: {  	s28 =	sadd.s32 s21, s23;
	s21 =	sshll.u32 s29, $0x15;
	s29 =	smax.u32 s6, $0x1  }
0x15: {  	s15 =	simm.s32 $0x3;
	s18 =	simm.s32 $0x4;
	s25 =	simm.s32 $0x1A6B0  }
0x16: {  	s14 =	sor.u32 $0x800, s11;
	s17 =	sor.u32 $0x800, s16;
	[dreg:$0x9] =	wrdreg s0  }
0x17: {  	s20 =	sshll.u32 s26, $0x12;
	s23 =	sshll.u32 s28, $0x12;
	[dreg:$0xa] =	wrdreg s29  }
0x18: {  	v0 =	vimm.s32 $0x0;
	v1 =	vimm.f32 $0.0e+00;
	s0 =	simm.s32 $0x7;
	s22 =	sor.u32 $0x800, s20;
	s24 =	sor.u32 $0x800, s23  }
.LBB2_1:
0x19: {  	[dreg:$0xb] =	wrdreg s13  }
0x1a: {  	s6 =	rddreg [dreg:$0x5]  }
0x1b: {  	s13 =	rddreg [dreg:$0x6];
	s8 =	simm.s32 $0x80  }
0x1c: {  	[tilespmem:s5], [sflag:$0x1] =	stream.linear.gather [hbm4b:s6+s5], $0x186A0, $0x38;
	[tilespmem:$0x1EEB0] =	vst v63  }
0x1d: {  	s28 =	simm.s32 $0x1000;
	s26 =	simm.s32 $0x186B0;
	s29 =	smov.u32 s7  }
0x1e: {  	[tilespmem:s26], [sflag:$0x2] =	stream.strided.gather [hbm4b:s13+s8], $0x400, s28, s8, $0x38;
	[tilespmem:$0x1EEB0] =	vst v63  }
.LBB2_2:
0x1f: {  	_ =	swait.ge [sflag:s30], $0x400  }
0x20: {  	p0 =	sle.u32 s29, s7;
	[sflag:s30] =	ssyncset.done $0x0  }
0x21: {  	s6 =	simm.s32 @!p0 $0x5;
	[sflag:s30] =	ssyncadd.s32 $0xFFFFFC00  }
0x22: {  	_ =	swait.ge @!p0 [sflag:s6], $0x400  }
0x23: {  	[sflag:s6] =	ssyncset.done @!p0 $0x0  }
0x24: {  	s28 =	simm.s32 $0x0;
	[sflag:s6] =	ssyncadd.s32 @!p0 $0xFFFFFC00  }
0x25: {  	v2 =	vld [tilespmem:s28+$0x18720]  }
0x26: {  	v3 =	vld [tilespmem:s28+$0x186B0]  }
0x27: {  	v4 =	vld [tilespmem:s28+$0x186C0]  }
0x28: {  	v6 =	vld [tilespmem:s28+$0x186E0]  }
0x29: {  	v7 =	vld [tilespmem:s28+$0x186F0]  }
0x2a: {  	v8 =	vld [tilespmem:s28+$0x18700]  }
0x2b: {  	v10 =	vld [tilespmem:s28+$0x18710];
	_ =	sdelay $0x1  }
0x2c: {  	vm1 =	vlt.s32 v2, $0x1869F  }
0x2d: {  	vm2 =	vlt.s32 v3, $0x1869F;
	vm0 =	vgt.s32 v2, $0xFFFFFFFF;
	vm3 =	vgt.s32 v4, $0xFFFFFFFF  }
0x2e: {  	v5 =	vld [tilespmem:s28+$0x186D0];
	vm4 =	vlt.s32 v6, $0x1869F;
	vm5 =	vlt.s32 v7, $0x1869F;
	vm6 =	vlt.s32 v8, $0x1869F  }
0x2f: {  	vm7 =	vlt.s32 v10, $0x1869F;
	v2 =	vnsel vm1, $0x1869F, v2;
	v9 =	vnsel vm2, $0x1869F, v3  }
0x30: {  	vm1 =	vlt.s32 v4, $0x1869F;
	vm2 =	vgt.s32 v3, $0xFFFFFFFF;
	v12 =	vnsel vm4, $0x1869F, v6  }
0x31: {  	vm4 =	vgt.s32 v6, $0xFFFFFFFF;
	v13 =	vnsel vm5, $0x1869F, v7;
	vm5 =	vgt.s32 v7, $0xFFFFFFFF  }
0x32: {  	v14 =	vnsel vm6, $0x1869F, v8;
	vm6 =	vgt.s32 v8, $0xFFFFFFFF;
	v11 =	vnsel vm0, $0x186A0, v2  }
0x33: {  	v3 =	vnsel vm1, $0x1869F, v4;
	vm1 =	vlt.s32 v5, $0x1869F;
	v2 =	vnsel vm7, $0x1869F, v10  }
0x34: {  	vm7 =	vgt.s32 v10, $0xFFFFFFFF;
	v6 =	vnsel vm2, $0x186A0, v9;
	v4 =	vnsel vm1, $0x1869F, v5  }
0x35: {  	vm1 =	vgt.s32 v5, $0xFFFFFFFF;
	v7 =	vnsel vm3, $0x186A0, v3;
	[tilespmem:s28+$0x18AB0] =	vst v6;
	v6 =	vnsel vm4, $0x186A0, v12  }
0x36: {  	s13 =	simm.s32 $0x80;
	s6 =	simm.s32 $0x400;
	[tilespmem:s28+$0x18B20] =	vst v11;
	v3 =	vnsel vm6, $0x186A0, v14;
	v5 =	vnsel vm1, $0x186A0, v4;
	v4 =	vnsel vm5, $0x186A0, v13  }
.LBB2_3:
0x37: {  	p0 =	sne.s32 s6, $0xE00;
	v8 =	vld [tilespmem:s13+$0x18720];
	v9 =	vsel vm2, $0x3F800000, v0;
	[tilespmem:s28+$0x18AC0] =	vst v7;
	v7 =	vsel vm3, $0x3F800000, v0;
	v2 =	vnsel vm7, $0x186A0, v2  }
0x38: {  	v11 =	vsel vm4, $0x3F800000, v0;
	v12 =	vsel vm5, $0x3F800000, v0;
	v10 =	vld [tilespmem:s13+$0x186B0];
	[tilespmem:s28+$0x18AD0] =	vst v5;
	v5 =	vsel vm1, $0x3F800000, v0  }
0x39: {  	v14 =	vsel vm7, $0x3F800000, v0;
	v15 =	vsel vm0, $0x3F800000, v0;
	v13 =	vld [tilespmem:s13+$0x186C0];
	[tilespmem:s28+$0x18AE0] =	vst v6;
	v6 =	vsel vm6, $0x3F800000, v0  }
0x3a: {  	v16 =	vld [tilespmem:s13+$0x186D0];
	[tilespmem:s28+$0x18AF0] =	vst v4  }
0x3b: {  	v4 =	vld [tilespmem:s13+$0x186E0];
	[tilespmem:s28+$0x18B00] =	vst v3  }
0x3c: {  	v3 =	vld [tilespmem:s13+$0x186F0];
	vm1 =	vlt.s32 v8, $0x1869F;
	[tilespmem:s28+$0x18B10] =	vst v2  }
0x3d: {  	vm0 =	vgt.s32 v8, $0xFFFFFFFF;
	vm2 =	vlt.s32 v10, $0x1869F;
	v2 =	vld [tilespmem:s13+$0x18700];
	v8 =	vnsel vm1, $0x1869F, v8;
	[tilespmem:s28+$0x19EB0] =	vst v9  }
0x3e: {  	v9 =	vnsel vm2, $0x1869F, v10;
	vm1 =	vlt.s32 v13, $0x1869F;
	v17 =	vld [tilespmem:s13+$0x18710];
	v8 =	vnsel vm0, $0x186A0, v8;
	[tilespmem:s28+$0x19EC0] =	vst v7  }
0x3f: {  	vm2 =	vgt.s32 v10, $0xFFFFFFFF;
	v7 =	vnsel vm1, $0x1869F, v13;
	vm1 =	vlt.s32 v16, $0x1869F;
	[tilespmem:s13+$0x18B20] =	vst v8  }
0x40: {  	vm3 =	vgt.s32 v13, $0xFFFFFFFF;
	v8 =	vnsel vm1, $0x1869F, v16;
	vm4 =	vlt.s32 v4, $0x1869F;
	[tilespmem:s28+$0x19ED0] =	vst v5  }
0x41: {  	vm1 =	vgt.s32 v16, $0xFFFFFFFF;
	v10 =	vnsel vm4, $0x1869F, v4;
	vm5 =	vlt.s32 v3, $0x1869F;
	[tilespmem:s28+$0x19EE0] =	vst v11  }
.Ltmp0:
0x42: {  	vm4 =	vgt.s32 v4, $0xFFFFFFFF;
	v4 =	vnsel vm5, $0x1869F, v3;
	vm6 =	vlt.s32 v2, $0x1869F;
	[tilespmem:s28+$0x19EF0] =	vst v12;
	(pc) =	sbr.rel @p0 .LBB2_3-.Ltmp0, $4  }
0x43: {  	vm5 =	vgt.s32 v3, $0xFFFFFFFF;
	v3 =	vnsel vm6, $0x1869F, v2;
	vm8 =	vlt.s32 v17, $0x1869F;
	[tilespmem:s28+$0x19F00] =	vst v6  }
0x44: {  	vm6 =	vgt.s32 v2, $0xFFFFFFFF;
	vm7 =	vgt.s32 v17, $0xFFFFFFFF;
	v2 =	vnsel vm8, $0x1869F, v17;
	[tilespmem:s28+$0x19F10] =	vst v14  }
0x45: {  	v7 =	vnsel vm3, $0x186A0, v7;
	v5 =	vnsel vm1, $0x186A0, v8;
	v6 =	vnsel vm2, $0x186A0, v9;
	[tilespmem:s28+$0x19F20] =	vst v15;
	s28 =	smov.u32 s13  }
0x46: {  	v4 =	vnsel vm5, $0x186A0, v4;
	v3 =	vnsel vm6, $0x186A0, v3;
	s13 =	sshra.s32 s6, $0x2;
	s6 =	sadd.s32 $0x200, s6;
	[tilespmem:s28+$0x18AB0] =	vst v6;
	v6 =	vnsel vm4, $0x186A0, v10  }
0x47: {  	v8 =	vld [tilespmem:s13+$0x18720];
	[tilespmem:s28+$0x18AC0] =	vst v7  }
0x48: {  	v7 =	vld [tilespmem:s13+$0x186B0];
	[tilespmem:s28+$0x18AD0] =	vst v5  }
0x49: {  	v5 =	vld [tilespmem:s13+$0x186C0];
	[tilespmem:s28+$0x18AE0] =	vst v6  }
0x4a: {  	v6 =	vld [tilespmem:s13+$0x186D0];
	[tilespmem:s28+$0x18AF0] =	vst v4  }
0x4b: {  	v2 =	vnsel vm7, $0x186A0, v2;
	v4 =	vld [tilespmem:s13+$0x186E0];
	[tilespmem:s28+$0x18B00] =	vst v3  }
0x4c: {  	v3 =	vld [tilespmem:s13+$0x186F0];
	[tilespmem:s28+$0x18B10] =	vst v2;
	v2 =	vsel vm2, $0x3F800000, v0;
	vm8 =	vlt.s32 v8, $0x1869F  }
0x4d: {  	vm2 =	vgt.s32 v8, $0xFFFFFFFF;
	v9 =	vld [tilespmem:s13+$0x18700];
	[tilespmem:s28+$0x19EB0] =	vst v2;
	v2 =	vsel vm3, $0x3F800000, v0;
	v8 =	vnsel vm8, $0x1869F, v8  }
0x4e: {  	v10 =	vld [tilespmem:s13+$0x18710];
	v8 =	vnsel vm2, $0x186A0, v8;
	[tilespmem:s28+$0x19EC0] =	vst v2  }
0x4f: {  	v2 =	vsel vm1, $0x3F800000, v0;
	[tilespmem:s13+$0x18B20] =	vst v8  }
0x50: {  	v55 =	vsel vm4, $0x3F800000, v0;
	v11 =	vsel vm5, $0x3F800000, v0;
	[tilespmem:s28+$0x19ED0] =	vst v2  }
0x51: {  	v12 =	vsel vm7, $0x3F800000, v0;
	v56 =	vsel vm0, $0x3F800000, v0;
	vm7 =	vlt.s32 v5, $0x1869F;
	[tilespmem:s28+$0x19EE0] =	vst v55  }
0x52: {  	vm0 =	vgt.s32 v7, $0xFFFFFFFF;
	vm3 =	vgt.s32 v5, $0xFFFFFFFF;
	v57 =	vnsel vm7, $0x1869F, v5;
	[tilespmem:s28+$0x19EF0] =	vst v11  }
0x53: {  	vm8 =	vlt.s32 v6, $0x1869F;
	vm4 =	vgt.s32 v6, $0xFFFFFFFF;
	v2 =	vsel vm6, $0x3F800000, v0;
	[tilespmem:s28+$0x19F10] =	vst v12  }
0x54: {  	vm6 =	vlt.s32 v7, $0x1869F;
	vm9 =	vlt.s32 v4, $0x1869F;
	[tilespmem:s28+$0x19F20] =	vst v56;
	vm5 =	vgt.s32 v4, $0xFFFFFFFF  }
0x55: {  	v60 =	vnsel vm3, $0x186A0, v57;
	v13 =	vnsel vm6, $0x1869F, v7;
	[tilespmem:s28+$0x19F00] =	vst v2;
	v2 =	vnsel vm8, $0x1869F, v6  }
0x56: {  	v58 =	vnsel vm9, $0x1869F, v4;
	vm10 =	vlt.s32 v3, $0x1869F;
	v59 =	vnsel vm0, $0x186A0, v13;
	[tilespmem:s13+$0x18AC0] =	vst v60  }
0x57: {  	vm12 =	vgt.s32 v3, $0xFFFFFFFF;
	v61 =	vnsel vm10, $0x1869F, v3;
	v2 =	vnsel vm4, $0x186A0, v2;
	[tilespmem:s13+$0x18AB0] =	vst v59  }
0x58: {  	vm11 =	vlt.s32 v9, $0x1869F;
	v62 =	vnsel vm5, $0x186A0, v58;
	vm14 =	vgt.s32 v9, $0xFFFFFFFF;
	[tilespmem:s13+$0x18AD0] =	vst v2  }
0x59: {  	v3 =	vnsel vm11, $0x1869F, v9;
	vm13 =	vlt.s32 v10, $0x1869F;
	v2 =	vnsel vm12, $0x186A0, v61;
	[tilespmem:s13+$0x18AE0] =	vst v62  }
0x5a: {  	vm15 =	vgt.s32 v10, $0xFFFFFFFF;
	v63 =	vnsel vm13, $0x1869F, v10;
	v3 =	vnsel vm14, $0x186A0, v3;
	[tilespmem:s13+$0x18AF0] =	vst v2  }
0x5b: {  	v2 =	vnsel vm15, $0x186A0, v63;
	[tilespmem:s13+$0x18B00] =	vst v3  }
0x5c: {  	v3 =	vsel vm0, $0x3F800000, v0;
	[tilespmem:s13+$0x18B10] =	vst v2  }
0x5d: {  	v2 =	vsel vm3, $0x3F800000, v0;
	[tilespmem:s13+$0x19EB0] =	vst v3  }
0x5e: {  	v3 =	vsel vm4, $0x3F800000, v0;
	[tilespmem:s13+$0x19EC0] =	vst v2  }
0x5f: {  	v2 =	vsel vm5, $0x3F800000, v0;
	[tilespmem:s13+$0x19ED0] =	vst v3  }
0x60: {  	v3 =	vsel vm12, $0x3F800000, v0;
	[tilespmem:s13+$0x19EE0] =	vst v2  }
0x61: {  	v2 =	vsel vm14, $0x3F800000, v0;
	[tilespmem:s13+$0x19EF0] =	vst v3  }
0x62: {  	v3 =	vsel vm15, $0x3F800000, v0;
	[tilespmem:s13+$0x19F00] =	vst v2  }
0x63: {  	s6 =	sshll.u32 s29, $0xA;
	v2 =	vsel vm2, $0x3F800000, v0;
	[tilespmem:s13+$0x19F10] =	vst v3  }
0x64: {  	s8 =	sadd.s32 s6, s3;
	[tilespmem:s13+$0x19F20] =	vst v2  }
0x65: {  	[spmem:s8] =	stream.linear.scatter [tilespmem:s31], [sflag:$0x7], $0x400, $0x38;
	[tilespmem:$0x1EEB0] =	vst v63  }
0x66: {  	s6 =	sadd.s32 s6, s10;
	_ =	swait.ge [sflag:s0], $0x400  }
0x67: {  	s29 =	sadd.s32 $0x1, s29;
	s6 =	sshrl.u32 s6, $0x3;
	[sflag:s0] =	ssyncset.done $0x0  }
0x68: {  	p0 =	sge.u32 s29, s9;
	s6 =	sadd.s32 s2, s6;
	[sflag:s0] =	ssyncadd.s32 $0xFFFFFC00  }
0x69: {  	[hbm4b:s6+s5] =	stream.linear.scatter [tilespmem:s4], [sflag:$0x5], $0x400, $0x38;
	[tilespmem:$0x1EEB0] =	vst v63  }
0x6a: {  	s6 =	sshll.u32 @!p0 s29, $0xD  }
0x6b: {  	s8 =	sshll.u32 @!p0 s29, $0xA;
	s6 =	sand.u32 @!p0 $0x7FFF8000, s6  }
0x6c: {  	s8 =	sand.u32 @!p0 $0xC00, s8;
	s6 =	sadd.s32 @!p0 s12, s6  }
0x6d: {  	s6 =	sor.u32 @!p0 s8, s6  }
0x6e: {  	s26 =	simm.s32 @!p0 $0x186B0;
	s6 =	sshrl.u32 @!p0 s6, $0x3  }
0x6f: {  	s13 =	simm.s32 @!p0 $0x1000;
	s8 =	simm.s32 @!p0 $0x80;
	s6 =	sadd.s32 @!p0 s1, s6  }
0x70: {  	[tilespmem:s26], [sflag:$0x2] =	stream.strided.gather @!p0 [hbm4b:s6+s8], $0x400, s13, s8, $0x38;
	[tilespmem:$0x1EEB0] =	vst v63  }
0x71: {  	p0 =	sne.s32 s29, s9  }
.Ltmp1:
0x72: {  	_ = 	snop;
	(pc) =	sbr.rel @p0 .LBB2_2-.Ltmp1, $1  }
0x73: {  	_ =	sdelay $0x3  }
0x74: {  	s6 =	simm.s32 $0x5  }
0x75: {  	_ =	swait.ge [sflag:s6], $0x400  }
0x76: {  	[sflag:s6] =	ssyncset.done $0x0  }
0x77: {  	[sflag:s6] =	ssyncadd.s32 $0xFFFFFC00  }
0x78: {  	s13 =	simm.s32 $0x1;
	[bflag:$0x0] =	sbarrier.arrive $0xFFFF  }
0x79: {  	_ =	swait.ge [sflag:s13], $0x186A0  }
0x7a: {  	[sflag:s13] =	ssyncset.done $0x0  }
0x7b: {  	[sflag:s13] =	ssyncadd.s32 $0xFFFE7960  }
0x7c: {  	s26 =	simm.s32 $0x18EB0;
	[tilespmem:$0x186A0] =	vst v1  }
0x7d: {  	[tilespmem:s26], [sflag:$0x3] =	stream.linear.gather [spmem:s3], $0x800, $0x38;
	[tilespmem:$0x1EEB0] =	vst v63  }
0x7e: {  	s8 =	simm.s32 $0x196B0;
	s29 =	simm.s32 $0x0;
	s28 =	rddreg [dreg:$0x7]  }
0x7f: {  	[tilespmem:s8], [sflag:$0x4] =	stream.linear.gather [spmem:s28], $0x800, $0x38;
	[tilespmem:$0x1EEB0] =	vst v63  }
.LBB2_6:
0x80: {  	_ =	swait.ge [sflag:s15], $0x800  }
0x81: {  	p0 =	seq.s32 s29, $0x0;
	[sflag:s15] =	ssyncset.done $0x0  }
0x82: {  	s6 =	simm.s32 @!p0 $0x5;
	[sflag:s15] =	ssyncadd.s32 $0xFFFFF800  }
0x83: {  	_ =	swait.ge @!p0 [sflag:s6], $0x800  }
0x84: {  	[sflag:s6] =	ssyncset.done @!p0 $0x0  }
0x85: {  	s28 =	simm.s32 $0x0;
	[sflag:s6] =	ssyncadd.s32 @!p0 $0xFFFFF800  }
0x86: {  	v2 =	vld [tilespmem:s28+$0x18EB0];
	_ =	sdelay $0x5  }
0x87: {  	v3 =	vld [tilespmem:s28+$0x18EC0];
	_ =	sdelay $0x1  }
0x88: {  	v2 =	vld.idx.msk [tilespmem:v2+s5+$0x0], $0xffff;
	_ =	sdelay $0x4  }
0x89: {  	[tilespmem:s28+$0x19EB0] =	vst v2;
	v2 =	vld [tilespmem:s28+$0x18ED0]  }
0x8a: {  	v3 =	vld.idx.msk [tilespmem:v3+s5+$0x0], $0xffff;
	_ =	sdelay $0x4  }
0x8b: {  	[tilespmem:s28+$0x19EC0] =	vst v3;
	v3 =	vld [tilespmem:s28+$0x18EE0];
	_ =	sdelay $0x1  }
0x8c: {  	v2 =	vld.idx.msk [tilespmem:v2+s5+$0x0], $0xffff;
	_ =	sdelay $0x4  }
0x8d: {  	[tilespmem:s28+$0x19ED0] =	vst v2;
	v2 =	vld [tilespmem:s28+$0x18EF0]  }
0x8e: {  	v3 =	vld.idx.msk [tilespmem:v3+s5+$0x0], $0xffff;
	_ =	sdelay $0x4  }
0x8f: {  	[tilespmem:s28+$0x19EE0] =	vst v3;
	v3 =	vld [tilespmem:s28+$0x18F00];
	_ =	sdelay $0x1  }
0x90: {  	v2 =	vld.idx.msk [tilespmem:v2+s5+$0x0], $0xffff;
	_ =	sdelay $0x4  }
0x91: {  	v4 =	vld [tilespmem:s28+$0x18F10];
	[tilespmem:s28+$0x19EF0] =	vst v2  }
0x92: {  	v2 =	vld.idx.msk [tilespmem:v3+s5+$0x0], $0xffff;
	_ =	sdelay $0x4  }
0x93: {  	[tilespmem:s28+$0x19F00] =	vst v2;
	v2 =	vld [tilespmem:s28+$0x18F20];
	_ =	sdelay $0x1  }
0x94: {  	v3 =	vld.idx.msk [tilespmem:v4+s5+$0x0], $0xffff;
	_ =	sdelay $0x3  }
0x95: {  	s13 =	sshll.u32 s29, $0xE;
	s8 =	simm.s32 $0x80;
	s6 =	simm.s32 $0x400  }
.LBB2_7:
0x96: {  	p1 =	sne.s32 s6, $0x1E00;
	v4 =	vld [tilespmem:s8+$0x18EB0];
	[tilespmem:s28+$0x19F10] =	vst v3  }
0x97: {  	v2 =	vld.idx.msk [tilespmem:v2+s5+$0x0], $0xffff;
	_ =	sdelay $0x5  }
0x98: {  	v3 =	vld [tilespmem:s8+$0x18EC0];
	[tilespmem:s28+$0x19F20] =	vst v2;
	s28 =	smov.u32 s8  }
0x99: {  	v2 =	vld.idx.msk [tilespmem:v4+s5+$0x0], $0xffff;
	_ =	sdelay $0x5  }
0x9a: {  	[tilespmem:s28+$0x19EB0] =	vst v2;
	v2 =	vld [tilespmem:s28+$0x18ED0]  }
0x9b: {  	v3 =	vld.idx.msk [tilespmem:v3+s5+$0x0], $0xffff;
	_ =	sdelay $0x5  }
0x9c: {  	[tilespmem:s28+$0x19EC0] =	vst v3;
	v3 =	vld [tilespmem:s28+$0x18EE0]  }
0x9d: {  	v2 =	vld.idx.msk [tilespmem:v2+s5+$0x0], $0xffff;
	_ =	sdelay $0x5  }
0x9e: {  	[tilespmem:s28+$0x19ED0] =	vst v2;
	v2 =	vld [tilespmem:s28+$0x18EF0]  }
0x9f: {  	v3 =	vld.idx.msk [tilespmem:v3+s5+$0x0], $0xffff;
	_ =	sdelay $0x5  }
0xa0: {  	[tilespmem:s28+$0x19EE0] =	vst v3;
	v3 =	vld [tilespmem:s28+$0x18F00]  }
0xa1: {  	v2 =	vld.idx.msk [tilespmem:v2+s5+$0x0], $0xffff;
	_ =	sdelay $0x5  }
0xa2: {  	[tilespmem:s28+$0x19EF0] =	vst v2;
	v4 =	vld [tilespmem:s28+$0x18F10]  }
0xa3: {  	v2 =	vld.idx.msk [tilespmem:v3+s5+$0x0], $0xffff;
	_ =	sdelay $0x5  }
0xa4: {  	[tilespmem:s28+$0x19F00] =	vst v2;
	v2 =	vld [tilespmem:s28+$0x18F20]  }
0xa5: {  	v3 =	vld.idx.msk [tilespmem:v4+s5+$0x0], $0xffff  }
.Ltmp2:
0xa6: {  	(pc) =	sbr.rel @p1 .LBB2_7-.Ltmp2, $2  }
0xa7: {  	_ =	sdelay $0x2  }
0xa8: {  	s8 =	sshra.s32 s6, $0x2;
	s6 =	sadd.s32 $0x200, s6  }
0xa9: {  	_ =	sdelay $0x1  }
0xaa: {  	v4 =	vld [tilespmem:s8+$0x18EB0]  }
0xab: {  	[tilespmem:s28+$0x19F10] =	vst v3  }
0xac: {  	v2 =	vld.idx.msk [tilespmem:v2+s5+$0x0], $0xffff;
	_ =	sdelay $0x3  }
0xad: {  	v3 =	vld [tilespmem:s8+$0x18EC0]  }
0xae: {  	[tilespmem:s28+$0x19F20] =	vst v2  }
0xaf: {  	v2 =	vld.idx.msk [tilespmem:v4+s5+$0x0], $0xffff;
	_ =	sdelay $0x4  }
0xb0: {  	[tilespmem:s8+$0x19EB0] =	vst v2;
	v2 =	vld [tilespmem:s8+$0x18ED0]  }
0xb1: {  	v3 =	vld.idx.msk [tilespmem:v3+s5+$0x0], $0xffff;
	_ =	sdelay $0x4  }
0xb2: {  	[tilespmem:s8+$0x19EC0] =	vst v3;
	v3 =	vld [tilespmem:s8+$0x18EE0];
	_ =	sdelay $0x1  }
0xb3: {  	v2 =	vld.idx.msk [tilespmem:v2+s5+$0x0], $0xffff;
	_ =	sdelay $0x4  }
0xb4: {  	[tilespmem:s8+$0x19ED0] =	vst v2;
	v2 =	vld [tilespmem:s8+$0x18EF0]  }
0xb5: {  	v3 =	vld.idx.msk [tilespmem:v3+s5+$0x0], $0xffff;
	_ =	sdelay $0x4  }
0xb6: {  	[tilespmem:s8+$0x19EE0] =	vst v3;
	v3 =	vld [tilespmem:s8+$0x18F00];
	_ =	sdelay $0x1  }
0xb7: {  	v2 =	vld.idx.msk [tilespmem:v2+s5+$0x0], $0xffff;
	_ =	sdelay $0x4  }
0xb8: {  	[tilespmem:s8+$0x19EF0] =	vst v2;
	v2 =	vld [tilespmem:s8+$0x18F10]  }
0xb9: {  	v3 =	vld.idx.msk [tilespmem:v3+s5+$0x0], $0xffff;
	_ =	sdelay $0x4  }
0xba: {  	[tilespmem:s8+$0x19F00] =	vst v3;
	v3 =	vld [tilespmem:s8+$0x18F20];
	_ =	sdelay $0x1  }
0xbb: {  	v2 =	vld.idx.msk [tilespmem:v2+s5+$0x0], $0xffff;
	_ =	sdelay $0x4  }
0xbc: {  	[tilespmem:s8+$0x19F10] =	vst v2  }
0xbd: {  	v2 =	vld.idx.msk [tilespmem:v3+s5+$0x0], $0xffff;
	_ =	sdelay $0x1  }
0xbe: {  	p1 =	seq.s32 s29, $0x3F  }
0xbf: {  	s6 =	sshrl.u32 @!p1 s13, $0x2  }
0xc0: {  	s13 =	sadd.s32 @!p1 s6, s3;
	s28 =	sshll.u32 s29, $0xC  }
0xc1: {  	s6 =	sadd.s32 @!p1 $0x1000, s13;
	s26 =	sor.u32 s11, s28;
	[tilespmem:s8+$0x19F20] =	vst v2;
	s8 =	simm.s32 @!p1 $0x18EB0  }
0xc2: {  	[tilespmem:s8], [sflag:$0x3] =	stream.linear.gather @!p1 [spmem:s6], $0x800, $0x38;
	[tilespmem:$0x1EEB0] =	vst v63  }
0xc3: {  	s6 =	sshrl.u32 s26, $0x3  }
0xc4: {  	s6 =	sadd.s32 s2, s6  }
0xc5: {  	[hbm4b:s6+s5] =	stream.linear.scatter [tilespmem:s4], [sflag:$0x5], $0x800, $0x38;
	[tilespmem:$0x1EEB0] =	vst v63  }
0xc6: {  	_ =	swait.ge [sflag:s18], $0x800  }
0xc7: {  	[sflag:s18] =	ssyncset.done $0x0  }
0xc8: {  	s6 =	simm.s32 @!p0 $0x6;
	[sflag:s18] =	ssyncadd.s32 $0xFFFFF800  }
0xc9: {  	_ =	swait.ge @!p0 [sflag:s6], $0x800  }
0xca: {  	[sflag:s6] =	ssyncset.done @!p0 $0x0  }
0xcb: {  	[sflag:s6] =	ssyncadd.s32 @!p0 $0xFFFFF800;
	s6 =	simm.s32 $0x0  }
0xcc: {  	v2 =	vld [tilespmem:s6+$0x196B0];
	_ =	sdelay $0x5  }
0xcd: {  	v3 =	vld [tilespmem:s6+$0x196C0];
	_ =	sdelay $0x1  }
0xce: {  	v2 =	vld.idx.msk [tilespmem:v2+s5+$0x0], $0xffff;
	_ =	sdelay $0x4  }
0xcf: {  	[tilespmem:s6+$0x1A6B0] =	vst v2;
	v2 =	vld [tilespmem:s6+$0x196D0]  }
0xd0: {  	v3 =	vld.idx.msk [tilespmem:v3+s5+$0x0], $0xffff;
	_ =	sdelay $0x4  }
0xd1: {  	[tilespmem:s6+$0x1A6C0] =	vst v3;
	v3 =	vld [tilespmem:s6+$0x196E0];
	_ =	sdelay $0x1  }
0xd2: {  	v2 =	vld.idx.msk [tilespmem:v2+s5+$0x0], $0xffff;
	_ =	sdelay $0x4  }
0xd3: {  	[tilespmem:s6+$0x1A6D0] =	vst v2;
	v2 =	vld [tilespmem:s6+$0x196F0]  }
0xd4: {  	v3 =	vld.idx.msk [tilespmem:v3+s5+$0x0], $0xffff;
	_ =	sdelay $0x4  }
0xd5: {  	[tilespmem:s6+$0x1A6E0] =	vst v3;
	v3 =	vld [tilespmem:s6+$0x19700];
	_ =	sdelay $0x1  }
0xd6: {  	v2 =	vld.idx.msk [tilespmem:v2+s5+$0x0], $0xffff;
	_ =	sdelay $0x4  }
0xd7: {  	v4 =	vld [tilespmem:s6+$0x19710];
	[tilespmem:s6+$0x1A6F0] =	vst v2  }
0xd8: {  	v2 =	vld.idx.msk [tilespmem:v3+s5+$0x0], $0xffff;
	_ =	sdelay $0x4  }
0xd9: {  	[tilespmem:s6+$0x1A700] =	vst v2;
	v2 =	vld [tilespmem:s6+$0x19720];
	_ =	sdelay $0x1  }
0xda: {  	v3 =	vld.idx.msk [tilespmem:v4+s5+$0x0], $0xffff;
	_ =	sdelay $0x3  }
0xdb: {  	s26 =	simm.s32 $0x80;
	s8 =	simm.s32 $0x400  }
.LBB2_9:
0xdc: {  	p0 =	sne.s32 s8, $0x1E00;
	v4 =	vld [tilespmem:s26+$0x196B0];
	[tilespmem:s6+$0x1A710] =	vst v3  }
0xdd: {  	v2 =	vld.idx.msk [tilespmem:v2+s5+$0x0], $0xffff;
	_ =	sdelay $0x5  }
0xde: {  	v3 =	vld [tilespmem:s26+$0x196C0];
	[tilespmem:s6+$0x1A720] =	vst v2;
	s6 =	smov.u32 s26  }
0xdf: {  	v2 =	vld.idx.msk [tilespmem:v4+s5+$0x0], $0xffff;
	_ =	sdelay $0x5  }
0xe0: {  	[tilespmem:s6+$0x1A6B0] =	vst v2;
	v2 =	vld [tilespmem:s6+$0x196D0]  }
0xe1: {  	v3 =	vld.idx.msk [tilespmem:v3+s5+$0x0], $0xffff;
	_ =	sdelay $0x5  }
0xe2: {  	[tilespmem:s6+$0x1A6C0] =	vst v3;
	v3 =	vld [tilespmem:s6+$0x196E0]  }
0xe3: {  	v2 =	vld.idx.msk [tilespmem:v2+s5+$0x0], $0xffff;
	_ =	sdelay $0x5  }
0xe4: {  	[tilespmem:s6+$0x1A6D0] =	vst v2;
	v2 =	vld [tilespmem:s6+$0x196F0]  }
0xe5: {  	v3 =	vld.idx.msk [tilespmem:v3+s5+$0x0], $0xffff;
	_ =	sdelay $0x5  }
0xe6: {  	[tilespmem:s6+$0x1A6E0] =	vst v3;
	v3 =	vld [tilespmem:s6+$0x19700]  }
0xe7: {  	v2 =	vld.idx.msk [tilespmem:v2+s5+$0x0], $0xffff;
	_ =	sdelay $0x5  }
0xe8: {  	[tilespmem:s6+$0x1A6F0] =	vst v2;
	v4 =	vld [tilespmem:s6+$0x19710]  }
0xe9: {  	v2 =	vld.idx.msk [tilespmem:v3+s5+$0x0], $0xffff;
	_ =	sdelay $0x5  }
0xea: {  	[tilespmem:s6+$0x1A700] =	vst v2;
	v2 =	vld [tilespmem:s6+$0x19720]  }
0xeb: {  	v3 =	vld.idx.msk [tilespmem:v4+s5+$0x0], $0xffff  }
.Ltmp3:
0xec: {  	(pc) =	sbr.rel @p0 .LBB2_9-.Ltmp3, $2  }
0xed: {  	_ =	sdelay $0x2  }
0xee: {  	s26 =	sshra.s32 s8, $0x2;
	s8 =	sadd.s32 $0x200, s8  }
0xef: {  	_ =	sdelay $0x1  }
0xf0: {  	v4 =	vld [tilespmem:s26+$0x196B0]  }
0xf1: {  	[tilespmem:s6+$0x1A710] =	vst v3  }
0xf2: {  	v2 =	vld.idx.msk [tilespmem:v2+s5+$0x0], $0xffff;
	_ =	sdelay $0x3  }
0xf3: {  	v3 =	vld [tilespmem:s26+$0x196C0]  }
0xf4: {  	[tilespmem:s6+$0x1A720] =	vst v2  }
0xf5: {  	v2 =	vld.idx.msk [tilespmem:v4+s5+$0x0], $0xffff;
	_ =	sdelay $0x4  }
0xf6: {  	[tilespmem:s26+$0x1A6B0] =	vst v2;
	v2 =	vld [tilespmem:s26+$0x196D0]  }
0xf7: {  	v3 =	vld.idx.msk [tilespmem:v3+s5+$0x0], $0xffff;
	_ =	sdelay $0x4  }
0xf8: {  	[tilespmem:s26+$0x1A6C0] =	vst v3;
	v3 =	vld [tilespmem:s26+$0x196E0];
	_ =	sdelay $0x1  }
0xf9: {  	v2 =	vld.idx.msk [tilespmem:v2+s5+$0x0], $0xffff;
	_ =	sdelay $0x4  }
0xfa: {  	[tilespmem:s26+$0x1A6D0] =	vst v2;
	v2 =	vld [tilespmem:s26+$0x196F0]  }
0xfb: {  	v3 =	vld.idx.msk [tilespmem:v3+s5+$0x0], $0xffff;
	_ =	sdelay $0x4  }
0xfc: {  	[tilespmem:s26+$0x1A6E0] =	vst v3;
	v3 =	vld [tilespmem:s26+$0x19700];
	_ =	sdelay $0x1  }
0xfd: {  	v2 =	vld.idx.msk [tilespmem:v2+s5+$0x0], $0xffff;
	_ =	sdelay $0x4  }
0xfe: {  	[tilespmem:s26+$0x1A6F0] =	vst v2;
	v2 =	vld [tilespmem:s26+$0x19710]  }
0xff: {  	v3 =	vld.idx.msk [tilespmem:v3+s5+$0x0], $0xffff;
	_ =	sdelay $0x4  }
0x100: {  	[tilespmem:s26+$0x1A700] =	vst v3;
	v3 =	vld [tilespmem:s26+$0x19720];
	_ =	sdelay $0x1  }
0x101: {  	v2 =	vld.idx.msk [tilespmem:v2+s5+$0x0], $0xffff;
	_ =	sdelay $0x4  }
0x102: {  	[tilespmem:s26+$0x1A710] =	vst v2  }
0x103: {  	v2 =	vld.idx.msk [tilespmem:v3+s5+$0x0], $0xffff;
	_ =	sdelay $0x2  }
0x104: {  	s29 =	sadd.s32 $0x1, s29  }
0x105: {  	s8 =	simm.s32 @!p1 $0x196B0;
	p0 =	sne.s32 s29, $0x40  }
.Ltmp4:
0x106: {  	s28 =	sor.u32 s14, s28;
	s6 =	sadd.s32 @!p1 $0x1800, s13;
	[tilespmem:s26+$0x1A720] =	vst v2;
	(pc) =	sbr.rel @p0 .LBB2_6-.Ltmp4, $4  }
0x107: {  	[tilespmem:s8], [sflag:$0x4] =	stream.linear.gather @!p1 [spmem:s6], $0x800, $0x38;
	[tilespmem:$0x1EEB0] =	vst v63  }
0x108: {  	s6 =	sshrl.u32 s28, $0x3  }
0x109: {  	s6 =	sadd.s32 s2, s6  }
0x10a: {  	[hbm4b:s6+s5] =	stream.linear.scatter [tilespmem:s25], [sflag:$0x6], $0x800, $0x38;
	[tilespmem:$0x1EEB0] =	vst v63  }
0x10b: {  	s6 =	simm.s32 $0x5  }
0x10c: {  	_ =	swait.ge [sflag:s6], $0x800  }
0x10d: {  	[sflag:s6] =	ssyncset.done $0x0  }
0x10e: {  	s28 =	simm.s32 $0x6;
	[sflag:s6] =	ssyncadd.s32 $0xFFFFF800  }
0x10f: {  	_ =	swait.ge [sflag:s28], $0x800  }
0x110: {  	s29 =	simm.s32 $0x0;
	[sflag:s28] =	ssyncset.done $0x0  }
0x111: {  	s13 =	simm.s32 $0x1;
	s8 =	rddreg [dreg:$0x8];
	[sflag:s28] =	ssyncadd.s32 $0xFFFFF800  }
0x112: {  	[tilespmem:s29], [sflag:$0x1] =	stream.linear.gather [hbm4b:s8+s29], $0x186A0, $0x38;
	[tilespmem:$0x1EEB0] =	vst v63  }
0x113: {  	_ =	swait.ge [sflag:s13], $0x186A0  }
0x114: {  	[sflag:s13] =	ssyncset.done $0x0  }
0x115: {  	[sflag:s13] =	ssyncadd.s32 $0xFFFE7960  }
0x116: {  	s26 =	simm.s32 $0x18EB0;
	[tilespmem:$0x186A0] =	vst v1  }
0x117: {  	[tilespmem:s26], [sflag:$0x3] =	stream.linear.gather [spmem:s3], $0x800, $0x38;
	[tilespmem:$0x1EEB0] =	vst v63  }
0x118: {  	s8 =	simm.s32 $0x196B0;
	s28 =	rddreg [dreg:$0x7]  }
0x119: {  	[tilespmem:s8], [sflag:$0x4] =	stream.linear.gather [spmem:s28], $0x800, $0x38;
	[tilespmem:$0x1EEB0] =	vst v63  }
.LBB2_12:
0x11a: {  	_ =	swait.ge [sflag:s15], $0x800  }
0x11b: {  	p0 =	seq.s32 s29, $0x0;
	[sflag:s15] =	ssyncset.done $0x0  }
0x11c: {  	s6 =	simm.s32 @!p0 $0x5;
	[sflag:s15] =	ssyncadd.s32 $0xFFFFF800  }
0x11d: {  	_ =	swait.ge @!p0 [sflag:s6], $0x800  }
0x11e: {  	[sflag:s6] =	ssyncset.done @!p0 $0x0  }
0x11f: {  	s28 =	simm.s32 $0x0;
	[sflag:s6] =	ssyncadd.s32 @!p0 $0xFFFFF800  }
0x120: {  	v2 =	vld [tilespmem:s28+$0x18EB0];
	_ =	sdelay $0x5  }
0x121: {  	v3 =	vld [tilespmem:s28+$0x18EC0];
	_ =	sdelay $0x1  }
0x122: {  	v2 =	vld.idx.msk [tilespmem:v2+s5+$0x0], $0xffff;
	_ =	sdelay $0x4  }
0x123: {  	[tilespmem:s28+$0x19EB0] =	vst v2;
	v2 =	vld [tilespmem:s28+$0x18ED0]  }
0x124: {  	v3 =	vld.idx.msk [tilespmem:v3+s5+$0x0], $0xffff;
	_ =	sdelay $0x4  }
0x125: {  	[tilespmem:s28+$0x19EC0] =	vst v3;
	v3 =	vld [tilespmem:s28+$0x18EE0];
	_ =	sdelay $0x1  }
0x126: {  	v2 =	vld.idx.msk [tilespmem:v2+s5+$0x0], $0xffff;
	_ =	sdelay $0x4  }
0x127: {  	[tilespmem:s28+$0x19ED0] =	vst v2;
	v2 =	vld [tilespmem:s28+$0x18EF0]  }
0x128: {  	v3 =	vld.idx.msk [tilespmem:v3+s5+$0x0], $0xffff;
	_ =	sdelay $0x4  }
0x129: {  	[tilespmem:s28+$0x19EE0] =	vst v3;
	v3 =	vld [tilespmem:s28+$0x18F00];
	_ =	sdelay $0x1  }
0x12a: {  	v2 =	vld.idx.msk [tilespmem:v2+s5+$0x0], $0xffff;
	_ =	sdelay $0x4  }
0x12b: {  	v4 =	vld [tilespmem:s28+$0x18F10];
	[tilespmem:s28+$0x19EF0] =	vst v2  }
0x12c: {  	v2 =	vld.idx.msk [tilespmem:v3+s5+$0x0], $0xffff;
	_ =	sdelay $0x4  }
0x12d: {  	[tilespmem:s28+$0x19F00] =	vst v2;
	v2 =	vld [tilespmem:s28+$0x18F20];
	_ =	sdelay $0x1  }
0x12e: {  	v3 =	vld.idx.msk [tilespmem:v4+s5+$0x0], $0xffff;
	_ =	sdelay $0x3  }
0x12f: {  	s13 =	sshll.u32 s29, $0xE;
	s8 =	simm.s32 $0x80;
	s6 =	simm.s32 $0x400  }
.LBB2_13:
0x130: {  	p1 =	sne.s32 s6, $0x1E00;
	v4 =	vld [tilespmem:s8+$0x18EB0];
	[tilespmem:s28+$0x19F10] =	vst v3  }
0x131: {  	v2 =	vld.idx.msk [tilespmem:v2+s5+$0x0], $0xffff;
	_ =	sdelay $0x5  }
0x132: {  	v3 =	vld [tilespmem:s8+$0x18EC0];
	[tilespmem:s28+$0x19F20] =	vst v2;
	s28 =	smov.u32 s8  }
0x133: {  	v2 =	vld.idx.msk [tilespmem:v4+s5+$0x0], $0xffff;
	_ =	sdelay $0x5  }
0x134: {  	[tilespmem:s28+$0x19EB0] =	vst v2;
	v2 =	vld [tilespmem:s28+$0x18ED0]  }
0x135: {  	v3 =	vld.idx.msk [tilespmem:v3+s5+$0x0], $0xffff;
	_ =	sdelay $0x5  }
0x136: {  	[tilespmem:s28+$0x19EC0] =	vst v3;
	v3 =	vld [tilespmem:s28+$0x18EE0]  }
0x137: {  	v2 =	vld.idx.msk [tilespmem:v2+s5+$0x0], $0xffff;
	_ =	sdelay $0x5  }
0x138: {  	[tilespmem:s28+$0x19ED0] =	vst v2;
	v2 =	vld [tilespmem:s28+$0x18EF0]  }
0x139: {  	v3 =	vld.idx.msk [tilespmem:v3+s5+$0x0], $0xffff;
	_ =	sdelay $0x5  }
0x13a: {  	[tilespmem:s28+$0x19EE0] =	vst v3;
	v3 =	vld [tilespmem:s28+$0x18F00]  }
0x13b: {  	v2 =	vld.idx.msk [tilespmem:v2+s5+$0x0], $0xffff;
	_ =	sdelay $0x5  }
0x13c: {  	[tilespmem:s28+$0x19EF0] =	vst v2;
	v4 =	vld [tilespmem:s28+$0x18F10]  }
0x13d: {  	v2 =	vld.idx.msk [tilespmem:v3+s5+$0x0], $0xffff;
	_ =	sdelay $0x5  }
0x13e: {  	[tilespmem:s28+$0x19F00] =	vst v2;
	v2 =	vld [tilespmem:s28+$0x18F20]  }
0x13f: {  	v3 =	vld.idx.msk [tilespmem:v4+s5+$0x0], $0xffff  }
.Ltmp5:
0x140: {  	(pc) =	sbr.rel @p1 .LBB2_13-.Ltmp5, $2  }
0x141: {  	_ =	sdelay $0x2  }
0x142: {  	s8 =	sshra.s32 s6, $0x2;
	s6 =	sadd.s32 $0x200, s6  }
0x143: {  	_ =	sdelay $0x1  }
0x144: {  	v4 =	vld [tilespmem:s8+$0x18EB0]  }
0x145: {  	[tilespmem:s28+$0x19F10] =	vst v3  }
0x146: {  	v2 =	vld.idx.msk [tilespmem:v2+s5+$0x0], $0xffff;
	_ =	sdelay $0x3  }
0x147: {  	v3 =	vld [tilespmem:s8+$0x18EC0]  }
0x148: {  	[tilespmem:s28+$0x19F20] =	vst v2  }
0x149: {  	v2 =	vld.idx.msk [tilespmem:v4+s5+$0x0], $0xffff;
	_ =	sdelay $0x4  }
0x14a: {  	[tilespmem:s8+$0x19EB0] =	vst v2;
	v2 =	vld [tilespmem:s8+$0x18ED0]  }
0x14b: {  	v3 =	vld.idx.msk [tilespmem:v3+s5+$0x0], $0xffff;
	_ =	sdelay $0x4  }
0x14c: {  	[tilespmem:s8+$0x19EC0] =	vst v3;
	v3 =	vld [tilespmem:s8+$0x18EE0];
	_ =	sdelay $0x1  }
0x14d: {  	v2 =	vld.idx.msk [tilespmem:v2+s5+$0x0], $0xffff;
	_ =	sdelay $0x4  }
0x14e: {  	[tilespmem:s8+$0x19ED0] =	vst v2;
	v2 =	vld [tilespmem:s8+$0x18EF0]  }
0x14f: {  	v3 =	vld.idx.msk [tilespmem:v3+s5+$0x0], $0xffff;
	_ =	sdelay $0x4  }
0x150: {  	[tilespmem:s8+$0x19EE0] =	vst v3;
	v3 =	vld [tilespmem:s8+$0x18F00];
	_ =	sdelay $0x1  }
0x151: {  	v2 =	vld.idx.msk [tilespmem:v2+s5+$0x0], $0xffff;
	_ =	sdelay $0x4  }
0x152: {  	[tilespmem:s8+$0x19EF0] =	vst v2;
	v2 =	vld [tilespmem:s8+$0x18F10]  }
0x153: {  	v3 =	vld.idx.msk [tilespmem:v3+s5+$0x0], $0xffff;
	_ =	sdelay $0x4  }
0x154: {  	[tilespmem:s8+$0x19F00] =	vst v3;
	v3 =	vld [tilespmem:s8+$0x18F20];
	_ =	sdelay $0x1  }
0x155: {  	v2 =	vld.idx.msk [tilespmem:v2+s5+$0x0], $0xffff;
	_ =	sdelay $0x4  }
0x156: {  	[tilespmem:s8+$0x19F10] =	vst v2  }
0x157: {  	v2 =	vld.idx.msk [tilespmem:v3+s5+$0x0], $0xffff;
	_ =	sdelay $0x1  }
0x158: {  	p1 =	seq.s32 s29, $0x3F  }
0x159: {  	s6 =	sshrl.u32 @!p1 s13, $0x2  }
0x15a: {  	s13 =	sadd.s32 @!p1 s6, s3;
	s28 =	sshll.u32 s29, $0xC  }
0x15b: {  	s6 =	sadd.s32 @!p1 $0x1000, s13;
	s26 =	sor.u32 s16, s28;
	[tilespmem:s8+$0x19F20] =	vst v2;
	s8 =	simm.s32 @!p1 $0x18EB0  }
0x15c: {  	[tilespmem:s8], [sflag:$0x3] =	stream.linear.gather @!p1 [spmem:s6], $0x800, $0x38;
	[tilespmem:$0x1EEB0] =	vst v63  }
0x15d: {  	s6 =	sshrl.u32 s26, $0x3  }
0x15e: {  	s6 =	sadd.s32 s2, s6  }
0x15f: {  	[hbm4b:s6+s5] =	stream.linear.scatter [tilespmem:s4], [sflag:$0x5], $0x800, $0x38;
	[tilespmem:$0x1EEB0] =	vst v63  }
0x160: {  	_ =	swait.ge [sflag:s18], $0x800  }
0x161: {  	[sflag:s18] =	ssyncset.done $0x0  }
0x162: {  	s6 =	simm.s32 @!p0 $0x6;
	[sflag:s18] =	ssyncadd.s32 $0xFFFFF800  }
0x163: {  	_ =	swait.ge @!p0 [sflag:s6], $0x800  }
0x164: {  	[sflag:s6] =	ssyncset.done @!p0 $0x0  }
0x165: {  	[sflag:s6] =	ssyncadd.s32 @!p0 $0xFFFFF800;
	s6 =	simm.s32 $0x0  }
0x166: {  	v2 =	vld [tilespmem:s6+$0x196B0];
	_ =	sdelay $0x5  }
0x167: {  	v3 =	vld [tilespmem:s6+$0x196C0];
	_ =	sdelay $0x1  }
0x168: {  	v2 =	vld.idx.msk [tilespmem:v2+s5+$0x0], $0xffff;
	_ =	sdelay $0x4  }
0x169: {  	[tilespmem:s6+$0x1A6B0] =	vst v2;
	v2 =	vld [tilespmem:s6+$0x196D0]  }
0x16a: {  	v3 =	vld.idx.msk [tilespmem:v3+s5+$0x0], $0xffff;
	_ =	sdelay $0x4  }
0x16b: {  	[tilespmem:s6+$0x1A6C0] =	vst v3;
	v3 =	vld [tilespmem:s6+$0x196E0];
	_ =	sdelay $0x1  }
0x16c: {  	v2 =	vld.idx.msk [tilespmem:v2+s5+$0x0], $0xffff;
	_ =	sdelay $0x4  }
0x16d: {  	[tilespmem:s6+$0x1A6D0] =	vst v2;
	v2 =	vld [tilespmem:s6+$0x196F0]  }
0x16e: {  	v3 =	vld.idx.msk [tilespmem:v3+s5+$0x0], $0xffff;
	_ =	sdelay $0x4  }
0x16f: {  	[tilespmem:s6+$0x1A6E0] =	vst v3;
	v3 =	vld [tilespmem:s6+$0x19700];
	_ =	sdelay $0x1  }
0x170: {  	v2 =	vld.idx.msk [tilespmem:v2+s5+$0x0], $0xffff;
	_ =	sdelay $0x4  }
0x171: {  	v4 =	vld [tilespmem:s6+$0x19710];
	[tilespmem:s6+$0x1A6F0] =	vst v2  }
0x172: {  	v2 =	vld.idx.msk [tilespmem:v3+s5+$0x0], $0xffff;
	_ =	sdelay $0x4  }
0x173: {  	[tilespmem:s6+$0x1A700] =	vst v2;
	v2 =	vld [tilespmem:s6+$0x19720];
	_ =	sdelay $0x1  }
0x174: {  	v3 =	vld.idx.msk [tilespmem:v4+s5+$0x0], $0xffff;
	_ =	sdelay $0x3  }
0x175: {  	s26 =	simm.s32 $0x80;
	s8 =	simm.s32 $0x400  }
.LBB2_15:
0x176: {  	p0 =	sne.s32 s8, $0x1E00;
	v4 =	vld [tilespmem:s26+$0x196B0];
	[tilespmem:s6+$0x1A710] =	vst v3  }
0x177: {  	v2 =	vld.idx.msk [tilespmem:v2+s5+$0x0], $0xffff;
	_ =	sdelay $0x5  }
0x178: {  	v3 =	vld [tilespmem:s26+$0x196C0];
	[tilespmem:s6+$0x1A720] =	vst v2;
	s6 =	smov.u32 s26  }
0x179: {  	v2 =	vld.idx.msk [tilespmem:v4+s5+$0x0], $0xffff;
	_ =	sdelay $0x5  }
0x17a: {  	[tilespmem:s6+$0x1A6B0] =	vst v2;
	v2 =	vld [tilespmem:s6+$0x196D0]  }
0x17b: {  	v3 =	vld.idx.msk [tilespmem:v3+s5+$0x0], $0xffff;
	_ =	sdelay $0x5  }
0x17c: {  	[tilespmem:s6+$0x1A6C0] =	vst v3;
	v3 =	vld [tilespmem:s6+$0x196E0]  }
0x17d: {  	v2 =	vld.idx.msk [tilespmem:v2+s5+$0x0], $0xffff;
	_ =	sdelay $0x5  }
0x17e: {  	[tilespmem:s6+$0x1A6D0] =	vst v2;
	v2 =	vld [tilespmem:s6+$0x196F0]  }
0x17f: {  	v3 =	vld.idx.msk [tilespmem:v3+s5+$0x0], $0xffff;
	_ =	sdelay $0x5  }
0x180: {  	[tilespmem:s6+$0x1A6E0] =	vst v3;
	v3 =	vld [tilespmem:s6+$0x19700]  }
0x181: {  	v2 =	vld.idx.msk [tilespmem:v2+s5+$0x0], $0xffff;
	_ =	sdelay $0x5  }
0x182: {  	[tilespmem:s6+$0x1A6F0] =	vst v2;
	v4 =	vld [tilespmem:s6+$0x19710]  }
0x183: {  	v2 =	vld.idx.msk [tilespmem:v3+s5+$0x0], $0xffff;
	_ =	sdelay $0x5  }
0x184: {  	[tilespmem:s6+$0x1A700] =	vst v2;
	v2 =	vld [tilespmem:s6+$0x19720]  }
0x185: {  	v3 =	vld.idx.msk [tilespmem:v4+s5+$0x0], $0xffff  }
.Ltmp6:
0x186: {  	(pc) =	sbr.rel @p0 .LBB2_15-.Ltmp6, $2  }
0x187: {  	_ =	sdelay $0x2  }
0x188: {  	s26 =	sshra.s32 s8, $0x2;
	s8 =	sadd.s32 $0x200, s8  }
0x189: {  	_ =	sdelay $0x1  }
0x18a: {  	v4 =	vld [tilespmem:s26+$0x196B0]  }
0x18b: {  	[tilespmem:s6+$0x1A710] =	vst v3  }
0x18c: {  	v2 =	vld.idx.msk [tilespmem:v2+s5+$0x0], $0xffff;
	_ =	sdelay $0x3  }
0x18d: {  	v3 =	vld [tilespmem:s26+$0x196C0]  }
0x18e: {  	[tilespmem:s6+$0x1A720] =	vst v2  }
0x18f: {  	v2 =	vld.idx.msk [tilespmem:v4+s5+$0x0], $0xffff;
	_ =	sdelay $0x4  }
0x190: {  	[tilespmem:s26+$0x1A6B0] =	vst v2;
	v2 =	vld [tilespmem:s26+$0x196D0]  }
0x191: {  	v3 =	vld.idx.msk [tilespmem:v3+s5+$0x0], $0xffff;
	_ =	sdelay $0x4  }
0x192: {  	[tilespmem:s26+$0x1A6C0] =	vst v3;
	v3 =	vld [tilespmem:s26+$0x196E0];
	_ =	sdelay $0x1  }
0x193: {  	v2 =	vld.idx.msk [tilespmem:v2+s5+$0x0], $0xffff;
	_ =	sdelay $0x4  }
0x194: {  	[tilespmem:s26+$0x1A6D0] =	vst v2;
	v2 =	vld [tilespmem:s26+$0x196F0]  }
0x195: {  	v3 =	vld.idx.msk [tilespmem:v3+s5+$0x0], $0xffff;
	_ =	sdelay $0x4  }
0x196: {  	[tilespmem:s26+$0x1A6E0] =	vst v3;
	v3 =	vld [tilespmem:s26+$0x19700];
	_ =	sdelay $0x1  }
0x197: {  	v2 =	vld.idx.msk [tilespmem:v2+s5+$0x0], $0xffff;
	_ =	sdelay $0x4  }
0x198: {  	[tilespmem:s26+$0x1A6F0] =	vst v2;
	v2 =	vld [tilespmem:s26+$0x19710]  }
0x199: {  	v3 =	vld.idx.msk [tilespmem:v3+s5+$0x0], $0xffff;
	_ =	sdelay $0x4  }
0x19a: {  	[tilespmem:s26+$0x1A700] =	vst v3;
	v3 =	vld [tilespmem:s26+$0x19720];
	_ =	sdelay $0x1  }
0x19b: {  	v2 =	vld.idx.msk [tilespmem:v2+s5+$0x0], $0xffff;
	_ =	sdelay $0x4  }
0x19c: {  	[tilespmem:s26+$0x1A710] =	vst v2  }
0x19d: {  	v2 =	vld.idx.msk [tilespmem:v3+s5+$0x0], $0xffff;
	_ =	sdelay $0x2  }
0x19e: {  	s29 =	sadd.s32 $0x1, s29  }
0x19f: {  	s8 =	simm.s32 @!p1 $0x196B0;
	p0 =	sne.s32 s29, $0x40  }
.Ltmp7:
0x1a0: {  	s28 =	sor.u32 s17, s28;
	s6 =	sadd.s32 @!p1 $0x1800, s13;
	[tilespmem:s26+$0x1A720] =	vst v2;
	(pc) =	sbr.rel @p0 .LBB2_12-.Ltmp7, $4  }
0x1a1: {  	[tilespmem:s8], [sflag:$0x4] =	stream.linear.gather @!p1 [spmem:s6], $0x800, $0x38;
	[tilespmem:$0x1EEB0] =	vst v63  }
0x1a2: {  	s6 =	sshrl.u32 s28, $0x3  }
0x1a3: {  	s6 =	sadd.s32 s2, s6  }
0x1a4: {  	[hbm4b:s6+s5] =	stream.linear.scatter [tilespmem:s25], [sflag:$0x6], $0x800, $0x38;
	[tilespmem:$0x1EEB0] =	vst v63  }
0x1a5: {  	s6 =	simm.s32 $0x5  }
0x1a6: {  	_ =	swait.ge [sflag:s6], $0x800  }
0x1a7: {  	[sflag:s6] =	ssyncset.done $0x0  }
0x1a8: {  	s26 =	simm.s32 $0x6;
	[sflag:s6] =	ssyncadd.s32 $0xFFFFF800  }
0x1a9: {  	_ =	swait.ge [sflag:s26], $0x800  }
0x1aa: {  	[sflag:s26] =	ssyncset.done $0x0  }
0x1ab: {  	[sflag:s26] =	ssyncadd.s32 $0xFFFFF800  }
0x1ac: {  	s8 =	simm.s32 $0x80;
	s13 =	simm.s32 $0x1000;
	[bflag:$0x0] =	sbarrier.arrive $0xFFFF  }
0x1ad: {  	s29 =	smov.u32 s7;
	s26 =	simm.s32 $0x186B0;
	s28 =	rddreg [dreg:$0x9]  }
0x1ae: {  	[tilespmem:s26], [sflag:$0x2] =	stream.strided.gather [hbm4b:s28+s8], $0x400, s13, s8, $0x38;
	[tilespmem:$0x1EEB0] =	vst v63  }
.LBB2_18:
0x1af: {  	_ =	swait.ge [sflag:s30], $0x400  }
0x1b0: {  	p0 =	sle.u32 s29, s7;
	[sflag:s30] =	ssyncset.done $0x0  }
0x1b1: {  	s6 =	simm.s32 @!p0 $0x5;
	[sflag:s30] =	ssyncadd.s32 $0xFFFFFC00  }
0x1b2: {  	_ =	swait.ge @!p0 [sflag:s6], $0x400  }
0x1b3: {  	[sflag:s6] =	ssyncset.done @!p0 $0x0  }
0x1b4: {  	s28 =	simm.s32 $0x0;
	[sflag:s6] =	ssyncadd.s32 @!p0 $0xFFFFFC00  }
0x1b5: {  	v2 =	vld [tilespmem:s28+$0x18720]  }
0x1b6: {  	v3 =	vld [tilespmem:s28+$0x186B0]  }
0x1b7: {  	v4 =	vld [tilespmem:s28+$0x186C0]  }
0x1b8: {  	v6 =	vld [tilespmem:s28+$0x186E0]  }
0x1b9: {  	v7 =	vld [tilespmem:s28+$0x186F0]  }
0x1ba: {  	v8 =	vld [tilespmem:s28+$0x18700]  }
0x1bb: {  	v10 =	vld [tilespmem:s28+$0x18710];
	_ =	sdelay $0x1  }
0x1bc: {  	vm1 =	vlt.s32 v2, $0x1869F  }
0x1bd: {  	vm2 =	vlt.s32 v3, $0x1869F;
	vm0 =	vgt.s32 v2, $0xFFFFFFFF;
	vm3 =	vgt.s32 v4, $0xFFFFFFFF  }
0x1be: {  	v5 =	vld [tilespmem:s28+$0x186D0];
	vm4 =	vlt.s32 v6, $0x1869F;
	vm5 =	vlt.s32 v7, $0x1869F;
	vm6 =	vlt.s32 v8, $0x1869F  }
0x1bf: {  	vm7 =	vlt.s32 v10, $0x1869F;
	v2 =	vnsel vm1, $0x1869F, v2;
	v9 =	vnsel vm2, $0x1869F, v3  }
0x1c0: {  	vm1 =	vlt.s32 v4, $0x1869F;
	vm2 =	vgt.s32 v3, $0xFFFFFFFF;
	v12 =	vnsel vm4, $0x1869F, v6  }
0x1c1: {  	vm4 =	vgt.s32 v6, $0xFFFFFFFF;
	v13 =	vnsel vm5, $0x1869F, v7;
	vm5 =	vgt.s32 v7, $0xFFFFFFFF  }
0x1c2: {  	v14 =	vnsel vm6, $0x1869F, v8;
	vm6 =	vgt.s32 v8, $0xFFFFFFFF;
	v11 =	vnsel vm0, $0x186A0, v2  }
0x1c3: {  	v3 =	vnsel vm1, $0x1869F, v4;
	vm1 =	vlt.s32 v5, $0x1869F;
	v2 =	vnsel vm7, $0x1869F, v10  }
0x1c4: {  	vm7 =	vgt.s32 v10, $0xFFFFFFFF;
	v6 =	vnsel vm2, $0x186A0, v9;
	v4 =	vnsel vm1, $0x1869F, v5  }
0x1c5: {  	vm1 =	vgt.s32 v5, $0xFFFFFFFF;
	v7 =	vnsel vm3, $0x186A0, v3;
	[tilespmem:s28+$0x18AB0] =	vst v6;
	v6 =	vnsel vm4, $0x186A0, v12  }
0x1c6: {  	s13 =	simm.s32 $0x80;
	s6 =	simm.s32 $0x400;
	[tilespmem:s28+$0x18B20] =	vst v11;
	v3 =	vnsel vm6, $0x186A0, v14;
	v5 =	vnsel vm1, $0x186A0, v4;
	v4 =	vnsel vm5, $0x186A0, v13  }
.LBB2_19:
0x1c7: {  	p0 =	sne.s32 s6, $0xE00;
	v8 =	vld [tilespmem:s13+$0x18720];
	v9 =	vsel vm2, $0x3F800000, v0;
	[tilespmem:s28+$0x18AC0] =	vst v7;
	v7 =	vsel vm3, $0x3F800000, v0;
	v2 =	vnsel vm7, $0x186A0, v2  }
0x1c8: {  	v11 =	vsel vm4, $0x3F800000, v0;
	v12 =	vsel vm5, $0x3F800000, v0;
	v10 =	vld [tilespmem:s13+$0x186B0];
	[tilespmem:s28+$0x18AD0] =	vst v5;
	v5 =	vsel vm1, $0x3F800000, v0  }
0x1c9: {  	v14 =	vsel vm7, $0x3F800000, v0;
	v15 =	vsel vm0, $0x3F800000, v0;
	v13 =	vld [tilespmem:s13+$0x186C0];
	[tilespmem:s28+$0x18AE0] =	vst v6;
	v6 =	vsel vm6, $0x3F800000, v0  }
0x1ca: {  	v16 =	vld [tilespmem:s13+$0x186D0];
	[tilespmem:s28+$0x18AF0] =	vst v4  }
0x1cb: {  	v4 =	vld [tilespmem:s13+$0x186E0];
	[tilespmem:s28+$0x18B00] =	vst v3  }
0x1cc: {  	v3 =	vld [tilespmem:s13+$0x186F0];
	vm1 =	vlt.s32 v8, $0x1869F;
	[tilespmem:s28+$0x18B10] =	vst v2  }
0x1cd: {  	vm0 =	vgt.s32 v8, $0xFFFFFFFF;
	vm2 =	vlt.s32 v10, $0x1869F;
	v2 =	vld [tilespmem:s13+$0x18700];
	v8 =	vnsel vm1, $0x1869F, v8;
	[tilespmem:s28+$0x19EB0] =	vst v9  }
0x1ce: {  	v9 =	vnsel vm2, $0x1869F, v10;
	vm1 =	vlt.s32 v13, $0x1869F;
	v17 =	vld [tilespmem:s13+$0x18710];
	v8 =	vnsel vm0, $0x186A0, v8;
	[tilespmem:s28+$0x19EC0] =	vst v7  }
0x1cf: {  	vm2 =	vgt.s32 v10, $0xFFFFFFFF;
	v7 =	vnsel vm1, $0x1869F, v13;
	vm1 =	vlt.s32 v16, $0x1869F;
	[tilespmem:s13+$0x18B20] =	vst v8  }
0x1d0: {  	vm3 =	vgt.s32 v13, $0xFFFFFFFF;
	v8 =	vnsel vm1, $0x1869F, v16;
	vm4 =	vlt.s32 v4, $0x1869F;
	[tilespmem:s28+$0x19ED0] =	vst v5  }
0x1d1: {  	vm1 =	vgt.s32 v16, $0xFFFFFFFF;
	v10 =	vnsel vm4, $0x1869F, v4;
	vm5 =	vlt.s32 v3, $0x1869F;
	[tilespmem:s28+$0x19EE0] =	vst v11  }
.Ltmp8:
0x1d2: {  	vm4 =	vgt.s32 v4, $0xFFFFFFFF;
	v4 =	vnsel vm5, $0x1869F, v3;
	vm6 =	vlt.s32 v2, $0x1869F;
	[tilespmem:s28+$0x19EF0] =	vst v12;
	(pc) =	sbr.rel @p0 .LBB2_19-.Ltmp8, $4  }
0x1d3: {  	vm5 =	vgt.s32 v3, $0xFFFFFFFF;
	v3 =	vnsel vm6, $0x1869F, v2;
	vm8 =	vlt.s32 v17, $0x1869F;
	[tilespmem:s28+$0x19F00] =	vst v6  }
0x1d4: {  	vm6 =	vgt.s32 v2, $0xFFFFFFFF;
	vm7 =	vgt.s32 v17, $0xFFFFFFFF;
	v2 =	vnsel vm8, $0x1869F, v17;
	[tilespmem:s28+$0x19F10] =	vst v14  }
0x1d5: {  	v7 =	vnsel vm3, $0x186A0, v7;
	v5 =	vnsel vm1, $0x186A0, v8;
	v6 =	vnsel vm2, $0x186A0, v9;
	[tilespmem:s28+$0x19F20] =	vst v15;
	s28 =	smov.u32 s13  }
0x1d6: {  	v4 =	vnsel vm5, $0x186A0, v4;
	v3 =	vnsel vm6, $0x186A0, v3;
	s13 =	sshra.s32 s6, $0x2;
	s6 =	sadd.s32 $0x200, s6;
	[tilespmem:s28+$0x18AB0] =	vst v6;
	v6 =	vnsel vm4, $0x186A0, v10  }
0x1d7: {  	v8 =	vld [tilespmem:s13+$0x18720];
	[tilespmem:s28+$0x18AC0] =	vst v7  }
0x1d8: {  	v7 =	vld [tilespmem:s13+$0x186B0];
	[tilespmem:s28+$0x18AD0] =	vst v5  }
0x1d9: {  	v5 =	vld [tilespmem:s13+$0x186C0];
	[tilespmem:s28+$0x18AE0] =	vst v6  }
0x1da: {  	v6 =	vld [tilespmem:s13+$0x186D0];
	[tilespmem:s28+$0x18AF0] =	vst v4  }
0x1db: {  	v2 =	vnsel vm7, $0x186A0, v2;
	v4 =	vld [tilespmem:s13+$0x186E0];
	[tilespmem:s28+$0x18B00] =	vst v3  }
0x1dc: {  	v3 =	vld [tilespmem:s13+$0x186F0];
	[tilespmem:s28+$0x18B10] =	vst v2;
	v2 =	vsel vm2, $0x3F800000, v0;
	vm8 =	vlt.s32 v8, $0x1869F  }
0x1dd: {  	vm2 =	vgt.s32 v8, $0xFFFFFFFF;
	v9 =	vld [tilespmem:s13+$0x18700];
	[tilespmem:s28+$0x19EB0] =	vst v2;
	v2 =	vsel vm3, $0x3F800000, v0;
	v8 =	vnsel vm8, $0x1869F, v8  }
0x1de: {  	v10 =	vld [tilespmem:s13+$0x18710];
	v8 =	vnsel vm2, $0x186A0, v8;
	[tilespmem:s28+$0x19EC0] =	vst v2  }
0x1df: {  	v2 =	vsel vm1, $0x3F800000, v0;
	[tilespmem:s13+$0x18B20] =	vst v8  }
0x1e0: {  	v55 =	vsel vm4, $0x3F800000, v0;
	v11 =	vsel vm5, $0x3F800000, v0;
	[tilespmem:s28+$0x19ED0] =	vst v2  }
0x1e1: {  	v12 =	vsel vm7, $0x3F800000, v0;
	v56 =	vsel vm0, $0x3F800000, v0;
	vm7 =	vlt.s32 v5, $0x1869F;
	[tilespmem:s28+$0x19EE0] =	vst v55  }
0x1e2: {  	vm0 =	vgt.s32 v7, $0xFFFFFFFF;
	vm3 =	vgt.s32 v5, $0xFFFFFFFF;
	v57 =	vnsel vm7, $0x1869F, v5;
	[tilespmem:s28+$0x19EF0] =	vst v11  }
0x1e3: {  	vm8 =	vlt.s32 v6, $0x1869F;
	vm4 =	vgt.s32 v6, $0xFFFFFFFF;
	v2 =	vsel vm6, $0x3F800000, v0;
	[tilespmem:s28+$0x19F10] =	vst v12  }
0x1e4: {  	vm6 =	vlt.s32 v7, $0x1869F;
	vm9 =	vlt.s32 v4, $0x1869F;
	[tilespmem:s28+$0x19F20] =	vst v56;
	vm5 =	vgt.s32 v4, $0xFFFFFFFF  }
0x1e5: {  	v60 =	vnsel vm3, $0x186A0, v57;
	v13 =	vnsel vm6, $0x1869F, v7;
	[tilespmem:s28+$0x19F00] =	vst v2;
	v2 =	vnsel vm8, $0x1869F, v6  }
0x1e6: {  	v58 =	vnsel vm9, $0x1869F, v4;
	vm10 =	vlt.s32 v3, $0x1869F;
	v59 =	vnsel vm0, $0x186A0, v13;
	[tilespmem:s13+$0x18AC0] =	vst v60  }
0x1e7: {  	vm12 =	vgt.s32 v3, $0xFFFFFFFF;
	v61 =	vnsel vm10, $0x1869F, v3;
	v2 =	vnsel vm4, $0x186A0, v2;
	[tilespmem:s13+$0x18AB0] =	vst v59  }
0x1e8: {  	vm11 =	vlt.s32 v9, $0x1869F;
	v62 =	vnsel vm5, $0x186A0, v58;
	vm14 =	vgt.s32 v9, $0xFFFFFFFF;
	[tilespmem:s13+$0x18AD0] =	vst v2  }
0x1e9: {  	v3 =	vnsel vm11, $0x1869F, v9;
	vm13 =	vlt.s32 v10, $0x1869F;
	v2 =	vnsel vm12, $0x186A0, v61;
	[tilespmem:s13+$0x18AE0] =	vst v62  }
0x1ea: {  	vm15 =	vgt.s32 v10, $0xFFFFFFFF;
	v63 =	vnsel vm13, $0x1869F, v10;
	v3 =	vnsel vm14, $0x186A0, v3;
	[tilespmem:s13+$0x18AF0] =	vst v2  }
0x1eb: {  	v2 =	vnsel vm15, $0x186A0, v63;
	[tilespmem:s13+$0x18B00] =	vst v3  }
0x1ec: {  	v3 =	vsel vm0, $0x3F800000, v0;
	[tilespmem:s13+$0x18B10] =	vst v2  }
0x1ed: {  	v2 =	vsel vm3, $0x3F800000, v0;
	[tilespmem:s13+$0x19EB0] =	vst v3  }
0x1ee: {  	v3 =	vsel vm4, $0x3F800000, v0;
	[tilespmem:s13+$0x19EC0] =	vst v2  }
0x1ef: {  	v2 =	vsel vm5, $0x3F800000, v0;
	[tilespmem:s13+$0x19ED0] =	vst v3  }
0x1f0: {  	v3 =	vsel vm12, $0x3F800000, v0;
	[tilespmem:s13+$0x19EE0] =	vst v2  }
0x1f1: {  	v2 =	vsel vm14, $0x3F800000, v0;
	[tilespmem:s13+$0x19EF0] =	vst v3  }
0x1f2: {  	v3 =	vsel vm15, $0x3F800000, v0;
	[tilespmem:s13+$0x19F00] =	vst v2  }
0x1f3: {  	s6 =	sshll.u32 s29, $0xA;
	v2 =	vsel vm2, $0x3F800000, v0;
	[tilespmem:s13+$0x19F10] =	vst v3  }
0x1f4: {  	s8 =	sadd.s32 s6, s3;
	[tilespmem:s13+$0x19F20] =	vst v2  }
0x1f5: {  	[spmem:s8] =	stream.linear.scatter [tilespmem:s31], [sflag:$0x7], $0x400, $0x38;
	[tilespmem:$0x1EEB0] =	vst v63  }
0x1f6: {  	s6 =	sadd.s32 s6, s19;
	_ =	swait.ge [sflag:s0], $0x400  }
0x1f7: {  	s29 =	sadd.s32 $0x1, s29;
	s6 =	sshrl.u32 s6, $0x3;
	[sflag:s0] =	ssyncset.done $0x0  }
0x1f8: {  	p0 =	sge.u32 s29, s9;
	s6 =	sadd.s32 s2, s6;
	[sflag:s0] =	ssyncadd.s32 $0xFFFFFC00  }
0x1f9: {  	[hbm4b:s6+s5] =	stream.linear.scatter [tilespmem:s4], [sflag:$0x5], $0x400, $0x38;
	[tilespmem:$0x1EEB0] =	vst v63  }
0x1fa: {  	s6 =	sshll.u32 @!p0 s29, $0xD  }
0x1fb: {  	s8 =	sshll.u32 @!p0 s29, $0xA;
	s6 =	sand.u32 @!p0 $0x7FFF8000, s6  }
0x1fc: {  	s8 =	sand.u32 @!p0 $0xC00, s8;
	s6 =	sadd.s32 @!p0 s21, s6  }
0x1fd: {  	s6 =	sor.u32 @!p0 s8, s6  }
0x1fe: {  	s26 =	simm.s32 @!p0 $0x186B0;
	s6 =	sshrl.u32 @!p0 s6, $0x3  }
0x1ff: {  	s13 =	simm.s32 @!p0 $0x1000;
	s8 =	simm.s32 @!p0 $0x80;
	s6 =	sadd.s32 @!p0 s1, s6  }
0x200: {  	[tilespmem:s26], [sflag:$0x2] =	stream.strided.gather @!p0 [hbm4b:s6+s8], $0x400, s13, s8, $0x38;
	[tilespmem:$0x1EEB0] =	vst v63  }
0x201: {  	p0 =	sne.s32 s29, s9  }
.Ltmp9:
0x202: {  	_ = 	snop;
	(pc) =	sbr.rel @p0 .LBB2_18-.Ltmp9, $1  }
0x203: {  	_ =	sdelay $0x3  }
0x204: {  	s6 =	simm.s32 $0x5  }
0x205: {  	_ =	swait.ge [sflag:s6], $0x400  }
0x206: {  	[sflag:s6] =	ssyncset.done $0x0  }
0x207: {  	[sflag:s6] =	ssyncadd.s32 $0xFFFFFC00  }
0x208: {  	s26 =	simm.s32 $0x18EB0;
	[bflag:$0x0] =	sbarrier.arrive $0xFFFF  }
0x209: {  	[tilespmem:s26], [sflag:$0x3] =	stream.linear.gather [spmem:s3], $0x800, $0x38;
	[tilespmem:$0x1EEB0] =	vst v63  }
0x20a: {  	s8 =	simm.s32 $0x196B0;
	s29 =	simm.s32 $0x0;
	s28 =	rddreg [dreg:$0x7]  }
0x20b: {  	[tilespmem:s8], [sflag:$0x4] =	stream.linear.gather [spmem:s28], $0x800, $0x38;
	[tilespmem:$0x1EEB0] =	vst v63  }
.LBB2_22:
0x20c: {  	_ =	swait.ge [sflag:s15], $0x800  }
0x20d: {  	p0 =	seq.s32 s29, $0x0;
	[sflag:s15] =	ssyncset.done $0x0  }
0x20e: {  	s6 =	simm.s32 @!p0 $0x5;
	[sflag:s15] =	ssyncadd.s32 $0xFFFFF800  }
0x20f: {  	_ =	swait.ge @!p0 [sflag:s6], $0x800  }
0x210: {  	[sflag:s6] =	ssyncset.done @!p0 $0x0  }
0x211: {  	s28 =	simm.s32 $0x0;
	[sflag:s6] =	ssyncadd.s32 @!p0 $0xFFFFF800  }
0x212: {  	v2 =	vld [tilespmem:s28+$0x18EB0];
	_ =	sdelay $0x5  }
0x213: {  	v3 =	vld [tilespmem:s28+$0x18EC0];
	_ =	sdelay $0x1  }
0x214: {  	v2 =	vld.idx.msk [tilespmem:v2+s5+$0x0], $0xffff;
	_ =	sdelay $0x4  }
0x215: {  	[tilespmem:s28+$0x19EB0] =	vst v2;
	v2 =	vld [tilespmem:s28+$0x18ED0]  }
0x216: {  	v3 =	vld.idx.msk [tilespmem:v3+s5+$0x0], $0xffff;
	_ =	sdelay $0x4  }
0x217: {  	[tilespmem:s28+$0x19EC0] =	vst v3;
	v3 =	vld [tilespmem:s28+$0x18EE0];
	_ =	sdelay $0x1  }
0x218: {  	v2 =	vld.idx.msk [tilespmem:v2+s5+$0x0], $0xffff;
	_ =	sdelay $0x4  }
0x219: {  	[tilespmem:s28+$0x19ED0] =	vst v2;
	v2 =	vld [tilespmem:s28+$0x18EF0]  }
0x21a: {  	v3 =	vld.idx.msk [tilespmem:v3+s5+$0x0], $0xffff;
	_ =	sdelay $0x4  }
0x21b: {  	[tilespmem:s28+$0x19EE0] =	vst v3;
	v3 =	vld [tilespmem:s28+$0x18F00];
	_ =	sdelay $0x1  }
0x21c: {  	v2 =	vld.idx.msk [tilespmem:v2+s5+$0x0], $0xffff;
	_ =	sdelay $0x4  }
0x21d: {  	v4 =	vld [tilespmem:s28+$0x18F10];
	[tilespmem:s28+$0x19EF0] =	vst v2  }
0x21e: {  	v2 =	vld.idx.msk [tilespmem:v3+s5+$0x0], $0xffff;
	_ =	sdelay $0x4  }
0x21f: {  	[tilespmem:s28+$0x19F00] =	vst v2;
	v2 =	vld [tilespmem:s28+$0x18F20];
	_ =	sdelay $0x1  }
0x220: {  	v3 =	vld.idx.msk [tilespmem:v4+s5+$0x0], $0xffff;
	_ =	sdelay $0x3  }
0x221: {  	s13 =	sshll.u32 s29, $0xE;
	s8 =	simm.s32 $0x80;
	s6 =	simm.s32 $0x400  }
.LBB2_23:
0x222: {  	p1 =	sne.s32 s6, $0x1E00;
	v4 =	vld [tilespmem:s8+$0x18EB0];
	[tilespmem:s28+$0x19F10] =	vst v3  }
0x223: {  	v2 =	vld.idx.msk [tilespmem:v2+s5+$0x0], $0xffff;
	_ =	sdelay $0x5  }
0x224: {  	v3 =	vld [tilespmem:s8+$0x18EC0];
	[tilespmem:s28+$0x19F20] =	vst v2;
	s28 =	smov.u32 s8  }
0x225: {  	v2 =	vld.idx.msk [tilespmem:v4+s5+$0x0], $0xffff;
	_ =	sdelay $0x5  }
0x226: {  	[tilespmem:s28+$0x19EB0] =	vst v2;
	v2 =	vld [tilespmem:s28+$0x18ED0]  }
0x227: {  	v3 =	vld.idx.msk [tilespmem:v3+s5+$0x0], $0xffff;
	_ =	sdelay $0x5  }
0x228: {  	[tilespmem:s28+$0x19EC0] =	vst v3;
	v3 =	vld [tilespmem:s28+$0x18EE0]  }
0x229: {  	v2 =	vld.idx.msk [tilespmem:v2+s5+$0x0], $0xffff;
	_ =	sdelay $0x5  }
0x22a: {  	[tilespmem:s28+$0x19ED0] =	vst v2;
	v2 =	vld [tilespmem:s28+$0x18EF0]  }
0x22b: {  	v3 =	vld.idx.msk [tilespmem:v3+s5+$0x0], $0xffff;
	_ =	sdelay $0x5  }
0x22c: {  	[tilespmem:s28+$0x19EE0] =	vst v3;
	v3 =	vld [tilespmem:s28+$0x18F00]  }
0x22d: {  	v2 =	vld.idx.msk [tilespmem:v2+s5+$0x0], $0xffff;
	_ =	sdelay $0x5  }
0x22e: {  	[tilespmem:s28+$0x19EF0] =	vst v2;
	v4 =	vld [tilespmem:s28+$0x18F10]  }
0x22f: {  	v2 =	vld.idx.msk [tilespmem:v3+s5+$0x0], $0xffff;
	_ =	sdelay $0x5  }
0x230: {  	[tilespmem:s28+$0x19F00] =	vst v2;
	v2 =	vld [tilespmem:s28+$0x18F20]  }
0x231: {  	v3 =	vld.idx.msk [tilespmem:v4+s5+$0x0], $0xffff  }
.Ltmp10:
0x232: {  	(pc) =	sbr.rel @p1 .LBB2_23-.Ltmp10, $2  }
0x233: {  	_ =	sdelay $0x2  }
0x234: {  	s8 =	sshra.s32 s6, $0x2;
	s6 =	sadd.s32 $0x200, s6  }
0x235: {  	_ =	sdelay $0x1  }
0x236: {  	v4 =	vld [tilespmem:s8+$0x18EB0]  }
0x237: {  	[tilespmem:s28+$0x19F10] =	vst v3  }
0x238: {  	v2 =	vld.idx.msk [tilespmem:v2+s5+$0x0], $0xffff;
	_ =	sdelay $0x3  }
0x239: {  	v3 =	vld [tilespmem:s8+$0x18EC0]  }
0x23a: {  	[tilespmem:s28+$0x19F20] =	vst v2  }
0x23b: {  	v2 =	vld.idx.msk [tilespmem:v4+s5+$0x0], $0xffff;
	_ =	sdelay $0x4  }
0x23c: {  	[tilespmem:s8+$0x19EB0] =	vst v2;
	v2 =	vld [tilespmem:s8+$0x18ED0]  }
0x23d: {  	v3 =	vld.idx.msk [tilespmem:v3+s5+$0x0], $0xffff;
	_ =	sdelay $0x4  }
0x23e: {  	[tilespmem:s8+$0x19EC0] =	vst v3;
	v3 =	vld [tilespmem:s8+$0x18EE0];
	_ =	sdelay $0x1  }
0x23f: {  	v2 =	vld.idx.msk [tilespmem:v2+s5+$0x0], $0xffff;
	_ =	sdelay $0x4  }
0x240: {  	[tilespmem:s8+$0x19ED0] =	vst v2;
	v2 =	vld [tilespmem:s8+$0x18EF0]  }
0x241: {  	v3 =	vld.idx.msk [tilespmem:v3+s5+$0x0], $0xffff;
	_ =	sdelay $0x4  }
0x242: {  	[tilespmem:s8+$0x19EE0] =	vst v3;
	v3 =	vld [tilespmem:s8+$0x18F00];
	_ =	sdelay $0x1  }
0x243: {  	v2 =	vld.idx.msk [tilespmem:v2+s5+$0x0], $0xffff;
	_ =	sdelay $0x4  }
0x244: {  	[tilespmem:s8+$0x19EF0] =	vst v2;
	v2 =	vld [tilespmem:s8+$0x18F10]  }
0x245: {  	v3 =	vld.idx.msk [tilespmem:v3+s5+$0x0], $0xffff;
	_ =	sdelay $0x4  }
0x246: {  	[tilespmem:s8+$0x19F00] =	vst v3;
	v3 =	vld [tilespmem:s8+$0x18F20];
	_ =	sdelay $0x1  }
0x247: {  	v2 =	vld.idx.msk [tilespmem:v2+s5+$0x0], $0xffff;
	_ =	sdelay $0x4  }
0x248: {  	[tilespmem:s8+$0x19F10] =	vst v2  }
0x249: {  	v2 =	vld.idx.msk [tilespmem:v3+s5+$0x0], $0xffff;
	_ =	sdelay $0x1  }
0x24a: {  	p1 =	seq.s32 s29, $0x3F  }
0x24b: {  	s6 =	sshrl.u32 @!p1 s13, $0x2  }
0x24c: {  	s13 =	sadd.s32 @!p1 s6, s3;
	s28 =	sshll.u32 s29, $0xC  }
0x24d: {  	s6 =	sadd.s32 @!p1 $0x1000, s13;
	s26 =	sor.u32 s20, s28;
	[tilespmem:s8+$0x19F20] =	vst v2;
	s8 =	simm.s32 @!p1 $0x18EB0  }
0x24e: {  	[tilespmem:s8], [sflag:$0x3] =	stream.linear.gather @!p1 [spmem:s6], $0x800, $0x38;
	[tilespmem:$0x1EEB0] =	vst v63  }
0x24f: {  	s6 =	sshrl.u32 s26, $0x3  }
0x250: {  	s6 =	sadd.s32 s2, s6  }
0x251: {  	[hbm4b:s6+s5] =	stream.linear.scatter [tilespmem:s4], [sflag:$0x5], $0x800, $0x38;
	[tilespmem:$0x1EEB0] =	vst v63  }
0x252: {  	_ =	swait.ge [sflag:s18], $0x800  }
0x253: {  	[sflag:s18] =	ssyncset.done $0x0  }
0x254: {  	s6 =	simm.s32 @!p0 $0x6;
	[sflag:s18] =	ssyncadd.s32 $0xFFFFF800  }
0x255: {  	_ =	swait.ge @!p0 [sflag:s6], $0x800  }
0x256: {  	[sflag:s6] =	ssyncset.done @!p0 $0x0  }
0x257: {  	[sflag:s6] =	ssyncadd.s32 @!p0 $0xFFFFF800;
	s6 =	simm.s32 $0x0  }
0x258: {  	v2 =	vld [tilespmem:s6+$0x196B0];
	_ =	sdelay $0x5  }
0x259: {  	v3 =	vld [tilespmem:s6+$0x196C0];
	_ =	sdelay $0x1  }
0x25a: {  	v2 =	vld.idx.msk [tilespmem:v2+s5+$0x0], $0xffff;
	_ =	sdelay $0x4  }
0x25b: {  	[tilespmem:s6+$0x1A6B0] =	vst v2;
	v2 =	vld [tilespmem:s6+$0x196D0]  }
0x25c: {  	v3 =	vld.idx.msk [tilespmem:v3+s5+$0x0], $0xffff;
	_ =	sdelay $0x4  }
0x25d: {  	[tilespmem:s6+$0x1A6C0] =	vst v3;
	v3 =	vld [tilespmem:s6+$0x196E0];
	_ =	sdelay $0x1  }
0x25e: {  	v2 =	vld.idx.msk [tilespmem:v2+s5+$0x0], $0xffff;
	_ =	sdelay $0x4  }
0x25f: {  	[tilespmem:s6+$0x1A6D0] =	vst v2;
	v2 =	vld [tilespmem:s6+$0x196F0]  }
0x260: {  	v3 =	vld.idx.msk [tilespmem:v3+s5+$0x0], $0xffff;
	_ =	sdelay $0x4  }
0x261: {  	[tilespmem:s6+$0x1A6E0] =	vst v3;
	v3 =	vld [tilespmem:s6+$0x19700];
	_ =	sdelay $0x1  }
0x262: {  	v2 =	vld.idx.msk [tilespmem:v2+s5+$0x0], $0xffff;
	_ =	sdelay $0x4  }
0x263: {  	v4 =	vld [tilespmem:s6+$0x19710];
	[tilespmem:s6+$0x1A6F0] =	vst v2  }
0x264: {  	v2 =	vld.idx.msk [tilespmem:v3+s5+$0x0], $0xffff;
	_ =	sdelay $0x4  }
0x265: {  	[tilespmem:s6+$0x1A700] =	vst v2;
	v2 =	vld [tilespmem:s6+$0x19720];
	_ =	sdelay $0x1  }
0x266: {  	v3 =	vld.idx.msk [tilespmem:v4+s5+$0x0], $0xffff;
	_ =	sdelay $0x3  }
0x267: {  	s26 =	simm.s32 $0x80;
	s8 =	simm.s32 $0x400  }
.LBB2_25:
0x268: {  	p0 =	sne.s32 s8, $0x1E00;
	v4 =	vld [tilespmem:s26+$0x196B0];
	[tilespmem:s6+$0x1A710] =	vst v3  }
0x269: {  	v2 =	vld.idx.msk [tilespmem:v2+s5+$0x0], $0xffff;
	_ =	sdelay $0x5  }
0x26a: {  	v3 =	vld [tilespmem:s26+$0x196C0];
	[tilespmem:s6+$0x1A720] =	vst v2;
	s6 =	smov.u32 s26  }
0x26b: {  	v2 =	vld.idx.msk [tilespmem:v4+s5+$0x0], $0xffff;
	_ =	sdelay $0x5  }
0x26c: {  	[tilespmem:s6+$0x1A6B0] =	vst v2;
	v2 =	vld [tilespmem:s6+$0x196D0]  }
0x26d: {  	v3 =	vld.idx.msk [tilespmem:v3+s5+$0x0], $0xffff;
	_ =	sdelay $0x5  }
0x26e: {  	[tilespmem:s6+$0x1A6C0] =	vst v3;
	v3 =	vld [tilespmem:s6+$0x196E0]  }
0x26f: {  	v2 =	vld.idx.msk [tilespmem:v2+s5+$0x0], $0xffff;
	_ =	sdelay $0x5  }
0x270: {  	[tilespmem:s6+$0x1A6D0] =	vst v2;
	v2 =	vld [tilespmem:s6+$0x196F0]  }
0x271: {  	v3 =	vld.idx.msk [tilespmem:v3+s5+$0x0], $0xffff;
	_ =	sdelay $0x5  }
0x272: {  	[tilespmem:s6+$0x1A6E0] =	vst v3;
	v3 =	vld [tilespmem:s6+$0x19700]  }
0x273: {  	v2 =	vld.idx.msk [tilespmem:v2+s5+$0x0], $0xffff;
	_ =	sdelay $0x5  }
0x274: {  	[tilespmem:s6+$0x1A6F0] =	vst v2;
	v4 =	vld [tilespmem:s6+$0x19710]  }
0x275: {  	v2 =	vld.idx.msk [tilespmem:v3+s5+$0x0], $0xffff;
	_ =	sdelay $0x5  }
0x276: {  	[tilespmem:s6+$0x1A700] =	vst v2;
	v2 =	vld [tilespmem:s6+$0x19720]  }
0x277: {  	v3 =	vld.idx.msk [tilespmem:v4+s5+$0x0], $0xffff  }
.Ltmp11:
0x278: {  	(pc) =	sbr.rel @p0 .LBB2_25-.Ltmp11, $2  }
0x279: {  	_ =	sdelay $0x2  }
0x27a: {  	s26 =	sshra.s32 s8, $0x2;
	s8 =	sadd.s32 $0x200, s8  }
0x27b: {  	_ =	sdelay $0x1  }
0x27c: {  	v4 =	vld [tilespmem:s26+$0x196B0]  }
0x27d: {  	[tilespmem:s6+$0x1A710] =	vst v3  }
0x27e: {  	v2 =	vld.idx.msk [tilespmem:v2+s5+$0x0], $0xffff;
	_ =	sdelay $0x3  }
0x27f: {  	v3 =	vld [tilespmem:s26+$0x196C0]  }
0x280: {  	[tilespmem:s6+$0x1A720] =	vst v2  }
0x281: {  	v2 =	vld.idx.msk [tilespmem:v4+s5+$0x0], $0xffff;
	_ =	sdelay $0x4  }
0x282: {  	[tilespmem:s26+$0x1A6B0] =	vst v2;
	v2 =	vld [tilespmem:s26+$0x196D0]  }
0x283: {  	v3 =	vld.idx.msk [tilespmem:v3+s5+$0x0], $0xffff;
	_ =	sdelay $0x4  }
0x284: {  	[tilespmem:s26+$0x1A6C0] =	vst v3;
	v3 =	vld [tilespmem:s26+$0x196E0];
	_ =	sdelay $0x1  }
0x285: {  	v2 =	vld.idx.msk [tilespmem:v2+s5+$0x0], $0xffff;
	_ =	sdelay $0x4  }
0x286: {  	[tilespmem:s26+$0x1A6D0] =	vst v2;
	v2 =	vld [tilespmem:s26+$0x196F0]  }
0x287: {  	v3 =	vld.idx.msk [tilespmem:v3+s5+$0x0], $0xffff;
	_ =	sdelay $0x4  }
0x288: {  	[tilespmem:s26+$0x1A6E0] =	vst v3;
	v3 =	vld [tilespmem:s26+$0x19700];
	_ =	sdelay $0x1  }
0x289: {  	v2 =	vld.idx.msk [tilespmem:v2+s5+$0x0], $0xffff;
	_ =	sdelay $0x4  }
0x28a: {  	[tilespmem:s26+$0x1A6F0] =	vst v2;
	v2 =	vld [tilespmem:s26+$0x19710]  }
0x28b: {  	v3 =	vld.idx.msk [tilespmem:v3+s5+$0x0], $0xffff;
	_ =	sdelay $0x4  }
0x28c: {  	[tilespmem:s26+$0x1A700] =	vst v3;
	v3 =	vld [tilespmem:s26+$0x19720];
	_ =	sdelay $0x1  }
0x28d: {  	v2 =	vld.idx.msk [tilespmem:v2+s5+$0x0], $0xffff;
	_ =	sdelay $0x4  }
0x28e: {  	[tilespmem:s26+$0x1A710] =	vst v2  }
0x28f: {  	v2 =	vld.idx.msk [tilespmem:v3+s5+$0x0], $0xffff;
	_ =	sdelay $0x2  }
0x290: {  	s29 =	sadd.s32 $0x1, s29  }
0x291: {  	s8 =	simm.s32 @!p1 $0x196B0;
	p0 =	sne.s32 s29, $0x40  }
.Ltmp12:
0x292: {  	s28 =	sor.u32 s22, s28;
	s6 =	sadd.s32 @!p1 $0x1800, s13;
	[tilespmem:s26+$0x1A720] =	vst v2;
	(pc) =	sbr.rel @p0 .LBB2_22-.Ltmp12, $4  }
0x293: {  	[tilespmem:s8], [sflag:$0x4] =	stream.linear.gather @!p1 [spmem:s6], $0x800, $0x38;
	[tilespmem:$0x1EEB0] =	vst v63  }
0x294: {  	s6 =	sshrl.u32 s28, $0x3  }
0x295: {  	s6 =	sadd.s32 s2, s6  }
0x296: {  	[hbm4b:s6+s5] =	stream.linear.scatter [tilespmem:s25], [sflag:$0x6], $0x800, $0x38;
	[tilespmem:$0x1EEB0] =	vst v63  }
0x297: {  	s6 =	simm.s32 $0x5  }
0x298: {  	_ =	swait.ge [sflag:s6], $0x800  }
0x299: {  	[sflag:s6] =	ssyncset.done $0x0  }
0x29a: {  	s28 =	simm.s32 $0x6;
	[sflag:s6] =	ssyncadd.s32 $0xFFFFF800  }
0x29b: {  	_ =	swait.ge [sflag:s28], $0x800  }
0x29c: {  	s29 =	simm.s32 $0x0;
	[sflag:s28] =	ssyncset.done $0x0  }
0x29d: {  	s13 =	simm.s32 $0x1;
	s8 =	rddreg [dreg:$0x5];
	[sflag:s28] =	ssyncadd.s32 $0xFFFFF800  }
0x29e: {  	[tilespmem:s29], [sflag:$0x1] =	stream.linear.gather [hbm4b:s8+s29], $0x186A0, $0x38;
	[tilespmem:$0x1EEB0] =	vst v63  }
0x29f: {  	_ =	swait.ge [sflag:s13], $0x186A0  }
0x2a0: {  	[sflag:s13] =	ssyncset.done $0x0  }
0x2a1: {  	[sflag:s13] =	ssyncadd.s32 $0xFFFE7960  }
0x2a2: {  	s26 =	simm.s32 $0x18EB0;
	[tilespmem:$0x186A0] =	vst v1  }
0x2a3: {  	[tilespmem:s26], [sflag:$0x3] =	stream.linear.gather [spmem:s3], $0x800, $0x38;
	[tilespmem:$0x1EEB0] =	vst v63  }
0x2a4: {  	s8 =	simm.s32 $0x196B0;
	s28 =	rddreg [dreg:$0x7]  }
0x2a5: {  	[tilespmem:s8], [sflag:$0x4] =	stream.linear.gather [spmem:s28], $0x800, $0x38;
	[tilespmem:$0x1EEB0] =	vst v63  }
.LBB2_28:
0x2a6: {  	_ =	swait.ge [sflag:s15], $0x800  }
0x2a7: {  	p0 =	seq.s32 s29, $0x0;
	[sflag:s15] =	ssyncset.done $0x0  }
0x2a8: {  	s6 =	simm.s32 @!p0 $0x5;
	[sflag:s15] =	ssyncadd.s32 $0xFFFFF800  }
0x2a9: {  	_ =	swait.ge @!p0 [sflag:s6], $0x800  }
0x2aa: {  	[sflag:s6] =	ssyncset.done @!p0 $0x0  }
0x2ab: {  	s28 =	simm.s32 $0x0;
	[sflag:s6] =	ssyncadd.s32 @!p0 $0xFFFFF800  }
0x2ac: {  	v2 =	vld [tilespmem:s28+$0x18EB0];
	_ =	sdelay $0x5  }
0x2ad: {  	v3 =	vld [tilespmem:s28+$0x18EC0];
	_ =	sdelay $0x1  }
0x2ae: {  	v2 =	vld.idx.msk [tilespmem:v2+s5+$0x0], $0xffff;
	_ =	sdelay $0x4  }
0x2af: {  	[tilespmem:s28+$0x19EB0] =	vst v2;
	v2 =	vld [tilespmem:s28+$0x18ED0]  }
0x2b0: {  	v3 =	vld.idx.msk [tilespmem:v3+s5+$0x0], $0xffff;
	_ =	sdelay $0x4  }
0x2b1: {  	[tilespmem:s28+$0x19EC0] =	vst v3;
	v3 =	vld [tilespmem:s28+$0x18EE0];
	_ =	sdelay $0x1  }
0x2b2: {  	v2 =	vld.idx.msk [tilespmem:v2+s5+$0x0], $0xffff;
	_ =	sdelay $0x4  }
0x2b3: {  	[tilespmem:s28+$0x19ED0] =	vst v2;
	v2 =	vld [tilespmem:s28+$0x18EF0]  }
0x2b4: {  	v3 =	vld.idx.msk [tilespmem:v3+s5+$0x0], $0xffff;
	_ =	sdelay $0x4  }
0x2b5: {  	[tilespmem:s28+$0x19EE0] =	vst v3;
	v3 =	vld [tilespmem:s28+$0x18F00];
	_ =	sdelay $0x1  }
0x2b6: {  	v2 =	vld.idx.msk [tilespmem:v2+s5+$0x0], $0xffff;
	_ =	sdelay $0x4  }
0x2b7: {  	v4 =	vld [tilespmem:s28+$0x18F10];
	[tilespmem:s28+$0x19EF0] =	vst v2  }
0x2b8: {  	v2 =	vld.idx.msk [tilespmem:v3+s5+$0x0], $0xffff;
	_ =	sdelay $0x4  }
0x2b9: {  	[tilespmem:s28+$0x19F00] =	vst v2;
	v2 =	vld [tilespmem:s28+$0x18F20];
	_ =	sdelay $0x1  }
0x2ba: {  	v3 =	vld.idx.msk [tilespmem:v4+s5+$0x0], $0xffff;
	_ =	sdelay $0x3  }
0x2bb: {  	s13 =	sshll.u32 s29, $0xE;
	s8 =	simm.s32 $0x80;
	s6 =	simm.s32 $0x400  }
.LBB2_29:
0x2bc: {  	p1 =	sne.s32 s6, $0x1E00;
	v4 =	vld [tilespmem:s8+$0x18EB0];
	[tilespmem:s28+$0x19F10] =	vst v3  }
0x2bd: {  	v2 =	vld.idx.msk [tilespmem:v2+s5+$0x0], $0xffff;
	_ =	sdelay $0x5  }
0x2be: {  	v3 =	vld [tilespmem:s8+$0x18EC0];
	[tilespmem:s28+$0x19F20] =	vst v2;
	s28 =	smov.u32 s8  }
0x2bf: {  	v2 =	vld.idx.msk [tilespmem:v4+s5+$0x0], $0xffff;
	_ =	sdelay $0x5  }
0x2c0: {  	[tilespmem:s28+$0x19EB0] =	vst v2;
	v2 =	vld [tilespmem:s28+$0x18ED0]  }
0x2c1: {  	v3 =	vld.idx.msk [tilespmem:v3+s5+$0x0], $0xffff;
	_ =	sdelay $0x5  }
0x2c2: {  	[tilespmem:s28+$0x19EC0] =	vst v3;
	v3 =	vld [tilespmem:s28+$0x18EE0]  }
0x2c3: {  	v2 =	vld.idx.msk [tilespmem:v2+s5+$0x0], $0xffff;
	_ =	sdelay $0x5  }
0x2c4: {  	[tilespmem:s28+$0x19ED0] =	vst v2;
	v2 =	vld [tilespmem:s28+$0x18EF0]  }
0x2c5: {  	v3 =	vld.idx.msk [tilespmem:v3+s5+$0x0], $0xffff;
	_ =	sdelay $0x5  }
0x2c6: {  	[tilespmem:s28+$0x19EE0] =	vst v3;
	v3 =	vld [tilespmem:s28+$0x18F00]  }
0x2c7: {  	v2 =	vld.idx.msk [tilespmem:v2+s5+$0x0], $0xffff;
	_ =	sdelay $0x5  }
0x2c8: {  	[tilespmem:s28+$0x19EF0] =	vst v2;
	v4 =	vld [tilespmem:s28+$0x18F10]  }
0x2c9: {  	v2 =	vld.idx.msk [tilespmem:v3+s5+$0x0], $0xffff;
	_ =	sdelay $0x5  }
0x2ca: {  	[tilespmem:s28+$0x19F00] =	vst v2;
	v2 =	vld [tilespmem:s28+$0x18F20]  }
0x2cb: {  	v3 =	vld.idx.msk [tilespmem:v4+s5+$0x0], $0xffff  }
.Ltmp13:
0x2cc: {  	(pc) =	sbr.rel @p1 .LBB2_29-.Ltmp13, $2  }
0x2cd: {  	_ =	sdelay $0x2  }
0x2ce: {  	s8 =	sshra.s32 s6, $0x2;
	s6 =	sadd.s32 $0x200, s6  }
0x2cf: {  	_ =	sdelay $0x1  }
0x2d0: {  	v4 =	vld [tilespmem:s8+$0x18EB0]  }
0x2d1: {  	[tilespmem:s28+$0x19F10] =	vst v3  }
0x2d2: {  	v2 =	vld.idx.msk [tilespmem:v2+s5+$0x0], $0xffff;
	_ =	sdelay $0x3  }
0x2d3: {  	v3 =	vld [tilespmem:s8+$0x18EC0]  }
0x2d4: {  	[tilespmem:s28+$0x19F20] =	vst v2  }
0x2d5: {  	v2 =	vld.idx.msk [tilespmem:v4+s5+$0x0], $0xffff;
	_ =	sdelay $0x4  }
0x2d6: {  	[tilespmem:s8+$0x19EB0] =	vst v2;
	v2 =	vld [tilespmem:s8+$0x18ED0]  }
0x2d7: {  	v3 =	vld.idx.msk [tilespmem:v3+s5+$0x0], $0xffff;
	_ =	sdelay $0x4  }
0x2d8: {  	[tilespmem:s8+$0x19EC0] =	vst v3;
	v3 =	vld [tilespmem:s8+$0x18EE0];
	_ =	sdelay $0x1  }
0x2d9: {  	v2 =	vld.idx.msk [tilespmem:v2+s5+$0x0], $0xffff;
	_ =	sdelay $0x4  }
0x2da: {  	[tilespmem:s8+$0x19ED0] =	vst v2;
	v2 =	vld [tilespmem:s8+$0x18EF0]  }
0x2db: {  	v3 =	vld.idx.msk [tilespmem:v3+s5+$0x0], $0xffff;
	_ =	sdelay $0x4  }
0x2dc: {  	[tilespmem:s8+$0x19EE0] =	vst v3;
	v3 =	vld [tilespmem:s8+$0x18F00];
	_ =	sdelay $0x1  }
0x2dd: {  	v2 =	vld.idx.msk [tilespmem:v2+s5+$0x0], $0xffff;
	_ =	sdelay $0x4  }
0x2de: {  	[tilespmem:s8+$0x19EF0] =	vst v2;
	v2 =	vld [tilespmem:s8+$0x18F10]  }
0x2df: {  	v3 =	vld.idx.msk [tilespmem:v3+s5+$0x0], $0xffff;
	_ =	sdelay $0x4  }
0x2e0: {  	[tilespmem:s8+$0x19F00] =	vst v3;
	v3 =	vld [tilespmem:s8+$0x18F20];
	_ =	sdelay $0x1  }
0x2e1: {  	v2 =	vld.idx.msk [tilespmem:v2+s5+$0x0], $0xffff;
	_ =	sdelay $0x4  }
0x2e2: {  	[tilespmem:s8+$0x19F10] =	vst v2  }
0x2e3: {  	v2 =	vld.idx.msk [tilespmem:v3+s5+$0x0], $0xffff;
	_ =	sdelay $0x1  }
0x2e4: {  	p1 =	seq.s32 s29, $0x3F  }
0x2e5: {  	s6 =	sshrl.u32 @!p1 s13, $0x2  }
0x2e6: {  	s13 =	sadd.s32 @!p1 s6, s3;
	s28 =	sshll.u32 s29, $0xC  }
0x2e7: {  	s6 =	sadd.s32 @!p1 $0x1000, s13;
	s26 =	sor.u32 s23, s28;
	[tilespmem:s8+$0x19F20] =	vst v2;
	s8 =	simm.s32 @!p1 $0x18EB0  }
0x2e8: {  	[tilespmem:s8], [sflag:$0x3] =	stream.linear.gather @!p1 [spmem:s6], $0x800, $0x38;
	[tilespmem:$0x1EEB0] =	vst v63  }
0x2e9: {  	s6 =	sshrl.u32 s26, $0x3  }
0x2ea: {  	s6 =	sadd.s32 s2, s6  }
0x2eb: {  	[hbm4b:s6+s5] =	stream.linear.scatter [tilespmem:s4], [sflag:$0x5], $0x800, $0x38;
	[tilespmem:$0x1EEB0] =	vst v63  }
0x2ec: {  	_ =	swait.ge [sflag:s18], $0x800  }
0x2ed: {  	[sflag:s18] =	ssyncset.done $0x0  }
0x2ee: {  	s6 =	simm.s32 @!p0 $0x6;
	[sflag:s18] =	ssyncadd.s32 $0xFFFFF800  }
0x2ef: {  	_ =	swait.ge @!p0 [sflag:s6], $0x800  }
0x2f0: {  	[sflag:s6] =	ssyncset.done @!p0 $0x0  }
0x2f1: {  	[sflag:s6] =	ssyncadd.s32 @!p0 $0xFFFFF800;
	s6 =	simm.s32 $0x0  }
0x2f2: {  	v2 =	vld [tilespmem:s6+$0x196B0];
	_ =	sdelay $0x5  }
0x2f3: {  	v3 =	vld [tilespmem:s6+$0x196C0];
	_ =	sdelay $0x1  }
0x2f4: {  	v2 =	vld.idx.msk [tilespmem:v2+s5+$0x0], $0xffff;
	_ =	sdelay $0x4  }
0x2f5: {  	[tilespmem:s6+$0x1A6B0] =	vst v2;
	v2 =	vld [tilespmem:s6+$0x196D0]  }
0x2f6: {  	v3 =	vld.idx.msk [tilespmem:v3+s5+$0x0], $0xffff;
	_ =	sdelay $0x4  }
0x2f7: {  	[tilespmem:s6+$0x1A6C0] =	vst v3;
	v3 =	vld [tilespmem:s6+$0x196E0];
	_ =	sdelay $0x1  }
0x2f8: {  	v2 =	vld.idx.msk [tilespmem:v2+s5+$0x0], $0xffff;
	_ =	sdelay $0x4  }
0x2f9: {  	[tilespmem:s6+$0x1A6D0] =	vst v2;
	v2 =	vld [tilespmem:s6+$0x196F0]  }
0x2fa: {  	v3 =	vld.idx.msk [tilespmem:v3+s5+$0x0], $0xffff;
	_ =	sdelay $0x4  }
0x2fb: {  	[tilespmem:s6+$0x1A6E0] =	vst v3;
	v3 =	vld [tilespmem:s6+$0x19700];
	_ =	sdelay $0x1  }
0x2fc: {  	v2 =	vld.idx.msk [tilespmem:v2+s5+$0x0], $0xffff;
	_ =	sdelay $0x4  }
0x2fd: {  	v4 =	vld [tilespmem:s6+$0x19710];
	[tilespmem:s6+$0x1A6F0] =	vst v2  }
0x2fe: {  	v2 =	vld.idx.msk [tilespmem:v3+s5+$0x0], $0xffff;
	_ =	sdelay $0x4  }
0x2ff: {  	[tilespmem:s6+$0x1A700] =	vst v2;
	v2 =	vld [tilespmem:s6+$0x19720];
	_ =	sdelay $0x1  }
0x300: {  	v3 =	vld.idx.msk [tilespmem:v4+s5+$0x0], $0xffff;
	_ =	sdelay $0x3  }
0x301: {  	s26 =	simm.s32 $0x80;
	s8 =	simm.s32 $0x400  }
.LBB2_31:
0x302: {  	p0 =	sne.s32 s8, $0x1E00;
	v4 =	vld [tilespmem:s26+$0x196B0];
	[tilespmem:s6+$0x1A710] =	vst v3  }
0x303: {  	v2 =	vld.idx.msk [tilespmem:v2+s5+$0x0], $0xffff;
	_ =	sdelay $0x5  }
0x304: {  	v3 =	vld [tilespmem:s26+$0x196C0];
	[tilespmem:s6+$0x1A720] =	vst v2;
	s6 =	smov.u32 s26  }
0x305: {  	v2 =	vld.idx.msk [tilespmem:v4+s5+$0x0], $0xffff;
	_ =	sdelay $0x5  }
0x306: {  	[tilespmem:s6+$0x1A6B0] =	vst v2;
	v2 =	vld [tilespmem:s6+$0x196D0]  }
0x307: {  	v3 =	vld.idx.msk [tilespmem:v3+s5+$0x0], $0xffff;
	_ =	sdelay $0x5  }
0x308: {  	[tilespmem:s6+$0x1A6C0] =	vst v3;
	v3 =	vld [tilespmem:s6+$0x196E0]  }
0x309: {  	v2 =	vld.idx.msk [tilespmem:v2+s5+$0x0], $0xffff;
	_ =	sdelay $0x5  }
0x30a: {  	[tilespmem:s6+$0x1A6D0] =	vst v2;
	v2 =	vld [tilespmem:s6+$0x196F0]  }
0x30b: {  	v3 =	vld.idx.msk [tilespmem:v3+s5+$0x0], $0xffff;
	_ =	sdelay $0x5  }
0x30c: {  	[tilespmem:s6+$0x1A6E0] =	vst v3;
	v3 =	vld [tilespmem:s6+$0x19700]  }
0x30d: {  	v2 =	vld.idx.msk [tilespmem:v2+s5+$0x0], $0xffff;
	_ =	sdelay $0x5  }
0x30e: {  	[tilespmem:s6+$0x1A6F0] =	vst v2;
	v4 =	vld [tilespmem:s6+$0x19710]  }
0x30f: {  	v2 =	vld.idx.msk [tilespmem:v3+s5+$0x0], $0xffff;
	_ =	sdelay $0x5  }
0x310: {  	[tilespmem:s6+$0x1A700] =	vst v2;
	v2 =	vld [tilespmem:s6+$0x19720]  }
0x311: {  	v3 =	vld.idx.msk [tilespmem:v4+s5+$0x0], $0xffff  }
.Ltmp14:
0x312: {  	(pc) =	sbr.rel @p0 .LBB2_31-.Ltmp14, $2  }
0x313: {  	_ =	sdelay $0x2  }
0x314: {  	s26 =	sshra.s32 s8, $0x2;
	s8 =	sadd.s32 $0x200, s8  }
0x315: {  	_ =	sdelay $0x1  }
0x316: {  	v4 =	vld [tilespmem:s26+$0x196B0]  }
0x317: {  	[tilespmem:s6+$0x1A710] =	vst v3  }
0x318: {  	v2 =	vld.idx.msk [tilespmem:v2+s5+$0x0], $0xffff;
	_ =	sdelay $0x3  }
0x319: {  	v3 =	vld [tilespmem:s26+$0x196C0]  }
0x31a: {  	[tilespmem:s6+$0x1A720] =	vst v2  }
0x31b: {  	v2 =	vld.idx.msk [tilespmem:v4+s5+$0x0], $0xffff;
	_ =	sdelay $0x4  }
0x31c: {  	[tilespmem:s26+$0x1A6B0] =	vst v2;
	v2 =	vld [tilespmem:s26+$0x196D0]  }
0x31d: {  	v3 =	vld.idx.msk [tilespmem:v3+s5+$0x0], $0xffff;
	_ =	sdelay $0x4  }
0x31e: {  	[tilespmem:s26+$0x1A6C0] =	vst v3;
	v3 =	vld [tilespmem:s26+$0x196E0];
	_ =	sdelay $0x1  }
0x31f: {  	v2 =	vld.idx.msk [tilespmem:v2+s5+$0x0], $0xffff;
	_ =	sdelay $0x4  }
0x320: {  	[tilespmem:s26+$0x1A6D0] =	vst v2;
	v2 =	vld [tilespmem:s26+$0x196F0]  }
0x321: {  	v3 =	vld.idx.msk [tilespmem:v3+s5+$0x0], $0xffff;
	_ =	sdelay $0x4  }
0x322: {  	[tilespmem:s26+$0x1A6E0] =	vst v3;
	v3 =	vld [tilespmem:s26+$0x19700];
	_ =	sdelay $0x1  }
0x323: {  	v2 =	vld.idx.msk [tilespmem:v2+s5+$0x0], $0xffff;
	_ =	sdelay $0x4  }
0x324: {  	[tilespmem:s26+$0x1A6F0] =	vst v2;
	v2 =	vld [tilespmem:s26+$0x19710]  }
0x325: {  	v3 =	vld.idx.msk [tilespmem:v3+s5+$0x0], $0xffff;
	_ =	sdelay $0x4  }
0x326: {  	[tilespmem:s26+$0x1A700] =	vst v3;
	v3 =	vld [tilespmem:s26+$0x19720];
	_ =	sdelay $0x1  }
0x327: {  	v2 =	vld.idx.msk [tilespmem:v2+s5+$0x0], $0xffff;
	_ =	sdelay $0x4  }
0x328: {  	[tilespmem:s26+$0x1A710] =	vst v2  }
0x329: {  	v2 =	vld.idx.msk [tilespmem:v3+s5+$0x0], $0xffff;
	_ =	sdelay $0x2  }
0x32a: {  	s29 =	sadd.s32 $0x1, s29  }
0x32b: {  	s8 =	simm.s32 @!p1 $0x196B0;
	p0 =	sne.s32 s29, $0x40  }
.Ltmp15:
0x32c: {  	s28 =	sor.u32 s24, s28;
	s6 =	sadd.s32 @!p1 $0x1800, s13;
	[tilespmem:s26+$0x1A720] =	vst v2;
	(pc) =	sbr.rel @p0 .LBB2_28-.Ltmp15, $4  }
0x32d: {  	[tilespmem:s8], [sflag:$0x4] =	stream.linear.gather @!p1 [spmem:s6], $0x800, $0x38;
	[tilespmem:$0x1EEB0] =	vst v63  }
0x32e: {  	s6 =	sshrl.u32 s28, $0x3  }
0x32f: {  	s6 =	sadd.s32 s2, s6  }
0x330: {  	[hbm4b:s6+s5] =	stream.linear.scatter [tilespmem:s25], [sflag:$0x6], $0x800, $0x38;
	[tilespmem:$0x1EEB0] =	vst v63  }
0x331: {  	s6 =	simm.s32 $0x5  }
0x332: {  	_ =	swait.ge [sflag:s6], $0x800  }
0x333: {  	[sflag:s6] =	ssyncset.done $0x0  }
0x334: {  	s8 =	simm.s32 $0x6;
	[sflag:s6] =	ssyncadd.s32 $0xFFFFF800  }
0x335: {  	_ =	swait.ge [sflag:s8], $0x800  }
0x336: {  	s13 =	rddreg [dreg:$0xb]  }
0x337: {  	s29 =	rddreg [dreg:$0xa];
	s13 =	sadd.s32 $0x1, s13  }
0x338: {  	p0 =	sne.s32 s13, s29  }
.Ltmp16:
0x339: {  	_ = 	snop;
	(pc) =	sbr.rel @p0 .LBB2_1-.Ltmp16, $3  }
0x33a: {  	_ =	sdelay $0x1  }
0x33b: {  	[sflag:s8] =	ssyncset.done $0x0  }
0x33c: {  	[sflag:s8] =	ssyncadd.s32 $0xFFFFF800  }
0x33d: {  	_ =	sfence.sel $0x180000  }
0x33e: {  	[bflag:$0x0] =	sbarrier.arrive $0xFFFF  }
0x33f: {  	_ =	strace $0x90000047  }
0x340: {  	s0 =	stileid.u32;
	[bflag:$0x2] =	sbarrier.arrive $0xFFFF  }
0x341: {  	p0 =	sne.s32 s0, $0x0;
	s0 =	rddreg [dreg:$0x4]  }
0x342: {  	s0 =	sadd.s32 @!p0 $0x100000, s0  }
0x343: {  	[sflag:s0] =	ssyncadd.tile.s32 @!p0 $0x1;
	_ =	shalt  }
.Lfunc_end2:
_tile_overlayer_lowered:
.L_overlay_start_2:
0x344: {  	(tag) =	ssettag $0x2  }
0x345: {  	s0 =	rddreg [dreg:$0x0];
	s2 =	stileid.u32  }
0x346: {  	s1 =	rddreg [dreg:$0x1];
	p0 =	sne.s32 s2, $0x0  }
0x347: {  	s3 =	rddreg [dreg:$0x2];
	[bflag:$0x3] =	sbarrier.arrive $0xFFFF;
	s2 =	simm.s32 @!p0 $0x1C07  }
0x348: {  	[timem:s3], [sflag:s2] =	dma.local @!p0 [hbm:s0], s1  }
0x349: {  	s0 =	simm.s32 @!p0 $0x7  }
0x34a: {  	_ =	swait.ge @!p0 [sflag:s0], s1  }
0x34b: {  	s1 =	ssub.s32 @!p0 $0x0, s1;
	[sflag:s0] =	ssyncset.done @!p0 $0x0  }
0x34c: {  	[sflag:s0] =	ssyncadd.s32 @!p0 s1  }
0x34d: {  	[bflag:$0x3] =	sbarrier.arrive $0xFFFF  }
0x34e: {  	_ =	shalt  }

</sc_bundles>
